<compile_context>
chip_gen: v7x
topology: tpu7x:2x2x1
jax: 0.10.2.dev20260603
libtpu: 0.0.44.dev20260713+nightly
codegen_flags: <defaults>
</compile_context>

<pallas_src>
import functools

import jax
import jax.numpy as jnp
from jax import lax
from jax.experimental import pallas as pl
from jax.experimental.pallas import tpu as pltpu
from jax.experimental.pallas import tpu_sc as plsc

_N = 10000
_E = 320000
_D_IN = 128
_D_HID = 128
_D_OUT = 32
_D_CAT = 64

_NC = 2
_NS = 16
_NW = _NC * _NS
_CHUNK = 128
_CH_PW = 80
_EPW = _CHUNK * _CH_PW
_E_PAD = _EPW * _NW
_ROWS = 10240
_ROWS_PT = _ROWS // _NS
_DEG_W = 16

_BR = 1000
_GRID = _N // _BR


def _sc_mesh():
    return plsc.VectorSubcoreMesh(core_axis_name="c", subcore_axis_name="s")


def _make_deg_kernel():

    @functools.partial(
        pl.kernel,
        out_type=jax.ShapeDtypeStruct((_NC, _ROWS, _DEG_W), jnp.float32),
        mesh=_sc_mesh(),
        compiler_params=pltpu.CompilerParams(use_tc_tiling_on_sc=False),
        scratch_types=[
            pltpu.VMEM((_CH_PW, _CHUNK), jnp.int32),
            pltpu.VMEM((_CHUNK, _DEG_W), jnp.float32),
            pltpu.VMEM_SHARED((_ROWS, _DEG_W), jnp.float32),
        ],
    )
    def deg_kernel(dst_hbm, ones_hbm, zeros_hbm, out_hbm, dst_v, ones_v, acc):
        c = lax.axis_index("c")
        s = lax.axis_index("s")
        wid = c * _NS + s
        pltpu.sync_copy(zeros_hbm, acc.at[pl.ds(s * _ROWS_PT, _ROWS_PT)])
        pltpu.sync_copy(dst_hbm.at[pl.ds(wid * _CH_PW, _CH_PW)], dst_v)
        pltpu.sync_copy(ones_hbm, ones_v)
        plsc.subcore_barrier()

        def body(g, carry):
            pltpu.sync_copy(ones_v, acc.at[dst_v.at[g]], add=True)
            return carry

        lax.fori_loop(0, _CH_PW, body, 0)
        plsc.subcore_barrier()
        pltpu.sync_copy(
            acc.at[pl.ds(s * _ROWS_PT, _ROWS_PT)],
            out_hbm.at[c].at[pl.ds(s * _ROWS_PT, _ROWS_PT)],
        )

    return deg_kernel


def _make_segsum_kernel(d):

    nbuf = 2
    win = 16
    ch_fast = 144
    ch_slow = 16
    fast_core = 0

    @functools.partial(
        pl.kernel,
        out_type=jax.ShapeDtypeStruct((_NC, _ROWS, d), jnp.float32),
        mesh=_sc_mesh(),
        compiler_params=pltpu.CompilerParams(use_tc_tiling_on_sc=False),
        scratch_types=[
            pltpu.VMEM((win, _CHUNK), jnp.int32),
            pltpu.VMEM((win, _CHUNK), jnp.int32),
        ] + [pltpu.VMEM((_CHUNK, d), jnp.float32)] * nbuf
          + [pltpu.VMEM_SHARED((_ROWS, d), jnp.float32)]
          + [pltpu.SemaphoreType.DMA] * nbuf,
    )
    def segsum_kernel(x_hbm, src_hbm, dst_hbm, zeros_hbm, out_hbm,
                      src_v, dst_v, *bufs_sems):
        bufs = bufs_sems[:nbuf]
        acc = bufs_sems[nbuf]
        gsems = bufs_sems[nbuf + 1:]
        c = lax.axis_index("c")
        s = lax.axis_index("s")
        is_fast = c == fast_core
        base_row = jnp.where(is_fast, s * ch_fast,
                             _NS * ch_fast + s * ch_slow)
        n_out = jnp.where(is_fast, ch_fast // win, ch_slow // win)
        pltpu.sync_copy(zeros_hbm, acc.at[pl.ds(s * _ROWS_PT, _ROWS_PT)])
        plsc.subcore_barrier()

        def g_start(j):
            k = j % nbuf
            pltpu.async_copy(x_hbm.at[src_v.at[j]], bufs[k], gsems[k])

        def g_wait(j):
            k = j % nbuf
            pltpu.make_async_copy(x_hbm.at[src_v.at[j]], bufs[k],
                                  gsems[k]).wait()

        def body(u, carry):
            row0 = base_row + u * win
            pltpu.sync_copy(src_hbm.at[pl.ds(row0, win)], src_v)
            pltpu.sync_copy(dst_hbm.at[pl.ds(row0, win)], dst_v)
            for j in range(nbuf):
                g_start(j)
            for j in range(win):
                g_wait(j)
                pltpu.sync_copy(bufs[j % nbuf], acc.at[dst_v.at[j]], add=True)
                if j + nbuf < win:
                    g_start(j + nbuf)
            return carry

        lax.fori_loop(0, n_out, body, 0)
        plsc.subcore_barrier()
        pltpu.sync_copy(
            acc.at[pl.ds(s * _ROWS_PT, _ROWS_PT)],
            out_hbm.at[c].at[pl.ds(s * _ROWS_PT, _ROWS_PT)],
        )

    return segsum_kernel


def _dinv(d0_ref, d1_ref):
    deg = d0_ref[0, :, 0:1] + d1_ref[0, :, 0:1] + 1.0
    return lax.rsqrt(deg)


def _matmul_kernel(x_ref, w_ref, o_ref):
    o_ref[...] = jnp.dot(x_ref[...], w_ref[...],
                         preferred_element_type=jnp.float32)


def _scale_in_kernel(xw_ref, d0_ref, d1_ref, o_ref):
    o_ref[...] = xw_ref[...] * _dinv(d0_ref, d1_ref)


def _mid_kernel(p0_ref, p1_ref, xs_ref, b1_ref, w_ref, d0_ref, d1_ref, o_ref):
    dinv = _dinv(d0_ref, d1_ref)
    h = dinv * (p0_ref[0] + p1_ref[0] + xs_ref[...]) + b1_ref[...]
    h = jnp.maximum(h, 0.0)
    o_ref[...] = jnp.dot(h, w_ref[...],
                         preferred_element_type=jnp.float32) * dinv


def _final_kernel(q0_ref, q1_ref, hs_ref, b_ref, d0_ref, d1_ref,
                  mu_ref, lv_ref):
    dinv = _dinv(d0_ref, d1_ref)
    res = dinv * (q0_ref[0] + q1_ref[0] + hs_ref[...]) + b_ref[...]
    mu_ref[...] = res[:, :_D_OUT]
    lv_ref[...] = res[:, _D_OUT:]


def _row_spec(d):
    return pl.BlockSpec((_BR, d), lambda i: (i, 0))


def _plane_spec(p, d):
    return pl.BlockSpec((1, _BR, d), lambda i, p=p: (p, i, 0))


def _full_spec(r, c):
    return pl.BlockSpec((r, c), lambda i: (0, 0))


_deg_call = _make_deg_kernel()
_seg128_call = _make_segsum_kernel(_D_HID)
_seg64_call = _make_segsum_kernel(_D_CAT)


def kernel(x, edge_index, W1, b1, W_mu, b_mu, W_lv, b_lv):
    src = edge_index[0]
    dst = edge_index[1]
    pad = _E_PAD - _E
    src_p = jnp.concatenate([src, jnp.zeros((pad,), jnp.int32)])
    trash = _N + (jnp.arange(pad, dtype=jnp.int32) % (_ROWS - _N))
    dst_p = jnp.concatenate([dst, trash])
    src2d = src_p.reshape(_NW * _CH_PW, _CHUNK)
    dst2d = dst_p.reshape(_NW * _CH_PW, _CHUNK)

    ones_blk = jnp.ones((_CHUNK, _DEG_W), jnp.float32)
    zeros_deg = jnp.zeros((_ROWS_PT, _DEG_W), jnp.float32)
    zeros_128 = jnp.zeros((_ROWS_PT, _D_HID), jnp.float32)
    zeros_64 = jnp.zeros((_ROWS_PT, _D_CAT), jnp.float32)

    deg = _deg_call(dst2d, ones_blk, zeros_deg)

    xw = pl.pallas_call(
        _matmul_kernel,
        grid=(_GRID,),
        in_specs=[_row_spec(_D_IN), _full_spec(_D_IN, _D_HID)],
        out_specs=_row_spec(_D_HID),
        out_shape=jax.ShapeDtypeStruct((_N, _D_HID), jnp.float32),
    )(x, W1)

    xs = pl.pallas_call(
        _scale_in_kernel,
        grid=(_GRID,),
        in_specs=[_row_spec(_D_HID),
                  _plane_spec(0, _DEG_W), _plane_spec(1, _DEG_W)],
        out_specs=_row_spec(_D_HID),
        out_shape=jax.ShapeDtypeStruct((_N, _D_HID), jnp.float32),
    )(xw, deg, deg)

    p = _seg128_call(xs, src2d, dst2d, zeros_128)

    Wcat = jnp.concatenate([W_mu, W_lv], axis=1)
    bcat = jnp.concatenate([b_mu, b_lv]).reshape(1, _D_CAT)

    hs = pl.pallas_call(
        _mid_kernel,
        grid=(_GRID,),
        in_specs=[_plane_spec(0, _D_HID), _plane_spec(1, _D_HID),
                  _row_spec(_D_HID),
                  _full_spec(1, _D_HID), _full_spec(_D_HID, _D_CAT),
                  _plane_spec(0, _DEG_W), _plane_spec(1, _DEG_W)],
        out_specs=_row_spec(_D_CAT),
        out_shape=jax.ShapeDtypeStruct((_N, _D_CAT), jnp.float32),
    )(p, p, xs, b1.reshape(1, _D_HID), Wcat, deg, deg)

    q = _seg64_call(hs, src2d, dst2d, zeros_64)

    mu, lv = pl.pallas_call(
        _final_kernel,
        grid=(_GRID,),
        in_specs=[_plane_spec(0, _D_CAT), _plane_spec(1, _D_CAT),
                  _row_spec(_D_CAT), _full_spec(1, _D_CAT),
                  _plane_spec(0, _DEG_W), _plane_spec(1, _DEG_W)],
        out_specs=[_row_spec(_D_OUT), _row_spec(_D_OUT)],
        out_shape=[jax.ShapeDtypeStruct((_N, _D_OUT), jnp.float32),
                   jax.ShapeDtypeStruct((_N, _D_OUT), jnp.float32)],
    )(q, q, hs, bcat, deg, deg)

    return (mu, lv)

# --- scband reference (transcript-rebuilt; emitter-appended) ---
"""Pipeline reference for scband-variational-gcnencoder-33432025432489 (READ-ONLY COPY).

The authoritative reference and input builder live on the scoring server;
editing this copy changes nothing except your own understanding.
"""

import jax, jax.numpy as jnp
import numpy as np

N = 10000
E = 320000
D_IN = 128
D_HID = 128
D_OUT = 32


def setup_inputs(seed: int = 0) -> dict:
    key = jax.random.key(seed)
    ks = jax.random.split(key, 8)
    x = jax.random.normal(ks[0], (N, D_IN), dtype=jnp.float32)
    edge_index = jax.random.randint(ks[1], (2, E), 0, N, dtype=jnp.int32)
    W1 = jax.random.normal(ks[2], (D_IN, D_HID), dtype=jnp.float32) * 0.05
    b1 = jnp.zeros((D_HID,), dtype=jnp.float32)
    W_mu = jax.random.normal(ks[3], (D_HID, D_OUT), dtype=jnp.float32) * 0.05
    b_mu = jnp.zeros((D_OUT,), dtype=jnp.float32)
    W_lv = jax.random.normal(ks[4], (D_HID, D_OUT), dtype=jnp.float32) * 0.05
    b_lv = jnp.zeros((D_OUT,), dtype=jnp.float32)
    return {"x": x, "edge_index": edge_index, "W1": W1, "b1": b1,
            "W_mu": W_mu, "b_mu": b_mu, "W_lv": W_lv, "b_lv": b_lv}


def gcn_conv(x, W, b, src, dst):
    # PyG-style GCNConv: add self-loops, symmetric normalization D^-1/2 A D^-1/2
    n = x.shape[0]
    h = x @ W
    loop = jnp.arange(n, dtype=src.dtype)
    s = jnp.concatenate([src, loop])
    d = jnp.concatenate([dst, loop])
    deg = jnp.zeros((n,), dtype=x.dtype).at[d].add(1.0)
    dinv = jnp.where(deg > 0, jax.lax.rsqrt(deg), 0.0)
    norm = dinv[s] * dinv[d]
    msg = h[s] * norm[:, None]
    out = jax.ops.segment_sum(msg, d, num_segments=n)
    return out + b


def reference(x, edge_index, W1, b1, W_mu, b_mu, W_lv, b_lv):
    src = edge_index[0]
    dst = edge_index[1]
    h = jax.nn.relu(gcn_conv(x, W1, b1, src, dst))
    # dropout p=0.0 (inference) -> identity
    mu = gcn_conv(h, W_mu, b_mu, src, dst)
    logvar = gcn_conv(h, W_lv, b_lv, src, dst)
    return (mu, logvar)

if __name__ == "__main__":
    import jax
    _d = setup_inputs()
    print(jax.jit(kernel)(*tuple(_d.values())))

</pallas_src>

<mosaic_0001>
#map = affine_map<(d0, d1) -> (0, 0)>
#map1 = affine_map<(d0, d1) -> (0, 0, 0)>
module attributes {stable_mosaic.version = 14 : i64} {
  func.func @segsum_kernel(%arg0: i32, %arg1: i32, %arg2: memref<10000x64xf32, #tpu.memory_space<hbm>>, %arg3: memref<2560x128xi32, #tpu.memory_space<hbm>>, %arg4: memref<2560x128xi32, #tpu.memory_space<hbm>>, %arg5: memref<640x64xf32, #tpu.memory_space<hbm>>, %arg6: memref<2x10240x64xf32, #tpu.memory_space<hbm>>, %arg7: memref<16x128xi32, #tpu.memory_space<vmem>>, %arg8: memref<16x128xi32, #tpu.memory_space<vmem>>, %arg9: memref<128x64xf32, #tpu.memory_space<vmem>>, %arg10: memref<128x64xf32, #tpu.memory_space<vmem>>, %arg11: memref<10240x64xf32, #tpu.memory_space<vmem_shared>>, %arg12: memref<!tpu.dma_semaphore, #tpu.memory_space<semaphore_mem>>, %arg13: memref<!tpu.dma_semaphore, #tpu.memory_space<semaphore_mem>>) attributes {dimension_semantics = [#tpu.dimension_semantics<core_parallel>, #tpu.dimension_semantics<subcore_parallel>], iteration_bounds = array<i64: 2, 16>, scalar_prefetch = 0 : i64, scratch_operands = 7 : i64, tpu.core_type = #tpu.core_type<sc_vector_subcore>, window_params = [{transform_indices = #map}, {transform_indices = #map}, {transform_indices = #map}, {transform_indices = #map}, {transform_indices = #map1}]} {
    %eq3A = arith.constant 0 : i32
    %eq3A_0 = arith.cmpi eq, %arg0, %eq3A : i32
    %mul3A = arith.constant 144 : i32
    %mul3A_1 = arith.muli %arg1, %mul3A : i32
    %mul3A_2 = arith.constant 16 : i32
    %mul3A_3 = arith.muli %arg1, %mul3A_2 : i32
    %add3A = arith.constant 2304 : i32
    %add3A_4 = arith.addi %add3A, %mul3A_3 : i32
    %select_n3A = arith.select %eq3A_0, %mul3A_1, %add3A_4 : i32
    %jit3A = arith.constant 9 : i32
    %jit3A_5 = arith.constant 1 : i32
    %select_n3A_6 = arith.select %eq3A_0, %jit3A, %jit3A_5 : i32
    %mul3A_7 = arith.constant 640 : i32
    %mul3A_8 = arith.muli %arg1, %mul3A_7 : i32
    "tpu.region"() ({
      %run_scoped3A = tpu.sem_alloc : memref<!tpu.dma_semaphore, #tpu.memory_space<semaphore_mem>>
      %dma_start3A = arith.constant 0 : i32
      %dma_start3A_23 = tpu.memref_slice %arg11[%mul3A_8, %dma_start3A] : memref<10240x64xf32, #tpu.memory_space<vmem_shared>> -> memref<640x64xf32, #tpu.memory_space<vmem_shared>>
      tpu.enqueue_dma source(%arg5 : memref<640x64xf32, #tpu.memory_space<hbm>>) target(%dma_start3A_23 : memref<640x64xf32, #tpu.memory_space<vmem_shared>>) target_semaphore(%run_scoped3A : memref<!tpu.dma_semaphore, #tpu.memory_space<semaphore_mem>>)
      %dma_wait3A = arith.constant 0 : i32
      %dma_wait3A_24 = tpu.memref_slice %arg11[%mul3A_8, %dma_wait3A] : memref<10240x64xf32, #tpu.memory_space<vmem_shared>> -> memref<640x64xf32, #tpu.memory_space<vmem_shared>>
      tpu.wait_dma2 semaphore(%run_scoped3A : memref<!tpu.dma_semaphore, #tpu.memory_space<semaphore_mem>>) src(%arg5 : memref<640x64xf32, #tpu.memory_space<hbm>>) dst(%dma_wait3A_24 : memref<640x64xf32, #tpu.memory_space<vmem_shared>>)
      tpu.yield
    }) : () -> ()
    %barrier3A = arith.constant 0 : index
    tpu.barrier barrier_id(%barrier3A)
    %while3A = arith.constant 0 : i32
    %while3A_9 = arith.constant 0 : i32
    %while3A_10 = arith.subi %select_n3A_6, %while3A_9 : i32
    %while3A_11 = arith.addi %while3A_9, %while3A_10 : i32
    %while3A_12 = arith.constant 1 : i32
    %while3A_13 = arith.divsi %while3A_10, %while3A_12 : i32
    %while3A_14 = arith.muli %while3A_13, %while3A_12 : i32
    %while3A_15 = arith.addi %while3A_9, %while3A_14 : i32
    %while3A_16 = arith.constant 1 : i32
    scf.for %while3A_23 = %while3A_9 to %while3A_15 step %while3A_16  : i32 {
      %mul3A_24 = arith.constant 16 : i32
      %mul3A_25 = arith.muli %while3A_23, %mul3A_24 : i32
      %add3A_26 = arith.addi %select_n3A, %mul3A_25 : i32
      "tpu.region"() ({
        %run_scoped3A_264 = tpu.sem_alloc : memref<!tpu.dma_semaphore, #tpu.memory_space<semaphore_mem>>
        %dma_start3A_265 = arith.constant 0 : i32
        %dma_start3A_266 = tpu.memref_slice %arg3[%add3A_26, %dma_start3A_265] : memref<2560x128xi32, #tpu.memory_space<hbm>> -> memref<16x128xi32, #tpu.memory_space<hbm>>
        %dma_start3A_267 = arith.constant 0 : i32
        %dma_start3A_268 = tpu.memref_slice %arg3[%add3A_26, %dma_start3A_267] : memref<2560x128xi32, #tpu.memory_space<hbm>> -> memref<16x128xi32, #tpu.memory_space<hbm>>
        tpu.enqueue_dma source(%dma_start3A_268 : memref<16x128xi32, #tpu.memory_space<hbm>>) target(%arg7 : memref<16x128xi32, #tpu.memory_space<vmem>>) target_semaphore(%run_scoped3A_264 : memref<!tpu.dma_semaphore, #tpu.memory_space<semaphore_mem>>)
        %dma_wait3A_269 = arith.constant 0 : i32
        %dma_wait3A_270 = tpu.memref_slice %arg3[%add3A_26, %dma_wait3A_269] : memref<2560x128xi32, #tpu.memory_space<hbm>> -> memref<16x128xi32, #tpu.memory_space<hbm>>
        %dma_wait3A_271 = arith.constant 0 : i32
        %dma_wait3A_272 = tpu.memref_slice %arg3[%add3A_26, %dma_wait3A_271] : memref<2560x128xi32, #tpu.memory_space<hbm>> -> memref<16x128xi32, #tpu.memory_space<hbm>>
        tpu.wait_dma2 semaphore(%run_scoped3A_264 : memref<!tpu.dma_semaphore, #tpu.memory_space<semaphore_mem>>) src(%dma_wait3A_272 : memref<16x128xi32, #tpu.memory_space<hbm>>) dst(%arg7 : memref<16x128xi32, #tpu.memory_space<vmem>>)
        tpu.yield
      }) : () -> ()
      "tpu.region"() ({
        %run_scoped3A_264 = tpu.sem_alloc : memref<!tpu.dma_semaphore, #tpu.memory_space<semaphore_mem>>
        %dma_start3A_265 = arith.constant 0 : i32
        %dma_start3A_266 = tpu.memref_slice %arg4[%add3A_26, %dma_start3A_265] : memref<2560x128xi32, #tpu.memory_space<hbm>> -> memref<16x128xi32, #tpu.memory_space<hbm>>
        %dma_start3A_267 = arith.constant 0 : i32
        %dma_start3A_268 = tpu.memref_slice %arg4[%add3A_26, %dma_start3A_267] : memref<2560x128xi32, #tpu.memory_space<hbm>> -> memref<16x128xi32, #tpu.memory_space<hbm>>
        tpu.enqueue_dma source(%dma_start3A_268 : memref<16x128xi32, #tpu.memory_space<hbm>>) target(%arg8 : memref<16x128xi32, #tpu.memory_space<vmem>>) target_semaphore(%run_scoped3A_264 : memref<!tpu.dma_semaphore, #tpu.memory_space<semaphore_mem>>)
        %dma_wait3A_269 = arith.constant 0 : i32
        %dma_wait3A_270 = tpu.memref_slice %arg4[%add3A_26, %dma_wait3A_269] : memref<2560x128xi32, #tpu.memory_space<hbm>> -> memref<16x128xi32, #tpu.memory_space<hbm>>
        %dma_wait3A_271 = arith.constant 0 : i32
        %dma_wait3A_272 = tpu.memref_slice %arg4[%add3A_26, %dma_wait3A_271] : memref<2560x128xi32, #tpu.memory_space<hbm>> -> memref<16x128xi32, #tpu.memory_space<hbm>>
        tpu.wait_dma2 semaphore(%run_scoped3A_264 : memref<!tpu.dma_semaphore, #tpu.memory_space<semaphore_mem>>) src(%dma_wait3A_272 : memref<16x128xi32, #tpu.memory_space<hbm>>) dst(%arg8 : memref<16x128xi32, #tpu.memory_space<vmem>>)
        tpu.yield
      }) : () -> ()
      %dma_start3A = arith.constant 0 : i32
      %dma_start3A_27 = arith.constant 0 : i32
      %dma_start3A_28 = tpu.memref_slice %arg7[%dma_start3A, %dma_start3A_27] : memref<16x128xi32, #tpu.memory_space<vmem>> -> memref<1x128xi32, #tpu.memory_space<vmem>>
      %dma_start3A_29 = tpu.memref_squeeze %dma_start3A_28 : memref<1x128xi32, #tpu.memory_space<vmem>> -> memref<128xi32, #tpu.memory_space<vmem>>
      %dma_start3A_30 = arith.constant 0 : i32
      %dma_start3A_31 = arith.constant 0 : i32
      %dma_start3A_32 = tpu.memref_slice %arg2[%dma_start3A_30, %dma_start3A_31] : memref<10000x64xf32, #tpu.memory_space<hbm>> -> memref<10000x64xf32, #tpu.memory_space<hbm>>
      tpu.enqueue_indirect_dma source(%dma_start3A_32 : memref<10000x64xf32, #tpu.memory_space<hbm>>) target(%arg9 : memref<128x64xf32, #tpu.memory_space<vmem>>) offsets(%dma_start3A_29 : memref<128xi32, #tpu.memory_space<vmem>>) semaphore(%arg12 : memref<!tpu.dma_semaphore, #tpu.memory_space<semaphore_mem>>)
      %dma_start3A_33 = arith.constant 1 : i32
      %dma_start3A_34 = arith.constant 0 : i32
      %dma_start3A_35 = tpu.memref_slice %arg7[%dma_start3A_33, %dma_start3A_34] : memref<16x128xi32, #tpu.memory_space<vmem>> -> memref<1x128xi32, #tpu.memory_space<vmem>>
      %dma_start3A_36 = tpu.memref_squeeze %dma_start3A_35 : memref<1x128xi32, #tpu.memory_space<vmem>> -> memref<128xi32, #tpu.memory_space<vmem>>
      %dma_start3A_37 = arith.constant 0 : i32
      %dma_start3A_38 = arith.constant 0 : i32
      %dma_start3A_39 = tpu.memref_slice %arg2[%dma_start3A_37, %dma_start3A_38] : memref<10000x64xf32, #tpu.memory_space<hbm>> -> memref<10000x64xf32, #tpu.memory_space<hbm>>
      tpu.enqueue_indirect_dma source(%dma_start3A_39 : memref<10000x64xf32, #tpu.memory_space<hbm>>) target(%arg10 : memref<128x64xf32, #tpu.memory_space<vmem>>) offsets(%dma_start3A_36 : memref<128xi32, #tpu.memory_space<vmem>>) semaphore(%arg13 : memref<!tpu.dma_semaphore, #tpu.memory_space<semaphore_mem>>)
      %dma_wait3A = arith.constant 0 : i32
      %dma_wait3A_40 = arith.constant 0 : i32
      %dma_wait3A_41 = tpu.memref_slice %arg7[%dma_wait3A, %dma_wait3A_40] : memref<16x128xi32, #tpu.memory_space<vmem>> -> memref<1x128xi32, #tpu.memory_space<vmem>>
      %dma_wait3A_42 = tpu.memref_squeeze %dma_wait3A_41 : memref<1x128xi32, #tpu.memory_space<vmem>> -> memref<128xi32, #tpu.memory_space<vmem>>
      %dma_wait3A_43 = arith.constant 0 : i32
      %dma_wait3A_44 = arith.constant 0 : i32
      %dma_wait3A_45 = tpu.memref_slice %arg2[%dma_wait3A_43, %dma_wait3A_44] : memref<10000x64xf32, #tpu.memory_space<hbm>> -> memref<10000x64xf32, #tpu.memory_space<hbm>>
      tpu.wait_indirect_dma semaphore(%arg12 : memref<!tpu.dma_semaphore, #tpu.memory_space<semaphore_mem>>) src(%dma_wait3A_45 : memref<10000x64xf32, #tpu.memory_space<hbm>>) dst(%arg9 : memref<128x64xf32, #tpu.memory_space<vmem>>)
      %run_scoped3A = arith.constant 0 : i32
      "tpu.region"() ({
        %run_scoped3A_264 = tpu.sem_alloc : memref<!tpu.dma_semaphore, #tpu.memory_space<semaphore_mem>>
        %dma_start3A_265 = arith.constant 0 : i32
        %dma_start3A_266 = tpu.memref_slice %arg8[%run_scoped3A, %dma_start3A_265] : memref<16x128xi32, #tpu.memory_space<vmem>> -> memref<1x128xi32, #tpu.memory_space<vmem>>
        %dma_start3A_267 = tpu.memref_squeeze %dma_start3A_266 : memref<1x128xi32, #tpu.memory_space<vmem>> -> memref<128xi32, #tpu.memory_space<vmem>>
        %dma_start3A_268 = arith.constant 0 : i32
        %dma_start3A_269 = arith.constant 0 : i32
        %dma_start3A_270 = tpu.memref_slice %arg11[%dma_start3A_268, %dma_start3A_269] : memref<10240x64xf32, #tpu.memory_space<vmem_shared>> -> memref<10240x64xf32, #tpu.memory_space<vmem_shared>>
        tpu.enqueue_indirect_dma source(%arg9 : memref<128x64xf32, #tpu.memory_space<vmem>>) target(%dma_start3A_270 : memref<10240x64xf32, #tpu.memory_space<vmem_shared>>) offsets(%dma_start3A_267 : memref<128xi32, #tpu.memory_space<vmem>>) semaphore(%run_scoped3A_264 : memref<!tpu.dma_semaphore, #tpu.memory_space<semaphore_mem>>) {add = true}
        %dma_wait3A_271 = arith.constant 0 : i32
        %dma_wait3A_272 = tpu.memref_slice %arg8[%run_scoped3A, %dma_wait3A_271] : memref<16x128xi32, #tpu.memory_space<vmem>> -> memref<1x128xi32, #tpu.memory_space<vmem>>
        %dma_wait3A_273 = tpu.memref_squeeze %dma_wait3A_272 : memref<1x128xi32, #tpu.memory_space<vmem>> -> memref<128xi32, #tpu.memory_space<vmem>>
        %dma_wait3A_274 = arith.constant 0 : i32
        %dma_wait3A_275 = arith.constant 0 : i32
        %dma_wait3A_276 = tpu.memref_slice %arg11[%dma_wait3A_274, %dma_wait3A_275] : memref<10240x64xf32, #tpu.memory_space<vmem_shared>> -> memref<10240x64xf32, #tpu.memory_space<vmem_shared>>
        tpu.wait_indirect_dma semaphore(%run_scoped3A_264 : memref<!tpu.dma_semaphore, #tpu.memory_space<semaphore_mem>>) src(%arg9 : memref<128x64xf32, #tpu.memory_space<vmem>>) dst(%dma_wait3A_276 : memref<10240x64xf32, #tpu.memory_space<vmem_shared>>)
        tpu.yield
      }) : () -> ()
      %dma_start3A_46 = arith.constant 2 : i32
      %dma_start3A_47 = arith.constant 0 : i32
      %dma_start3A_48 = tpu.memref_slice %arg7[%dma_start3A_46, %dma_start3A_47] : memref<16x128xi32, #tpu.memory_space<vmem>> -> memref<1x128xi32, #tpu.memory_space<vmem>>
      %dma_start3A_49 = tpu.memref_squeeze %dma_start3A_48 : memref<1x128xi32, #tpu.memory_space<vmem>> -> memref<128xi32, #tpu.memory_space<vmem>>
      %dma_start3A_50 = arith.constant 0 : i32
      %dma_start3A_51 = arith.constant 0 : i32
      %dma_start3A_52 = tpu.memref_slice %arg2[%dma_start3A_50, %dma_start3A_51] : memref<10000x64xf32, #tpu.memory_space<hbm>> -> memref<10000x64xf32, #tpu.memory_space<hbm>>
      tpu.enqueue_indirect_dma source(%dma_start3A_52 : memref<10000x64xf32, #tpu.memory_space<hbm>>) target(%arg9 : memref<128x64xf32, #tpu.memory_space<vmem>>) offsets(%dma_start3A_49 : memref<128xi32, #tpu.memory_space<vmem>>) semaphore(%arg12 : memref<!tpu.dma_semaphore, #tpu.memory_space<semaphore_mem>>)
      %dma_wait3A_53 = arith.constant 1 : i32
      %dma_wait3A_54 = arith.constant 0 : i32
      %dma_wait3A_55 = tpu.memref_slice %arg7[%dma_wait3A_53, %dma_wait3A_54] : memref<16x128xi32, #tpu.memory_space<vmem>> -> memref<1x128xi32, #tpu.memory_space<vmem>>
      %dma_wait3A_56 = tpu.memref_squeeze %dma_wait3A_55 : memref<1x128xi32, #tpu.memory_space<vmem>> -> memref<128xi32, #tpu.memory_space<vmem>>
      %dma_wait3A_57 = arith.constant 0 : i32
      %dma_wait3A_58 = arith.constant 0 : i32
      %dma_wait3A_59 = tpu.memref_slice %arg2[%dma_wait3A_57, %dma_wait3A_58] : memref<10000x64xf32, #tpu.memory_space<hbm>> -> memref<10000x64xf32, #tpu.memory_space<hbm>>
      tpu.wait_indirect_dma semaphore(%arg13 : memref<!tpu.dma_semaphore, #tpu.memory_space<semaphore_mem>>) src(%dma_wait3A_59 : memref<10000x64xf32, #tpu.memory_space<hbm>>) dst(%arg10 : memref<128x64xf32, #tpu.memory_space<vmem>>)
      %run_scoped3A_60 = arith.constant 1 : i32
      "tpu.region"() ({
        %run_scoped3A_264 = tpu.sem_alloc : memref<!tpu.dma_semaphore, #tpu.memory_space<semaphore_mem>>
        %dma_start3A_265 = arith.constant 0 : i32
        %dma_start3A_266 = tpu.memref_slice %arg8[%run_scoped3A_60, %dma_start3A_265] : memref<16x128xi32, #tpu.memory_space<vmem>> -> memref<1x128xi32, #tpu.memory_space<vmem>>
        %dma_start3A_267 = tpu.memref_squeeze %dma_start3A_266 : memref<1x128xi32, #tpu.memory_space<vmem>> -> memref<128xi32, #tpu.memory_space<vmem>>
        %dma_start3A_268 = arith.constant 0 : i32
        %dma_start3A_269 = arith.constant 0 : i32
        %dma_start3A_270 = tpu.memref_slice %arg11[%dma_start3A_268, %dma_start3A_269] : memref<10240x64xf32, #tpu.memory_space<vmem_shared>> -> memref<10240x64xf32, #tpu.memory_space<vmem_shared>>
        tpu.enqueue_indirect_dma source(%arg10 : memref<128x64xf32, #tpu.memory_space<vmem>>) target(%dma_start3A_270 : memref<10240x64xf32, #tpu.memory_space<vmem_shared>>) offsets(%dma_start3A_267 : memref<128xi32, #tpu.memory_space<vmem>>) semaphore(%run_scoped3A_264 : memref<!tpu.dma_semaphore, #tpu.memory_space<semaphore_mem>>) {add = true}
        %dma_wait3A_271 = arith.constant 0 : i32
        %dma_wait3A_272 = tpu.memref_slice %arg8[%run_scoped3A_60, %dma_wait3A_271] : memref<16x128xi32, #tpu.memory_space<vmem>> -> memref<1x128xi32, #tpu.memory_space<vmem>>
        %dma_wait3A_273 = tpu.memref_squeeze %dma_wait3A_272 : memref<1x128xi32, #tpu.memory_space<vmem>> -> memref<128xi32, #tpu.memory_space<vmem>>
        %dma_wait3A_274 = arith.constant 0 : i32
        %dma_wait3A_275 = arith.constant 0 : i32
        %dma_wait3A_276 = tpu.memref_slice %arg11[%dma_wait3A_274, %dma_wait3A_275] : memref<10240x64xf32, #tpu.memory_space<vmem_shared>> -> memref<10240x64xf32, #tpu.memory_space<vmem_shared>>
        tpu.wait_indirect_dma semaphore(%run_scoped3A_264 : memref<!tpu.dma_semaphore, #tpu.memory_space<semaphore_mem>>) src(%arg10 : memref<128x64xf32, #tpu.memory_space<vmem>>) dst(%dma_wait3A_276 : memref<10240x64xf32, #tpu.memory_space<vmem_shared>>)
        tpu.yield
      }) : () -> ()
      %dma_start3A_61 = arith.constant 3 : i32
      %dma_start3A_62 = arith.constant 0 : i32
      %dma_start3A_63 = tpu.memref_slice %arg7[%dma_start3A_61, %dma_start3A_62] : memref<16x128xi32, #tpu.memory_space<vmem>> -> memref<1x128xi32, #tpu.memory_space<vmem>>
      %dma_start3A_64 = tpu.memref_squeeze %dma_start3A_63 : memref<1x128xi32, #tpu.memory_space<vmem>> -> memref<128xi32, #tpu.memory_space<vmem>>
      %dma_start3A_65 = arith.constant 0 : i32
      %dma_start3A_66 = arith.constant 0 : i32
      %dma_start3A_67 = tpu.memref_slice %arg2[%dma_start3A_65, %dma_start3A_66] : memref<10000x64xf32, #tpu.memory_space<hbm>> -> memref<10000x64xf32, #tpu.memory_space<hbm>>
      tpu.enqueue_indirect_dma source(%dma_start3A_67 : memref<10000x64xf32, #tpu.memory_space<hbm>>) target(%arg10 : memref<128x64xf32, #tpu.memory_space<vmem>>) offsets(%dma_start3A_64 : memref<128xi32, #tpu.memory_space<vmem>>) semaphore(%arg13 : memref<!tpu.dma_semaphore, #tpu.memory_space<semaphore_mem>>)
      %dma_wait3A_68 = arith.constant 2 : i32
      %dma_wait3A_69 = arith.constant 0 : i32
      %dma_wait3A_70 = tpu.memref_slice %arg7[%dma_wait3A_68, %dma_wait3A_69] : memref<16x128xi32, #tpu.memory_space<vmem>> -> memref<1x128xi32, #tpu.memory_space<vmem>>
      %dma_wait3A_71 = tpu.memref_squeeze %dma_wait3A_70 : memref<1x128xi32, #tpu.memory_space<vmem>> -> memref<128xi32, #tpu.memory_space<vmem>>
      %dma_wait3A_72 = arith.constant 0 : i32
      %dma_wait3A_73 = arith.constant 0 : i32
      %dma_wait3A_74 = tpu.memref_slice %arg2[%dma_wait3A_72, %dma_wait3A_73] : memref<10000x64xf32, #tpu.memory_space<hbm>> -> memref<10000x64xf32, #tpu.memory_space<hbm>>
      tpu.wait_indirect_dma semaphore(%arg12 : memref<!tpu.dma_semaphore, #tpu.memory_space<semaphore_mem>>) src(%dma_wait3A_74 : memref<10000x64xf32, #tpu.memory_space<hbm>>) dst(%arg9 : memref<128x64xf32, #tpu.memory_space<vmem>>)
      %run_scoped3A_75 = arith.constant 2 : i32
      "tpu.region"() ({
        %run_scoped3A_264 = tpu.sem_alloc : memref<!tpu.dma_semaphore, #tpu.memory_space<semaphore_mem>>
        %dma_start3A_265 = arith.constant 0 : i32
        %dma_start3A_266 = tpu.memref_slice %arg8[%run_scoped3A_75, %dma_start3A_265] : memref<16x128xi32, #tpu.memory_space<vmem>> -> memref<1x128xi32, #tpu.memory_space<vmem>>
        %dma_start3A_267 = tpu.memref_squeeze %dma_start3A_266 : memref<1x128xi32, #tpu.memory_space<vmem>> -> memref<128xi32, #tpu.memory_space<vmem>>
        %dma_start3A_268 = arith.constant 0 : i32
        %dma_start3A_269 = arith.constant 0 : i32
        %dma_start3A_270 = tpu.memref_slice %arg11[%dma_start3A_268, %dma_start3A_269] : memref<10240x64xf32, #tpu.memory_space<vmem_shared>> -> memref<10240x64xf32, #tpu.memory_space<vmem_shared>>
        tpu.enqueue_indirect_dma source(%arg9 : memref<128x64xf32, #tpu.memory_space<vmem>>) target(%dma_start3A_270 : memref<10240x64xf32, #tpu.memory_space<vmem_shared>>) offsets(%dma_start3A_267 : memref<128xi32, #tpu.memory_space<vmem>>) semaphore(%run_scoped3A_264 : memref<!tpu.dma_semaphore, #tpu.memory_space<semaphore_mem>>) {add = true}
        %dma_wait3A_271 = arith.constant 0 : i32
        %dma_wait3A_272 = tpu.memref_slice %arg8[%run_scoped3A_75, %dma_wait3A_271] : memref<16x128xi32, #tpu.memory_space<vmem>> -> memref<1x128xi32, #tpu.memory_space<vmem>>
        %dma_wait3A_273 = tpu.memref_squeeze %dma_wait3A_272 : memref<1x128xi32, #tpu.memory_space<vmem>> -> memref<128xi32, #tpu.memory_space<vmem>>
        %dma_wait3A_274 = arith.constant 0 : i32
        %dma_wait3A_275 = arith.constant 0 : i32
        %dma_wait3A_276 = tpu.memref_slice %arg11[%dma_wait3A_274, %dma_wait3A_275] : memref<10240x64xf32, #tpu.memory_space<vmem_shared>> -> memref<10240x64xf32, #tpu.memory_space<vmem_shared>>
        tpu.wait_indirect_dma semaphore(%run_scoped3A_264 : memref<!tpu.dma_semaphore, #tpu.memory_space<semaphore_mem>>) src(%arg9 : memref<128x64xf32, #tpu.memory_space<vmem>>) dst(%dma_wait3A_276 : memref<10240x64xf32, #tpu.memory_space<vmem_shared>>)
        tpu.yield
      }) : () -> ()
      %dma_start3A_76 = arith.constant 4 : i32
      %dma_start3A_77 = arith.constant 0 : i32
      %dma_start3A_78 = tpu.memref_slice %arg7[%dma_start3A_76, %dma_start3A_77] : memref<16x128xi32, #tpu.memory_space<vmem>> -> memref<1x128xi32, #tpu.memory_space<vmem>>
      %dma_start3A_79 = tpu.memref_squeeze %dma_start3A_78 : memref<1x128xi32, #tpu.memory_space<vmem>> -> memref<128xi32, #tpu.memory_space<vmem>>
      %dma_start3A_80 = arith.constant 0 : i32
      %dma_start3A_81 = arith.constant 0 : i32
      %dma_start3A_82 = tpu.memref_slice %arg2[%dma_start3A_80, %dma_start3A_81] : memref<10000x64xf32, #tpu.memory_space<hbm>> -> memref<10000x64xf32, #tpu.memory_space<hbm>>
      tpu.enqueue_indirect_dma source(%dma_start3A_82 : memref<10000x64xf32, #tpu.memory_space<hbm>>) target(%arg9 : memref<128x64xf32, #tpu.memory_space<vmem>>) offsets(%dma_start3A_79 : memref<128xi32, #tpu.memory_space<vmem>>) semaphore(%arg12 : memref<!tpu.dma_semaphore, #tpu.memory_space<semaphore_mem>>)
      %dma_wait3A_83 = arith.constant 3 : i32
      %dma_wait3A_84 = arith.constant 0 : i32
      %dma_wait3A_85 = tpu.memref_slice %arg7[%dma_wait3A_83, %dma_wait3A_84] : memref<16x128xi32, #tpu.memory_space<vmem>> -> memref<1x128xi32, #tpu.memory_space<vmem>>
      %dma_wait3A_86 = tpu.memref_squeeze %dma_wait3A_85 : memref<1x128xi32, #tpu.memory_space<vmem>> -> memref<128xi32, #tpu.memory_space<vmem>>
      %dma_wait3A_87 = arith.constant 0 : i32
      %dma_wait3A_88 = arith.constant 0 : i32
      %dma_wait3A_89 = tpu.memref_slice %arg2[%dma_wait3A_87, %dma_wait3A_88] : memref<10000x64xf32, #tpu.memory_space<hbm>> -> memref<10000x64xf32, #tpu.memory_space<hbm>>
      tpu.wait_indirect_dma semaphore(%arg13 : memref<!tpu.dma_semaphore, #tpu.memory_space<semaphore_mem>>) src(%dma_wait3A_89 : memref<10000x64xf32, #tpu.memory_space<hbm>>) dst(%arg10 : memref<128x64xf32, #tpu.memory_space<vmem>>)
      %run_scoped3A_90 = arith.constant 3 : i32
      "tpu.region"() ({
        %run_scoped3A_264 = tpu.sem_alloc : memref<!tpu.dma_semaphore, #tpu.memory_space<semaphore_mem>>
        %dma_start3A_265 = arith.constant 0 : i32
        %dma_start3A_266 = tpu.memref_slice %arg8[%run_scoped3A_90, %dma_start3A_265] : memref<16x128xi32, #tpu.memory_space<vmem>> -> memref<1x128xi32, #tpu.memory_space<vmem>>
        %dma_start3A_267 = tpu.memref_squeeze %dma_start3A_266 : memref<1x128xi32, #tpu.memory_space<vmem>> -> memref<128xi32, #tpu.memory_space<vmem>>
        %dma_start3A_268 = arith.constant 0 : i32
        %dma_start3A_269 = arith.constant 0 : i32
        %dma_start3A_270 = tpu.memref_slice %arg11[%dma_start3A_268, %dma_start3A_269] : memref<10240x64xf32, #tpu.memory_space<vmem_shared>> -> memref<10240x64xf32, #tpu.memory_space<vmem_shared>>
        tpu.enqueue_indirect_dma source(%arg10 : memref<128x64xf32, #tpu.memory_space<vmem>>) target(%dma_start3A_270 : memref<10240x64xf32, #tpu.memory_space<vmem_shared>>) offsets(%dma_start3A_267 : memref<128xi32, #tpu.memory_space<vmem>>) semaphore(%run_scoped3A_264 : memref<!tpu.dma_semaphore, #tpu.memory_space<semaphore_mem>>) {add = true}
        %dma_wait3A_271 = arith.constant 0 : i32
        %dma_wait3A_272 = tpu.memref_slice %arg8[%run_scoped3A_90, %dma_wait3A_271] : memref<16x128xi32, #tpu.memory_space<vmem>> -> memref<1x128xi32, #tpu.memory_space<vmem>>
        %dma_wait3A_273 = tpu.memref_squeeze %dma_wait3A_272 : memref<1x128xi32, #tpu.memory_space<vmem>> -> memref<128xi32, #tpu.memory_space<vmem>>
        %dma_wait3A_274 = arith.constant 0 : i32
        %dma_wait3A_275 = arith.constant 0 : i32
        %dma_wait3A_276 = tpu.memref_slice %arg11[%dma_wait3A_274, %dma_wait3A_275] : memref<10240x64xf32, #tpu.memory_space<vmem_shared>> -> memref<10240x64xf32, #tpu.memory_space<vmem_shared>>
        tpu.wait_indirect_dma semaphore(%run_scoped3A_264 : memref<!tpu.dma_semaphore, #tpu.memory_space<semaphore_mem>>) src(%arg10 : memref<128x64xf32, #tpu.memory_space<vmem>>) dst(%dma_wait3A_276 : memref<10240x64xf32, #tpu.memory_space<vmem_shared>>)
        tpu.yield
      }) : () -> ()
      %dma_start3A_91 = arith.constant 5 : i32
      %dma_start3A_92 = arith.constant 0 : i32
      %dma_start3A_93 = tpu.memref_slice %arg7[%dma_start3A_91, %dma_start3A_92] : memref<16x128xi32, #tpu.memory_space<vmem>> -> memref<1x128xi32, #tpu.memory_space<vmem>>
      %dma_start3A_94 = tpu.memref_squeeze %dma_start3A_93 : memref<1x128xi32, #tpu.memory_space<vmem>> -> memref<128xi32, #tpu.memory_space<vmem>>
      %dma_start3A_95 = arith.constant 0 : i32
      %dma_start3A_96 = arith.constant 0 : i32
      %dma_start3A_97 = tpu.memref_slice %arg2[%dma_start3A_95, %dma_start3A_96] : memref<10000x64xf32, #tpu.memory_space<hbm>> -> memref<10000x64xf32, #tpu.memory_space<hbm>>
      tpu.enqueue_indirect_dma source(%dma_start3A_97 : memref<10000x64xf32, #tpu.memory_space<hbm>>) target(%arg10 : memref<128x64xf32, #tpu.memory_space<vmem>>) offsets(%dma_start3A_94 : memref<128xi32, #tpu.memory_space<vmem>>) semaphore(%arg13 : memref<!tpu.dma_semaphore, #tpu.memory_space<semaphore_mem>>)
      %dma_wait3A_98 = arith.constant 4 : i32
      %dma_wait3A_99 = arith.constant 0 : i32
      %dma_wait3A_100 = tpu.memref_slice %arg7[%dma_wait3A_98, %dma_wait3A_99] : memref<16x128xi32, #tpu.memory_space<vmem>> -> memref<1x128xi32, #tpu.memory_space<vmem>>
      %dma_wait3A_101 = tpu.memref_squeeze %dma_wait3A_100 : memref<1x128xi32, #tpu.memory_space<vmem>> -> memref<128xi32, #tpu.memory_space<vmem>>
      %dma_wait3A_102 = arith.constant 0 : i32
      %dma_wait3A_103 = arith.constant 0 : i32
      %dma_wait3A_104 = tpu.memref_slice %arg2[%dma_wait3A_102, %dma_wait3A_103] : memref<10000x64xf32, #tpu.memory_space<hbm>> -> memref<10000x64xf32, #tpu.memory_space<hbm>>
      tpu.wait_indirect_dma semaphore(%arg12 : memref<!tpu.dma_semaphore, #tpu.memory_space<semaphore_mem>>) src(%dma_wait3A_104 : memref<10000x64xf32, #tpu.memory_space<hbm>>) dst(%arg9 : memref<128x64xf32, #tpu.memory_space<vmem>>)
      %run_scoped3A_105 = arith.constant 4 : i32
      "tpu.region"() ({
        %run_scoped3A_264 = tpu.sem_alloc : memref<!tpu.dma_semaphore, #tpu.memory_space<semaphore_mem>>
        %dma_start3A_265 = arith.constant 0 : i32
        %dma_start3A_266 = tpu.memref_slice %arg8[%run_scoped3A_105, %dma_start3A_265] : memref<16x128xi32, #tpu.memory_space<vmem>> -> memref<1x128xi32, #tpu.memory_space<vmem>>
        %dma_start3A_267 = tpu.memref_squeeze %dma_start3A_266 : memref<1x128xi32, #tpu.memory_space<vmem>> -> memref<128xi32, #tpu.memory_space<vmem>>
        %dma_start3A_268 = arith.constant 0 : i32
        %dma_start3A_269 = arith.constant 0 : i32
        %dma_start3A_270 = tpu.memref_slice %arg11[%dma_start3A_268, %dma_start3A_269] : memref<10240x64xf32, #tpu.memory_space<vmem_shared>> -> memref<10240x64xf32, #tpu.memory_space<vmem_shared>>
        tpu.enqueue_indirect_dma source(%arg9 : memref<128x64xf32, #tpu.memory_space<vmem>>) target(%dma_start3A_270 : memref<10240x64xf32, #tpu.memory_space<vmem_shared>>) offsets(%dma_start3A_267 : memref<128xi32, #tpu.memory_space<vmem>>) semaphore(%run_scoped3A_264 : memref<!tpu.dma_semaphore, #tpu.memory_space<semaphore_mem>>) {add = true}
        %dma_wait3A_271 = arith.constant 0 : i32
        %dma_wait3A_272 = tpu.memref_slice %arg8[%run_scoped3A_105, %dma_wait3A_271] : memref<16x128xi32, #tpu.memory_space<vmem>> -> memref<1x128xi32, #tpu.memory_space<vmem>>
        %dma_wait3A_273 = tpu.memref_squeeze %dma_wait3A_272 : memref<1x128xi32, #tpu.memory_space<vmem>> -> memref<128xi32, #tpu.memory_space<vmem>>
        %dma_wait3A_274 = arith.constant 0 : i32
        %dma_wait3A_275 = arith.constant 0 : i32
        %dma_wait3A_276 = tpu.memref_slice %arg11[%dma_wait3A_274, %dma_wait3A_275] : memref<10240x64xf32, #tpu.memory_space<vmem_shared>> -> memref<10240x64xf32, #tpu.memory_space<vmem_shared>>
        tpu.wait_indirect_dma semaphore(%run_scoped3A_264 : memref<!tpu.dma_semaphore, #tpu.memory_space<semaphore_mem>>) src(%arg9 : memref<128x64xf32, #tpu.memory_space<vmem>>) dst(%dma_wait3A_276 : memref<10240x64xf32, #tpu.memory_space<vmem_shared>>)
        tpu.yield
      }) : () -> ()
      %dma_start3A_106 = arith.constant 6 : i32
      %dma_start3A_107 = arith.constant 0 : i32
      %dma_start3A_108 = tpu.memref_slice %arg7[%dma_start3A_106, %dma_start3A_107] : memref<16x128xi32, #tpu.memory_space<vmem>> -> memref<1x128xi32, #tpu.memory_space<vmem>>
      %dma_start3A_109 = tpu.memref_squeeze %dma_start3A_108 : memref<1x128xi32, #tpu.memory_space<vmem>> -> memref<128xi32, #tpu.memory_space<vmem>>
      %dma_start3A_110 = arith.constant 0 : i32
      %dma_start3A_111 = arith.constant 0 : i32
      %dma_start3A_112 = tpu.memref_slice %arg2[%dma_start3A_110, %dma_start3A_111] : memref<10000x64xf32, #tpu.memory_space<hbm>> -> memref<10000x64xf32, #tpu.memory_space<hbm>>
      tpu.enqueue_indirect_dma source(%dma_start3A_112 : memref<10000x64xf32, #tpu.memory_space<hbm>>) target(%arg9 : memref<128x64xf32, #tpu.memory_space<vmem>>) offsets(%dma_start3A_109 : memref<128xi32, #tpu.memory_space<vmem>>) semaphore(%arg12 : memref<!tpu.dma_semaphore, #tpu.memory_space<semaphore_mem>>)
      %dma_wait3A_113 = arith.constant 5 : i32
      %dma_wait3A_114 = arith.constant 0 : i32
      %dma_wait3A_115 = tpu.memref_slice %arg7[%dma_wait3A_113, %dma_wait3A_114] : memref<16x128xi32, #tpu.memory_space<vmem>> -> memref<1x128xi32, #tpu.memory_space<vmem>>
      %dma_wait3A_116 = tpu.memref_squeeze %dma_wait3A_115 : memref<1x128xi32, #tpu.memory_space<vmem>> -> memref<128xi32, #tpu.memory_space<vmem>>
      %dma_wait3A_117 = arith.constant 0 : i32
      %dma_wait3A_118 = arith.constant 0 : i32
      %dma_wait3A_119 = tpu.memref_slice %arg2[%dma_wait3A_117, %dma_wait3A_118] : memref<10000x64xf32, #tpu.memory_space<hbm>> -> memref<10000x64xf32, #tpu.memory_space<hbm>>
      tpu.wait_indirect_dma semaphore(%arg13 : memref<!tpu.dma_semaphore, #tpu.memory_space<semaphore_mem>>) src(%dma_wait3A_119 : memref<10000x64xf32, #tpu.memory_space<hbm>>) dst(%arg10 : memref<128x64xf32, #tpu.memory_space<vmem>>)
      %run_scoped3A_120 = arith.constant 5 : i32
      "tpu.region"() ({
        %run_scoped3A_264 = tpu.sem_alloc : memref<!tpu.dma_semaphore, #tpu.memory_space<semaphore_mem>>
        %dma_start3A_265 = arith.constant 0 : i32
        %dma_start3A_266 = tpu.memref_slice %arg8[%run_scoped3A_120, %dma_start3A_265] : memref<16x128xi32, #tpu.memory_space<vmem>> -> memref<1x128xi32, #tpu.memory_space<vmem>>
        %dma_start3A_267 = tpu.memref_squeeze %dma_start3A_266 : memref<1x128xi32, #tpu.memory_space<vmem>> -> memref<128xi32, #tpu.memory_space<vmem>>
        %dma_start3A_268 = arith.constant 0 : i32
        %dma_start3A_269 = arith.constant 0 : i32
        %dma_start3A_270 = tpu.memref_slice %arg11[%dma_start3A_268, %dma_start3A_269] : memref<10240x64xf32, #tpu.memory_space<vmem_shared>> -> memref<10240x64xf32, #tpu.memory_space<vmem_shared>>
        tpu.enqueue_indirect_dma source(%arg10 : memref<128x64xf32, #tpu.memory_space<vmem>>) target(%dma_start3A_270 : memref<10240x64xf32, #tpu.memory_space<vmem_shared>>) offsets(%dma_start3A_267 : memref<128xi32, #tpu.memory_space<vmem>>) semaphore(%run_scoped3A_264 : memref<!tpu.dma_semaphore, #tpu.memory_space<semaphore_mem>>) {add = true}
        %dma_wait3A_271 = arith.constant 0 : i32
        %dma_wait3A_272 = tpu.memref_slice %arg8[%run_scoped3A_120, %dma_wait3A_271] : memref<16x128xi32, #tpu.memory_space<vmem>> -> memref<1x128xi32, #tpu.memory_space<vmem>>
        %dma_wait3A_273 = tpu.memref_squeeze %dma_wait3A_272 : memref<1x128xi32, #tpu.memory_space<vmem>> -> memref<128xi32, #tpu.memory_space<vmem>>
        %dma_wait3A_274 = arith.constant 0 : i32
        %dma_wait3A_275 = arith.constant 0 : i32
        %dma_wait3A_276 = tpu.memref_slice %arg11[%dma_wait3A_274, %dma_wait3A_275] : memref<10240x64xf32, #tpu.memory_space<vmem_shared>> -> memref<10240x64xf32, #tpu.memory_space<vmem_shared>>
        tpu.wait_indirect_dma semaphore(%run_scoped3A_264 : memref<!tpu.dma_semaphore, #tpu.memory_space<semaphore_mem>>) src(%arg10 : memref<128x64xf32, #tpu.memory_space<vmem>>) dst(%dma_wait3A_276 : memref<10240x64xf32, #tpu.memory_space<vmem_shared>>)
        tpu.yield
      }) : () -> ()
      %dma_start3A_121 = arith.constant 7 : i32
      %dma_start3A_122 = arith.constant 0 : i32
      %dma_start3A_123 = tpu.memref_slice %arg7[%dma_start3A_121, %dma_start3A_122] : memref<16x128xi32, #tpu.memory_space<vmem>> -> memref<1x128xi32, #tpu.memory_space<vmem>>
      %dma_start3A_124 = tpu.memref_squeeze %dma_start3A_123 : memref<1x128xi32, #tpu.memory_space<vmem>> -> memref<128xi32, #tpu.memory_space<vmem>>
      %dma_start3A_125 = arith.constant 0 : i32
      %dma_start3A_126 = arith.constant 0 : i32
      %dma_start3A_127 = tpu.memref_slice %arg2[%dma_start3A_125, %dma_start3A_126] : memref<10000x64xf32, #tpu.memory_space<hbm>> -> memref<10000x64xf32, #tpu.memory_space<hbm>>
      tpu.enqueue_indirect_dma source(%dma_start3A_127 : memref<10000x64xf32, #tpu.memory_space<hbm>>) target(%arg10 : memref<128x64xf32, #tpu.memory_space<vmem>>) offsets(%dma_start3A_124 : memref<128xi32, #tpu.memory_space<vmem>>) semaphore(%arg13 : memref<!tpu.dma_semaphore, #tpu.memory_space<semaphore_mem>>)
      %dma_wait3A_128 = arith.constant 6 : i32
      %dma_wait3A_129 = arith.constant 0 : i32
      %dma_wait3A_130 = tpu.memref_slice %arg7[%dma_wait3A_128, %dma_wait3A_129] : memref<16x128xi32, #tpu.memory_space<vmem>> -> memref<1x128xi32, #tpu.memory_space<vmem>>
      %dma_wait3A_131 = tpu.memref_squeeze %dma_wait3A_130 : memref<1x128xi32, #tpu.memory_space<vmem>> -> memref<128xi32, #tpu.memory_space<vmem>>
      %dma_wait3A_132 = arith.constant 0 : i32
      %dma_wait3A_133 = arith.constant 0 : i32
      %dma_wait3A_134 = tpu.memref_slice %arg2[%dma_wait3A_132, %dma_wait3A_133] : memref<10000x64xf32, #tpu.memory_space<hbm>> -> memref<10000x64xf32, #tpu.memory_space<hbm>>
      tpu.wait_indirect_dma semaphore(%arg12 : memref<!tpu.dma_semaphore, #tpu.memory_space<semaphore_mem>>) src(%dma_wait3A_134 : memref<10000x64xf32, #tpu.memory_space<hbm>>) dst(%arg9 : memref<128x64xf32, #tpu.memory_space<vmem>>)
      %run_scoped3A_135 = arith.constant 6 : i32
      "tpu.region"() ({
        %run_scoped3A_264 = tpu.sem_alloc : memref<!tpu.dma_semaphore, #tpu.memory_space<semaphore_mem>>
        %dma_start3A_265 = arith.constant 0 : i32
        %dma_start3A_266 = tpu.memref_slice %arg8[%run_scoped3A_135, %dma_start3A_265] : memref<16x128xi32, #tpu.memory_space<vmem>> -> memref<1x128xi32, #tpu.memory_space<vmem>>
        %dma_start3A_267 = tpu.memref_squeeze %dma_start3A_266 : memref<1x128xi32, #tpu.memory_space<vmem>> -> memref<128xi32, #tpu.memory_space<vmem>>
        %dma_start3A_268 = arith.constant 0 : i32
        %dma_start3A_269 = arith.constant 0 : i32
        %dma_start3A_270 = tpu.memref_slice %arg11[%dma_start3A_268, %dma_start3A_269] : memref<10240x64xf32, #tpu.memory_space<vmem_shared>> -> memref<10240x64xf32, #tpu.memory_space<vmem_shared>>
        tpu.enqueue_indirect_dma source(%arg9 : memref<128x64xf32, #tpu.memory_space<vmem>>) target(%dma_start3A_270 : memref<10240x64xf32, #tpu.memory_space<vmem_shared>>) offsets(%dma_start3A_267 : memref<128xi32, #tpu.memory_space<vmem>>) semaphore(%run_scoped3A_264 : memref<!tpu.dma_semaphore, #tpu.memory_space<semaphore_mem>>) {add = true}
        %dma_wait3A_271 = arith.constant 0 : i32
        %dma_wait3A_272 = tpu.memref_slice %arg8[%run_scoped3A_135, %dma_wait3A_271] : memref<16x128xi32, #tpu.memory_space<vmem>> -> memref<1x128xi32, #tpu.memory_space<vmem>>
        %dma_wait3A_273 = tpu.memref_squeeze %dma_wait3A_272 : memref<1x128xi32, #tpu.memory_space<vmem>> -> memref<128xi32, #tpu.memory_space<vmem>>
        %dma_wait3A_274 = arith.constant 0 : i32
        %dma_wait3A_275 = arith.constant 0 : i32
        %dma_wait3A_276 = tpu.memref_slice %arg11[%dma_wait3A_274, %dma_wait3A_275] : memref<10240x64xf32, #tpu.memory_space<vmem_shared>> -> memref<10240x64xf32, #tpu.memory_space<vmem_shared>>
        tpu.wait_indirect_dma semaphore(%run_scoped3A_264 : memref<!tpu.dma_semaphore, #tpu.memory_space<semaphore_mem>>) src(%arg9 : memref<128x64xf32, #tpu.memory_space<vmem>>) dst(%dma_wait3A_276 : memref<10240x64xf32, #tpu.memory_space<vmem_shared>>)
        tpu.yield
      }) : () -> ()
      %dma_start3A_136 = arith.constant 8 : i32
      %dma_start3A_137 = arith.constant 0 : i32
      %dma_start3A_138 = tpu.memref_slice %arg7[%dma_start3A_136, %dma_start3A_137] : memref<16x128xi32, #tpu.memory_space<vmem>> -> memref<1x128xi32, #tpu.memory_space<vmem>>
      %dma_start3A_139 = tpu.memref_squeeze %dma_start3A_138 : memref<1x128xi32, #tpu.memory_space<vmem>> -> memref<128xi32, #tpu.memory_space<vmem>>
      %dma_start3A_140 = arith.constant 0 : i32
      %dma_start3A_141 = arith.constant 0 : i32
      %dma_start3A_142 = tpu.memref_slice %arg2[%dma_start3A_140, %dma_start3A_141] : memref<10000x64xf32, #tpu.memory_space<hbm>> -> memref<10000x64xf32, #tpu.memory_space<hbm>>
      tpu.enqueue_indirect_dma source(%dma_start3A_142 : memref<10000x64xf32, #tpu.memory_space<hbm>>) target(%arg9 : memref<128x64xf32, #tpu.memory_space<vmem>>) offsets(%dma_start3A_139 : memref<128xi32, #tpu.memory_space<vmem>>) semaphore(%arg12 : memref<!tpu.dma_semaphore, #tpu.memory_space<semaphore_mem>>)
      %dma_wait3A_143 = arith.constant 7 : i32
      %dma_wait3A_144 = arith.constant 0 : i32
      %dma_wait3A_145 = tpu.memref_slice %arg7[%dma_wait3A_143, %dma_wait3A_144] : memref<16x128xi32, #tpu.memory_space<vmem>> -> memref<1x128xi32, #tpu.memory_space<vmem>>
      %dma_wait3A_146 = tpu.memref_squeeze %dma_wait3A_145 : memref<1x128xi32, #tpu.memory_space<vmem>> -> memref<128xi32, #tpu.memory_space<vmem>>
      %dma_wait3A_147 = arith.constant 0 : i32
      %dma_wait3A_148 = arith.constant 0 : i32
      %dma_wait3A_149 = tpu.memref_slice %arg2[%dma_wait3A_147, %dma_wait3A_148] : memref<10000x64xf32, #tpu.memory_space<hbm>> -> memref<10000x64xf32, #tpu.memory_space<hbm>>
      tpu.wait_indirect_dma semaphore(%arg13 : memref<!tpu.dma_semaphore, #tpu.memory_space<semaphore_mem>>) src(%dma_wait3A_149 : memref<10000x64xf32, #tpu.memory_space<hbm>>) dst(%arg10 : memref<128x64xf32, #tpu.memory_space<vmem>>)
      %run_scoped3A_150 = arith.constant 7 : i32
      "tpu.region"() ({
        %run_scoped3A_264 = tpu.sem_alloc : memref<!tpu.dma_semaphore, #tpu.memory_space<semaphore_mem>>
        %dma_start3A_265 = arith.constant 0 : i32
        %dma_start3A_266 = tpu.memref_slice %arg8[%run_scoped3A_150, %dma_start3A_265] : memref<16x128xi32, #tpu.memory_space<vmem>> -> memref<1x128xi32, #tpu.memory_space<vmem>>
        %dma_start3A_267 = tpu.memref_squeeze %dma_start3A_266 : memref<1x128xi32, #tpu.memory_space<vmem>> -> memref<128xi32, #tpu.memory_space<vmem>>
        %dma_start3A_268 = arith.constant 0 : i32
        %dma_start3A_269 = arith.constant 0 : i32
        %dma_start3A_270 = tpu.memref_slice %arg11[%dma_start3A_268, %dma_start3A_269] : memref<10240x64xf32, #tpu.memory_space<vmem_shared>> -> memref<10240x64xf32, #tpu.memory_space<vmem_shared>>
        tpu.enqueue_indirect_dma source(%arg10 : memref<128x64xf32, #tpu.memory_space<vmem>>) target(%dma_start3A_270 : memref<10240x64xf32, #tpu.memory_space<vmem_shared>>) offsets(%dma_start3A_267 : memref<128xi32, #tpu.memory_space<vmem>>) semaphore(%run_scoped3A_264 : memref<!tpu.dma_semaphore, #tpu.memory_space<semaphore_mem>>) {add = true}
        %dma_wait3A_271 = arith.constant 0 : i32
        %dma_wait3A_272 = tpu.memref_slice %arg8[%run_scoped3A_150, %dma_wait3A_271] : memref<16x128xi32, #tpu.memory_space<vmem>> -> memref<1x128xi32, #tpu.memory_space<vmem>>
        %dma_wait3A_273 = tpu.memref_squeeze %dma_wait3A_272 : memref<1x128xi32, #tpu.memory_space<vmem>> -> memref<128xi32, #tpu.memory_space<vmem>>
        %dma_wait3A_274 = arith.constant 0 : i32
        %dma_wait3A_275 = arith.constant 0 : i32
        %dma_wait3A_276 = tpu.memref_slice %arg11[%dma_wait3A_274, %dma_wait3A_275] : memref<10240x64xf32, #tpu.memory_space<vmem_shared>> -> memref<10240x64xf32, #tpu.memory_space<vmem_shared>>
        tpu.wait_indirect_dma semaphore(%run_scoped3A_264 : memref<!tpu.dma_semaphore, #tpu.memory_space<semaphore_mem>>) src(%arg10 : memref<128x64xf32, #tpu.memory_space<vmem>>) dst(%dma_wait3A_276 : memref<10240x64xf32, #tpu.memory_space<vmem_shared>>)
        tpu.yield
      }) : () -> ()
      %dma_start3A_151 = arith.constant 9 : i32
      %dma_start3A_152 = arith.constant 0 : i32
      %dma_start3A_153 = tpu.memref_slice %arg7[%dma_start3A_151, %dma_start3A_152] : memref<16x128xi32, #tpu.memory_space<vmem>> -> memref<1x128xi32, #tpu.memory_space<vmem>>
      %dma_start3A_154 = tpu.memref_squeeze %dma_start3A_153 : memref<1x128xi32, #tpu.memory_space<vmem>> -> memref<128xi32, #tpu.memory_space<vmem>>
      %dma_start3A_155 = arith.constant 0 : i32
      %dma_start3A_156 = arith.constant 0 : i32
      %dma_start3A_157 = tpu.memref_slice %arg2[%dma_start3A_155, %dma_start3A_156] : memref<10000x64xf32, #tpu.memory_space<hbm>> -> memref<10000x64xf32, #tpu.memory_space<hbm>>
      tpu.enqueue_indirect_dma source(%dma_start3A_157 : memref<10000x64xf32, #tpu.memory_space<hbm>>) target(%arg10 : memref<128x64xf32, #tpu.memory_space<vmem>>) offsets(%dma_start3A_154 : memref<128xi32, #tpu.memory_space<vmem>>) semaphore(%arg13 : memref<!tpu.dma_semaphore, #tpu.memory_space<semaphore_mem>>)
      %dma_wait3A_158 = arith.constant 8 : i32
      %dma_wait3A_159 = arith.constant 0 : i32
      %dma_wait3A_160 = tpu.memref_slice %arg7[%dma_wait3A_158, %dma_wait3A_159] : memref<16x128xi32, #tpu.memory_space<vmem>> -> memref<1x128xi32, #tpu.memory_space<vmem>>
      %dma_wait3A_161 = tpu.memref_squeeze %dma_wait3A_160 : memref<1x128xi32, #tpu.memory_space<vmem>> -> memref<128xi32, #tpu.memory_space<vmem>>
      %dma_wait3A_162 = arith.constant 0 : i32
      %dma_wait3A_163 = arith.constant 0 : i32
      %dma_wait3A_164 = tpu.memref_slice %arg2[%dma_wait3A_162, %dma_wait3A_163] : memref<10000x64xf32, #tpu.memory_space<hbm>> -> memref<10000x64xf32, #tpu.memory_space<hbm>>
      tpu.wait_indirect_dma semaphore(%arg12 : memref<!tpu.dma_semaphore, #tpu.memory_space<semaphore_mem>>) src(%dma_wait3A_164 : memref<10000x64xf32, #tpu.memory_space<hbm>>) dst(%arg9 : memref<128x64xf32, #tpu.memory_space<vmem>>)
      %run_scoped3A_165 = arith.constant 8 : i32
      "tpu.region"() ({
        %run_scoped3A_264 = tpu.sem_alloc : memref<!tpu.dma_semaphore, #tpu.memory_space<semaphore_mem>>
        %dma_start3A_265 = arith.constant 0 : i32
        %dma_start3A_266 = tpu.memref_slice %arg8[%run_scoped3A_165, %dma_start3A_265] : memref<16x128xi32, #tpu.memory_space<vmem>> -> memref<1x128xi32, #tpu.memory_space<vmem>>
        %dma_start3A_267 = tpu.memref_squeeze %dma_start3A_266 : memref<1x128xi32, #tpu.memory_space<vmem>> -> memref<128xi32, #tpu.memory_space<vmem>>
        %dma_start3A_268 = arith.constant 0 : i32
        %dma_start3A_269 = arith.constant 0 : i32
        %dma_start3A_270 = tpu.memref_slice %arg11[%dma_start3A_268, %dma_start3A_269] : memref<10240x64xf32, #tpu.memory_space<vmem_shared>> -> memref<10240x64xf32, #tpu.memory_space<vmem_shared>>
        tpu.enqueue_indirect_dma source(%arg9 : memref<128x64xf32, #tpu.memory_space<vmem>>) target(%dma_start3A_270 : memref<10240x64xf32, #tpu.memory_space<vmem_shared>>) offsets(%dma_start3A_267 : memref<128xi32, #tpu.memory_space<vmem>>) semaphore(%run_scoped3A_264 : memref<!tpu.dma_semaphore, #tpu.memory_space<semaphore_mem>>) {add = true}
        %dma_wait3A_271 = arith.constant 0 : i32
        %dma_wait3A_272 = tpu.memref_slice %arg8[%run_scoped3A_165, %dma_wait3A_271] : memref<16x128xi32, #tpu.memory_space<vmem>> -> memref<1x128xi32, #tpu.memory_space<vmem>>
        %dma_wait3A_273 = tpu.memref_squeeze %dma_wait3A_272 : memref<1x128xi32, #tpu.memory_space<vmem>> -> memref<128xi32, #tpu.memory_space<vmem>>
        %dma_wait3A_274 = arith.constant 0 : i32
        %dma_wait3A_275 = arith.constant 0 : i32
        %dma_wait3A_276 = tpu.memref_slice %arg11[%dma_wait3A_274, %dma_wait3A_275] : memref<10240x64xf32, #tpu.memory_space<vmem_shared>> -> memref<10240x64xf32, #tpu.memory_space<vmem_shared>>
        tpu.wait_indirect_dma semaphore(%run_scoped3A_264 : memref<!tpu.dma_semaphore, #tpu.memory_space<semaphore_mem>>) src(%arg9 : memref<128x64xf32, #tpu.memory_space<vmem>>) dst(%dma_wait3A_276 : memref<10240x64xf32, #tpu.memory_space<vmem_shared>>)
        tpu.yield
      }) : () -> ()
      %dma_start3A_166 = arith.constant 10 : i32
      %dma_start3A_167 = arith.constant 0 : i32
      %dma_start3A_168 = tpu.memref_slice %arg7[%dma_start3A_166, %dma_start3A_167] : memref<16x128xi32, #tpu.memory_space<vmem>> -> memref<1x128xi32, #tpu.memory_space<vmem>>
      %dma_start3A_169 = tpu.memref_squeeze %dma_start3A_168 : memref<1x128xi32, #tpu.memory_space<vmem>> -> memref<128xi32, #tpu.memory_space<vmem>>
      %dma_start3A_170 = arith.constant 0 : i32
      %dma_start3A_171 = arith.constant 0 : i32
      %dma_start3A_172 = tpu.memref_slice %arg2[%dma_start3A_170, %dma_start3A_171] : memref<10000x64xf32, #tpu.memory_space<hbm>> -> memref<10000x64xf32, #tpu.memory_space<hbm>>
      tpu.enqueue_indirect_dma source(%dma_start3A_172 : memref<10000x64xf32, #tpu.memory_space<hbm>>) target(%arg9 : memref<128x64xf32, #tpu.memory_space<vmem>>) offsets(%dma_start3A_169 : memref<128xi32, #tpu.memory_space<vmem>>) semaphore(%arg12 : memref<!tpu.dma_semaphore, #tpu.memory_space<semaphore_mem>>)
      %dma_wait3A_173 = arith.constant 9 : i32
      %dma_wait3A_174 = arith.constant 0 : i32
      %dma_wait3A_175 = tpu.memref_slice %arg7[%dma_wait3A_173, %dma_wait3A_174] : memref<16x128xi32, #tpu.memory_space<vmem>> -> memref<1x128xi32, #tpu.memory_space<vmem>>
      %dma_wait3A_176 = tpu.memref_squeeze %dma_wait3A_175 : memref<1x128xi32, #tpu.memory_space<vmem>> -> memref<128xi32, #tpu.memory_space<vmem>>
      %dma_wait3A_177 = arith.constant 0 : i32
      %dma_wait3A_178 = arith.constant 0 : i32
      %dma_wait3A_179 = tpu.memref_slice %arg2[%dma_wait3A_177, %dma_wait3A_178] : memref<10000x64xf32, #tpu.memory_space<hbm>> -> memref<10000x64xf32, #tpu.memory_space<hbm>>
      tpu.wait_indirect_dma semaphore(%arg13 : memref<!tpu.dma_semaphore, #tpu.memory_space<semaphore_mem>>) src(%dma_wait3A_179 : memref<10000x64xf32, #tpu.memory_space<hbm>>) dst(%arg10 : memref<128x64xf32, #tpu.memory_space<vmem>>)
      %run_scoped3A_180 = arith.constant 9 : i32
      "tpu.region"() ({
        %run_scoped3A_264 = tpu.sem_alloc : memref<!tpu.dma_semaphore, #tpu.memory_space<semaphore_mem>>
        %dma_start3A_265 = arith.constant 0 : i32
        %dma_start3A_266 = tpu.memref_slice %arg8[%run_scoped3A_180, %dma_start3A_265] : memref<16x128xi32, #tpu.memory_space<vmem>> -> memref<1x128xi32, #tpu.memory_space<vmem>>
        %dma_start3A_267 = tpu.memref_squeeze %dma_start3A_266 : memref<1x128xi32, #tpu.memory_space<vmem>> -> memref<128xi32, #tpu.memory_space<vmem>>
        %dma_start3A_268 = arith.constant 0 : i32
        %dma_start3A_269 = arith.constant 0 : i32
        %dma_start3A_270 = tpu.memref_slice %arg11[%dma_start3A_268, %dma_start3A_269] : memref<10240x64xf32, #tpu.memory_space<vmem_shared>> -> memref<10240x64xf32, #tpu.memory_space<vmem_shared>>
        tpu.enqueue_indirect_dma source(%arg10 : memref<128x64xf32, #tpu.memory_space<vmem>>) target(%dma_start3A_270 : memref<10240x64xf32, #tpu.memory_space<vmem_shared>>) offsets(%dma_start3A_267 : memref<128xi32, #tpu.memory_space<vmem>>) semaphore(%run_scoped3A_264 : memref<!tpu.dma_semaphore, #tpu.memory_space<semaphore_mem>>) {add = true}
        %dma_wait3A_271 = arith.constant 0 : i32
        %dma_wait3A_272 = tpu.memref_slice %arg8[%run_scoped3A_180, %dma_wait3A_271] : memref<16x128xi32, #tpu.memory_space<vmem>> -> memref<1x128xi32, #tpu.memory_space<vmem>>
        %dma_wait3A_273 = tpu.memref_squeeze %dma_wait3A_272 : memref<1x128xi32, #tpu.memory_space<vmem>> -> memref<128xi32, #tpu.memory_space<vmem>>
        %dma_wait3A_274 = arith.constant 0 : i32
        %dma_wait3A_275 = arith.constant 0 : i32
        %dma_wait3A_276 = tpu.memref_slice %arg11[%dma_wait3A_274, %dma_wait3A_275] : memref<10240x64xf32, #tpu.memory_space<vmem_shared>> -> memref<10240x64xf32, #tpu.memory_space<vmem_shared>>
        tpu.wait_indirect_dma semaphore(%run_scoped3A_264 : memref<!tpu.dma_semaphore, #tpu.memory_space<semaphore_mem>>) src(%arg10 : memref<128x64xf32, #tpu.memory_space<vmem>>) dst(%dma_wait3A_276 : memref<10240x64xf32, #tpu.memory_space<vmem_shared>>)
        tpu.yield
      }) : () -> ()
      %dma_start3A_181 = arith.constant 11 : i32
      %dma_start3A_182 = arith.constant 0 : i32
      %dma_start3A_183 = tpu.memref_slice %arg7[%dma_start3A_181, %dma_start3A_182] : memref<16x128xi32, #tpu.memory_space<vmem>> -> memref<1x128xi32, #tpu.memory_space<vmem>>
      %dma_start3A_184 = tpu.memref_squeeze %dma_start3A_183 : memref<1x128xi32, #tpu.memory_space<vmem>> -> memref<128xi32, #tpu.memory_space<vmem>>
      %dma_start3A_185 = arith.constant 0 : i32
      %dma_start3A_186 = arith.constant 0 : i32
      %dma_start3A_187 = tpu.memref_slice %arg2[%dma_start3A_185, %dma_start3A_186] : memref<10000x64xf32, #tpu.memory_space<hbm>> -> memref<10000x64xf32, #tpu.memory_space<hbm>>
      tpu.enqueue_indirect_dma source(%dma_start3A_187 : memref<10000x64xf32, #tpu.memory_space<hbm>>) target(%arg10 : memref<128x64xf32, #tpu.memory_space<vmem>>) offsets(%dma_start3A_184 : memref<128xi32, #tpu.memory_space<vmem>>) semaphore(%arg13 : memref<!tpu.dma_semaphore, #tpu.memory_space<semaphore_mem>>)
      %dma_wait3A_188 = arith.constant 10 : i32
      %dma_wait3A_189 = arith.constant 0 : i32
      %dma_wait3A_190 = tpu.memref_slice %arg7[%dma_wait3A_188, %dma_wait3A_189] : memref<16x128xi32, #tpu.memory_space<vmem>> -> memref<1x128xi32, #tpu.memory_space<vmem>>
      %dma_wait3A_191 = tpu.memref_squeeze %dma_wait3A_190 : memref<1x128xi32, #tpu.memory_space<vmem>> -> memref<128xi32, #tpu.memory_space<vmem>>
      %dma_wait3A_192 = arith.constant 0 : i32
      %dma_wait3A_193 = arith.constant 0 : i32
      %dma_wait3A_194 = tpu.memref_slice %arg2[%dma_wait3A_192, %dma_wait3A_193] : memref<10000x64xf32, #tpu.memory_space<hbm>> -> memref<10000x64xf32, #tpu.memory_space<hbm>>
      tpu.wait_indirect_dma semaphore(%arg12 : memref<!tpu.dma_semaphore, #tpu.memory_space<semaphore_mem>>) src(%dma_wait3A_194 : memref<10000x64xf32, #tpu.memory_space<hbm>>) dst(%arg9 : memref<128x64xf32, #tpu.memory_space<vmem>>)
      %run_scoped3A_195 = arith.constant 10 : i32
      "tpu.region"() ({
        %run_scoped3A_264 = tpu.sem_alloc : memref<!tpu.dma_semaphore, #tpu.memory_space<semaphore_mem>>
        %dma_start3A_265 = arith.constant 0 : i32
        %dma_start3A_266 = tpu.memref_slice %arg8[%run_scoped3A_195, %dma_start3A_265] : memref<16x128xi32, #tpu.memory_space<vmem>> -> memref<1x128xi32, #tpu.memory_space<vmem>>
        %dma_start3A_267 = tpu.memref_squeeze %dma_start3A_266 : memref<1x128xi32, #tpu.memory_space<vmem>> -> memref<128xi32, #tpu.memory_space<vmem>>
        %dma_start3A_268 = arith.constant 0 : i32
        %dma_start3A_269 = arith.constant 0 : i32
        %dma_start3A_270 = tpu.memref_slice %arg11[%dma_start3A_268, %dma_start3A_269] : memref<10240x64xf32, #tpu.memory_space<vmem_shared>> -> memref<10240x64xf32, #tpu.memory_space<vmem_shared>>
        tpu.enqueue_indirect_dma source(%arg9 : memref<128x64xf32, #tpu.memory_space<vmem>>) target(%dma_start3A_270 : memref<10240x64xf32, #tpu.memory_space<vmem_shared>>) offsets(%dma_start3A_267 : memref<128xi32, #tpu.memory_space<vmem>>) semaphore(%run_scoped3A_264 : memref<!tpu.dma_semaphore, #tpu.memory_space<semaphore_mem>>) {add = true}
        %dma_wait3A_271 = arith.constant 0 : i32
        %dma_wait3A_272 = tpu.memref_slice %arg8[%run_scoped3A_195, %dma_wait3A_271] : memref<16x128xi32, #tpu.memory_space<vmem>> -> memref<1x128xi32, #tpu.memory_space<vmem>>
        %dma_wait3A_273 = tpu.memref_squeeze %dma_wait3A_272 : memref<1x128xi32, #tpu.memory_space<vmem>> -> memref<128xi32, #tpu.memory_space<vmem>>
        %dma_wait3A_274 = arith.constant 0 : i32
        %dma_wait3A_275 = arith.constant 0 : i32
        %dma_wait3A_276 = tpu.memref_slice %arg11[%dma_wait3A_274, %dma_wait3A_275] : memref<10240x64xf32, #tpu.memory_space<vmem_shared>> -> memref<10240x64xf32, #tpu.memory_space<vmem_shared>>
        tpu.wait_indirect_dma semaphore(%run_scoped3A_264 : memref<!tpu.dma_semaphore, #tpu.memory_space<semaphore_mem>>) src(%arg9 : memref<128x64xf32, #tpu.memory_space<vmem>>) dst(%dma_wait3A_276 : memref<10240x64xf32, #tpu.memory_space<vmem_shared>>)
        tpu.yield
      }) : () -> ()
      %dma_start3A_196 = arith.constant 12 : i32
      %dma_start3A_197 = arith.constant 0 : i32
      %dma_start3A_198 = tpu.memref_slice %arg7[%dma_start3A_196, %dma_start3A_197] : memref<16x128xi32, #tpu.memory_space<vmem>> -> memref<1x128xi32, #tpu.memory_space<vmem>>
      %dma_start3A_199 = tpu.memref_squeeze %dma_start3A_198 : memref<1x128xi32, #tpu.memory_space<vmem>> -> memref<128xi32, #tpu.memory_space<vmem>>
      %dma_start3A_200 = arith.constant 0 : i32
      %dma_start3A_201 = arith.constant 0 : i32
      %dma_start3A_202 = tpu.memref_slice %arg2[%dma_start3A_200, %dma_start3A_201] : memref<10000x64xf32, #tpu.memory_space<hbm>> -> memref<10000x64xf32, #tpu.memory_space<hbm>>
      tpu.enqueue_indirect_dma source(%dma_start3A_202 : memref<10000x64xf32, #tpu.memory_space<hbm>>) target(%arg9 : memref<128x64xf32, #tpu.memory_space<vmem>>) offsets(%dma_start3A_199 : memref<128xi32, #tpu.memory_space<vmem>>) semaphore(%arg12 : memref<!tpu.dma_semaphore, #tpu.memory_space<semaphore_mem>>)
      %dma_wait3A_203 = arith.constant 11 : i32
      %dma_wait3A_204 = arith.constant 0 : i32
      %dma_wait3A_205 = tpu.memref_slice %arg7[%dma_wait3A_203, %dma_wait3A_204] : memref<16x128xi32, #tpu.memory_space<vmem>> -> memref<1x128xi32, #tpu.memory_space<vmem>>
      %dma_wait3A_206 = tpu.memref_squeeze %dma_wait3A_205 : memref<1x128xi32, #tpu.memory_space<vmem>> -> memref<128xi32, #tpu.memory_space<vmem>>
      %dma_wait3A_207 = arith.constant 0 : i32
      %dma_wait3A_208 = arith.constant 0 : i32
      %dma_wait3A_209 = tpu.memref_slice %arg2[%dma_wait3A_207, %dma_wait3A_208] : memref<10000x64xf32, #tpu.memory_space<hbm>> -> memref<10000x64xf32, #tpu.memory_space<hbm>>
      tpu.wait_indirect_dma semaphore(%arg13 : memref<!tpu.dma_semaphore, #tpu.memory_space<semaphore_mem>>) src(%dma_wait3A_209 : memref<10000x64xf32, #tpu.memory_space<hbm>>) dst(%arg10 : memref<128x64xf32, #tpu.memory_space<vmem>>)
      %run_scoped3A_210 = arith.constant 11 : i32
      "tpu.region"() ({
        %run_scoped3A_264 = tpu.sem_alloc : memref<!tpu.dma_semaphore, #tpu.memory_space<semaphore_mem>>
        %dma_start3A_265 = arith.constant 0 : i32
        %dma_start3A_266 = tpu.memref_slice %arg8[%run_scoped3A_210, %dma_start3A_265] : memref<16x128xi32, #tpu.memory_space<vmem>> -> memref<1x128xi32, #tpu.memory_space<vmem>>
        %dma_start3A_267 = tpu.memref_squeeze %dma_start3A_266 : memref<1x128xi32, #tpu.memory_space<vmem>> -> memref<128xi32, #tpu.memory_space<vmem>>
        %dma_start3A_268 = arith.constant 0 : i32
        %dma_start3A_269 = arith.constant 0 : i32
        %dma_start3A_270 = tpu.memref_slice %arg11[%dma_start3A_268, %dma_start3A_269] : memref<10240x64xf32, #tpu.memory_space<vmem_shared>> -> memref<10240x64xf32, #tpu.memory_space<vmem_shared>>
        tpu.enqueue_indirect_dma source(%arg10 : memref<128x64xf32, #tpu.memory_space<vmem>>) target(%dma_start3A_270 : memref<10240x64xf32, #tpu.memory_space<vmem_shared>>) offsets(%dma_start3A_267 : memref<128xi32, #tpu.memory_space<vmem>>) semaphore(%run_scoped3A_264 : memref<!tpu.dma_semaphore, #tpu.memory_space<semaphore_mem>>) {add = true}
        %dma_wait3A_271 = arith.constant 0 : i32
        %dma_wait3A_272 = tpu.memref_slice %arg8[%run_scoped3A_210, %dma_wait3A_271] : memref<16x128xi32, #tpu.memory_space<vmem>> -> memref<1x128xi32, #tpu.memory_space<vmem>>
        %dma_wait3A_273 = tpu.memref_squeeze %dma_wait3A_272 : memref<1x128xi32, #tpu.memory_space<vmem>> -> memref<128xi32, #tpu.memory_space<vmem>>
        %dma_wait3A_274 = arith.constant 0 : i32
        %dma_wait3A_275 = arith.constant 0 : i32
        %dma_wait3A_276 = tpu.memref_slice %arg11[%dma_wait3A_274, %dma_wait3A_275] : memref<10240x64xf32, #tpu.memory_space<vmem_shared>> -> memref<10240x64xf32, #tpu.memory_space<vmem_shared>>
        tpu.wait_indirect_dma semaphore(%run_scoped3A_264 : memref<!tpu.dma_semaphore, #tpu.memory_space<semaphore_mem>>) src(%arg10 : memref<128x64xf32, #tpu.memory_space<vmem>>) dst(%dma_wait3A_276 : memref<10240x64xf32, #tpu.memory_space<vmem_shared>>)
        tpu.yield
      }) : () -> ()
      %dma_start3A_211 = arith.constant 13 : i32
      %dma_start3A_212 = arith.constant 0 : i32
      %dma_start3A_213 = tpu.memref_slice %arg7[%dma_start3A_211, %dma_start3A_212] : memref<16x128xi32, #tpu.memory_space<vmem>> -> memref<1x128xi32, #tpu.memory_space<vmem>>
      %dma_start3A_214 = tpu.memref_squeeze %dma_start3A_213 : memref<1x128xi32, #tpu.memory_space<vmem>> -> memref<128xi32, #tpu.memory_space<vmem>>
      %dma_start3A_215 = arith.constant 0 : i32
      %dma_start3A_216 = arith.constant 0 : i32
      %dma_start3A_217 = tpu.memref_slice %arg2[%dma_start3A_215, %dma_start3A_216] : memref<10000x64xf32, #tpu.memory_space<hbm>> -> memref<10000x64xf32, #tpu.memory_space<hbm>>
      tpu.enqueue_indirect_dma source(%dma_start3A_217 : memref<10000x64xf32, #tpu.memory_space<hbm>>) target(%arg10 : memref<128x64xf32, #tpu.memory_space<vmem>>) offsets(%dma_start3A_214 : memref<128xi32, #tpu.memory_space<vmem>>) semaphore(%arg13 : memref<!tpu.dma_semaphore, #tpu.memory_space<semaphore_mem>>)
      %dma_wait3A_218 = arith.constant 12 : i32
      %dma_wait3A_219 = arith.constant 0 : i32
      %dma_wait3A_220 = tpu.memref_slice %arg7[%dma_wait3A_218, %dma_wait3A_219] : memref<16x128xi32, #tpu.memory_space<vmem>> -> memref<1x128xi32, #tpu.memory_space<vmem>>
      %dma_wait3A_221 = tpu.memref_squeeze %dma_wait3A_220 : memref<1x128xi32, #tpu.memory_space<vmem>> -> memref<128xi32, #tpu.memory_space<vmem>>
      %dma_wait3A_222 = arith.constant 0 : i32
      %dma_wait3A_223 = arith.constant 0 : i32
      %dma_wait3A_224 = tpu.memref_slice %arg2[%dma_wait3A_222, %dma_wait3A_223] : memref<10000x64xf32, #tpu.memory_space<hbm>> -> memref<10000x64xf32, #tpu.memory_space<hbm>>
      tpu.wait_indirect_dma semaphore(%arg12 : memref<!tpu.dma_semaphore, #tpu.memory_space<semaphore_mem>>) src(%dma_wait3A_224 : memref<10000x64xf32, #tpu.memory_space<hbm>>) dst(%arg9 : memref<128x64xf32, #tpu.memory_space<vmem>>)
      %run_scoped3A_225 = arith.constant 12 : i32
      "tpu.region"() ({
        %run_scoped3A_264 = tpu.sem_alloc : memref<!tpu.dma_semaphore, #tpu.memory_space<semaphore_mem>>
        %dma_start3A_265 = arith.constant 0 : i32
        %dma_start3A_266 = tpu.memref_slice %arg8[%run_scoped3A_225, %dma_start3A_265] : memref<16x128xi32, #tpu.memory_space<vmem>> -> memref<1x128xi32, #tpu.memory_space<vmem>>
        %dma_start3A_267 = tpu.memref_squeeze %dma_start3A_266 : memref<1x128xi32, #tpu.memory_space<vmem>> -> memref<128xi32, #tpu.memory_space<vmem>>
        %dma_start3A_268 = arith.constant 0 : i32
        %dma_start3A_269 = arith.constant 0 : i32
        %dma_start3A_270 = tpu.memref_slice %arg11[%dma_start3A_268, %dma_start3A_269] : memref<10240x64xf32, #tpu.memory_space<vmem_shared>> -> memref<10240x64xf32, #tpu.memory_space<vmem_shared>>
        tpu.enqueue_indirect_dma source(%arg9 : memref<128x64xf32, #tpu.memory_space<vmem>>) target(%dma_start3A_270 : memref<10240x64xf32, #tpu.memory_space<vmem_shared>>) offsets(%dma_start3A_267 : memref<128xi32, #tpu.memory_space<vmem>>) semaphore(%run_scoped3A_264 : memref<!tpu.dma_semaphore, #tpu.memory_space<semaphore_mem>>) {add = true}
        %dma_wait3A_271 = arith.constant 0 : i32
        %dma_wait3A_272 = tpu.memref_slice %arg8[%run_scoped3A_225, %dma_wait3A_271] : memref<16x128xi32, #tpu.memory_space<vmem>> -> memref<1x128xi32, #tpu.memory_space<vmem>>
        %dma_wait3A_273 = tpu.memref_squeeze %dma_wait3A_272 : memref<1x128xi32, #tpu.memory_space<vmem>> -> memref<128xi32, #tpu.memory_space<vmem>>
        %dma_wait3A_274 = arith.constant 0 : i32
        %dma_wait3A_275 = arith.constant 0 : i32
        %dma_wait3A_276 = tpu.memref_slice %arg11[%dma_wait3A_274, %dma_wait3A_275] : memref<10240x64xf32, #tpu.memory_space<vmem_shared>> -> memref<10240x64xf32, #tpu.memory_space<vmem_shared>>
        tpu.wait_indirect_dma semaphore(%run_scoped3A_264 : memref<!tpu.dma_semaphore, #tpu.memory_space<semaphore_mem>>) src(%arg9 : memref<128x64xf32, #tpu.memory_space<vmem>>) dst(%dma_wait3A_276 : memref<10240x64xf32, #tpu.memory_space<vmem_shared>>)
        tpu.yield
      }) : () -> ()
      %dma_start3A_226 = arith.constant 14 : i32
      %dma_start3A_227 = arith.constant 0 : i32
      %dma_start3A_228 = tpu.memref_slice %arg7[%dma_start3A_226, %dma_start3A_227] : memref<16x128xi32, #tpu.memory_space<vmem>> -> memref<1x128xi32, #tpu.memory_space<vmem>>
      %dma_start3A_229 = tpu.memref_squeeze %dma_start3A_228 : memref<1x128xi32, #tpu.memory_space<vmem>> -> memref<128xi32, #tpu.memory_space<vmem>>
      %dma_start3A_230 = arith.constant 0 : i32
      %dma_start3A_231 = arith.constant 0 : i32
      %dma_start3A_232 = tpu.memref_slice %arg2[%dma_start3A_230, %dma_start3A_231] : memref<10000x64xf32, #tpu.memory_space<hbm>> -> memref<10000x64xf32, #tpu.memory_space<hbm>>
      tpu.enqueue_indirect_dma source(%dma_start3A_232 : memref<10000x64xf32, #tpu.memory_space<hbm>>) target(%arg9 : memref<128x64xf32, #tpu.memory_space<vmem>>) offsets(%dma_start3A_229 : memref<128xi32, #tpu.memory_space<vmem>>) semaphore(%arg12 : memref<!tpu.dma_semaphore, #tpu.memory_space<semaphore_mem>>)
      %dma_wait3A_233 = arith.constant 13 : i32
      %dma_wait3A_234 = arith.constant 0 : i32
      %dma_wait3A_235 = tpu.memref_slice %arg7[%dma_wait3A_233, %dma_wait3A_234] : memref<16x128xi32, #tpu.memory_space<vmem>> -> memref<1x128xi32, #tpu.memory_space<vmem>>
      %dma_wait3A_236 = tpu.memref_squeeze %dma_wait3A_235 : memref<1x128xi32, #tpu.memory_space<vmem>> -> memref<128xi32, #tpu.memory_space<vmem>>
      %dma_wait3A_237 = arith.constant 0 : i32
      %dma_wait3A_238 = arith.constant 0 : i32
      %dma_wait3A_239 = tpu.memref_slice %arg2[%dma_wait3A_237, %dma_wait3A_238] : memref<10000x64xf32, #tpu.memory_space<hbm>> -> memref<10000x64xf32, #tpu.memory_space<hbm>>
      tpu.wait_indirect_dma semaphore(%arg13 : memref<!tpu.dma_semaphore, #tpu.memory_space<semaphore_mem>>) src(%dma_wait3A_239 : memref<10000x64xf32, #tpu.memory_space<hbm>>) dst(%arg10 : memref<128x64xf32, #tpu.memory_space<vmem>>)
      %run_scoped3A_240 = arith.constant 13 : i32
      "tpu.region"() ({
        %run_scoped3A_264 = tpu.sem_alloc : memref<!tpu.dma_semaphore, #tpu.memory_space<semaphore_mem>>
        %dma_start3A_265 = arith.constant 0 : i32
        %dma_start3A_266 = tpu.memref_slice %arg8[%run_scoped3A_240, %dma_start3A_265] : memref<16x128xi32, #tpu.memory_space<vmem>> -> memref<1x128xi32, #tpu.memory_space<vmem>>
        %dma_start3A_267 = tpu.memref_squeeze %dma_start3A_266 : memref<1x128xi32, #tpu.memory_space<vmem>> -> memref<128xi32, #tpu.memory_space<vmem>>
        %dma_start3A_268 = arith.constant 0 : i32
        %dma_start3A_269 = arith.constant 0 : i32
        %dma_start3A_270 = tpu.memref_slice %arg11[%dma_start3A_268, %dma_start3A_269] : memref<10240x64xf32, #tpu.memory_space<vmem_shared>> -> memref<10240x64xf32, #tpu.memory_space<vmem_shared>>
        tpu.enqueue_indirect_dma source(%arg10 : memref<128x64xf32, #tpu.memory_space<vmem>>) target(%dma_start3A_270 : memref<10240x64xf32, #tpu.memory_space<vmem_shared>>) offsets(%dma_start3A_267 : memref<128xi32, #tpu.memory_space<vmem>>) semaphore(%run_scoped3A_264 : memref<!tpu.dma_semaphore, #tpu.memory_space<semaphore_mem>>) {add = true}
        %dma_wait3A_271 = arith.constant 0 : i32
        %dma_wait3A_272 = tpu.memref_slice %arg8[%run_scoped3A_240, %dma_wait3A_271] : memref<16x128xi32, #tpu.memory_space<vmem>> -> memref<1x128xi32, #tpu.memory_space<vmem>>
        %dma_wait3A_273 = tpu.memref_squeeze %dma_wait3A_272 : memref<1x128xi32, #tpu.memory_space<vmem>> -> memref<128xi32, #tpu.memory_space<vmem>>
        %dma_wait3A_274 = arith.constant 0 : i32
        %dma_wait3A_275 = arith.constant 0 : i32
        %dma_wait3A_276 = tpu.memref_slice %arg11[%dma_wait3A_274, %dma_wait3A_275] : memref<10240x64xf32, #tpu.memory_space<vmem_shared>> -> memref<10240x64xf32, #tpu.memory_space<vmem_shared>>
        tpu.wait_indirect_dma semaphore(%run_scoped3A_264 : memref<!tpu.dma_semaphore, #tpu.memory_space<semaphore_mem>>) src(%arg10 : memref<128x64xf32, #tpu.memory_space<vmem>>) dst(%dma_wait3A_276 : memref<10240x64xf32, #tpu.memory_space<vmem_shared>>)
        tpu.yield
      }) : () -> ()
      %dma_start3A_241 = arith.constant 15 : i32
      %dma_start3A_242 = arith.constant 0 : i32
      %dma_start3A_243 = tpu.memref_slice %arg7[%dma_start3A_241, %dma_start3A_242] : memref<16x128xi32, #tpu.memory_space<vmem>> -> memref<1x128xi32, #tpu.memory_space<vmem>>
      %dma_start3A_244 = tpu.memref_squeeze %dma_start3A_243 : memref<1x128xi32, #tpu.memory_space<vmem>> -> memref<128xi32, #tpu.memory_space<vmem>>
      %dma_start3A_245 = arith.constant 0 : i32
      %dma_start3A_246 = arith.constant 0 : i32
      %dma_start3A_247 = tpu.memref_slice %arg2[%dma_start3A_245, %dma_start3A_246] : memref<10000x64xf32, #tpu.memory_space<hbm>> -> memref<10000x64xf32, #tpu.memory_space<hbm>>
      tpu.enqueue_indirect_dma source(%dma_start3A_247 : memref<10000x64xf32, #tpu.memory_space<hbm>>) target(%arg10 : memref<128x64xf32, #tpu.memory_space<vmem>>) offsets(%dma_start3A_244 : memref<128xi32, #tpu.memory_space<vmem>>) semaphore(%arg13 : memref<!tpu.dma_semaphore, #tpu.memory_space<semaphore_mem>>)
      %dma_wait3A_248 = arith.constant 14 : i32
      %dma_wait3A_249 = arith.constant 0 : i32
      %dma_wait3A_250 = tpu.memref_slice %arg7[%dma_wait3A_248, %dma_wait3A_249] : memref<16x128xi32, #tpu.memory_space<vmem>> -> memref<1x128xi32, #tpu.memory_space<vmem>>
      %dma_wait3A_251 = tpu.memref_squeeze %dma_wait3A_250 : memref<1x128xi32, #tpu.memory_space<vmem>> -> memref<128xi32, #tpu.memory_space<vmem>>
      %dma_wait3A_252 = arith.constant 0 : i32
      %dma_wait3A_253 = arith.constant 0 : i32
      %dma_wait3A_254 = tpu.memref_slice %arg2[%dma_wait3A_252, %dma_wait3A_253] : memref<10000x64xf32, #tpu.memory_space<hbm>> -> memref<10000x64xf32, #tpu.memory_space<hbm>>
      tpu.wait_indirect_dma semaphore(%arg12 : memref<!tpu.dma_semaphore, #tpu.memory_space<semaphore_mem>>) src(%dma_wait3A_254 : memref<10000x64xf32, #tpu.memory_space<hbm>>) dst(%arg9 : memref<128x64xf32, #tpu.memory_space<vmem>>)
      %run_scoped3A_255 = arith.constant 14 : i32
      "tpu.region"() ({
        %run_scoped3A_264 = tpu.sem_alloc : memref<!tpu.dma_semaphore, #tpu.memory_space<semaphore_mem>>
        %dma_start3A_265 = arith.constant 0 : i32
        %dma_start3A_266 = tpu.memref_slice %arg8[%run_scoped3A_255, %dma_start3A_265] : memref<16x128xi32, #tpu.memory_space<vmem>> -> memref<1x128xi32, #tpu.memory_space<vmem>>
        %dma_start3A_267 = tpu.memref_squeeze %dma_start3A_266 : memref<1x128xi32, #tpu.memory_space<vmem>> -> memref<128xi32, #tpu.memory_space<vmem>>
        %dma_start3A_268 = arith.constant 0 : i32
        %dma_start3A_269 = arith.constant 0 : i32
        %dma_start3A_270 = tpu.memref_slice %arg11[%dma_start3A_268, %dma_start3A_269] : memref<10240x64xf32, #tpu.memory_space<vmem_shared>> -> memref<10240x64xf32, #tpu.memory_space<vmem_shared>>
        tpu.enqueue_indirect_dma source(%arg9 : memref<128x64xf32, #tpu.memory_space<vmem>>) target(%dma_start3A_270 : memref<10240x64xf32, #tpu.memory_space<vmem_shared>>) offsets(%dma_start3A_267 : memref<128xi32, #tpu.memory_space<vmem>>) semaphore(%run_scoped3A_264 : memref<!tpu.dma_semaphore, #tpu.memory_space<semaphore_mem>>) {add = true}
        %dma_wait3A_271 = arith.constant 0 : i32
        %dma_wait3A_272 = tpu.memref_slice %arg8[%run_scoped3A_255, %dma_wait3A_271] : memref<16x128xi32, #tpu.memory_space<vmem>> -> memref<1x128xi32, #tpu.memory_space<vmem>>
        %dma_wait3A_273 = tpu.memref_squeeze %dma_wait3A_272 : memref<1x128xi32, #tpu.memory_space<vmem>> -> memref<128xi32, #tpu.memory_space<vmem>>
        %dma_wait3A_274 = arith.constant 0 : i32
        %dma_wait3A_275 = arith.constant 0 : i32
        %dma_wait3A_276 = tpu.memref_slice %arg11[%dma_wait3A_274, %dma_wait3A_275] : memref<10240x64xf32, #tpu.memory_space<vmem_shared>> -> memref<10240x64xf32, #tpu.memory_space<vmem_shared>>
        tpu.wait_indirect_dma semaphore(%run_scoped3A_264 : memref<!tpu.dma_semaphore, #tpu.memory_space<semaphore_mem>>) src(%arg9 : memref<128x64xf32, #tpu.memory_space<vmem>>) dst(%dma_wait3A_276 : memref<10240x64xf32, #tpu.memory_space<vmem_shared>>)
        tpu.yield
      }) : () -> ()
      %dma_wait3A_256 = arith.constant 15 : i32
      %dma_wait3A_257 = arith.constant 0 : i32
      %dma_wait3A_258 = tpu.memref_slice %arg7[%dma_wait3A_256, %dma_wait3A_257] : memref<16x128xi32, #tpu.memory_space<vmem>> -> memref<1x128xi32, #tpu.memory_space<vmem>>
      %dma_wait3A_259 = tpu.memref_squeeze %dma_wait3A_258 : memref<1x128xi32, #tpu.memory_space<vmem>> -> memref<128xi32, #tpu.memory_space<vmem>>
      %dma_wait3A_260 = arith.constant 0 : i32
      %dma_wait3A_261 = arith.constant 0 : i32
      %dma_wait3A_262 = tpu.memref_slice %arg2[%dma_wait3A_260, %dma_wait3A_261] : memref<10000x64xf32, #tpu.memory_space<hbm>> -> memref<10000x64xf32, #tpu.memory_space<hbm>>
      tpu.wait_indirect_dma semaphore(%arg13 : memref<!tpu.dma_semaphore, #tpu.memory_space<semaphore_mem>>) src(%dma_wait3A_262 : memref<10000x64xf32, #tpu.memory_space<hbm>>) dst(%arg10 : memref<128x64xf32, #tpu.memory_space<vmem>>)
      %run_scoped3A_263 = arith.constant 15 : i32
      "tpu.region"() ({
        %run_scoped3A_264 = tpu.sem_alloc : memref<!tpu.dma_semaphore, #tpu.memory_space<semaphore_mem>>
        %dma_start3A_265 = arith.constant 0 : i32
        %dma_start3A_266 = tpu.memref_slice %arg8[%run_scoped3A_263, %dma_start3A_265] : memref<16x128xi32, #tpu.memory_space<vmem>> -> memref<1x128xi32, #tpu.memory_space<vmem>>
        %dma_start3A_267 = tpu.memref_squeeze %dma_start3A_266 : memref<1x128xi32, #tpu.memory_space<vmem>> -> memref<128xi32, #tpu.memory_space<vmem>>
        %dma_start3A_268 = arith.constant 0 : i32
        %dma_start3A_269 = arith.constant 0 : i32
        %dma_start3A_270 = tpu.memref_slice %arg11[%dma_start3A_268, %dma_start3A_269] : memref<10240x64xf32, #tpu.memory_space<vmem_shared>> -> memref<10240x64xf32, #tpu.memory_space<vmem_shared>>
        tpu.enqueue_indirect_dma source(%arg10 : memref<128x64xf32, #tpu.memory_space<vmem>>) target(%dma_start3A_270 : memref<10240x64xf32, #tpu.memory_space<vmem_shared>>) offsets(%dma_start3A_267 : memref<128xi32, #tpu.memory_space<vmem>>) semaphore(%run_scoped3A_264 : memref<!tpu.dma_semaphore, #tpu.memory_space<semaphore_mem>>) {add = true}
        %dma_wait3A_271 = arith.constant 0 : i32
        %dma_wait3A_272 = tpu.memref_slice %arg8[%run_scoped3A_263, %dma_wait3A_271] : memref<16x128xi32, #tpu.memory_space<vmem>> -> memref<1x128xi32, #tpu.memory_space<vmem>>
        %dma_wait3A_273 = tpu.memref_squeeze %dma_wait3A_272 : memref<1x128xi32, #tpu.memory_space<vmem>> -> memref<128xi32, #tpu.memory_space<vmem>>
        %dma_wait3A_274 = arith.constant 0 : i32
        %dma_wait3A_275 = arith.constant 0 : i32
        %dma_wait3A_276 = tpu.memref_slice %arg11[%dma_wait3A_274, %dma_wait3A_275] : memref<10240x64xf32, #tpu.memory_space<vmem_shared>> -> memref<10240x64xf32, #tpu.memory_space<vmem_shared>>
        tpu.wait_indirect_dma semaphore(%run_scoped3A_264 : memref<!tpu.dma_semaphore, #tpu.memory_space<semaphore_mem>>) src(%arg10 : memref<128x64xf32, #tpu.memory_space<vmem>>) dst(%dma_wait3A_276 : memref<10240x64xf32, #tpu.memory_space<vmem_shared>>)
        tpu.yield
      }) : () -> ()
    }
    %while3A_17 = arith.constant 1 : i32
    scf.for %while3A_23 = %while3A_15 to %while3A_11 step %while3A_17  : i32 {
      %mul3A_24 = arith.constant 16 : i32
      %mul3A_25 = arith.muli %while3A_23, %mul3A_24 : i32
      %add3A_26 = arith.addi %select_n3A, %mul3A_25 : i32
      "tpu.region"() ({
        %run_scoped3A_264 = tpu.sem_alloc : memref<!tpu.dma_semaphore, #tpu.memory_space<semaphore_mem>>
        %dma_start3A_265 = arith.constant 0 : i32
        %dma_start3A_266 = tpu.memref_slice %arg3[%add3A_26, %dma_start3A_265] : memref<2560x128xi32, #tpu.memory_space<hbm>> -> memref<16x128xi32, #tpu.memory_space<hbm>>
        %dma_start3A_267 = arith.constant 0 : i32
        %dma_start3A_268 = tpu.memref_slice %arg3[%add3A_26, %dma_start3A_267] : memref<2560x128xi32, #tpu.memory_space<hbm>> -> memref<16x128xi32, #tpu.memory_space<hbm>>
        tpu.enqueue_dma source(%dma_start3A_268 : memref<16x128xi32, #tpu.memory_space<hbm>>) target(%arg7 : memref<16x128xi32, #tpu.memory_space<vmem>>) target_semaphore(%run_scoped3A_264 : memref<!tpu.dma_semaphore, #tpu.memory_space<semaphore_mem>>)
        %dma_wait3A_269 = arith.constant 0 : i32
        %dma_wait3A_270 = tpu.memref_slice %arg3[%add3A_26, %dma_wait3A_269] : memref<2560x128xi32, #tpu.memory_space<hbm>> -> memref<16x128xi32, #tpu.memory_space<hbm>>
        %dma_wait3A_271 = arith.constant 0 : i32
        %dma_wait3A_272 = tpu.memref_slice %arg3[%add3A_26, %dma_wait3A_271] : memref<2560x128xi32, #tpu.memory_space<hbm>> -> memref<16x128xi32, #tpu.memory_space<hbm>>
        tpu.wait_dma2 semaphore(%run_scoped3A_264 : memref<!tpu.dma_semaphore, #tpu.memory_space<semaphore_mem>>) src(%dma_wait3A_272 : memref<16x128xi32, #tpu.memory_space<hbm>>) dst(%arg7 : memref<16x128xi32, #tpu.memory_space<vmem>>)
        tpu.yield
      }) : () -> ()
      "tpu.region"() ({
        %run_scoped3A_264 = tpu.sem_alloc : memref<!tpu.dma_semaphore, #tpu.memory_space<semaphore_mem>>
        %dma_start3A_265 = arith.constant 0 : i32
        %dma_start3A_266 = tpu.memref_slice %arg4[%add3A_26, %dma_start3A_265] : memref<2560x128xi32, #tpu.memory_space<hbm>> -> memref<16x128xi32, #tpu.memory_space<hbm>>
        %dma_start3A_267 = arith.constant 0 : i32
        %dma_start3A_268 = tpu.memref_slice %arg4[%add3A_26, %dma_start3A_267] : memref<2560x128xi32, #tpu.memory_space<hbm>> -> memref<16x128xi32, #tpu.memory_space<hbm>>
        tpu.enqueue_dma source(%dma_start3A_268 : memref<16x128xi32, #tpu.memory_space<hbm>>) target(%arg8 : memref<16x128xi32, #tpu.memory_space<vmem>>) target_semaphore(%run_scoped3A_264 : memref<!tpu.dma_semaphore, #tpu.memory_space<semaphore_mem>>)
        %dma_wait3A_269 = arith.constant 0 : i32
        %dma_wait3A_270 = tpu.memref_slice %arg4[%add3A_26, %dma_wait3A_269] : memref<2560x128xi32, #tpu.memory_space<hbm>> -> memref<16x128xi32, #tpu.memory_space<hbm>>
        %dma_wait3A_271 = arith.constant 0 : i32
        %dma_wait3A_272 = tpu.memref_slice %arg4[%add3A_26, %dma_wait3A_271] : memref<2560x128xi32, #tpu.memory_space<hbm>> -> memref<16x128xi32, #tpu.memory_space<hbm>>
        tpu.wait_dma2 semaphore(%run_scoped3A_264 : memref<!tpu.dma_semaphore, #tpu.memory_space<semaphore_mem>>) src(%dma_wait3A_272 : memref<16x128xi32, #tpu.memory_space<hbm>>) dst(%arg8 : memref<16x128xi32, #tpu.memory_space<vmem>>)
        tpu.yield
      }) : () -> ()
      %dma_start3A = arith.constant 0 : i32
      %dma_start3A_27 = arith.constant 0 : i32
      %dma_start3A_28 = tpu.memref_slice %arg7[%dma_start3A, %dma_start3A_27] : memref<16x128xi32, #tpu.memory_space<vmem>> -> memref<1x128xi32, #tpu.memory_space<vmem>>
      %dma_start3A_29 = tpu.memref_squeeze %dma_start3A_28 : memref<1x128xi32, #tpu.memory_space<vmem>> -> memref<128xi32, #tpu.memory_space<vmem>>
      %dma_start3A_30 = arith.constant 0 : i32
      %dma_start3A_31 = arith.constant 0 : i32
      %dma_start3A_32 = tpu.memref_slice %arg2[%dma_start3A_30, %dma_start3A_31] : memref<10000x64xf32, #tpu.memory_space<hbm>> -> memref<10000x64xf32, #tpu.memory_space<hbm>>
      tpu.enqueue_indirect_dma source(%dma_start3A_32 : memref<10000x64xf32, #tpu.memory_space<hbm>>) target(%arg9 : memref<128x64xf32, #tpu.memory_space<vmem>>) offsets(%dma_start3A_29 : memref<128xi32, #tpu.memory_space<vmem>>) semaphore(%arg12 : memref<!tpu.dma_semaphore, #tpu.memory_space<semaphore_mem>>)
      %dma_start3A_33 = arith.constant 1 : i32
      %dma_start3A_34 = arith.constant 0 : i32
      %dma_start3A_35 = tpu.memref_slice %arg7[%dma_start3A_33, %dma_start3A_34] : memref<16x128xi32, #tpu.memory_space<vmem>> -> memref<1x128xi32, #tpu.memory_space<vmem>>
      %dma_start3A_36 = tpu.memref_squeeze %dma_start3A_35 : memref<1x128xi32, #tpu.memory_space<vmem>> -> memref<128xi32, #tpu.memory_space<vmem>>
      %dma_start3A_37 = arith.constant 0 : i32
      %dma_start3A_38 = arith.constant 0 : i32
      %dma_start3A_39 = tpu.memref_slice %arg2[%dma_start3A_37, %dma_start3A_38] : memref<10000x64xf32, #tpu.memory_space<hbm>> -> memref<10000x64xf32, #tpu.memory_space<hbm>>
      tpu.enqueue_indirect_dma source(%dma_start3A_39 : memref<10000x64xf32, #tpu.memory_space<hbm>>) target(%arg10 : memref<128x64xf32, #tpu.memory_space<vmem>>) offsets(%dma_start3A_36 : memref<128xi32, #tpu.memory_space<vmem>>) semaphore(%arg13 : memref<!tpu.dma_semaphore, #tpu.memory_space<semaphore_mem>>)
      %dma_wait3A = arith.constant 0 : i32
      %dma_wait3A_40 = arith.constant 0 : i32
      %dma_wait3A_41 = tpu.memref_slice %arg7[%dma_wait3A, %dma_wait3A_40] : memref<16x128xi32, #tpu.memory_space<vmem>> -> memref<1x128xi32, #tpu.memory_space<vmem>>
      %dma_wait3A_42 = tpu.memref_squeeze %dma_wait3A_41 : memref<1x128xi32, #tpu.memory_space<vmem>> -> memref<128xi32, #tpu.memory_space<vmem>>
      %dma_wait3A_43 = arith.constant 0 : i32
      %dma_wait3A_44 = arith.constant 0 : i32
      %dma_wait3A_45 = tpu.memref_slice %arg2[%dma_wait3A_43, %dma_wait3A_44] : memref<10000x64xf32, #tpu.memory_space<hbm>> -> memref<10000x64xf32, #tpu.memory_space<hbm>>
      tpu.wait_indirect_dma semaphore(%arg12 : memref<!tpu.dma_semaphore, #tpu.memory_space<semaphore_mem>>) src(%dma_wait3A_45 : memref<10000x64xf32, #tpu.memory_space<hbm>>) dst(%arg9 : memref<128x64xf32, #tpu.memory_space<vmem>>)
      %run_scoped3A = arith.constant 0 : i32
      "tpu.region"() ({
        %run_scoped3A_264 = tpu.sem_alloc : memref<!tpu.dma_semaphore, #tpu.memory_space<semaphore_mem>>
        %dma_start3A_265 = arith.constant 0 : i32
        %dma_start3A_266 = tpu.memref_slice %arg8[%run_scoped3A, %dma_start3A_265] : memref<16x128xi32, #tpu.memory_space<vmem>> -> memref<1x128xi32, #tpu.memory_space<vmem>>
        %dma_start3A_267 = tpu.memref_squeeze %dma_start3A_266 : memref<1x128xi32, #tpu.memory_space<vmem>> -> memref<128xi32, #tpu.memory_space<vmem>>
        %dma_start3A_268 = arith.constant 0 : i32
        %dma_start3A_269 = arith.constant 0 : i32
        %dma_start3A_270 = tpu.memref_slice %arg11[%dma_start3A_268, %dma_start3A_269] : memref<10240x64xf32, #tpu.memory_space<vmem_shared>> -> memref<10240x64xf32, #tpu.memory_space<vmem_shared>>
        tpu.enqueue_indirect_dma source(%arg9 : memref<128x64xf32, #tpu.memory_space<vmem>>) target(%dma_start3A_270 : memref<10240x64xf32, #tpu.memory_space<vmem_shared>>) offsets(%dma_start3A_267 : memref<128xi32, #tpu.memory_space<vmem>>) semaphore(%run_scoped3A_264 : memref<!tpu.dma_semaphore, #tpu.memory_space<semaphore_mem>>) {add = true}
        %dma_wait3A_271 = arith.constant 0 : i32
        %dma_wait3A_272 = tpu.memref_slice %arg8[%run_scoped3A, %dma_wait3A_271] : memref<16x128xi32, #tpu.memory_space<vmem>> -> memref<1x128xi32, #tpu.memory_space<vmem>>
        %dma_wait3A_273 = tpu.memref_squeeze %dma_wait3A_272 : memref<1x128xi32, #tpu.memory_space<vmem>> -> memref<128xi32, #tpu.memory_space<vmem>>
        %dma_wait3A_274 = arith.constant 0 : i32
        %dma_wait3A_275 = arith.constant 0 : i32
        %dma_wait3A_276 = tpu.memref_slice %arg11[%dma_wait3A_274, %dma_wait3A_275] : memref<10240x64xf32, #tpu.memory_space<vmem_shared>> -> memref<10240x64xf32, #tpu.memory_space<vmem_shared>>
        tpu.wait_indirect_dma semaphore(%run_scoped3A_264 : memref<!tpu.dma_semaphore, #tpu.memory_space<semaphore_mem>>) src(%arg9 : memref<128x64xf32, #tpu.memory_space<vmem>>) dst(%dma_wait3A_276 : memref<10240x64xf32, #tpu.memory_space<vmem_shared>>)
        tpu.yield
      }) : () -> ()
      %dma_start3A_46 = arith.constant 2 : i32
      %dma_start3A_47 = arith.constant 0 : i32
      %dma_start3A_48 = tpu.memref_slice %arg7[%dma_start3A_46, %dma_start3A_47] : memref<16x128xi32, #tpu.memory_space<vmem>> -> memref<1x128xi32, #tpu.memory_space<vmem>>
      %dma_start3A_49 = tpu.memref_squeeze %dma_start3A_48 : memref<1x128xi32, #tpu.memory_space<vmem>> -> memref<128xi32, #tpu.memory_space<vmem>>
      %dma_start3A_50 = arith.constant 0 : i32
      %dma_start3A_51 = arith.constant 0 : i32
      %dma_start3A_52 = tpu.memref_slice %arg2[%dma_start3A_50, %dma_start3A_51] : memref<10000x64xf32, #tpu.memory_space<hbm>> -> memref<10000x64xf32, #tpu.memory_space<hbm>>
      tpu.enqueue_indirect_dma source(%dma_start3A_52 : memref<10000x64xf32, #tpu.memory_space<hbm>>) target(%arg9 : memref<128x64xf32, #tpu.memory_space<vmem>>) offsets(%dma_start3A_49 : memref<128xi32, #tpu.memory_space<vmem>>) semaphore(%arg12 : memref<!tpu.dma_semaphore, #tpu.memory_space<semaphore_mem>>)
      %dma_wait3A_53 = arith.constant 1 : i32
      %dma_wait3A_54 = arith.constant 0 : i32
      %dma_wait3A_55 = tpu.memref_slice %arg7[%dma_wait3A_53, %dma_wait3A_54] : memref<16x128xi32, #tpu.memory_space<vmem>> -> memref<1x128xi32, #tpu.memory_space<vmem>>
      %dma_wait3A_56 = tpu.memref_squeeze %dma_wait3A_55 : memref<1x128xi32, #tpu.memory_space<vmem>> -> memref<128xi32, #tpu.memory_space<vmem>>
      %dma_wait3A_57 = arith.constant 0 : i32
      %dma_wait3A_58 = arith.constant 0 : i32
      %dma_wait3A_59 = tpu.memref_slice %arg2[%dma_wait3A_57, %dma_wait3A_58] : memref<10000x64xf32, #tpu.memory_space<hbm>> -> memref<10000x64xf32, #tpu.memory_space<hbm>>
      tpu.wait_indirect_dma semaphore(%arg13 : memref<!tpu.dma_semaphore, #tpu.memory_space<semaphore_mem>>) src(%dma_wait3A_59 : memref<10000x64xf32, #tpu.memory_space<hbm>>) dst(%arg10 : memref<128x64xf32, #tpu.memory_space<vmem>>)
      %run_scoped3A_60 = arith.constant 1 : i32
      "tpu.region"() ({
        %run_scoped3A_264 = tpu.sem_alloc : memref<!tpu.dma_semaphore, #tpu.memory_space<semaphore_mem>>
        %dma_start3A_265 = arith.constant 0 : i32
        %dma_start3A_266 = tpu.memref_slice %arg8[%run_scoped3A_60, %dma_start3A_265] : memref<16x128xi32, #tpu.memory_space<vmem>> -> memref<1x128xi32, #tpu.memory_space<vmem>>
        %dma_start3A_267 = tpu.memref_squeeze %dma_start3A_266 : memref<1x128xi32, #tpu.memory_space<vmem>> -> memref<128xi32, #tpu.memory_space<vmem>>
        %dma_start3A_268 = arith.constant 0 : i32
        %dma_start3A_269 = arith.constant 0 : i32
        %dma_start3A_270 = tpu.memref_slice %arg11[%dma_start3A_268, %dma_start3A_269] : memref<10240x64xf32, #tpu.memory_space<vmem_shared>> -> memref<10240x64xf32, #tpu.memory_space<vmem_shared>>
        tpu.enqueue_indirect_dma source(%arg10 : memref<128x64xf32, #tpu.memory_space<vmem>>) target(%dma_start3A_270 : memref<10240x64xf32, #tpu.memory_space<vmem_shared>>) offsets(%dma_start3A_267 : memref<128xi32, #tpu.memory_space<vmem>>) semaphore(%run_scoped3A_264 : memref<!tpu.dma_semaphore, #tpu.memory_space<semaphore_mem>>) {add = true}
        %dma_wait3A_271 = arith.constant 0 : i32
        %dma_wait3A_272 = tpu.memref_slice %arg8[%run_scoped3A_60, %dma_wait3A_271] : memref<16x128xi32, #tpu.memory_space<vmem>> -> memref<1x128xi32, #tpu.memory_space<vmem>>
        %dma_wait3A_273 = tpu.memref_squeeze %dma_wait3A_272 : memref<1x128xi32, #tpu.memory_space<vmem>> -> memref<128xi32, #tpu.memory_space<vmem>>
        %dma_wait3A_274 = arith.constant 0 : i32
        %dma_wait3A_275 = arith.constant 0 : i32
        %dma_wait3A_276 = tpu.memref_slice %arg11[%dma_wait3A_274, %dma_wait3A_275] : memref<10240x64xf32, #tpu.memory_space<vmem_shared>> -> memref<10240x64xf32, #tpu.memory_space<vmem_shared>>
        tpu.wait_indirect_dma semaphore(%run_scoped3A_264 : memref<!tpu.dma_semaphore, #tpu.memory_space<semaphore_mem>>) src(%arg10 : memref<128x64xf32, #tpu.memory_space<vmem>>) dst(%dma_wait3A_276 : memref<10240x64xf32, #tpu.memory_space<vmem_shared>>)
        tpu.yield
      }) : () -> ()
      %dma_start3A_61 = arith.constant 3 : i32
      %dma_start3A_62 = arith.constant 0 : i32
      %dma_start3A_63 = tpu.memref_slice %arg7[%dma_start3A_61, %dma_start3A_62] : memref<16x128xi32, #tpu.memory_space<vmem>> -> memref<1x128xi32, #tpu.memory_space<vmem>>
      %dma_start3A_64 = tpu.memref_squeeze %dma_start3A_63 : memref<1x128xi32, #tpu.memory_space<vmem>> -> memref<128xi32, #tpu.memory_space<vmem>>
      %dma_start3A_65 = arith.constant 0 : i32
      %dma_start3A_66 = arith.constant 0 : i32
      %dma_start3A_67 = tpu.memref_slice %arg2[%dma_start3A_65, %dma_start3A_66] : memref<10000x64xf32, #tpu.memory_space<hbm>> -> memref<10000x64xf32, #tpu.memory_space<hbm>>
      tpu.enqueue_indirect_dma source(%dma_start3A_67 : memref<10000x64xf32, #tpu.memory_space<hbm>>) target(%arg10 : memref<128x64xf32, #tpu.memory_space<vmem>>) offsets(%dma_start3A_64 : memref<128xi32, #tpu.memory_space<vmem>>) semaphore(%arg13 : memref<!tpu.dma_semaphore, #tpu.memory_space<semaphore_mem>>)
      %dma_wait3A_68 = arith.constant 2 : i32
      %dma_wait3A_69 = arith.constant 0 : i32
      %dma_wait3A_70 = tpu.memref_slice %arg7[%dma_wait3A_68, %dma_wait3A_69] : memref<16x128xi32, #tpu.memory_space<vmem>> -> memref<1x128xi32, #tpu.memory_space<vmem>>
      %dma_wait3A_71 = tpu.memref_squeeze %dma_wait3A_70 : memref<1x128xi32, #tpu.memory_space<vmem>> -> memref<128xi32, #tpu.memory_space<vmem>>
      %dma_wait3A_72 = arith.constant 0 : i32
      %dma_wait3A_73 = arith.constant 0 : i32
      %dma_wait3A_74 = tpu.memref_slice %arg2[%dma_wait3A_72, %dma_wait3A_73] : memref<10000x64xf32, #tpu.memory_space<hbm>> -> memref<10000x64xf32, #tpu.memory_space<hbm>>
      tpu.wait_indirect_dma semaphore(%arg12 : memref<!tpu.dma_semaphore, #tpu.memory_space<semaphore_mem>>) src(%dma_wait3A_74 : memref<10000x64xf32, #tpu.memory_space<hbm>>) dst(%arg9 : memref<128x64xf32, #tpu.memory_space<vmem>>)
      %run_scoped3A_75 = arith.constant 2 : i32
      "tpu.region"() ({
        %run_scoped3A_264 = tpu.sem_alloc : memref<!tpu.dma_semaphore, #tpu.memory_space<semaphore_mem>>
        %dma_start3A_265 = arith.constant 0 : i32
        %dma_start3A_266 = tpu.memref_slice %arg8[%run_scoped3A_75, %dma_start3A_265] : memref<16x128xi32, #tpu.memory_space<vmem>> -> memref<1x128xi32, #tpu.memory_space<vmem>>
        %dma_start3A_267 = tpu.memref_squeeze %dma_start3A_266 : memref<1x128xi32, #tpu.memory_space<vmem>> -> memref<128xi32, #tpu.memory_space<vmem>>
        %dma_start3A_268 = arith.constant 0 : i32
        %dma_start3A_269 = arith.constant 0 : i32
        %dma_start3A_270 = tpu.memref_slice %arg11[%dma_start3A_268, %dma_start3A_269] : memref<10240x64xf32, #tpu.memory_space<vmem_shared>> -> memref<10240x64xf32, #tpu.memory_space<vmem_shared>>
        tpu.enqueue_indirect_dma source(%arg9 : memref<128x64xf32, #tpu.memory_space<vmem>>) target(%dma_start3A_270 : memref<10240x64xf32, #tpu.memory_space<vmem_shared>>) offsets(%dma_start3A_267 : memref<128xi32, #tpu.memory_space<vmem>>) semaphore(%run_scoped3A_264 : memref<!tpu.dma_semaphore, #tpu.memory_space<semaphore_mem>>) {add = true}
        %dma_wait3A_271 = arith.constant 0 : i32
        %dma_wait3A_272 = tpu.memref_slice %arg8[%run_scoped3A_75, %dma_wait3A_271] : memref<16x128xi32, #tpu.memory_space<vmem>> -> memref<1x128xi32, #tpu.memory_space<vmem>>
        %dma_wait3A_273 = tpu.memref_squeeze %dma_wait3A_272 : memref<1x128xi32, #tpu.memory_space<vmem>> -> memref<128xi32, #tpu.memory_space<vmem>>
        %dma_wait3A_274 = arith.constant 0 : i32
        %dma_wait3A_275 = arith.constant 0 : i32
        %dma_wait3A_276 = tpu.memref_slice %arg11[%dma_wait3A_274, %dma_wait3A_275] : memref<10240x64xf32, #tpu.memory_space<vmem_shared>> -> memref<10240x64xf32, #tpu.memory_space<vmem_shared>>
        tpu.wait_indirect_dma semaphore(%run_scoped3A_264 : memref<!tpu.dma_semaphore, #tpu.memory_space<semaphore_mem>>) src(%arg9 : memref<128x64xf32, #tpu.memory_space<vmem>>) dst(%dma_wait3A_276 : memref<10240x64xf32, #tpu.memory_space<vmem_shared>>)
        tpu.yield
      }) : () -> ()
      %dma_start3A_76 = arith.constant 4 : i32
      %dma_start3A_77 = arith.constant 0 : i32
      %dma_start3A_78 = tpu.memref_slice %arg7[%dma_start3A_76, %dma_start3A_77] : memref<16x128xi32, #tpu.memory_space<vmem>> -> memref<1x128xi32, #tpu.memory_space<vmem>>
      %dma_start3A_79 = tpu.memref_squeeze %dma_start3A_78 : memref<1x128xi32, #tpu.memory_space<vmem>> -> memref<128xi32, #tpu.memory_space<vmem>>
      %dma_start3A_80 = arith.constant 0 : i32
      %dma_start3A_81 = arith.constant 0 : i32
      %dma_start3A_82 = tpu.memref_slice %arg2[%dma_start3A_80, %dma_start3A_81] : memref<10000x64xf32, #tpu.memory_space<hbm>> -> memref<10000x64xf32, #tpu.memory_space<hbm>>
      tpu.enqueue_indirect_dma source(%dma_start3A_82 : memref<10000x64xf32, #tpu.memory_space<hbm>>) target(%arg9 : memref<128x64xf32, #tpu.memory_space<vmem>>) offsets(%dma_start3A_79 : memref<128xi32, #tpu.memory_space<vmem>>) semaphore(%arg12 : memref<!tpu.dma_semaphore, #tpu.memory_space<semaphore_mem>>)
      %dma_wait3A_83 = arith.constant 3 : i32
      %dma_wait3A_84 = arith.constant 0 : i32
      %dma_wait3A_85 = tpu.memref_slice %arg7[%dma_wait3A_83, %dma_wait3A_84] : memref<16x128xi32, #tpu.memory_space<vmem>> -> memref<1x128xi32, #tpu.memory_space<vmem>>
      %dma_wait3A_86 = tpu.memref_squeeze %dma_wait3A_85 : memref<1x128xi32, #tpu.memory_space<vmem>> -> memref<128xi32, #tpu.memory_space<vmem>>
      %dma_wait3A_87 = arith.constant 0 : i32
      %dma_wait3A_88 = arith.constant 0 : i32
      %dma_wait3A_89 = tpu.memref_slice %arg2[%dma_wait3A_87, %dma_wait3A_88] : memref<10000x64xf32, #tpu.memory_space<hbm>> -> memref<10000x64xf32, #tpu.memory_space<hbm>>
      tpu.wait_indirect_dma semaphore(%arg13 : memref<!tpu.dma_semaphore, #tpu.memory_space<semaphore_mem>>) src(%dma_wait3A_89 : memref<10000x64xf32, #tpu.memory_space<hbm>>) dst(%arg10 : memref<128x64xf32, #tpu.memory_space<vmem>>)
      %run_scoped3A_90 = arith.constant 3 : i32
      "tpu.region"() ({
        %run_scoped3A_264 = tpu.sem_alloc : memref<!tpu.dma_semaphore, #tpu.memory_space<semaphore_mem>>
        %dma_start3A_265 = arith.constant 0 : i32
        %dma_start3A_266 = tpu.memref_slice %arg8[%run_scoped3A_90, %dma_start3A_265] : memref<16x128xi32, #tpu.memory_space<vmem>> -> memref<1x128xi32, #tpu.memory_space<vmem>>
        %dma_start3A_267 = tpu.memref_squeeze %dma_start3A_266 : memref<1x128xi32, #tpu.memory_space<vmem>> -> memref<128xi32, #tpu.memory_space<vmem>>
        %dma_start3A_268 = arith.constant 0 : i32
        %dma_start3A_269 = arith.constant 0 : i32
        %dma_start3A_270 = tpu.memref_slice %arg11[%dma_start3A_268, %dma_start3A_269] : memref<10240x64xf32, #tpu.memory_space<vmem_shared>> -> memref<10240x64xf32, #tpu.memory_space<vmem_shared>>
        tpu.enqueue_indirect_dma source(%arg10 : memref<128x64xf32, #tpu.memory_space<vmem>>) target(%dma_start3A_270 : memref<10240x64xf32, #tpu.memory_space<vmem_shared>>) offsets(%dma_start3A_267 : memref<128xi32, #tpu.memory_space<vmem>>) semaphore(%run_scoped3A_264 : memref<!tpu.dma_semaphore, #tpu.memory_space<semaphore_mem>>) {add = true}
        %dma_wait3A_271 = arith.constant 0 : i32
        %dma_wait3A_272 = tpu.memref_slice %arg8[%run_scoped3A_90, %dma_wait3A_271] : memref<16x128xi32, #tpu.memory_space<vmem>> -> memref<1x128xi32, #tpu.memory_space<vmem>>
        %dma_wait3A_273 = tpu.memref_squeeze %dma_wait3A_272 : memref<1x128xi32, #tpu.memory_space<vmem>> -> memref<128xi32, #tpu.memory_space<vmem>>
        %dma_wait3A_274 = arith.constant 0 : i32
        %dma_wait3A_275 = arith.constant 0 : i32
        %dma_wait3A_276 = tpu.memref_slice %arg11[%dma_wait3A_274, %dma_wait3A_275] : memref<10240x64xf32, #tpu.memory_space<vmem_shared>> -> memref<10240x64xf32, #tpu.memory_space<vmem_shared>>
        tpu.wait_indirect_dma semaphore(%run_scoped3A_264 : memref<!tpu.dma_semaphore, #tpu.memory_space<semaphore_mem>>) src(%arg10 : memref<128x64xf32, #tpu.memory_space<vmem>>) dst(%dma_wait3A_276 : memref<10240x64xf32, #tpu.memory_space<vmem_shared>>)
        tpu.yield
      }) : () -> ()
      %dma_start3A_91 = arith.constant 5 : i32
      %dma_start3A_92 = arith.constant 0 : i32
      %dma_start3A_93 = tpu.memref_slice %arg7[%dma_start3A_91, %dma_start3A_92] : memref<16x128xi32, #tpu.memory_space<vmem>> -> memref<1x128xi32, #tpu.memory_space<vmem>>
      %dma_start3A_94 = tpu.memref_squeeze %dma_start3A_93 : memref<1x128xi32, #tpu.memory_space<vmem>> -> memref<128xi32, #tpu.memory_space<vmem>>
      %dma_start3A_95 = arith.constant 0 : i32
      %dma_start3A_96 = arith.constant 0 : i32
      %dma_start3A_97 = tpu.memref_slice %arg2[%dma_start3A_95, %dma_start3A_96] : memref<10000x64xf32, #tpu.memory_space<hbm>> -> memref<10000x64xf32, #tpu.memory_space<hbm>>
      tpu.enqueue_indirect_dma source(%dma_start3A_97 : memref<10000x64xf32, #tpu.memory_space<hbm>>) target(%arg10 : memref<128x64xf32, #tpu.memory_space<vmem>>) offsets(%dma_start3A_94 : memref<128xi32, #tpu.memory_space<vmem>>) semaphore(%arg13 : memref<!tpu.dma_semaphore, #tpu.memory_space<semaphore_mem>>)
      %dma_wait3A_98 = arith.constant 4 : i32
      %dma_wait3A_99 = arith.constant 0 : i32
      %dma_wait3A_100 = tpu.memref_slice %arg7[%dma_wait3A_98, %dma_wait3A_99] : memref<16x128xi32, #tpu.memory_space<vmem>> -> memref<1x128xi32, #tpu.memory_space<vmem>>
      %dma_wait3A_101 = tpu.memref_squeeze %dma_wait3A_100 : memref<1x128xi32, #tpu.memory_space<vmem>> -> memref<128xi32, #tpu.memory_space<vmem>>
      %dma_wait3A_102 = arith.constant 0 : i32
      %dma_wait3A_103 = arith.constant 0 : i32
      %dma_wait3A_104 = tpu.memref_slice %arg2[%dma_wait3A_102, %dma_wait3A_103] : memref<10000x64xf32, #tpu.memory_space<hbm>> -> memref<10000x64xf32, #tpu.memory_space<hbm>>
      tpu.wait_indirect_dma semaphore(%arg12 : memref<!tpu.dma_semaphore, #tpu.memory_space<semaphore_mem>>) src(%dma_wait3A_104 : memref<10000x64xf32, #tpu.memory_space<hbm>>) dst(%arg9 : memref<128x64xf32, #tpu.memory_space<vmem>>)
      %run_scoped3A_105 = arith.constant 4 : i32
      "tpu.region"() ({
        %run_scoped3A_264 = tpu.sem_alloc : memref<!tpu.dma_semaphore, #tpu.memory_space<semaphore_mem>>
        %dma_start3A_265 = arith.constant 0 : i32
        %dma_start3A_266 = tpu.memref_slice %arg8[%run_scoped3A_105, %dma_start3A_265] : memref<16x128xi32, #tpu.memory_space<vmem>> -> memref<1x128xi32, #tpu.memory_space<vmem>>
        %dma_start3A_267 = tpu.memref_squeeze %dma_start3A_266 : memref<1x128xi32, #tpu.memory_space<vmem>> -> memref<128xi32, #tpu.memory_space<vmem>>
        %dma_start3A_268 = arith.constant 0 : i32
        %dma_start3A_269 = arith.constant 0 : i32
        %dma_start3A_270 = tpu.memref_slice %arg11[%dma_start3A_268, %dma_start3A_269] : memref<10240x64xf32, #tpu.memory_space<vmem_shared>> -> memref<10240x64xf32, #tpu.memory_space<vmem_shared>>
        tpu.enqueue_indirect_dma source(%arg9 : memref<128x64xf32, #tpu.memory_space<vmem>>) target(%dma_start3A_270 : memref<10240x64xf32, #tpu.memory_space<vmem_shared>>) offsets(%dma_start3A_267 : memref<128xi32, #tpu.memory_space<vmem>>) semaphore(%run_scoped3A_264 : memref<!tpu.dma_semaphore, #tpu.memory_space<semaphore_mem>>) {add = true}
        %dma_wait3A_271 = arith.constant 0 : i32
        %dma_wait3A_272 = tpu.memref_slice %arg8[%run_scoped3A_105, %dma_wait3A_271] : memref<16x128xi32, #tpu.memory_space<vmem>> -> memref<1x128xi32, #tpu.memory_space<vmem>>
        %dma_wait3A_273 = tpu.memref_squeeze %dma_wait3A_272 : memref<1x128xi32, #tpu.memory_space<vmem>> -> memref<128xi32, #tpu.memory_space<vmem>>
        %dma_wait3A_274 = arith.constant 0 : i32
        %dma_wait3A_275 = arith.constant 0 : i32
        %dma_wait3A_276 = tpu.memref_slice %arg11[%dma_wait3A_274, %dma_wait3A_275] : memref<10240x64xf32, #tpu.memory_space<vmem_shared>> -> memref<10240x64xf32, #tpu.memory_space<vmem_shared>>
        tpu.wait_indirect_dma semaphore(%run_scoped3A_264 : memref<!tpu.dma_semaphore, #tpu.memory_space<semaphore_mem>>) src(%arg9 : memref<128x64xf32, #tpu.memory_space<vmem>>) dst(%dma_wait3A_276 : memref<10240x64xf32, #tpu.memory_space<vmem_shared>>)
        tpu.yield
      }) : () -> ()
      %dma_start3A_106 = arith.constant 6 : i32
      %dma_start3A_107 = arith.constant 0 : i32
      %dma_start3A_108 = tpu.memref_slice %arg7[%dma_start3A_106, %dma_start3A_107] : memref<16x128xi32, #tpu.memory_space<vmem>> -> memref<1x128xi32, #tpu.memory_space<vmem>>
      %dma_start3A_109 = tpu.memref_squeeze %dma_start3A_108 : memref<1x128xi32, #tpu.memory_space<vmem>> -> memref<128xi32, #tpu.memory_space<vmem>>
      %dma_start3A_110 = arith.constant 0 : i32
      %dma_start3A_111 = arith.constant 0 : i32
      %dma_start3A_112 = tpu.memref_slice %arg2[%dma_start3A_110, %dma_start3A_111] : memref<10000x64xf32, #tpu.memory_space<hbm>> -> memref<10000x64xf32, #tpu.memory_space<hbm>>
      tpu.enqueue_indirect_dma source(%dma_start3A_112 : memref<10000x64xf32, #tpu.memory_space<hbm>>) target(%arg9 : memref<128x64xf32, #tpu.memory_space<vmem>>) offsets(%dma_start3A_109 : memref<128xi32, #tpu.memory_space<vmem>>) semaphore(%arg12 : memref<!tpu.dma_semaphore, #tpu.memory_space<semaphore_mem>>)
      %dma_wait3A_113 = arith.constant 5 : i32
      %dma_wait3A_114 = arith.constant 0 : i32
      %dma_wait3A_115 = tpu.memref_slice %arg7[%dma_wait3A_113, %dma_wait3A_114] : memref<16x128xi32, #tpu.memory_space<vmem>> -> memref<1x128xi32, #tpu.memory_space<vmem>>
      %dma_wait3A_116 = tpu.memref_squeeze %dma_wait3A_115 : memref<1x128xi32, #tpu.memory_space<vmem>> -> memref<128xi32, #tpu.memory_space<vmem>>
      %dma_wait3A_117 = arith.constant 0 : i32
      %dma_wait3A_118 = arith.constant 0 : i32
      %dma_wait3A_119 = tpu.memref_slice %arg2[%dma_wait3A_117, %dma_wait3A_118] : memref<10000x64xf32, #tpu.memory_space<hbm>> -> memref<10000x64xf32, #tpu.memory_space<hbm>>
      tpu.wait_indirect_dma semaphore(%arg13 : memref<!tpu.dma_semaphore, #tpu.memory_space<semaphore_mem>>) src(%dma_wait3A_119 : memref<10000x64xf32, #tpu.memory_space<hbm>>) dst(%arg10 : memref<128x64xf32, #tpu.memory_space<vmem>>)
      %run_scoped3A_120 = arith.constant 5 : i32
      "tpu.region"() ({
        %run_scoped3A_264 = tpu.sem_alloc : memref<!tpu.dma_semaphore, #tpu.memory_space<semaphore_mem>>
        %dma_start3A_265 = arith.constant 0 : i32
        %dma_start3A_266 = tpu.memref_slice %arg8[%run_scoped3A_120, %dma_start3A_265] : memref<16x128xi32, #tpu.memory_space<vmem>> -> memref<1x128xi32, #tpu.memory_space<vmem>>
        %dma_start3A_267 = tpu.memref_squeeze %dma_start3A_266 : memref<1x128xi32, #tpu.memory_space<vmem>> -> memref<128xi32, #tpu.memory_space<vmem>>
        %dma_start3A_268 = arith.constant 0 : i32
        %dma_start3A_269 = arith.constant 0 : i32
        %dma_start3A_270 = tpu.memref_slice %arg11[%dma_start3A_268, %dma_start3A_269] : memref<10240x64xf32, #tpu.memory_space<vmem_shared>> -> memref<10240x64xf32, #tpu.memory_space<vmem_shared>>
        tpu.enqueue_indirect_dma source(%arg10 : memref<128x64xf32, #tpu.memory_space<vmem>>) target(%dma_start3A_270 : memref<10240x64xf32, #tpu.memory_space<vmem_shared>>) offsets(%dma_start3A_267 : memref<128xi32, #tpu.memory_space<vmem>>) semaphore(%run_scoped3A_264 : memref<!tpu.dma_semaphore, #tpu.memory_space<semaphore_mem>>) {add = true}
        %dma_wait3A_271 = arith.constant 0 : i32
        %dma_wait3A_272 = tpu.memref_slice %arg8[%run_scoped3A_120, %dma_wait3A_271] : memref<16x128xi32, #tpu.memory_space<vmem>> -> memref<1x128xi32, #tpu.memory_space<vmem>>
        %dma_wait3A_273 = tpu.memref_squeeze %dma_wait3A_272 : memref<1x128xi32, #tpu.memory_space<vmem>> -> memref<128xi32, #tpu.memory_space<vmem>>
        %dma_wait3A_274 = arith.constant 0 : i32
        %dma_wait3A_275 = arith.constant 0 : i32
        %dma_wait3A_276 = tpu.memref_slice %arg11[%dma_wait3A_274, %dma_wait3A_275] : memref<10240x64xf32, #tpu.memory_space<vmem_shared>> -> memref<10240x64xf32, #tpu.memory_space<vmem_shared>>
        tpu.wait_indirect_dma semaphore(%run_scoped3A_264 : memref<!tpu.dma_semaphore, #tpu.memory_space<semaphore_mem>>) src(%arg10 : memref<128x64xf32, #tpu.memory_space<vmem>>) dst(%dma_wait3A_276 : memref<10240x64xf32, #tpu.memory_space<vmem_shared>>)
        tpu.yield
      }) : () -> ()
      %dma_start3A_121 = arith.constant 7 : i32
      %dma_start3A_122 = arith.constant 0 : i32
      %dma_start3A_123 = tpu.memref_slice %arg7[%dma_start3A_121, %dma_start3A_122] : memref<16x128xi32, #tpu.memory_space<vmem>> -> memref<1x128xi32, #tpu.memory_space<vmem>>
      %dma_start3A_124 = tpu.memref_squeeze %dma_start3A_123 : memref<1x128xi32, #tpu.memory_space<vmem>> -> memref<128xi32, #tpu.memory_space<vmem>>
      %dma_start3A_125 = arith.constant 0 : i32
      %dma_start3A_126 = arith.constant 0 : i32
      %dma_start3A_127 = tpu.memref_slice %arg2[%dma_start3A_125, %dma_start3A_126] : memref<10000x64xf32, #tpu.memory_space<hbm>> -> memref<10000x64xf32, #tpu.memory_space<hbm>>
      tpu.enqueue_indirect_dma source(%dma_start3A_127 : memref<10000x64xf32, #tpu.memory_space<hbm>>) target(%arg10 : memref<128x64xf32, #tpu.memory_space<vmem>>) offsets(%dma_start3A_124 : memref<128xi32, #tpu.memory_space<vmem>>) semaphore(%arg13 : memref<!tpu.dma_semaphore, #tpu.memory_space<semaphore_mem>>)
      %dma_wait3A_128 = arith.constant 6 : i32
      %dma_wait3A_129 = arith.constant 0 : i32
      %dma_wait3A_130 = tpu.memref_slice %arg7[%dma_wait3A_128, %dma_wait3A_129] : memref<16x128xi32, #tpu.memory_space<vmem>> -> memref<1x128xi32, #tpu.memory_space<vmem>>
      %dma_wait3A_131 = tpu.memref_squeeze %dma_wait3A_130 : memref<1x128xi32, #tpu.memory_space<vmem>> -> memref<128xi32, #tpu.memory_space<vmem>>
      %dma_wait3A_132 = arith.constant 0 : i32
      %dma_wait3A_133 = arith.constant 0 : i32
      %dma_wait3A_134 = tpu.memref_slice %arg2[%dma_wait3A_132, %dma_wait3A_133] : memref<10000x64xf32, #tpu.memory_space<hbm>> -> memref<10000x64xf32, #tpu.memory_space<hbm>>
      tpu.wait_indirect_dma semaphore(%arg12 : memref<!tpu.dma_semaphore, #tpu.memory_space<semaphore_mem>>) src(%dma_wait3A_134 : memref<10000x64xf32, #tpu.memory_space<hbm>>) dst(%arg9 : memref<128x64xf32, #tpu.memory_space<vmem>>)
      %run_scoped3A_135 = arith.constant 6 : i32
      "tpu.region"() ({
        %run_scoped3A_264 = tpu.sem_alloc : memref<!tpu.dma_semaphore, #tpu.memory_space<semaphore_mem>>
        %dma_start3A_265 = arith.constant 0 : i32
        %dma_start3A_266 = tpu.memref_slice %arg8[%run_scoped3A_135, %dma_start3A_265] : memref<16x128xi32, #tpu.memory_space<vmem>> -> memref<1x128xi32, #tpu.memory_space<vmem>>
        %dma_start3A_267 = tpu.memref_squeeze %dma_start3A_266 : memref<1x128xi32, #tpu.memory_space<vmem>> -> memref<128xi32, #tpu.memory_space<vmem>>
        %dma_start3A_268 = arith.constant 0 : i32
        %dma_start3A_269 = arith.constant 0 : i32
        %dma_start3A_270 = tpu.memref_slice %arg11[%dma_start3A_268, %dma_start3A_269] : memref<10240x64xf32, #tpu.memory_space<vmem_shared>> -> memref<10240x64xf32, #tpu.memory_space<vmem_shared>>
        tpu.enqueue_indirect_dma source(%arg9 : memref<128x64xf32, #tpu.memory_space<vmem>>) target(%dma_start3A_270 : memref<10240x64xf32, #tpu.memory_space<vmem_shared>>) offsets(%dma_start3A_267 : memref<128xi32, #tpu.memory_space<vmem>>) semaphore(%run_scoped3A_264 : memref<!tpu.dma_semaphore, #tpu.memory_space<semaphore_mem>>) {add = true}
        %dma_wait3A_271 = arith.constant 0 : i32
        %dma_wait3A_272 = tpu.memref_slice %arg8[%run_scoped3A_135, %dma_wait3A_271] : memref<16x128xi32, #tpu.memory_space<vmem>> -> memref<1x128xi32, #tpu.memory_space<vmem>>
        %dma_wait3A_273 = tpu.memref_squeeze %dma_wait3A_272 : memref<1x128xi32, #tpu.memory_space<vmem>> -> memref<128xi32, #tpu.memory_space<vmem>>
        %dma_wait3A_274 = arith.constant 0 : i32
        %dma_wait3A_275 = arith.constant 0 : i32
        %dma_wait3A_276 = tpu.memref_slice %arg11[%dma_wait3A_274, %dma_wait3A_275] : memref<10240x64xf32, #tpu.memory_space<vmem_shared>> -> memref<10240x64xf32, #tpu.memory_space<vmem_shared>>
        tpu.wait_indirect_dma semaphore(%run_scoped3A_264 : memref<!tpu.dma_semaphore, #tpu.memory_space<semaphore_mem>>) src(%arg9 : memref<128x64xf32, #tpu.memory_space<vmem>>) dst(%dma_wait3A_276 : memref<10240x64xf32, #tpu.memory_space<vmem_shared>>)
        tpu.yield
      }) : () -> ()
      %dma_start3A_136 = arith.constant 8 : i32
      %dma_start3A_137 = arith.constant 0 : i32
      %dma_start3A_138 = tpu.memref_slice %arg7[%dma_start3A_136, %dma_start3A_137] : memref<16x128xi32, #tpu.memory_space<vmem>> -> memref<1x128xi32, #tpu.memory_space<vmem>>
      %dma_start3A_139 = tpu.memref_squeeze %dma_start3A_138 : memref<1x128xi32, #tpu.memory_space<vmem>> -> memref<128xi32, #tpu.memory_space<vmem>>
      %dma_start3A_140 = arith.constant 0 : i32
      %dma_start3A_141 = arith.constant 0 : i32
      %dma_start3A_142 = tpu.memref_slice %arg2[%dma_start3A_140, %dma_start3A_141] : memref<10000x64xf32, #tpu.memory_space<hbm>> -> memref<10000x64xf32, #tpu.memory_space<hbm>>
      tpu.enqueue_indirect_dma source(%dma_start3A_142 : memref<10000x64xf32, #tpu.memory_space<hbm>>) target(%arg9 : memref<128x64xf32, #tpu.memory_space<vmem>>) offsets(%dma_start3A_139 : memref<128xi32, #tpu.memory_space<vmem>>) semaphore(%arg12 : memref<!tpu.dma_semaphore, #tpu.memory_space<semaphore_mem>>)
      %dma_wait3A_143 = arith.constant 7 : i32
      %dma_wait3A_144 = arith.constant 0 : i32
      %dma_wait3A_145 = tpu.memref_slice %arg7[%dma_wait3A_143, %dma_wait3A_144] : memref<16x128xi32, #tpu.memory_space<vmem>> -> memref<1x128xi32, #tpu.memory_space<vmem>>
      %dma_wait3A_146 = tpu.memref_squeeze %dma_wait3A_145 : memref<1x128xi32, #tpu.memory_space<vmem>> -> memref<128xi32, #tpu.memory_space<vmem>>
      %dma_wait3A_147 = arith.constant 0 : i32
      %dma_wait3A_148 = arith.constant 0 : i32
      %dma_wait3A_149 = tpu.memref_slice %arg2[%dma_wait3A_147, %dma_wait3A_148] : memref<10000x64xf32, #tpu.memory_space<hbm>> -> memref<10000x64xf32, #tpu.memory_space<hbm>>
      tpu.wait_indirect_dma semaphore(%arg13 : memref<!tpu.dma_semaphore, #tpu.memory_space<semaphore_mem>>) src(%dma_wait3A_149 : memref<10000x64xf32, #tpu.memory_space<hbm>>) dst(%arg10 : memref<128x64xf32, #tpu.memory_space<vmem>>)
      %run_scoped3A_150 = arith.constant 7 : i32
      "tpu.region"() ({
        %run_scoped3A_264 = tpu.sem_alloc : memref<!tpu.dma_semaphore, #tpu.memory_space<semaphore_mem>>
        %dma_start3A_265 = arith.constant 0 : i32
        %dma_start3A_266 = tpu.memref_slice %arg8[%run_scoped3A_150, %dma_start3A_265] : memref<16x128xi32, #tpu.memory_space<vmem>> -> memref<1x128xi32, #tpu.memory_space<vmem>>
        %dma_start3A_267 = tpu.memref_squeeze %dma_start3A_266 : memref<1x128xi32, #tpu.memory_space<vmem>> -> memref<128xi32, #tpu.memory_space<vmem>>
        %dma_start3A_268 = arith.constant 0 : i32
        %dma_start3A_269 = arith.constant 0 : i32
        %dma_start3A_270 = tpu.memref_slice %arg11[%dma_start3A_268, %dma_start3A_269] : memref<10240x64xf32, #tpu.memory_space<vmem_shared>> -> memref<10240x64xf32, #tpu.memory_space<vmem_shared>>
        tpu.enqueue_indirect_dma source(%arg10 : memref<128x64xf32, #tpu.memory_space<vmem>>) target(%dma_start3A_270 : memref<10240x64xf32, #tpu.memory_space<vmem_shared>>) offsets(%dma_start3A_267 : memref<128xi32, #tpu.memory_space<vmem>>) semaphore(%run_scoped3A_264 : memref<!tpu.dma_semaphore, #tpu.memory_space<semaphore_mem>>) {add = true}
        %dma_wait3A_271 = arith.constant 0 : i32
        %dma_wait3A_272 = tpu.memref_slice %arg8[%run_scoped3A_150, %dma_wait3A_271] : memref<16x128xi32, #tpu.memory_space<vmem>> -> memref<1x128xi32, #tpu.memory_space<vmem>>
        %dma_wait3A_273 = tpu.memref_squeeze %dma_wait3A_272 : memref<1x128xi32, #tpu.memory_space<vmem>> -> memref<128xi32, #tpu.memory_space<vmem>>
        %dma_wait3A_274 = arith.constant 0 : i32
        %dma_wait3A_275 = arith.constant 0 : i32
        %dma_wait3A_276 = tpu.memref_slice %arg11[%dma_wait3A_274, %dma_wait3A_275] : memref<10240x64xf32, #tpu.memory_space<vmem_shared>> -> memref<10240x64xf32, #tpu.memory_space<vmem_shared>>
        tpu.wait_indirect_dma semaphore(%run_scoped3A_264 : memref<!tpu.dma_semaphore, #tpu.memory_space<semaphore_mem>>) src(%arg10 : memref<128x64xf32, #tpu.memory_space<vmem>>) dst(%dma_wait3A_276 : memref<10240x64xf32, #tpu.memory_space<vmem_shared>>)
        tpu.yield
      }) : () -> ()
      %dma_start3A_151 = arith.constant 9 : i32
      %dma_start3A_152 = arith.constant 0 : i32
      %dma_start3A_153 = tpu.memref_slice %arg7[%dma_start3A_151, %dma_start3A_152] : memref<16x128xi32, #tpu.memory_space<vmem>> -> memref<1x128xi32, #tpu.memory_space<vmem>>
      %dma_start3A_154 = tpu.memref_squeeze %dma_start3A_153 : memref<1x128xi32, #tpu.memory_space<vmem>> -> memref<128xi32, #tpu.memory_space<vmem>>
      %dma_start3A_155 = arith.constant 0 : i32
      %dma_start3A_156 = arith.constant 0 : i32
      %dma_start3A_157 = tpu.memref_slice %arg2[%dma_start3A_155, %dma_start3A_156] : memref<10000x64xf32, #tpu.memory_space<hbm>> -> memref<10000x64xf32, #tpu.memory_space<hbm>>
      tpu.enqueue_indirect_dma source(%dma_start3A_157 : memref<10000x64xf32, #tpu.memory_space<hbm>>) target(%arg10 : memref<128x64xf32, #tpu.memory_space<vmem>>) offsets(%dma_start3A_154 : memref<128xi32, #tpu.memory_space<vmem>>) semaphore(%arg13 : memref<!tpu.dma_semaphore, #tpu.memory_space<semaphore_mem>>)
      %dma_wait3A_158 = arith.constant 8 : i32
      %dma_wait3A_159 = arith.constant 0 : i32
      %dma_wait3A_160 = tpu.memref_slice %arg7[%dma_wait3A_158, %dma_wait3A_159] : memref<16x128xi32, #tpu.memory_space<vmem>> -> memref<1x128xi32, #tpu.memory_space<vmem>>
      %dma_wait3A_161 = tpu.memref_squeeze %dma_wait3A_160 : memref<1x128xi32, #tpu.memory_space<vmem>> -> memref<128xi32, #tpu.memory_space<vmem>>
      %dma_wait3A_162 = arith.constant 0 : i32
      %dma_wait3A_163 = arith.constant 0 : i32
      %dma_wait3A_164 = tpu.memref_slice %arg2[%dma_wait3A_162, %dma_wait3A_163] : memref<10000x64xf32, #tpu.memory_space<hbm>> -> memref<10000x64xf32, #tpu.memory_space<hbm>>
      tpu.wait_indirect_dma semaphore(%arg12 : memref<!tpu.dma_semaphore, #tpu.memory_space<semaphore_mem>>) src(%dma_wait3A_164 : memref<10000x64xf32, #tpu.memory_space<hbm>>) dst(%arg9 : memref<128x64xf32, #tpu.memory_space<vmem>>)
      %run_scoped3A_165 = arith.constant 8 : i32
      "tpu.region"() ({
        %run_scoped3A_264 = tpu.sem_alloc : memref<!tpu.dma_semaphore, #tpu.memory_space<semaphore_mem>>
        %dma_start3A_265 = arith.constant 0 : i32
        %dma_start3A_266 = tpu.memref_slice %arg8[%run_scoped3A_165, %dma_start3A_265] : memref<16x128xi32, #tpu.memory_space<vmem>> -> memref<1x128xi32, #tpu.memory_space<vmem>>
        %dma_start3A_267 = tpu.memref_squeeze %dma_start3A_266 : memref<1x128xi32, #tpu.memory_space<vmem>> -> memref<128xi32, #tpu.memory_space<vmem>>
        %dma_start3A_268 = arith.constant 0 : i32
        %dma_start3A_269 = arith.constant 0 : i32
        %dma_start3A_270 = tpu.memref_slice %arg11[%dma_start3A_268, %dma_start3A_269] : memref<10240x64xf32, #tpu.memory_space<vmem_shared>> -> memref<10240x64xf32, #tpu.memory_space<vmem_shared>>
        tpu.enqueue_indirect_dma source(%arg9 : memref<128x64xf32, #tpu.memory_space<vmem>>) target(%dma_start3A_270 : memref<10240x64xf32, #tpu.memory_space<vmem_shared>>) offsets(%dma_start3A_267 : memref<128xi32, #tpu.memory_space<vmem>>) semaphore(%run_scoped3A_264 : memref<!tpu.dma_semaphore, #tpu.memory_space<semaphore_mem>>) {add = true}
        %dma_wait3A_271 = arith.constant 0 : i32
        %dma_wait3A_272 = tpu.memref_slice %arg8[%run_scoped3A_165, %dma_wait3A_271] : memref<16x128xi32, #tpu.memory_space<vmem>> -> memref<1x128xi32, #tpu.memory_space<vmem>>
        %dma_wait3A_273 = tpu.memref_squeeze %dma_wait3A_272 : memref<1x128xi32, #tpu.memory_space<vmem>> -> memref<128xi32, #tpu.memory_space<vmem>>
        %dma_wait3A_274 = arith.constant 0 : i32
        %dma_wait3A_275 = arith.constant 0 : i32
        %dma_wait3A_276 = tpu.memref_slice %arg11[%dma_wait3A_274, %dma_wait3A_275] : memref<10240x64xf32, #tpu.memory_space<vmem_shared>> -> memref<10240x64xf32, #tpu.memory_space<vmem_shared>>
        tpu.wait_indirect_dma semaphore(%run_scoped3A_264 : memref<!tpu.dma_semaphore, #tpu.memory_space<semaphore_mem>>) src(%arg9 : memref<128x64xf32, #tpu.memory_space<vmem>>) dst(%dma_wait3A_276 : memref<10240x64xf32, #tpu.memory_space<vmem_shared>>)
        tpu.yield
      }) : () -> ()
      %dma_start3A_166 = arith.constant 10 : i32
      %dma_start3A_167 = arith.constant 0 : i32
      %dma_start3A_168 = tpu.memref_slice %arg7[%dma_start3A_166, %dma_start3A_167] : memref<16x128xi32, #tpu.memory_space<vmem>> -> memref<1x128xi32, #tpu.memory_space<vmem>>
      %dma_start3A_169 = tpu.memref_squeeze %dma_start3A_168 : memref<1x128xi32, #tpu.memory_space<vmem>> -> memref<128xi32, #tpu.memory_space<vmem>>
      %dma_start3A_170 = arith.constant 0 : i32
      %dma_start3A_171 = arith.constant 0 : i32
      %dma_start3A_172 = tpu.memref_slice %arg2[%dma_start3A_170, %dma_start3A_171] : memref<10000x64xf32, #tpu.memory_space<hbm>> -> memref<10000x64xf32, #tpu.memory_space<hbm>>
      tpu.enqueue_indirect_dma source(%dma_start3A_172 : memref<10000x64xf32, #tpu.memory_space<hbm>>) target(%arg9 : memref<128x64xf32, #tpu.memory_space<vmem>>) offsets(%dma_start3A_169 : memref<128xi32, #tpu.memory_space<vmem>>) semaphore(%arg12 : memref<!tpu.dma_semaphore, #tpu.memory_space<semaphore_mem>>)
      %dma_wait3A_173 = arith.constant 9 : i32
      %dma_wait3A_174 = arith.constant 0 : i32
      %dma_wait3A_175 = tpu.memref_slice %arg7[%dma_wait3A_173, %dma_wait3A_174] : memref<16x128xi32, #tpu.memory_space<vmem>> -> memref<1x128xi32, #tpu.memory_space<vmem>>
      %dma_wait3A_176 = tpu.memref_squeeze %dma_wait3A_175 : memref<1x128xi32, #tpu.memory_space<vmem>> -> memref<128xi32, #tpu.memory_space<vmem>>
      %dma_wait3A_177 = arith.constant 0 : i32
      %dma_wait3A_178 = arith.constant 0 : i32
      %dma_wait3A_179 = tpu.memref_slice %arg2[%dma_wait3A_177, %dma_wait3A_178] : memref<10000x64xf32, #tpu.memory_space<hbm>> -> memref<10000x64xf32, #tpu.memory_space<hbm>>
      tpu.wait_indirect_dma semaphore(%arg13 : memref<!tpu.dma_semaphore, #tpu.memory_space<semaphore_mem>>) src(%dma_wait3A_179 : memref<10000x64xf32, #tpu.memory_space<hbm>>) dst(%arg10 : memref<128x64xf32, #tpu.memory_space<vmem>>)
      %run_scoped3A_180 = arith.constant 9 : i32
      "tpu.region"() ({
        %run_scoped3A_264 = tpu.sem_alloc : memref<!tpu.dma_semaphore, #tpu.memory_space<semaphore_mem>>
        %dma_start3A_265 = arith.constant 0 : i32
        %dma_start3A_266 = tpu.memref_slice %arg8[%run_scoped3A_180, %dma_start3A_265] : memref<16x128xi32, #tpu.memory_space<vmem>> -> memref<1x128xi32, #tpu.memory_space<vmem>>
        %dma_start3A_267 = tpu.memref_squeeze %dma_start3A_266 : memref<1x128xi32, #tpu.memory_space<vmem>> -> memref<128xi32, #tpu.memory_space<vmem>>
        %dma_start3A_268 = arith.constant 0 : i32
        %dma_start3A_269 = arith.constant 0 : i32
        %dma_start3A_270 = tpu.memref_slice %arg11[%dma_start3A_268, %dma_start3A_269] : memref<10240x64xf32, #tpu.memory_space<vmem_shared>> -> memref<10240x64xf32, #tpu.memory_space<vmem_shared>>
        tpu.enqueue_indirect_dma source(%arg10 : memref<128x64xf32, #tpu.memory_space<vmem>>) target(%dma_start3A_270 : memref<10240x64xf32, #tpu.memory_space<vmem_shared>>) offsets(%dma_start3A_267 : memref<128xi32, #tpu.memory_space<vmem>>) semaphore(%run_scoped3A_264 : memref<!tpu.dma_semaphore, #tpu.memory_space<semaphore_mem>>) {add = true}
        %dma_wait3A_271 = arith.constant 0 : i32
        %dma_wait3A_272 = tpu.memref_slice %arg8[%run_scoped3A_180, %dma_wait3A_271] : memref<16x128xi32, #tpu.memory_space<vmem>> -> memref<1x128xi32, #tpu.memory_space<vmem>>
        %dma_wait3A_273 = tpu.memref_squeeze %dma_wait3A_272 : memref<1x128xi32, #tpu.memory_space<vmem>> -> memref<128xi32, #tpu.memory_space<vmem>>
        %dma_wait3A_274 = arith.constant 0 : i32
        %dma_wait3A_275 = arith.constant 0 : i32
        %dma_wait3A_276 = tpu.memref_slice %arg11[%dma_wait3A_274, %dma_wait3A_275] : memref<10240x64xf32, #tpu.memory_space<vmem_shared>> -> memref<10240x64xf32, #tpu.memory_space<vmem_shared>>
        tpu.wait_indirect_dma semaphore(%run_scoped3A_264 : memref<!tpu.dma_semaphore, #tpu.memory_space<semaphore_mem>>) src(%arg10 : memref<128x64xf32, #tpu.memory_space<vmem>>) dst(%dma_wait3A_276 : memref<10240x64xf32, #tpu.memory_space<vmem_shared>>)
        tpu.yield
      }) : () -> ()
      %dma_start3A_181 = arith.constant 11 : i32
      %dma_start3A_182 = arith.constant 0 : i32
      %dma_start3A_183 = tpu.memref_slice %arg7[%dma_start3A_181, %dma_start3A_182] : memref<16x128xi32, #tpu.memory_space<vmem>> -> memref<1x128xi32, #tpu.memory_space<vmem>>
      %dma_start3A_184 = tpu.memref_squeeze %dma_start3A_183 : memref<1x128xi32, #tpu.memory_space<vmem>> -> memref<128xi32, #tpu.memory_space<vmem>>
      %dma_start3A_185 = arith.constant 0 : i32
      %dma_start3A_186 = arith.constant 0 : i32
      %dma_start3A_187 = tpu.memref_slice %arg2[%dma_start3A_185, %dma_start3A_186] : memref<10000x64xf32, #tpu.memory_space<hbm>> -> memref<10000x64xf32, #tpu.memory_space<hbm>>
      tpu.enqueue_indirect_dma source(%dma_start3A_187 : memref<10000x64xf32, #tpu.memory_space<hbm>>) target(%arg10 : memref<128x64xf32, #tpu.memory_space<vmem>>) offsets(%dma_start3A_184 : memref<128xi32, #tpu.memory_space<vmem>>) semaphore(%arg13 : memref<!tpu.dma_semaphore, #tpu.memory_space<semaphore_mem>>)
      %dma_wait3A_188 = arith.constant 10 : i32
      %dma_wait3A_189 = arith.constant 0 : i32
      %dma_wait3A_190 = tpu.memref_slice %arg7[%dma_wait3A_188, %dma_wait3A_189] : memref<16x128xi32, #tpu.memory_space<vmem>> -> memref<1x128xi32, #tpu.memory_space<vmem>>
      %dma_wait3A_191 = tpu.memref_squeeze %dma_wait3A_190 : memref<1x128xi32, #tpu.memory_space<vmem>> -> memref<128xi32, #tpu.memory_space<vmem>>
      %dma_wait3A_192 = arith.constant 0 : i32
      %dma_wait3A_193 = arith.constant 0 : i32
      %dma_wait3A_194 = tpu.memref_slice %arg2[%dma_wait3A_192, %dma_wait3A_193] : memref<10000x64xf32, #tpu.memory_space<hbm>> -> memref<10000x64xf32, #tpu.memory_space<hbm>>
      tpu.wait_indirect_dma semaphore(%arg12 : memref<!tpu.dma_semaphore, #tpu.memory_space<semaphore_mem>>) src(%dma_wait3A_194 : memref<10000x64xf32, #tpu.memory_space<hbm>>) dst(%arg9 : memref<128x64xf32, #tpu.memory_space<vmem>>)
      %run_scoped3A_195 = arith.constant 10 : i32
      "tpu.region"() ({
        %run_scoped3A_264 = tpu.sem_alloc : memref<!tpu.dma_semaphore, #tpu.memory_space<semaphore_mem>>
        %dma_start3A_265 = arith.constant 0 : i32
        %dma_start3A_266 = tpu.memref_slice %arg8[%run_scoped3A_195, %dma_start3A_265] : memref<16x128xi32, #tpu.memory_space<vmem>> -> memref<1x128xi32, #tpu.memory_space<vmem>>
        %dma_start3A_267 = tpu.memref_squeeze %dma_start3A_266 : memref<1x128xi32, #tpu.memory_space<vmem>> -> memref<128xi32, #tpu.memory_space<vmem>>
        %dma_start3A_268 = arith.constant 0 : i32
        %dma_start3A_269 = arith.constant 0 : i32
        %dma_start3A_270 = tpu.memref_slice %arg11[%dma_start3A_268, %dma_start3A_269] : memref<10240x64xf32, #tpu.memory_space<vmem_shared>> -> memref<10240x64xf32, #tpu.memory_space<vmem_shared>>
        tpu.enqueue_indirect_dma source(%arg9 : memref<128x64xf32, #tpu.memory_space<vmem>>) target(%dma_start3A_270 : memref<10240x64xf32, #tpu.memory_space<vmem_shared>>) offsets(%dma_start3A_267 : memref<128xi32, #tpu.memory_space<vmem>>) semaphore(%run_scoped3A_264 : memref<!tpu.dma_semaphore, #tpu.memory_space<semaphore_mem>>) {add = true}
        %dma_wait3A_271 = arith.constant 0 : i32
        %dma_wait3A_272 = tpu.memref_slice %arg8[%run_scoped3A_195, %dma_wait3A_271] : memref<16x128xi32, #tpu.memory_space<vmem>> -> memref<1x128xi32, #tpu.memory_space<vmem>>
        %dma_wait3A_273 = tpu.memref_squeeze %dma_wait3A_272 : memref<1x128xi32, #tpu.memory_space<vmem>> -> memref<128xi32, #tpu.memory_space<vmem>>
        %dma_wait3A_274 = arith.constant 0 : i32
        %dma_wait3A_275 = arith.constant 0 : i32
        %dma_wait3A_276 = tpu.memref_slice %arg11[%dma_wait3A_274, %dma_wait3A_275] : memref<10240x64xf32, #tpu.memory_space<vmem_shared>> -> memref<10240x64xf32, #tpu.memory_space<vmem_shared>>
        tpu.wait_indirect_dma semaphore(%run_scoped3A_264 : memref<!tpu.dma_semaphore, #tpu.memory_space<semaphore_mem>>) src(%arg9 : memref<128x64xf32, #tpu.memory_space<vmem>>) dst(%dma_wait3A_276 : memref<10240x64xf32, #tpu.memory_space<vmem_shared>>)
        tpu.yield
      }) : () -> ()
      %dma_start3A_196 = arith.constant 12 : i32
      %dma_start3A_197 = arith.constant 0 : i32
      %dma_start3A_198 = tpu.memref_slice %arg7[%dma_start3A_196, %dma_start3A_197] : memref<16x128xi32, #tpu.memory_space<vmem>> -> memref<1x128xi32, #tpu.memory_space<vmem>>
      %dma_start3A_199 = tpu.memref_squeeze %dma_start3A_198 : memref<1x128xi32, #tpu.memory_space<vmem>> -> memref<128xi32, #tpu.memory_space<vmem>>
      %dma_start3A_200 = arith.constant 0 : i32
      %dma_start3A_201 = arith.constant 0 : i32
      %dma_start3A_202 = tpu.memref_slice %arg2[%dma_start3A_200, %dma_start3A_201] : memref<10000x64xf32, #tpu.memory_space<hbm>> -> memref<10000x64xf32, #tpu.memory_space<hbm>>
      tpu.enqueue_indirect_dma source(%dma_start3A_202 : memref<10000x64xf32, #tpu.memory_space<hbm>>) target(%arg9 : memref<128x64xf32, #tpu.memory_space<vmem>>) offsets(%dma_start3A_199 : memref<128xi32, #tpu.memory_space<vmem>>) semaphore(%arg12 : memref<!tpu.dma_semaphore, #tpu.memory_space<semaphore_mem>>)
      %dma_wait3A_203 = arith.constant 11 : i32
      %dma_wait3A_204 = arith.constant 0 : i32
      %dma_wait3A_205 = tpu.memref_slice %arg7[%dma_wait3A_203, %dma_wait3A_204] : memref<16x128xi32, #tpu.memory_space<vmem>> -> memref<1x128xi32, #tpu.memory_space<vmem>>
      %dma_wait3A_206 = tpu.memref_squeeze %dma_wait3A_205 : memref<1x128xi32, #tpu.memory_space<vmem>> -> memref<128xi32, #tpu.memory_space<vmem>>
      %dma_wait3A_207 = arith.constant 0 : i32
      %dma_wait3A_208 = arith.constant 0 : i32
      %dma_wait3A_209 = tpu.memref_slice %arg2[%dma_wait3A_207, %dma_wait3A_208] : memref<10000x64xf32, #tpu.memory_space<hbm>> -> memref<10000x64xf32, #tpu.memory_space<hbm>>
      tpu.wait_indirect_dma semaphore(%arg13 : memref<!tpu.dma_semaphore, #tpu.memory_space<semaphore_mem>>) src(%dma_wait3A_209 : memref<10000x64xf32, #tpu.memory_space<hbm>>) dst(%arg10 : memref<128x64xf32, #tpu.memory_space<vmem>>)
      %run_scoped3A_210 = arith.constant 11 : i32
      "tpu.region"() ({
        %run_scoped3A_264 = tpu.sem_alloc : memref<!tpu.dma_semaphore, #tpu.memory_space<semaphore_mem>>
        %dma_start3A_265 = arith.constant 0 : i32
        %dma_start3A_266 = tpu.memref_slice %arg8[%run_scoped3A_210, %dma_start3A_265] : memref<16x128xi32, #tpu.memory_space<vmem>> -> memref<1x128xi32, #tpu.memory_space<vmem>>
        %dma_start3A_267 = tpu.memref_squeeze %dma_start3A_266 : memref<1x128xi32, #tpu.memory_space<vmem>> -> memref<128xi32, #tpu.memory_space<vmem>>
        %dma_start3A_268 = arith.constant 0 : i32
        %dma_start3A_269 = arith.constant 0 : i32
        %dma_start3A_270 = tpu.memref_slice %arg11[%dma_start3A_268, %dma_start3A_269] : memref<10240x64xf32, #tpu.memory_space<vmem_shared>> -> memref<10240x64xf32, #tpu.memory_space<vmem_shared>>
        tpu.enqueue_indirect_dma source(%arg10 : memref<128x64xf32, #tpu.memory_space<vmem>>) target(%dma_start3A_270 : memref<10240x64xf32, #tpu.memory_space<vmem_shared>>) offsets(%dma_start3A_267 : memref<128xi32, #tpu.memory_space<vmem>>) semaphore(%run_scoped3A_264 : memref<!tpu.dma_semaphore, #tpu.memory_space<semaphore_mem>>) {add = true}
        %dma_wait3A_271 = arith.constant 0 : i32
        %dma_wait3A_272 = tpu.memref_slice %arg8[%run_scoped3A_210, %dma_wait3A_271] : memref<16x128xi32, #tpu.memory_space<vmem>> -> memref<1x128xi32, #tpu.memory_space<vmem>>
        %dma_wait3A_273 = tpu.memref_squeeze %dma_wait3A_272 : memref<1x128xi32, #tpu.memory_space<vmem>> -> memref<128xi32, #tpu.memory_space<vmem>>
        %dma_wait3A_274 = arith.constant 0 : i32
        %dma_wait3A_275 = arith.constant 0 : i32
        %dma_wait3A_276 = tpu.memref_slice %arg11[%dma_wait3A_274, %dma_wait3A_275] : memref<10240x64xf32, #tpu.memory_space<vmem_shared>> -> memref<10240x64xf32, #tpu.memory_space<vmem_shared>>
        tpu.wait_indirect_dma semaphore(%run_scoped3A_264 : memref<!tpu.dma_semaphore, #tpu.memory_space<semaphore_mem>>) src(%arg10 : memref<128x64xf32, #tpu.memory_space<vmem>>) dst(%dma_wait3A_276 : memref<10240x64xf32, #tpu.memory_space<vmem_shared>>)
        tpu.yield
      }) : () -> ()
      %dma_start3A_211 = arith.constant 13 : i32
      %dma_start3A_212 = arith.constant 0 : i32
      %dma_start3A_213 = tpu.memref_slice %arg7[%dma_start3A_211, %dma_start3A_212] : memref<16x128xi32, #tpu.memory_space<vmem>> -> memref<1x128xi32, #tpu.memory_space<vmem>>
      %dma_start3A_214 = tpu.memref_squeeze %dma_start3A_213 : memref<1x128xi32, #tpu.memory_space<vmem>> -> memref<128xi32, #tpu.memory_space<vmem>>
      %dma_start3A_215 = arith.constant 0 : i32
      %dma_start3A_216 = arith.constant 0 : i32
      %dma_start3A_217 = tpu.memref_slice %arg2[%dma_start3A_215, %dma_start3A_216] : memref<10000x64xf32, #tpu.memory_space<hbm>> -> memref<10000x64xf32, #tpu.memory_space<hbm>>
      tpu.enqueue_indirect_dma source(%dma_start3A_217 : memref<10000x64xf32, #tpu.memory_space<hbm>>) target(%arg10 : memref<128x64xf32, #tpu.memory_space<vmem>>) offsets(%dma_start3A_214 : memref<128xi32, #tpu.memory_space<vmem>>) semaphore(%arg13 : memref<!tpu.dma_semaphore, #tpu.memory_space<semaphore_mem>>)
      %dma_wait3A_218 = arith.constant 12 : i32
      %dma_wait3A_219 = arith.constant 0 : i32
      %dma_wait3A_220 = tpu.memref_slice %arg7[%dma_wait3A_218, %dma_wait3A_219] : memref<16x128xi32, #tpu.memory_space<vmem>> -> memref<1x128xi32, #tpu.memory_space<vmem>>
      %dma_wait3A_221 = tpu.memref_squeeze %dma_wait3A_220 : memref<1x128xi32, #tpu.memory_space<vmem>> -> memref<128xi32, #tpu.memory_space<vmem>>
      %dma_wait3A_222 = arith.constant 0 : i32
      %dma_wait3A_223 = arith.constant 0 : i32
      %dma_wait3A_224 = tpu.memref_slice %arg2[%dma_wait3A_222, %dma_wait3A_223] : memref<10000x64xf32, #tpu.memory_space<hbm>> -> memref<10000x64xf32, #tpu.memory_space<hbm>>
      tpu.wait_indirect_dma semaphore(%arg12 : memref<!tpu.dma_semaphore, #tpu.memory_space<semaphore_mem>>) src(%dma_wait3A_224 : memref<10000x64xf32, #tpu.memory_space<hbm>>) dst(%arg9 : memref<128x64xf32, #tpu.memory_space<vmem>>)
      %run_scoped3A_225 = arith.constant 12 : i32
      "tpu.region"() ({
        %run_scoped3A_264 = tpu.sem_alloc : memref<!tpu.dma_semaphore, #tpu.memory_space<semaphore_mem>>
        %dma_start3A_265 = arith.constant 0 : i32
        %dma_start3A_266 = tpu.memref_slice %arg8[%run_scoped3A_225, %dma_start3A_265] : memref<16x128xi32, #tpu.memory_space<vmem>> -> memref<1x128xi32, #tpu.memory_space<vmem>>
        %dma_start3A_267 = tpu.memref_squeeze %dma_start3A_266 : memref<1x128xi32, #tpu.memory_space<vmem>> -> memref<128xi32, #tpu.memory_space<vmem>>
        %dma_start3A_268 = arith.constant 0 : i32
        %dma_start3A_269 = arith.constant 0 : i32
        %dma_start3A_270 = tpu.memref_slice %arg11[%dma_start3A_268, %dma_start3A_269] : memref<10240x64xf32, #tpu.memory_space<vmem_shared>> -> memref<10240x64xf32, #tpu.memory_space<vmem_shared>>
        tpu.enqueue_indirect_dma source(%arg9 : memref<128x64xf32, #tpu.memory_space<vmem>>) target(%dma_start3A_270 : memref<10240x64xf32, #tpu.memory_space<vmem_shared>>) offsets(%dma_start3A_267 : memref<128xi32, #tpu.memory_space<vmem>>) semaphore(%run_scoped3A_264 : memref<!tpu.dma_semaphore, #tpu.memory_space<semaphore_mem>>) {add = true}
        %dma_wait3A_271 = arith.constant 0 : i32
        %dma_wait3A_272 = tpu.memref_slice %arg8[%run_scoped3A_225, %dma_wait3A_271] : memref<16x128xi32, #tpu.memory_space<vmem>> -> memref<1x128xi32, #tpu.memory_space<vmem>>
        %dma_wait3A_273 = tpu.memref_squeeze %dma_wait3A_272 : memref<1x128xi32, #tpu.memory_space<vmem>> -> memref<128xi32, #tpu.memory_space<vmem>>
        %dma_wait3A_274 = arith.constant 0 : i32
        %dma_wait3A_275 = arith.constant 0 : i32
        %dma_wait3A_276 = tpu.memref_slice %arg11[%dma_wait3A_274, %dma_wait3A_275] : memref<10240x64xf32, #tpu.memory_space<vmem_shared>> -> memref<10240x64xf32, #tpu.memory_space<vmem_shared>>
        tpu.wait_indirect_dma semaphore(%run_scoped3A_264 : memref<!tpu.dma_semaphore, #tpu.memory_space<semaphore_mem>>) src(%arg9 : memref<128x64xf32, #tpu.memory_space<vmem>>) dst(%dma_wait3A_276 : memref<10240x64xf32, #tpu.memory_space<vmem_shared>>)
        tpu.yield
      }) : () -> ()
      %dma_start3A_226 = arith.constant 14 : i32
      %dma_start3A_227 = arith.constant 0 : i32
      %dma_start3A_228 = tpu.memref_slice %arg7[%dma_start3A_226, %dma_start3A_227] : memref<16x128xi32, #tpu.memory_space<vmem>> -> memref<1x128xi32, #tpu.memory_space<vmem>>
      %dma_start3A_229 = tpu.memref_squeeze %dma_start3A_228 : memref<1x128xi32, #tpu.memory_space<vmem>> -> memref<128xi32, #tpu.memory_space<vmem>>
      %dma_start3A_230 = arith.constant 0 : i32
      %dma_start3A_231 = arith.constant 0 : i32
      %dma_start3A_232 = tpu.memref_slice %arg2[%dma_start3A_230, %dma_start3A_231] : memref<10000x64xf32, #tpu.memory_space<hbm>> -> memref<10000x64xf32, #tpu.memory_space<hbm>>
      tpu.enqueue_indirect_dma source(%dma_start3A_232 : memref<10000x64xf32, #tpu.memory_space<hbm>>) target(%arg9 : memref<128x64xf32, #tpu.memory_space<vmem>>) offsets(%dma_start3A_229 : memref<128xi32, #tpu.memory_space<vmem>>) semaphore(%arg12 : memref<!tpu.dma_semaphore, #tpu.memory_space<semaphore_mem>>)
      %dma_wait3A_233 = arith.constant 13 : i32
      %dma_wait3A_234 = arith.constant 0 : i32
      %dma_wait3A_235 = tpu.memref_slice %arg7[%dma_wait3A_233, %dma_wait3A_234] : memref<16x128xi32, #tpu.memory_space<vmem>> -> memref<1x128xi32, #tpu.memory_space<vmem>>
      %dma_wait3A_236 = tpu.memref_squeeze %dma_wait3A_235 : memref<1x128xi32, #tpu.memory_space<vmem>> -> memref<128xi32, #tpu.memory_space<vmem>>
      %dma_wait3A_237 = arith.constant 0 : i32
      %dma_wait3A_238 = arith.constant 0 : i32
      %dma_wait3A_239 = tpu.memref_slice %arg2[%dma_wait3A_237, %dma_wait3A_238] : memref<10000x64xf32, #tpu.memory_space<hbm>> -> memref<10000x64xf32, #tpu.memory_space<hbm>>
      tpu.wait_indirect_dma semaphore(%arg13 : memref<!tpu.dma_semaphore, #tpu.memory_space<semaphore_mem>>) src(%dma_wait3A_239 : memref<10000x64xf32, #tpu.memory_space<hbm>>) dst(%arg10 : memref<128x64xf32, #tpu.memory_space<vmem>>)
      %run_scoped3A_240 = arith.constant 13 : i32
      "tpu.region"() ({
        %run_scoped3A_264 = tpu.sem_alloc : memref<!tpu.dma_semaphore, #tpu.memory_space<semaphore_mem>>
        %dma_start3A_265 = arith.constant 0 : i32
        %dma_start3A_266 = tpu.memref_slice %arg8[%run_scoped3A_240, %dma_start3A_265] : memref<16x128xi32, #tpu.memory_space<vmem>> -> memref<1x128xi32, #tpu.memory_space<vmem>>
        %dma_start3A_267 = tpu.memref_squeeze %dma_start3A_266 : memref<1x128xi32, #tpu.memory_space<vmem>> -> memref<128xi32, #tpu.memory_space<vmem>>
        %dma_start3A_268 = arith.constant 0 : i32
        %dma_start3A_269 = arith.constant 0 : i32
        %dma_start3A_270 = tpu.memref_slice %arg11[%dma_start3A_268, %dma_start3A_269] : memref<10240x64xf32, #tpu.memory_space<vmem_shared>> -> memref<10240x64xf32, #tpu.memory_space<vmem_shared>>
        tpu.enqueue_indirect_dma source(%arg10 : memref<128x64xf32, #tpu.memory_space<vmem>>) target(%dma_start3A_270 : memref<10240x64xf32, #tpu.memory_space<vmem_shared>>) offsets(%dma_start3A_267 : memref<128xi32, #tpu.memory_space<vmem>>) semaphore(%run_scoped3A_264 : memref<!tpu.dma_semaphore, #tpu.memory_space<semaphore_mem>>) {add = true}
        %dma_wait3A_271 = arith.constant 0 : i32
        %dma_wait3A_272 = tpu.memref_slice %arg8[%run_scoped3A_240, %dma_wait3A_271] : memref<16x128xi32, #tpu.memory_space<vmem>> -> memref<1x128xi32, #tpu.memory_space<vmem>>
        %dma_wait3A_273 = tpu.memref_squeeze %dma_wait3A_272 : memref<1x128xi32, #tpu.memory_space<vmem>> -> memref<128xi32, #tpu.memory_space<vmem>>
        %dma_wait3A_274 = arith.constant 0 : i32
        %dma_wait3A_275 = arith.constant 0 : i32
        %dma_wait3A_276 = tpu.memref_slice %arg11[%dma_wait3A_274, %dma_wait3A_275] : memref<10240x64xf32, #tpu.memory_space<vmem_shared>> -> memref<10240x64xf32, #tpu.memory_space<vmem_shared>>
        tpu.wait_indirect_dma semaphore(%run_scoped3A_264 : memref<!tpu.dma_semaphore, #tpu.memory_space<semaphore_mem>>) src(%arg10 : memref<128x64xf32, #tpu.memory_space<vmem>>) dst(%dma_wait3A_276 : memref<10240x64xf32, #tpu.memory_space<vmem_shared>>)
        tpu.yield
      }) : () -> ()
      %dma_start3A_241 = arith.constant 15 : i32
      %dma_start3A_242 = arith.constant 0 : i32
      %dma_start3A_243 = tpu.memref_slice %arg7[%dma_start3A_241, %dma_start3A_242] : memref<16x128xi32, #tpu.memory_space<vmem>> -> memref<1x128xi32, #tpu.memory_space<vmem>>
      %dma_start3A_244 = tpu.memref_squeeze %dma_start3A_243 : memref<1x128xi32, #tpu.memory_space<vmem>> -> memref<128xi32, #tpu.memory_space<vmem>>
      %dma_start3A_245 = arith.constant 0 : i32
      %dma_start3A_246 = arith.constant 0 : i32
      %dma_start3A_247 = tpu.memref_slice %arg2[%dma_start3A_245, %dma_start3A_246] : memref<10000x64xf32, #tpu.memory_space<hbm>> -> memref<10000x64xf32, #tpu.memory_space<hbm>>
      tpu.enqueue_indirect_dma source(%dma_start3A_247 : memref<10000x64xf32, #tpu.memory_space<hbm>>) target(%arg10 : memref<128x64xf32, #tpu.memory_space<vmem>>) offsets(%dma_start3A_244 : memref<128xi32, #tpu.memory_space<vmem>>) semaphore(%arg13 : memref<!tpu.dma_semaphore, #tpu.memory_space<semaphore_mem>>)
      %dma_wait3A_248 = arith.constant 14 : i32
      %dma_wait3A_249 = arith.constant 0 : i32
      %dma_wait3A_250 = tpu.memref_slice %arg7[%dma_wait3A_248, %dma_wait3A_249] : memref<16x128xi32, #tpu.memory_space<vmem>> -> memref<1x128xi32, #tpu.memory_space<vmem>>
      %dma_wait3A_251 = tpu.memref_squeeze %dma_wait3A_250 : memref<1x128xi32, #tpu.memory_space<vmem>> -> memref<128xi32, #tpu.memory_space<vmem>>
      %dma_wait3A_252 = arith.constant 0 : i32
      %dma_wait3A_253 = arith.constant 0 : i32
      %dma_wait3A_254 = tpu.memref_slice %arg2[%dma_wait3A_252, %dma_wait3A_253] : memref<10000x64xf32, #tpu.memory_space<hbm>> -> memref<10000x64xf32, #tpu.memory_space<hbm>>
      tpu.wait_indirect_dma semaphore(%arg12 : memref<!tpu.dma_semaphore, #tpu.memory_space<semaphore_mem>>) src(%dma_wait3A_254 : memref<10000x64xf32, #tpu.memory_space<hbm>>) dst(%arg9 : memref<128x64xf32, #tpu.memory_space<vmem>>)
      %run_scoped3A_255 = arith.constant 14 : i32
      "tpu.region"() ({
        %run_scoped3A_264 = tpu.sem_alloc : memref<!tpu.dma_semaphore, #tpu.memory_space<semaphore_mem>>
        %dma_start3A_265 = arith.constant 0 : i32
        %dma_start3A_266 = tpu.memref_slice %arg8[%run_scoped3A_255, %dma_start3A_265] : memref<16x128xi32, #tpu.memory_space<vmem>> -> memref<1x128xi32, #tpu.memory_space<vmem>>
        %dma_start3A_267 = tpu.memref_squeeze %dma_start3A_266 : memref<1x128xi32, #tpu.memory_space<vmem>> -> memref<128xi32, #tpu.memory_space<vmem>>
        %dma_start3A_268 = arith.constant 0 : i32
        %dma_start3A_269 = arith.constant 0 : i32
        %dma_start3A_270 = tpu.memref_slice %arg11[%dma_start3A_268, %dma_start3A_269] : memref<10240x64xf32, #tpu.memory_space<vmem_shared>> -> memref<10240x64xf32, #tpu.memory_space<vmem_shared>>
        tpu.enqueue_indirect_dma source(%arg9 : memref<128x64xf32, #tpu.memory_space<vmem>>) target(%dma_start3A_270 : memref<10240x64xf32, #tpu.memory_space<vmem_shared>>) offsets(%dma_start3A_267 : memref<128xi32, #tpu.memory_space<vmem>>) semaphore(%run_scoped3A_264 : memref<!tpu.dma_semaphore, #tpu.memory_space<semaphore_mem>>) {add = true}
        %dma_wait3A_271 = arith.constant 0 : i32
        %dma_wait3A_272 = tpu.memref_slice %arg8[%run_scoped3A_255, %dma_wait3A_271] : memref<16x128xi32, #tpu.memory_space<vmem>> -> memref<1x128xi32, #tpu.memory_space<vmem>>
        %dma_wait3A_273 = tpu.memref_squeeze %dma_wait3A_272 : memref<1x128xi32, #tpu.memory_space<vmem>> -> memref<128xi32, #tpu.memory_space<vmem>>
        %dma_wait3A_274 = arith.constant 0 : i32
        %dma_wait3A_275 = arith.constant 0 : i32
        %dma_wait3A_276 = tpu.memref_slice %arg11[%dma_wait3A_274, %dma_wait3A_275] : memref<10240x64xf32, #tpu.memory_space<vmem_shared>> -> memref<10240x64xf32, #tpu.memory_space<vmem_shared>>
        tpu.wait_indirect_dma semaphore(%run_scoped3A_264 : memref<!tpu.dma_semaphore, #tpu.memory_space<semaphore_mem>>) src(%arg9 : memref<128x64xf32, #tpu.memory_space<vmem>>) dst(%dma_wait3A_276 : memref<10240x64xf32, #tpu.memory_space<vmem_shared>>)
        tpu.yield
      }) : () -> ()
      %dma_wait3A_256 = arith.constant 15 : i32
      %dma_wait3A_257 = arith.constant 0 : i32
      %dma_wait3A_258 = tpu.memref_slice %arg7[%dma_wait3A_256, %dma_wait3A_257] : memref<16x128xi32, #tpu.memory_space<vmem>> -> memref<1x128xi32, #tpu.memory_space<vmem>>
      %dma_wait3A_259 = tpu.memref_squeeze %dma_wait3A_258 : memref<1x128xi32, #tpu.memory_space<vmem>> -> memref<128xi32, #tpu.memory_space<vmem>>
      %dma_wait3A_260 = arith.constant 0 : i32
      %dma_wait3A_261 = arith.constant 0 : i32
      %dma_wait3A_262 = tpu.memref_slice %arg2[%dma_wait3A_260, %dma_wait3A_261] : memref<10000x64xf32, #tpu.memory_space<hbm>> -> memref<10000x64xf32, #tpu.memory_space<hbm>>
      tpu.wait_indirect_dma semaphore(%arg13 : memref<!tpu.dma_semaphore, #tpu.memory_space<semaphore_mem>>) src(%dma_wait3A_262 : memref<10000x64xf32, #tpu.memory_space<hbm>>) dst(%arg10 : memref<128x64xf32, #tpu.memory_space<vmem>>)
      %run_scoped3A_263 = arith.constant 15 : i32
      "tpu.region"() ({
        %run_scoped3A_264 = tpu.sem_alloc : memref<!tpu.dma_semaphore, #tpu.memory_space<semaphore_mem>>
        %dma_start3A_265 = arith.constant 0 : i32
        %dma_start3A_266 = tpu.memref_slice %arg8[%run_scoped3A_263, %dma_start3A_265] : memref<16x128xi32, #tpu.memory_space<vmem>> -> memref<1x128xi32, #tpu.memory_space<vmem>>
        %dma_start3A_267 = tpu.memref_squeeze %dma_start3A_266 : memref<1x128xi32, #tpu.memory_space<vmem>> -> memref<128xi32, #tpu.memory_space<vmem>>
        %dma_start3A_268 = arith.constant 0 : i32
        %dma_start3A_269 = arith.constant 0 : i32
        %dma_start3A_270 = tpu.memref_slice %arg11[%dma_start3A_268, %dma_start3A_269] : memref<10240x64xf32, #tpu.memory_space<vmem_shared>> -> memref<10240x64xf32, #tpu.memory_space<vmem_shared>>
        tpu.enqueue_indirect_dma source(%arg10 : memref<128x64xf32, #tpu.memory_space<vmem>>) target(%dma_start3A_270 : memref<10240x64xf32, #tpu.memory_space<vmem_shared>>) offsets(%dma_start3A_267 : memref<128xi32, #tpu.memory_space<vmem>>) semaphore(%run_scoped3A_264 : memref<!tpu.dma_semaphore, #tpu.memory_space<semaphore_mem>>) {add = true}
        %dma_wait3A_271 = arith.constant 0 : i32
        %dma_wait3A_272 = tpu.memref_slice %arg8[%run_scoped3A_263, %dma_wait3A_271] : memref<16x128xi32, #tpu.memory_space<vmem>> -> memref<1x128xi32, #tpu.memory_space<vmem>>
        %dma_wait3A_273 = tpu.memref_squeeze %dma_wait3A_272 : memref<1x128xi32, #tpu.memory_space<vmem>> -> memref<128xi32, #tpu.memory_space<vmem>>
        %dma_wait3A_274 = arith.constant 0 : i32
        %dma_wait3A_275 = arith.constant 0 : i32
        %dma_wait3A_276 = tpu.memref_slice %arg11[%dma_wait3A_274, %dma_wait3A_275] : memref<10240x64xf32, #tpu.memory_space<vmem_shared>> -> memref<10240x64xf32, #tpu.memory_space<vmem_shared>>
        tpu.wait_indirect_dma semaphore(%run_scoped3A_264 : memref<!tpu.dma_semaphore, #tpu.memory_space<semaphore_mem>>) src(%arg10 : memref<128x64xf32, #tpu.memory_space<vmem>>) dst(%dma_wait3A_276 : memref<10240x64xf32, #tpu.memory_space<vmem_shared>>)
        tpu.yield
      }) : () -> ()
    }
    %barrier3A_18 = arith.constant 0 : index
    tpu.barrier barrier_id(%barrier3A_18)
    %mul3A_19 = arith.constant 640 : i32
    %mul3A_20 = arith.muli %arg1, %mul3A_19 : i32
    %mul3A_21 = arith.constant 640 : i32
    %mul3A_22 = arith.muli %arg1, %mul3A_21 : i32
    "tpu.region"() ({
      %run_scoped3A = tpu.sem_alloc : memref<!tpu.dma_semaphore, #tpu.memory_space<semaphore_mem>>
      %dma_start3A = arith.constant 0 : i32
      %dma_start3A_23 = arith.constant 0 : i32
      %dma_start3A_24 = tpu.memref_slice %arg6[%arg0, %dma_start3A, %dma_start3A_23] : memref<2x10240x64xf32, #tpu.memory_space<hbm>> -> memref<1x10240x64xf32, #tpu.memory_space<hbm>>
      %dma_start3A_25 = tpu.memref_squeeze %dma_start3A_24 : memref<1x10240x64xf32, #tpu.memory_space<hbm>> -> memref<10240x64xf32, #tpu.memory_space<hbm>>
      %dma_start3A_26 = arith.constant 0 : i32
      %dma_start3A_27 = tpu.memref_slice %dma_start3A_25[%mul3A_22, %dma_start3A_26] : memref<10240x64xf32, #tpu.memory_space<hbm>> -> memref<640x64xf32, #tpu.memory_space<hbm>>
      %dma_start3A_28 = arith.constant 0 : i32
      %dma_start3A_29 = tpu.memref_slice %arg11[%mul3A_20, %dma_start3A_28] : memref<10240x64xf32, #tpu.memory_space<vmem_shared>> -> memref<640x64xf32, #tpu.memory_space<vmem_shared>>
      tpu.enqueue_dma source(%dma_start3A_29 : memref<640x64xf32, #tpu.memory_space<vmem_shared>>) target(%dma_start3A_27 : memref<640x64xf32, #tpu.memory_space<hbm>>) target_semaphore(%run_scoped3A : memref<!tpu.dma_semaphore, #tpu.memory_space<semaphore_mem>>)
      %dma_wait3A = arith.constant 0 : i32
      %dma_wait3A_30 = arith.constant 0 : i32
      %dma_wait3A_31 = tpu.memref_slice %arg6[%arg0, %dma_wait3A, %dma_wait3A_30] : memref<2x10240x64xf32, #tpu.memory_space<hbm>> -> memref<1x10240x64xf32, #tpu.memory_space<hbm>>
      %dma_wait3A_32 = tpu.memref_squeeze %dma_wait3A_31 : memref<1x10240x64xf32, #tpu.memory_space<hbm>> -> memref<10240x64xf32, #tpu.memory_space<hbm>>
      %dma_wait3A_33 = arith.constant 0 : i32
      %dma_wait3A_34 = tpu.memref_slice %dma_wait3A_32[%mul3A_22, %dma_wait3A_33] : memref<10240x64xf32, #tpu.memory_space<hbm>> -> memref<640x64xf32, #tpu.memory_space<hbm>>
      %dma_wait3A_35 = arith.constant 0 : i32
      %dma_wait3A_36 = tpu.memref_slice %arg11[%mul3A_20, %dma_wait3A_35] : memref<10240x64xf32, #tpu.memory_space<vmem_shared>> -> memref<640x64xf32, #tpu.memory_space<vmem_shared>>
      tpu.wait_dma2 semaphore(%run_scoped3A : memref<!tpu.dma_semaphore, #tpu.memory_space<semaphore_mem>>) src(%dma_wait3A_36 : memref<640x64xf32, #tpu.memory_space<vmem_shared>>) dst(%dma_wait3A_34 : memref<640x64xf32, #tpu.memory_space<hbm>>)
      tpu.yield
    }) : () -> ()
    return
  }
}

#map = affine_map<(d0, d1) -> (0, 0)>
#map1 = affine_map<(d0, d1) -> (0, 0, 0)>
module attributes {stable_mosaic.version = 14 : i64} {
  func.func @deg_kernel(%arg0: i32, %arg1: i32, %arg2: memref<2560x128xi32, #tpu.memory_space<hbm>>, %arg3: memref<128x16xf32, #tpu.memory_space<hbm>>, %arg4: memref<640x16xf32, #tpu.memory_space<hbm>>, %arg5: memref<2x10240x16xf32, #tpu.memory_space<hbm>>, %arg6: memref<80x128xi32, #tpu.memory_space<vmem>>, %arg7: memref<128x16xf32, #tpu.memory_space<vmem>>, %arg8: memref<10240x16xf32, #tpu.memory_space<vmem_shared>>) attributes {dimension_semantics = [#tpu.dimension_semantics<core_parallel>, #tpu.dimension_semantics<subcore_parallel>], iteration_bounds = array<i64: 2, 16>, scalar_prefetch = 0 : i64, scratch_operands = 3 : i64, tpu.core_type = #tpu.core_type<sc_vector_subcore>, window_params = [{transform_indices = #map}, {transform_indices = #map}, {transform_indices = #map}, {transform_indices = #map1}]} {
    %mul3A = arith.constant 16 : i32
    %mul3A_0 = arith.muli %arg0, %mul3A : i32
    %add3A = arith.addi %mul3A_0, %arg1 : i32
    %mul3A_1 = arith.constant 640 : i32
    %mul3A_2 = arith.muli %arg1, %mul3A_1 : i32
    "tpu.region"() ({
      %run_scoped3A = tpu.sem_alloc : memref<!tpu.dma_semaphore, #tpu.memory_space<semaphore_mem>>
      %dma_start3A = arith.constant 0 : i32
      %dma_start3A_15 = tpu.memref_slice %arg8[%mul3A_2, %dma_start3A] : memref<10240x16xf32, #tpu.memory_space<vmem_shared>> -> memref<640x16xf32, #tpu.memory_space<vmem_shared>>
      tpu.enqueue_dma source(%arg4 : memref<640x16xf32, #tpu.memory_space<hbm>>) target(%dma_start3A_15 : memref<640x16xf32, #tpu.memory_space<vmem_shared>>) target_semaphore(%run_scoped3A : memref<!tpu.dma_semaphore, #tpu.memory_space<semaphore_mem>>)
      %dma_wait3A = arith.constant 0 : i32
      %dma_wait3A_16 = tpu.memref_slice %arg8[%mul3A_2, %dma_wait3A] : memref<10240x16xf32, #tpu.memory_space<vmem_shared>> -> memref<640x16xf32, #tpu.memory_space<vmem_shared>>
      tpu.wait_dma2 semaphore(%run_scoped3A : memref<!tpu.dma_semaphore, #tpu.memory_space<semaphore_mem>>) src(%arg4 : memref<640x16xf32, #tpu.memory_space<hbm>>) dst(%dma_wait3A_16 : memref<640x16xf32, #tpu.memory_space<vmem_shared>>)
      tpu.yield
    }) : () -> ()
    %mul3A_3 = arith.constant 80 : i32
    %mul3A_4 = arith.muli %add3A, %mul3A_3 : i32
    "tpu.region"() ({
      %run_scoped3A = tpu.sem_alloc : memref<!tpu.dma_semaphore, #tpu.memory_space<semaphore_mem>>
      %dma_start3A = arith.constant 0 : i32
      %dma_start3A_15 = tpu.memref_slice %arg2[%mul3A_4, %dma_start3A] : memref<2560x128xi32, #tpu.memory_space<hbm>> -> memref<80x128xi32, #tpu.memory_space<hbm>>
      %dma_start3A_16 = arith.constant 0 : i32
      %dma_start3A_17 = tpu.memref_slice %arg2[%mul3A_4, %dma_start3A_16] : memref<2560x128xi32, #tpu.memory_space<hbm>> -> memref<80x128xi32, #tpu.memory_space<hbm>>
      tpu.enqueue_dma source(%dma_start3A_17 : memref<80x128xi32, #tpu.memory_space<hbm>>) target(%arg6 : memref<80x128xi32, #tpu.memory_space<vmem>>) target_semaphore(%run_scoped3A : memref<!tpu.dma_semaphore, #tpu.memory_space<semaphore_mem>>)
      %dma_wait3A = arith.constant 0 : i32
      %dma_wait3A_18 = tpu.memref_slice %arg2[%mul3A_4, %dma_wait3A] : memref<2560x128xi32, #tpu.memory_space<hbm>> -> memref<80x128xi32, #tpu.memory_space<hbm>>
      %dma_wait3A_19 = arith.constant 0 : i32
      %dma_wait3A_20 = tpu.memref_slice %arg2[%mul3A_4, %dma_wait3A_19] : memref<2560x128xi32, #tpu.memory_space<hbm>> -> memref<80x128xi32, #tpu.memory_space<hbm>>
      tpu.wait_dma2 semaphore(%run_scoped3A : memref<!tpu.dma_semaphore, #tpu.memory_space<semaphore_mem>>) src(%dma_wait3A_20 : memref<80x128xi32, #tpu.memory_space<hbm>>) dst(%arg6 : memref<80x128xi32, #tpu.memory_space<vmem>>)
      tpu.yield
    }) : () -> ()
    "tpu.region"() ({
      %run_scoped3A = tpu.sem_alloc : memref<!tpu.dma_semaphore, #tpu.memory_space<semaphore_mem>>
      tpu.enqueue_dma source(%arg3 : memref<128x16xf32, #tpu.memory_space<hbm>>) target(%arg7 : memref<128x16xf32, #tpu.memory_space<vmem>>) target_semaphore(%run_scoped3A : memref<!tpu.dma_semaphore, #tpu.memory_space<semaphore_mem>>)
      tpu.wait_dma2 semaphore(%run_scoped3A : memref<!tpu.dma_semaphore, #tpu.memory_space<semaphore_mem>>) src(%arg3 : memref<128x16xf32, #tpu.memory_space<hbm>>) dst(%arg7 : memref<128x16xf32, #tpu.memory_space<vmem>>)
      tpu.yield
    }) : () -> ()
    %barrier3A = arith.constant 0 : index
    tpu.barrier barrier_id(%barrier3A)
    %scan3A = arith.constant 0 : i32
    %scan3A_5 = arith.constant 0 : i32
    %scan3A_6 = arith.constant 80 : i32
    %scan3A_7 = arith.addi %scan3A_5, %scan3A_6 : i32
    %scan3A_8 = arith.constant 1 : i32
    scf.for %scan3A_15 = %scan3A_5 to %scan3A_7 step %scan3A_8  : i32 {
      "tpu.region"() ({
        %run_scoped3A = tpu.sem_alloc : memref<!tpu.dma_semaphore, #tpu.memory_space<semaphore_mem>>
        %dma_start3A = arith.constant 0 : i32
        %dma_start3A_16 = tpu.memref_slice %arg6[%scan3A_15, %dma_start3A] : memref<80x128xi32, #tpu.memory_space<vmem>> -> memref<1x128xi32, #tpu.memory_space<vmem>>
        %dma_start3A_17 = tpu.memref_squeeze %dma_start3A_16 : memref<1x128xi32, #tpu.memory_space<vmem>> -> memref<128xi32, #tpu.memory_space<vmem>>
        %dma_start3A_18 = arith.constant 0 : i32
        %dma_start3A_19 = arith.constant 0 : i32
        %dma_start3A_20 = tpu.memref_slice %arg8[%dma_start3A_18, %dma_start3A_19] : memref<10240x16xf32, #tpu.memory_space<vmem_shared>> -> memref<10240x16xf32, #tpu.memory_space<vmem_shared>>
        tpu.enqueue_indirect_dma source(%arg7 : memref<128x16xf32, #tpu.memory_space<vmem>>) target(%dma_start3A_20 : memref<10240x16xf32, #tpu.memory_space<vmem_shared>>) offsets(%dma_start3A_17 : memref<128xi32, #tpu.memory_space<vmem>>) semaphore(%run_scoped3A : memref<!tpu.dma_semaphore, #tpu.memory_space<semaphore_mem>>) {add = true}
        %dma_wait3A = arith.constant 0 : i32
        %dma_wait3A_21 = tpu.memref_slice %arg6[%scan3A_15, %dma_wait3A] : memref<80x128xi32, #tpu.memory_space<vmem>> -> memref<1x128xi32, #tpu.memory_space<vmem>>
        %dma_wait3A_22 = tpu.memref_squeeze %dma_wait3A_21 : memref<1x128xi32, #tpu.memory_space<vmem>> -> memref<128xi32, #tpu.memory_space<vmem>>
        %dma_wait3A_23 = arith.constant 0 : i32
        %dma_wait3A_24 = arith.constant 0 : i32
        %dma_wait3A_25 = tpu.memref_slice %arg8[%dma_wait3A_23, %dma_wait3A_24] : memref<10240x16xf32, #tpu.memory_space<vmem_shared>> -> memref<10240x16xf32, #tpu.memory_space<vmem_shared>>
        tpu.wait_indirect_dma semaphore(%run_scoped3A : memref<!tpu.dma_semaphore, #tpu.memory_space<semaphore_mem>>) src(%arg7 : memref<128x16xf32, #tpu.memory_space<vmem>>) dst(%dma_wait3A_25 : memref<10240x16xf32, #tpu.memory_space<vmem_shared>>)
        tpu.yield
      }) : () -> ()
    }
    %scan3A_9 = arith.constant 80 : i32
    %barrier3A_10 = arith.constant 0 : index
    tpu.barrier barrier_id(%barrier3A_10)
    %mul3A_11 = arith.constant 640 : i32
    %mul3A_12 = arith.muli %arg1, %mul3A_11 : i32
    %mul3A_13 = arith.constant 640 : i32
    %mul3A_14 = arith.muli %arg1, %mul3A_13 : i32
    "tpu.region"() ({
      %run_scoped3A = tpu.sem_alloc : memref<!tpu.dma_semaphore, #tpu.memory_space<semaphore_mem>>
      %dma_start3A = arith.constant 0 : i32
      %dma_start3A_15 = arith.constant 0 : i32
      %dma_start3A_16 = tpu.memref_slice %arg5[%arg0, %dma_start3A, %dma_start3A_15] : memref<2x10240x16xf32, #tpu.memory_space<hbm>> -> memref<1x10240x16xf32, #tpu.memory_space<hbm>>
      %dma_start3A_17 = tpu.memref_squeeze %dma_start3A_16 : memref<1x10240x16xf32, #tpu.memory_space<hbm>> -> memref<10240x16xf32, #tpu.memory_space<hbm>>
      %dma_start3A_18 = arith.constant 0 : i32
      %dma_start3A_19 = tpu.memref_slice %dma_start3A_17[%mul3A_14, %dma_start3A_18] : memref<10240x16xf32, #tpu.memory_space<hbm>> -> memref<640x16xf32, #tpu.memory_space<hbm>>
      %dma_start3A_20 = arith.constant 0 : i32
      %dma_start3A_21 = tpu.memref_slice %arg8[%mul3A_12, %dma_start3A_20] : memref<10240x16xf32, #tpu.memory_space<vmem_shared>> -> memref<640x16xf32, #tpu.memory_space<vmem_shared>>
      tpu.enqueue_dma source(%dma_start3A_21 : memref<640x16xf32, #tpu.memory_space<vmem_shared>>) target(%dma_start3A_19 : memref<640x16xf32, #tpu.memory_space<hbm>>) target_semaphore(%run_scoped3A : memref<!tpu.dma_semaphore, #tpu.memory_space<semaphore_mem>>)
      %dma_wait3A = arith.constant 0 : i32
      %dma_wait3A_22 = arith.constant 0 : i32
      %dma_wait3A_23 = tpu.memref_slice %arg5[%arg0, %dma_wait3A, %dma_wait3A_22] : memref<2x10240x16xf32, #tpu.memory_space<hbm>> -> memref<1x10240x16xf32, #tpu.memory_space<hbm>>
      %dma_wait3A_24 = tpu.memref_squeeze %dma_wait3A_23 : memref<1x10240x16xf32, #tpu.memory_space<hbm>> -> memref<10240x16xf32, #tpu.memory_space<hbm>>
      %dma_wait3A_25 = arith.constant 0 : i32
      %dma_wait3A_26 = tpu.memref_slice %dma_wait3A_24[%mul3A_14, %dma_wait3A_25] : memref<10240x16xf32, #tpu.memory_space<hbm>> -> memref<640x16xf32, #tpu.memory_space<hbm>>
      %dma_wait3A_27 = arith.constant 0 : i32
      %dma_wait3A_28 = tpu.memref_slice %arg8[%mul3A_12, %dma_wait3A_27] : memref<10240x16xf32, #tpu.memory_space<vmem_shared>> -> memref<640x16xf32, #tpu.memory_space<vmem_shared>>
      tpu.wait_dma2 semaphore(%run_scoped3A : memref<!tpu.dma_semaphore, #tpu.memory_space<semaphore_mem>>) src(%dma_wait3A_28 : memref<640x16xf32, #tpu.memory_space<vmem_shared>>) dst(%dma_wait3A_26 : memref<640x16xf32, #tpu.memory_space<hbm>>)
      tpu.yield
    }) : () -> ()
    return
  }
}

#map = affine_map<(d0, d1) -> (0, 0)>
#map1 = affine_map<(d0, d1) -> (0, 0, 0)>
module attributes {stable_mosaic.version = 14 : i64} {
  func.func @segsum_kernel(%arg0: i32, %arg1: i32, %arg2: memref<10000x128xf32, #tpu.memory_space<hbm>>, %arg3: memref<2560x128xi32, #tpu.memory_space<hbm>>, %arg4: memref<2560x128xi32, #tpu.memory_space<hbm>>, %arg5: memref<640x128xf32, #tpu.memory_space<hbm>>, %arg6: memref<2x10240x128xf32, #tpu.memory_space<hbm>>, %arg7: memref<16x128xi32, #tpu.memory_space<vmem>>, %arg8: memref<16x128xi32, #tpu.memory_space<vmem>>, %arg9: memref<128x128xf32, #tpu.memory_space<vmem>>, %arg10: memref<128x128xf32, #tpu.memory_space<vmem>>, %arg11: memref<10240x128xf32, #tpu.memory_space<vmem_shared>>, %arg12: memref<!tpu.dma_semaphore, #tpu.memory_space<semaphore_mem>>, %arg13: memref<!tpu.dma_semaphore, #tpu.memory_space<semaphore_mem>>) attributes {dimension_semantics = [#tpu.dimension_semantics<core_parallel>, #tpu.dimension_semantics<subcore_parallel>], iteration_bounds = array<i64: 2, 16>, scalar_prefetch = 0 : i64, scratch_operands = 7 : i64, tpu.core_type = #tpu.core_type<sc_vector_subcore>, window_params = [{transform_indices = #map}, {transform_indices = #map}, {transform_indices = #map}, {transform_indices = #map}, {transform_indices = #map1}]} {
    %eq3A = arith.constant 0 : i32
    %eq3A_0 = arith.cmpi eq, %arg0, %eq3A : i32
    %mul3A = arith.constant 144 : i32
    %mul3A_1 = arith.muli %arg1, %mul3A : i32
    %mul3A_2 = arith.constant 16 : i32
    %mul3A_3 = arith.muli %arg1, %mul3A_2 : i32
    %add3A = arith.constant 2304 : i32
    %add3A_4 = arith.addi %add3A, %mul3A_3 : i32
    %select_n3A = arith.select %eq3A_0, %mul3A_1, %add3A_4 : i32
    %jit3A = arith.constant 9 : i32
    %jit3A_5 = arith.constant 1 : i32
    %select_n3A_6 = arith.select %eq3A_0, %jit3A, %jit3A_5 : i32
    %mul3A_7 = arith.constant 640 : i32
    %mul3A_8 = arith.muli %arg1, %mul3A_7 : i32
    "tpu.region"() ({
      %run_scoped3A = tpu.sem_alloc : memref<!tpu.dma_semaphore, #tpu.memory_space<semaphore_mem>>
      %dma_start3A = arith.constant 0 : i32
      %dma_start3A_23 = tpu.memref_slice %arg11[%mul3A_8, %dma_start3A] : memref<10240x128xf32, #tpu.memory_space<vmem_shared>> -> memref<640x128xf32, #tpu.memory_space<vmem_shared>>
      tpu.enqueue_dma source(%arg5 : memref<640x128xf32, #tpu.memory_space<hbm>>) target(%dma_start3A_23 : memref<640x128xf32, #tpu.memory_space<vmem_shared>>) target_semaphore(%run_scoped3A : memref<!tpu.dma_semaphore, #tpu.memory_space<semaphore_mem>>)
      %dma_wait3A = arith.constant 0 : i32
      %dma_wait3A_24 = tpu.memref_slice %arg11[%mul3A_8, %dma_wait3A] : memref<10240x128xf32, #tpu.memory_space<vmem_shared>> -> memref<640x128xf32, #tpu.memory_space<vmem_shared>>
      tpu.wait_dma2 semaphore(%run_scoped3A : memref<!tpu.dma_semaphore, #tpu.memory_space<semaphore_mem>>) src(%arg5 : memref<640x128xf32, #tpu.memory_space<hbm>>) dst(%dma_wait3A_24 : memref<640x128xf32, #tpu.memory_space<vmem_shared>>)
      tpu.yield
    }) : () -> ()
    %barrier3A = arith.constant 0 : index
    tpu.barrier barrier_id(%barrier3A)
    %while3A = arith.constant 0 : i32
    %while3A_9 = arith.constant 0 : i32
    %while3A_10 = arith.subi %select_n3A_6, %while3A_9 : i32
    %while3A_11 = arith.addi %while3A_9, %while3A_10 : i32
    %while3A_12 = arith.constant 1 : i32
    %while3A_13 = arith.divsi %while3A_10, %while3A_12 : i32
    %while3A_14 = arith.muli %while3A_13, %while3A_12 : i32
    %while3A_15 = arith.addi %while3A_9, %while3A_14 : i32
    %while3A_16 = arith.constant 1 : i32
    scf.for %while3A_23 = %while3A_9 to %while3A_15 step %while3A_16  : i32 {
      %mul3A_24 = arith.constant 16 : i32
      %mul3A_25 = arith.muli %while3A_23, %mul3A_24 : i32
      %add3A_26 = arith.addi %select_n3A, %mul3A_25 : i32
      "tpu.region"() ({
        %run_scoped3A_264 = tpu.sem_alloc : memref<!tpu.dma_semaphore, #tpu.memory_space<semaphore_mem>>
        %dma_start3A_265 = arith.constant 0 : i32
        %dma_start3A_266 = tpu.memref_slice %arg3[%add3A_26, %dma_start3A_265] : memref<2560x128xi32, #tpu.memory_space<hbm>> -> memref<16x128xi32, #tpu.memory_space<hbm>>
        %dma_start3A_267 = arith.constant 0 : i32
        %dma_start3A_268 = tpu.memref_slice %arg3[%add3A_26, %dma_start3A_267] : memref<2560x128xi32, #tpu.memory_space<hbm>> -> memref<16x128xi32, #tpu.memory_space<hbm>>
        tpu.enqueue_dma source(%dma_start3A_268 : memref<16x128xi32, #tpu.memory_space<hbm>>) target(%arg7 : memref<16x128xi32, #tpu.memory_space<vmem>>) target_semaphore(%run_scoped3A_264 : memref<!tpu.dma_semaphore, #tpu.memory_space<semaphore_mem>>)
        %dma_wait3A_269 = arith.constant 0 : i32
        %dma_wait3A_270 = tpu.memref_slice %arg3[%add3A_26, %dma_wait3A_269] : memref<2560x128xi32, #tpu.memory_space<hbm>> -> memref<16x128xi32, #tpu.memory_space<hbm>>
        %dma_wait3A_271 = arith.constant 0 : i32
        %dma_wait3A_272 = tpu.memref_slice %arg3[%add3A_26, %dma_wait3A_271] : memref<2560x128xi32, #tpu.memory_space<hbm>> -> memref<16x128xi32, #tpu.memory_space<hbm>>
        tpu.wait_dma2 semaphore(%run_scoped3A_264 : memref<!tpu.dma_semaphore, #tpu.memory_space<semaphore_mem>>) src(%dma_wait3A_272 : memref<16x128xi32, #tpu.memory_space<hbm>>) dst(%arg7 : memref<16x128xi32, #tpu.memory_space<vmem>>)
        tpu.yield
      }) : () -> ()
      "tpu.region"() ({
        %run_scoped3A_264 = tpu.sem_alloc : memref<!tpu.dma_semaphore, #tpu.memory_space<semaphore_mem>>
        %dma_start3A_265 = arith.constant 0 : i32
        %dma_start3A_266 = tpu.memref_slice %arg4[%add3A_26, %dma_start3A_265] : memref<2560x128xi32, #tpu.memory_space<hbm>> -> memref<16x128xi32, #tpu.memory_space<hbm>>
        %dma_start3A_267 = arith.constant 0 : i32
        %dma_start3A_268 = tpu.memref_slice %arg4[%add3A_26, %dma_start3A_267] : memref<2560x128xi32, #tpu.memory_space<hbm>> -> memref<16x128xi32, #tpu.memory_space<hbm>>
        tpu.enqueue_dma source(%dma_start3A_268 : memref<16x128xi32, #tpu.memory_space<hbm>>) target(%arg8 : memref<16x128xi32, #tpu.memory_space<vmem>>) target_semaphore(%run_scoped3A_264 : memref<!tpu.dma_semaphore, #tpu.memory_space<semaphore_mem>>)
        %dma_wait3A_269 = arith.constant 0 : i32
        %dma_wait3A_270 = tpu.memref_slice %arg4[%add3A_26, %dma_wait3A_269] : memref<2560x128xi32, #tpu.memory_space<hbm>> -> memref<16x128xi32, #tpu.memory_space<hbm>>
        %dma_wait3A_271 = arith.constant 0 : i32
        %dma_wait3A_272 = tpu.memref_slice %arg4[%add3A_26, %dma_wait3A_271] : memref<2560x128xi32, #tpu.memory_space<hbm>> -> memref<16x128xi32, #tpu.memory_space<hbm>>
        tpu.wait_dma2 semaphore(%run_scoped3A_264 : memref<!tpu.dma_semaphore, #tpu.memory_space<semaphore_mem>>) src(%dma_wait3A_272 : memref<16x128xi32, #tpu.memory_space<hbm>>) dst(%arg8 : memref<16x128xi32, #tpu.memory_space<vmem>>)
        tpu.yield
      }) : () -> ()
      %dma_start3A = arith.constant 0 : i32
      %dma_start3A_27 = arith.constant 0 : i32
      %dma_start3A_28 = tpu.memref_slice %arg7[%dma_start3A, %dma_start3A_27] : memref<16x128xi32, #tpu.memory_space<vmem>> -> memref<1x128xi32, #tpu.memory_space<vmem>>
      %dma_start3A_29 = tpu.memref_squeeze %dma_start3A_28 : memref<1x128xi32, #tpu.memory_space<vmem>> -> memref<128xi32, #tpu.memory_space<vmem>>
      %dma_start3A_30 = arith.constant 0 : i32
      %dma_start3A_31 = arith.constant 0 : i32
      %dma_start3A_32 = tpu.memref_slice %arg2[%dma_start3A_30, %dma_start3A_31] : memref<10000x128xf32, #tpu.memory_space<hbm>> -> memref<10000x128xf32, #tpu.memory_space<hbm>>
      tpu.enqueue_indirect_dma source(%dma_start3A_32 : memref<10000x128xf32, #tpu.memory_space<hbm>>) target(%arg9 : memref<128x128xf32, #tpu.memory_space<vmem>>) offsets(%dma_start3A_29 : memref<128xi32, #tpu.memory_space<vmem>>) semaphore(%arg12 : memref<!tpu.dma_semaphore, #tpu.memory_space<semaphore_mem>>)
      %dma_start3A_33 = arith.constant 1 : i32
      %dma_start3A_34 = arith.constant 0 : i32
      %dma_start3A_35 = tpu.memref_slice %arg7[%dma_start3A_33, %dma_start3A_34] : memref<16x128xi32, #tpu.memory_space<vmem>> -> memref<1x128xi32, #tpu.memory_space<vmem>>
      %dma_start3A_36 = tpu.memref_squeeze %dma_start3A_35 : memref<1x128xi32, #tpu.memory_space<vmem>> -> memref<128xi32, #tpu.memory_space<vmem>>
      %dma_start3A_37 = arith.constant 0 : i32
      %dma_start3A_38 = arith.constant 0 : i32
      %dma_start3A_39 = tpu.memref_slice %arg2[%dma_start3A_37, %dma_start3A_38] : memref<10000x128xf32, #tpu.memory_space<hbm>> -> memref<10000x128xf32, #tpu.memory_space<hbm>>
      tpu.enqueue_indirect_dma source(%dma_start3A_39 : memref<10000x128xf32, #tpu.memory_space<hbm>>) target(%arg10 : memref<128x128xf32, #tpu.memory_space<vmem>>) offsets(%dma_start3A_36 : memref<128xi32, #tpu.memory_space<vmem>>) semaphore(%arg13 : memref<!tpu.dma_semaphore, #tpu.memory_space<semaphore_mem>>)
      %dma_wait3A = arith.constant 0 : i32
      %dma_wait3A_40 = arith.constant 0 : i32
      %dma_wait3A_41 = tpu.memref_slice %arg7[%dma_wait3A, %dma_wait3A_40] : memref<16x128xi32, #tpu.memory_space<vmem>> -> memref<1x128xi32, #tpu.memory_space<vmem>>
      %dma_wait3A_42 = tpu.memref_squeeze %dma_wait3A_41 : memref<1x128xi32, #tpu.memory_space<vmem>> -> memref<128xi32, #tpu.memory_space<vmem>>
      %dma_wait3A_43 = arith.constant 0 : i32
      %dma_wait3A_44 = arith.constant 0 : i32
      %dma_wait3A_45 = tpu.memref_slice %arg2[%dma_wait3A_43, %dma_wait3A_44] : memref<10000x128xf32, #tpu.memory_space<hbm>> -> memref<10000x128xf32, #tpu.memory_space<hbm>>
      tpu.wait_indirect_dma semaphore(%arg12 : memref<!tpu.dma_semaphore, #tpu.memory_space<semaphore_mem>>) src(%dma_wait3A_45 : memref<10000x128xf32, #tpu.memory_space<hbm>>) dst(%arg9 : memref<128x128xf32, #tpu.memory_space<vmem>>)
      %run_scoped3A = arith.constant 0 : i32
      "tpu.region"() ({
        %run_scoped3A_264 = tpu.sem_alloc : memref<!tpu.dma_semaphore, #tpu.memory_space<semaphore_mem>>
        %dma_start3A_265 = arith.constant 0 : i32
        %dma_start3A_266 = tpu.memref_slice %arg8[%run_scoped3A, %dma_start3A_265] : memref<16x128xi32, #tpu.memory_space<vmem>> -> memref<1x128xi32, #tpu.memory_space<vmem>>
        %dma_start3A_267 = tpu.memref_squeeze %dma_start3A_266 : memref<1x128xi32, #tpu.memory_space<vmem>> -> memref<128xi32, #tpu.memory_space<vmem>>
        %dma_start3A_268 = arith.constant 0 : i32
        %dma_start3A_269 = arith.constant 0 : i32
        %dma_start3A_270 = tpu.memref_slice %arg11[%dma_start3A_268, %dma_start3A_269] : memref<10240x128xf32, #tpu.memory_space<vmem_shared>> -> memref<10240x128xf32, #tpu.memory_space<vmem_shared>>
        tpu.enqueue_indirect_dma source(%arg9 : memref<128x128xf32, #tpu.memory_space<vmem>>) target(%dma_start3A_270 : memref<10240x128xf32, #tpu.memory_space<vmem_shared>>) offsets(%dma_start3A_267 : memref<128xi32, #tpu.memory_space<vmem>>) semaphore(%run_scoped3A_264 : memref<!tpu.dma_semaphore, #tpu.memory_space<semaphore_mem>>) {add = true}
        %dma_wait3A_271 = arith.constant 0 : i32
        %dma_wait3A_272 = tpu.memref_slice %arg8[%run_scoped3A, %dma_wait3A_271] : memref<16x128xi32, #tpu.memory_space<vmem>> -> memref<1x128xi32, #tpu.memory_space<vmem>>
        %dma_wait3A_273 = tpu.memref_squeeze %dma_wait3A_272 : memref<1x128xi32, #tpu.memory_space<vmem>> -> memref<128xi32, #tpu.memory_space<vmem>>
        %dma_wait3A_274 = arith.constant 0 : i32
        %dma_wait3A_275 = arith.constant 0 : i32
        %dma_wait3A_276 = tpu.memref_slice %arg11[%dma_wait3A_274, %dma_wait3A_275] : memref<10240x128xf32, #tpu.memory_space<vmem_shared>> -> memref<10240x128xf32, #tpu.memory_space<vmem_shared>>
        tpu.wait_indirect_dma semaphore(%run_scoped3A_264 : memref<!tpu.dma_semaphore, #tpu.memory_space<semaphore_mem>>) src(%arg9 : memref<128x128xf32, #tpu.memory_space<vmem>>) dst(%dma_wait3A_276 : memref<10240x128xf32, #tpu.memory_space<vmem_shared>>)
        tpu.yield
      }) : () -> ()
      %dma_start3A_46 = arith.constant 2 : i32
      %dma_start3A_47 = arith.constant 0 : i32
      %dma_start3A_48 = tpu.memref_slice %arg7[%dma_start3A_46, %dma_start3A_47] : memref<16x128xi32, #tpu.memory_space<vmem>> -> memref<1x128xi32, #tpu.memory_space<vmem>>
      %dma_start3A_49 = tpu.memref_squeeze %dma_start3A_48 : memref<1x128xi32, #tpu.memory_space<vmem>> -> memref<128xi32, #tpu.memory_space<vmem>>
      %dma_start3A_50 = arith.constant 0 : i32
      %dma_start3A_51 = arith.constant 0 : i32
      %dma_start3A_52 = tpu.memref_slice %arg2[%dma_start3A_50, %dma_start3A_51] : memref<10000x128xf32, #tpu.memory_space<hbm>> -> memref<10000x128xf32, #tpu.memory_space<hbm>>
      tpu.enqueue_indirect_dma source(%dma_start3A_52 : memref<10000x128xf32, #tpu.memory_space<hbm>>) target(%arg9 : memref<128x128xf32, #tpu.memory_space<vmem>>) offsets(%dma_start3A_49 : memref<128xi32, #tpu.memory_space<vmem>>) semaphore(%arg12 : memref<!tpu.dma_semaphore, #tpu.memory_space<semaphore_mem>>)
      %dma_wait3A_53 = arith.constant 1 : i32
      %dma_wait3A_54 = arith.constant 0 : i32
      %dma_wait3A_55 = tpu.memref_slice %arg7[%dma_wait3A_53, %dma_wait3A_54] : memref<16x128xi32, #tpu.memory_space<vmem>> -> memref<1x128xi32, #tpu.memory_space<vmem>>
      %dma_wait3A_56 = tpu.memref_squeeze %dma_wait3A_55 : memref<1x128xi32, #tpu.memory_space<vmem>> -> memref<128xi32, #tpu.memory_space<vmem>>
      %dma_wait3A_57 = arith.constant 0 : i32
      %dma_wait3A_58 = arith.constant 0 : i32
      %dma_wait3A_59 = tpu.memref_slice %arg2[%dma_wait3A_57, %dma_wait3A_58] : memref<10000x128xf32, #tpu.memory_space<hbm>> -> memref<10000x128xf32, #tpu.memory_space<hbm>>
      tpu.wait_indirect_dma semaphore(%arg13 : memref<!tpu.dma_semaphore, #tpu.memory_space<semaphore_mem>>) src(%dma_wait3A_59 : memref<10000x128xf32, #tpu.memory_space<hbm>>) dst(%arg10 : memref<128x128xf32, #tpu.memory_space<vmem>>)
      %run_scoped3A_60 = arith.constant 1 : i32
      "tpu.region"() ({
        %run_scoped3A_264 = tpu.sem_alloc : memref<!tpu.dma_semaphore, #tpu.memory_space<semaphore_mem>>
        %dma_start3A_265 = arith.constant 0 : i32
        %dma_start3A_266 = tpu.memref_slice %arg8[%run_scoped3A_60, %dma_start3A_265] : memref<16x128xi32, #tpu.memory_space<vmem>> -> memref<1x128xi32, #tpu.memory_space<vmem>>
        %dma_start3A_267 = tpu.memref_squeeze %dma_start3A_266 : memref<1x128xi32, #tpu.memory_space<vmem>> -> memref<128xi32, #tpu.memory_space<vmem>>
        %dma_start3A_268 = arith.constant 0 : i32
        %dma_start3A_269 = arith.constant 0 : i32
        %dma_start3A_270 = tpu.memref_slice %arg11[%dma_start3A_268, %dma_start3A_269] : memref<10240x128xf32, #tpu.memory_space<vmem_shared>> -> memref<10240x128xf32, #tpu.memory_space<vmem_shared>>
        tpu.enqueue_indirect_dma source(%arg10 : memref<128x128xf32, #tpu.memory_space<vmem>>) target(%dma_start3A_270 : memref<10240x128xf32, #tpu.memory_space<vmem_shared>>) offsets(%dma_start3A_267 : memref<128xi32, #tpu.memory_space<vmem>>) semaphore(%run_scoped3A_264 : memref<!tpu.dma_semaphore, #tpu.memory_space<semaphore_mem>>) {add = true}
        %dma_wait3A_271 = arith.constant 0 : i32
        %dma_wait3A_272 = tpu.memref_slice %arg8[%run_scoped3A_60, %dma_wait3A_271] : memref<16x128xi32, #tpu.memory_space<vmem>> -> memref<1x128xi32, #tpu.memory_space<vmem>>
        %dma_wait3A_273 = tpu.memref_squeeze %dma_wait3A_272 : memref<1x128xi32, #tpu.memory_space<vmem>> -> memref<128xi32, #tpu.memory_space<vmem>>
        %dma_wait3A_274 = arith.constant 0 : i32
        %dma_wait3A_275 = arith.constant 0 : i32
        %dma_wait3A_276 = tpu.memref_slice %arg11[%dma_wait3A_274, %dma_wait3A_275] : memref<10240x128xf32, #tpu.memory_space<vmem_shared>> -> memref<10240x128xf32, #tpu.memory_space<vmem_shared>>
        tpu.wait_indirect_dma semaphore(%run_scoped3A_264 : memref<!tpu.dma_semaphore, #tpu.memory_space<semaphore_mem>>) src(%arg10 : memref<128x128xf32, #tpu.memory_space<vmem>>) dst(%dma_wait3A_276 : memref<10240x128xf32, #tpu.memory_space<vmem_shared>>)
        tpu.yield
      }) : () -> ()
      %dma_start3A_61 = arith.constant 3 : i32
      %dma_start3A_62 = arith.constant 0 : i32
      %dma_start3A_63 = tpu.memref_slice %arg7[%dma_start3A_61, %dma_start3A_62] : memref<16x128xi32, #tpu.memory_space<vmem>> -> memref<1x128xi32, #tpu.memory_space<vmem>>
      %dma_start3A_64 = tpu.memref_squeeze %dma_start3A_63 : memref<1x128xi32, #tpu.memory_space<vmem>> -> memref<128xi32, #tpu.memory_space<vmem>>
      %dma_start3A_65 = arith.constant 0 : i32
      %dma_start3A_66 = arith.constant 0 : i32
      %dma_start3A_67 = tpu.memref_slice %arg2[%dma_start3A_65, %dma_start3A_66] : memref<10000x128xf32, #tpu.memory_space<hbm>> -> memref<10000x128xf32, #tpu.memory_space<hbm>>
      tpu.enqueue_indirect_dma source(%dma_start3A_67 : memref<10000x128xf32, #tpu.memory_space<hbm>>) target(%arg10 : memref<128x128xf32, #tpu.memory_space<vmem>>) offsets(%dma_start3A_64 : memref<128xi32, #tpu.memory_space<vmem>>) semaphore(%arg13 : memref<!tpu.dma_semaphore, #tpu.memory_space<semaphore_mem>>)
      %dma_wait3A_68 = arith.constant 2 : i32
      %dma_wait3A_69 = arith.constant 0 : i32
      %dma_wait3A_70 = tpu.memref_slice %arg7[%dma_wait3A_68, %dma_wait3A_69] : memref<16x128xi32, #tpu.memory_space<vmem>> -> memref<1x128xi32, #tpu.memory_space<vmem>>
      %dma_wait3A_71 = tpu.memref_squeeze %dma_wait3A_70 : memref<1x128xi32, #tpu.memory_space<vmem>> -> memref<128xi32, #tpu.memory_space<vmem>>
      %dma_wait3A_72 = arith.constant 0 : i32
      %dma_wait3A_73 = arith.constant 0 : i32
      %dma_wait3A_74 = tpu.memref_slice %arg2[%dma_wait3A_72, %dma_wait3A_73] : memref<10000x128xf32, #tpu.memory_space<hbm>> -> memref<10000x128xf32, #tpu.memory_space<hbm>>
      tpu.wait_indirect_dma semaphore(%arg12 : memref<!tpu.dma_semaphore, #tpu.memory_space<semaphore_mem>>) src(%dma_wait3A_74 : memref<10000x128xf32, #tpu.memory_space<hbm>>) dst(%arg9 : memref<128x128xf32, #tpu.memory_space<vmem>>)
      %run_scoped3A_75 = arith.constant 2 : i32
      "tpu.region"() ({
        %run_scoped3A_264 = tpu.sem_alloc : memref<!tpu.dma_semaphore, #tpu.memory_space<semaphore_mem>>
        %dma_start3A_265 = arith.constant 0 : i32
        %dma_start3A_266 = tpu.memref_slice %arg8[%run_scoped3A_75, %dma_start3A_265] : memref<16x128xi32, #tpu.memory_space<vmem>> -> memref<1x128xi32, #tpu.memory_space<vmem>>
        %dma_start3A_267 = tpu.memref_squeeze %dma_start3A_266 : memref<1x128xi32, #tpu.memory_space<vmem>> -> memref<128xi32, #tpu.memory_space<vmem>>
        %dma_start3A_268 = arith.constant 0 : i32
        %dma_start3A_269 = arith.constant 0 : i32
        %dma_start3A_270 = tpu.memref_slice %arg11[%dma_start3A_268, %dma_start3A_269] : memref<10240x128xf32, #tpu.memory_space<vmem_shared>> -> memref<10240x128xf32, #tpu.memory_space<vmem_shared>>
        tpu.enqueue_indirect_dma source(%arg9 : memref<128x128xf32, #tpu.memory_space<vmem>>) target(%dma_start3A_270 : memref<10240x128xf32, #tpu.memory_space<vmem_shared>>) offsets(%dma_start3A_267 : memref<128xi32, #tpu.memory_space<vmem>>) semaphore(%run_scoped3A_264 : memref<!tpu.dma_semaphore, #tpu.memory_space<semaphore_mem>>) {add = true}
        %dma_wait3A_271 = arith.constant 0 : i32
        %dma_wait3A_272 = tpu.memref_slice %arg8[%run_scoped3A_75, %dma_wait3A_271] : memref<16x128xi32, #tpu.memory_space<vmem>> -> memref<1x128xi32, #tpu.memory_space<vmem>>
        %dma_wait3A_273 = tpu.memref_squeeze %dma_wait3A_272 : memref<1x128xi32, #tpu.memory_space<vmem>> -> memref<128xi32, #tpu.memory_space<vmem>>
        %dma_wait3A_274 = arith.constant 0 : i32
        %dma_wait3A_275 = arith.constant 0 : i32
        %dma_wait3A_276 = tpu.memref_slice %arg11[%dma_wait3A_274, %dma_wait3A_275] : memref<10240x128xf32, #tpu.memory_space<vmem_shared>> -> memref<10240x128xf32, #tpu.memory_space<vmem_shared>>
        tpu.wait_indirect_dma semaphore(%run_scoped3A_264 : memref<!tpu.dma_semaphore, #tpu.memory_space<semaphore_mem>>) src(%arg9 : memref<128x128xf32, #tpu.memory_space<vmem>>) dst(%dma_wait3A_276 : memref<10240x128xf32, #tpu.memory_space<vmem_shared>>)
        tpu.yield
      }) : () -> ()
      %dma_start3A_76 = arith.constant 4 : i32
      %dma_start3A_77 = arith.constant 0 : i32
      %dma_start3A_78 = tpu.memref_slice %arg7[%dma_start3A_76, %dma_start3A_77] : memref<16x128xi32, #tpu.memory_space<vmem>> -> memref<1x128xi32, #tpu.memory_space<vmem>>
      %dma_start3A_79 = tpu.memref_squeeze %dma_start3A_78 : memref<1x128xi32, #tpu.memory_space<vmem>> -> memref<128xi32, #tpu.memory_space<vmem>>
      %dma_start3A_80 = arith.constant 0 : i32
      %dma_start3A_81 = arith.constant 0 : i32
      %dma_start3A_82 = tpu.memref_slice %arg2[%dma_start3A_80, %dma_start3A_81] : memref<10000x128xf32, #tpu.memory_space<hbm>> -> memref<10000x128xf32, #tpu.memory_space<hbm>>
      tpu.enqueue_indirect_dma source(%dma_start3A_82 : memref<10000x128xf32, #tpu.memory_space<hbm>>) target(%arg9 : memref<128x128xf32, #tpu.memory_space<vmem>>) offsets(%dma_start3A_79 : memref<128xi32, #tpu.memory_space<vmem>>) semaphore(%arg12 : memref<!tpu.dma_semaphore, #tpu.memory_space<semaphore_mem>>)
      %dma_wait3A_83 = arith.constant 3 : i32
      %dma_wait3A_84 = arith.constant 0 : i32
      %dma_wait3A_85 = tpu.memref_slice %arg7[%dma_wait3A_83, %dma_wait3A_84] : memref<16x128xi32, #tpu.memory_space<vmem>> -> memref<1x128xi32, #tpu.memory_space<vmem>>
      %dma_wait3A_86 = tpu.memref_squeeze %dma_wait3A_85 : memref<1x128xi32, #tpu.memory_space<vmem>> -> memref<128xi32, #tpu.memory_space<vmem>>
      %dma_wait3A_87 = arith.constant 0 : i32
      %dma_wait3A_88 = arith.constant 0 : i32
      %dma_wait3A_89 = tpu.memref_slice %arg2[%dma_wait3A_87, %dma_wait3A_88] : memref<10000x128xf32, #tpu.memory_space<hbm>> -> memref<10000x128xf32, #tpu.memory_space<hbm>>
      tpu.wait_indirect_dma semaphore(%arg13 : memref<!tpu.dma_semaphore, #tpu.memory_space<semaphore_mem>>) src(%dma_wait3A_89 : memref<10000x128xf32, #tpu.memory_space<hbm>>) dst(%arg10 : memref<128x128xf32, #tpu.memory_space<vmem>>)
      %run_scoped3A_90 = arith.constant 3 : i32
      "tpu.region"() ({
        %run_scoped3A_264 = tpu.sem_alloc : memref<!tpu.dma_semaphore, #tpu.memory_space<semaphore_mem>>
        %dma_start3A_265 = arith.constant 0 : i32
        %dma_start3A_266 = tpu.memref_slice %arg8[%run_scoped3A_90, %dma_start3A_265] : memref<16x128xi32, #tpu.memory_space<vmem>> -> memref<1x128xi32, #tpu.memory_space<vmem>>
        %dma_start3A_267 = tpu.memref_squeeze %dma_start3A_266 : memref<1x128xi32, #tpu.memory_space<vmem>> -> memref<128xi32, #tpu.memory_space<vmem>>
        %dma_start3A_268 = arith.constant 0 : i32
        %dma_start3A_269 = arith.constant 0 : i32
        %dma_start3A_270 = tpu.memref_slice %arg11[%dma_start3A_268, %dma_start3A_269] : memref<10240x128xf32, #tpu.memory_space<vmem_shared>> -> memref<10240x128xf32, #tpu.memory_space<vmem_shared>>
        tpu.enqueue_indirect_dma source(%arg10 : memref<128x128xf32, #tpu.memory_space<vmem>>) target(%dma_start3A_270 : memref<10240x128xf32, #tpu.memory_space<vmem_shared>>) offsets(%dma_start3A_267 : memref<128xi32, #tpu.memory_space<vmem>>) semaphore(%run_scoped3A_264 : memref<!tpu.dma_semaphore, #tpu.memory_space<semaphore_mem>>) {add = true}
        %dma_wait3A_271 = arith.constant 0 : i32
        %dma_wait3A_272 = tpu.memref_slice %arg8[%run_scoped3A_90, %dma_wait3A_271] : memref<16x128xi32, #tpu.memory_space<vmem>> -> memref<1x128xi32, #tpu.memory_space<vmem>>
        %dma_wait3A_273 = tpu.memref_squeeze %dma_wait3A_272 : memref<1x128xi32, #tpu.memory_space<vmem>> -> memref<128xi32, #tpu.memory_space<vmem>>
        %dma_wait3A_274 = arith.constant 0 : i32
        %dma_wait3A_275 = arith.constant 0 : i32
        %dma_wait3A_276 = tpu.memref_slice %arg11[%dma_wait3A_274, %dma_wait3A_275] : memref<10240x128xf32, #tpu.memory_space<vmem_shared>> -> memref<10240x128xf32, #tpu.memory_space<vmem_shared>>
        tpu.wait_indirect_dma semaphore(%run_scoped3A_264 : memref<!tpu.dma_semaphore, #tpu.memory_space<semaphore_mem>>) src(%arg10 : memref<128x128xf32, #tpu.memory_space<vmem>>) dst(%dma_wait3A_276 : memref<10240x128xf32, #tpu.memory_space<vmem_shared>>)
        tpu.yield
      }) : () -> ()
      %dma_start3A_91 = arith.constant 5 : i32
      %dma_start3A_92 = arith.constant 0 : i32
      %dma_start3A_93 = tpu.memref_slice %arg7[%dma_start3A_91, %dma_start3A_92] : memref<16x128xi32, #tpu.memory_space<vmem>> -> memref<1x128xi32, #tpu.memory_space<vmem>>
      %dma_start3A_94 = tpu.memref_squeeze %dma_start3A_93 : memref<1x128xi32, #tpu.memory_space<vmem>> -> memref<128xi32, #tpu.memory_space<vmem>>
      %dma_start3A_95 = arith.constant 0 : i32
      %dma_start3A_96 = arith.constant 0 : i32
      %dma_start3A_97 = tpu.memref_slice %arg2[%dma_start3A_95, %dma_start3A_96] : memref<10000x128xf32, #tpu.memory_space<hbm>> -> memref<10000x128xf32, #tpu.memory_space<hbm>>
      tpu.enqueue_indirect_dma source(%dma_start3A_97 : memref<10000x128xf32, #tpu.memory_space<hbm>>) target(%arg10 : memref<128x128xf32, #tpu.memory_space<vmem>>) offsets(%dma_start3A_94 : memref<128xi32, #tpu.memory_space<vmem>>) semaphore(%arg13 : memref<!tpu.dma_semaphore, #tpu.memory_space<semaphore_mem>>)
      %dma_wait3A_98 = arith.constant 4 : i32
      %dma_wait3A_99 = arith.constant 0 : i32
      %dma_wait3A_100 = tpu.memref_slice %arg7[%dma_wait3A_98, %dma_wait3A_99] : memref<16x128xi32, #tpu.memory_space<vmem>> -> memref<1x128xi32, #tpu.memory_space<vmem>>
      %dma_wait3A_101 = tpu.memref_squeeze %dma_wait3A_100 : memref<1x128xi32, #tpu.memory_space<vmem>> -> memref<128xi32, #tpu.memory_space<vmem>>
      %dma_wait3A_102 = arith.constant 0 : i32
      %dma_wait3A_103 = arith.constant 0 : i32
      %dma_wait3A_104 = tpu.memref_slice %arg2[%dma_wait3A_102, %dma_wait3A_103] : memref<10000x128xf32, #tpu.memory_space<hbm>> -> memref<10000x128xf32, #tpu.memory_space<hbm>>
      tpu.wait_indirect_dma semaphore(%arg12 : memref<!tpu.dma_semaphore, #tpu.memory_space<semaphore_mem>>) src(%dma_wait3A_104 : memref<10000x128xf32, #tpu.memory_space<hbm>>) dst(%arg9 : memref<128x128xf32, #tpu.memory_space<vmem>>)
      %run_scoped3A_105 = arith.constant 4 : i32
      "tpu.region"() ({
        %run_scoped3A_264 = tpu.sem_alloc : memref<!tpu.dma_semaphore, #tpu.memory_space<semaphore_mem>>
        %dma_start3A_265 = arith.constant 0 : i32
        %dma_start3A_266 = tpu.memref_slice %arg8[%run_scoped3A_105, %dma_start3A_265] : memref<16x128xi32, #tpu.memory_space<vmem>> -> memref<1x128xi32, #tpu.memory_space<vmem>>
        %dma_start3A_267 = tpu.memref_squeeze %dma_start3A_266 : memref<1x128xi32, #tpu.memory_space<vmem>> -> memref<128xi32, #tpu.memory_space<vmem>>
        %dma_start3A_268 = arith.constant 0 : i32
        %dma_start3A_269 = arith.constant 0 : i32
        %dma_start3A_270 = tpu.memref_slice %arg11[%dma_start3A_268, %dma_start3A_269] : memref<10240x128xf32, #tpu.memory_space<vmem_shared>> -> memref<10240x128xf32, #tpu.memory_space<vmem_shared>>
        tpu.enqueue_indirect_dma source(%arg9 : memref<128x128xf32, #tpu.memory_space<vmem>>) target(%dma_start3A_270 : memref<10240x128xf32, #tpu.memory_space<vmem_shared>>) offsets(%dma_start3A_267 : memref<128xi32, #tpu.memory_space<vmem>>) semaphore(%run_scoped3A_264 : memref<!tpu.dma_semaphore, #tpu.memory_space<semaphore_mem>>) {add = true}
        %dma_wait3A_271 = arith.constant 0 : i32
        %dma_wait3A_272 = tpu.memref_slice %arg8[%run_scoped3A_105, %dma_wait3A_271] : memref<16x128xi32, #tpu.memory_space<vmem>> -> memref<1x128xi32, #tpu.memory_space<vmem>>
        %dma_wait3A_273 = tpu.memref_squeeze %dma_wait3A_272 : memref<1x128xi32, #tpu.memory_space<vmem>> -> memref<128xi32, #tpu.memory_space<vmem>>
        %dma_wait3A_274 = arith.constant 0 : i32
        %dma_wait3A_275 = arith.constant 0 : i32
        %dma_wait3A_276 = tpu.memref_slice %arg11[%dma_wait3A_274, %dma_wait3A_275] : memref<10240x128xf32, #tpu.memory_space<vmem_shared>> -> memref<10240x128xf32, #tpu.memory_space<vmem_shared>>
        tpu.wait_indirect_dma semaphore(%run_scoped3A_264 : memref<!tpu.dma_semaphore, #tpu.memory_space<semaphore_mem>>) src(%arg9 : memref<128x128xf32, #tpu.memory_space<vmem>>) dst(%dma_wait3A_276 : memref<10240x128xf32, #tpu.memory_space<vmem_shared>>)
        tpu.yield
      }) : () -> ()
      %dma_start3A_106 = arith.constant 6 : i32
      %dma_start3A_107 = arith.constant 0 : i32
      %dma_start3A_108 = tpu.memref_slice %arg7[%dma_start3A_106, %dma_start3A_107] : memref<16x128xi32, #tpu.memory_space<vmem>> -> memref<1x128xi32, #tpu.memory_space<vmem>>
      %dma_start3A_109 = tpu.memref_squeeze %dma_start3A_108 : memref<1x128xi32, #tpu.memory_space<vmem>> -> memref<128xi32, #tpu.memory_space<vmem>>
      %dma_start3A_110 = arith.constant 0 : i32
      %dma_start3A_111 = arith.constant 0 : i32
      %dma_start3A_112 = tpu.memref_slice %arg2[%dma_start3A_110, %dma_start3A_111] : memref<10000x128xf32, #tpu.memory_space<hbm>> -> memref<10000x128xf32, #tpu.memory_space<hbm>>
      tpu.enqueue_indirect_dma source(%dma_start3A_112 : memref<10000x128xf32, #tpu.memory_space<hbm>>) target(%arg9 : memref<128x128xf32, #tpu.memory_space<vmem>>) offsets(%dma_start3A_109 : memref<128xi32, #tpu.memory_space<vmem>>) semaphore(%arg12 : memref<!tpu.dma_semaphore, #tpu.memory_space<semaphore_mem>>)
      %dma_wait3A_113 = arith.constant 5 : i32
      %dma_wait3A_114 = arith.constant 0 : i32
      %dma_wait3A_115 = tpu.memref_slice %arg7[%dma_wait3A_113, %dma_wait3A_114] : memref<16x128xi32, #tpu.memory_space<vmem>> -> memref<1x128xi32, #tpu.memory_space<vmem>>
      %dma_wait3A_116 = tpu.memref_squeeze %dma_wait3A_115 : memref<1x128xi32, #tpu.memory_space<vmem>> -> memref<128xi32, #tpu.memory_space<vmem>>
      %dma_wait3A_117 = arith.constant 0 : i32
      %dma_wait3A_118 = arith.constant 0 : i32
      %dma_wait3A_119 = tpu.memref_slice %arg2[%dma_wait3A_117, %dma_wait3A_118] : memref<10000x128xf32, #tpu.memory_space<hbm>> -> memref<10000x128xf32, #tpu.memory_space<hbm>>
      tpu.wait_indirect_dma semaphore(%arg13 : memref<!tpu.dma_semaphore, #tpu.memory_space<semaphore_mem>>) src(%dma_wait3A_119 : memref<10000x128xf32, #tpu.memory_space<hbm>>) dst(%arg10 : memref<128x128xf32, #tpu.memory_space<vmem>>)
      %run_scoped3A_120 = arith.constant 5 : i32
      "tpu.region"() ({
        %run_scoped3A_264 = tpu.sem_alloc : memref<!tpu.dma_semaphore, #tpu.memory_space<semaphore_mem>>
        %dma_start3A_265 = arith.constant 0 : i32
        %dma_start3A_266 = tpu.memref_slice %arg8[%run_scoped3A_120, %dma_start3A_265] : memref<16x128xi32, #tpu.memory_space<vmem>> -> memref<1x128xi32, #tpu.memory_space<vmem>>
        %dma_start3A_267 = tpu.memref_squeeze %dma_start3A_266 : memref<1x128xi32, #tpu.memory_space<vmem>> -> memref<128xi32, #tpu.memory_space<vmem>>
        %dma_start3A_268 = arith.constant 0 : i32
        %dma_start3A_269 = arith.constant 0 : i32
        %dma_start3A_270 = tpu.memref_slice %arg11[%dma_start3A_268, %dma_start3A_269] : memref<10240x128xf32, #tpu.memory_space<vmem_shared>> -> memref<10240x128xf32, #tpu.memory_space<vmem_shared>>
        tpu.enqueue_indirect_dma source(%arg10 : memref<128x128xf32, #tpu.memory_space<vmem>>) target(%dma_start3A_270 : memref<10240x128xf32, #tpu.memory_space<vmem_shared>>) offsets(%dma_start3A_267 : memref<128xi32, #tpu.memory_space<vmem>>) semaphore(%run_scoped3A_264 : memref<!tpu.dma_semaphore, #tpu.memory_space<semaphore_mem>>) {add = true}
        %dma_wait3A_271 = arith.constant 0 : i32
        %dma_wait3A_272 = tpu.memref_slice %arg8[%run_scoped3A_120, %dma_wait3A_271] : memref<16x128xi32, #tpu.memory_space<vmem>> -> memref<1x128xi32, #tpu.memory_space<vmem>>
        %dma_wait3A_273 = tpu.memref_squeeze %dma_wait3A_272 : memref<1x128xi32, #tpu.memory_space<vmem>> -> memref<128xi32, #tpu.memory_space<vmem>>
        %dma_wait3A_274 = arith.constant 0 : i32
        %dma_wait3A_275 = arith.constant 0 : i32
        %dma_wait3A_276 = tpu.memref_slice %arg11[%dma_wait3A_274, %dma_wait3A_275] : memref<10240x128xf32, #tpu.memory_space<vmem_shared>> -> memref<10240x128xf32, #tpu.memory_space<vmem_shared>>
        tpu.wait_indirect_dma semaphore(%run_scoped3A_264 : memref<!tpu.dma_semaphore, #tpu.memory_space<semaphore_mem>>) src(%arg10 : memref<128x128xf32, #tpu.memory_space<vmem>>) dst(%dma_wait3A_276 : memref<10240x128xf32, #tpu.memory_space<vmem_shared>>)
        tpu.yield
      }) : () -> ()
      %dma_start3A_121 = arith.constant 7 : i32
      %dma_start3A_122 = arith.constant 0 : i32
      %dma_start3A_123 = tpu.memref_slice %arg7[%dma_start3A_121, %dma_start3A_122] : memref<16x128xi32, #tpu.memory_space<vmem>> -> memref<1x128xi32, #tpu.memory_space<vmem>>
      %dma_start3A_124 = tpu.memref_squeeze %dma_start3A_123 : memref<1x128xi32, #tpu.memory_space<vmem>> -> memref<128xi32, #tpu.memory_space<vmem>>
      %dma_start3A_125 = arith.constant 0 : i32
      %dma_start3A_126 = arith.constant 0 : i32
      %dma_start3A_127 = tpu.memref_slice %arg2[%dma_start3A_125, %dma_start3A_126] : memref<10000x128xf32, #tpu.memory_space<hbm>> -> memref<10000x128xf32, #tpu.memory_space<hbm>>
      tpu.enqueue_indirect_dma source(%dma_start3A_127 : memref<10000x128xf32, #tpu.memory_space<hbm>>) target(%arg10 : memref<128x128xf32, #tpu.memory_space<vmem>>) offsets(%dma_start3A_124 : memref<128xi32, #tpu.memory_space<vmem>>) semaphore(%arg13 : memref<!tpu.dma_semaphore, #tpu.memory_space<semaphore_mem>>)
      %dma_wait3A_128 = arith.constant 6 : i32
      %dma_wait3A_129 = arith.constant 0 : i32
      %dma_wait3A_130 = tpu.memref_slice %arg7[%dma_wait3A_128, %dma_wait3A_129] : memref<16x128xi32, #tpu.memory_space<vmem>> -> memref<1x128xi32, #tpu.memory_space<vmem>>
      %dma_wait3A_131 = tpu.memref_squeeze %dma_wait3A_130 : memref<1x128xi32, #tpu.memory_space<vmem>> -> memref<128xi32, #tpu.memory_space<vmem>>
      %dma_wait3A_132 = arith.constant 0 : i32
      %dma_wait3A_133 = arith.constant 0 : i32
      %dma_wait3A_134 = tpu.memref_slice %arg2[%dma_wait3A_132, %dma_wait3A_133] : memref<10000x128xf32, #tpu.memory_space<hbm>> -> memref<10000x128xf32, #tpu.memory_space<hbm>>
      tpu.wait_indirect_dma semaphore(%arg12 : memref<!tpu.dma_semaphore, #tpu.memory_space<semaphore_mem>>) src(%dma_wait3A_134 : memref<10000x128xf32, #tpu.memory_space<hbm>>) dst(%arg9 : memref<128x128xf32, #tpu.memory_space<vmem>>)
      %run_scoped3A_135 = arith.constant 6 : i32
      "tpu.region"() ({
        %run_scoped3A_264 = tpu.sem_alloc : memref<!tpu.dma_semaphore, #tpu.memory_space<semaphore_mem>>
        %dma_start3A_265 = arith.constant 0 : i32
        %dma_start3A_266 = tpu.memref_slice %arg8[%run_scoped3A_135, %dma_start3A_265] : memref<16x128xi32, #tpu.memory_space<vmem>> -> memref<1x128xi32, #tpu.memory_space<vmem>>
        %dma_start3A_267 = tpu.memref_squeeze %dma_start3A_266 : memref<1x128xi32, #tpu.memory_space<vmem>> -> memref<128xi32, #tpu.memory_space<vmem>>
        %dma_start3A_268 = arith.constant 0 : i32
        %dma_start3A_269 = arith.constant 0 : i32
        %dma_start3A_270 = tpu.memref_slice %arg11[%dma_start3A_268, %dma_start3A_269] : memref<10240x128xf32, #tpu.memory_space<vmem_shared>> -> memref<10240x128xf32, #tpu.memory_space<vmem_shared>>
        tpu.enqueue_indirect_dma source(%arg9 : memref<128x128xf32, #tpu.memory_space<vmem>>) target(%dma_start3A_270 : memref<10240x128xf32, #tpu.memory_space<vmem_shared>>) offsets(%dma_start3A_267 : memref<128xi32, #tpu.memory_space<vmem>>) semaphore(%run_scoped3A_264 : memref<!tpu.dma_semaphore, #tpu.memory_space<semaphore_mem>>) {add = true}
        %dma_wait3A_271 = arith.constant 0 : i32
        %dma_wait3A_272 = tpu.memref_slice %arg8[%run_scoped3A_135, %dma_wait3A_271] : memref<16x128xi32, #tpu.memory_space<vmem>> -> memref<1x128xi32, #tpu.memory_space<vmem>>
        %dma_wait3A_273 = tpu.memref_squeeze %dma_wait3A_272 : memref<1x128xi32, #tpu.memory_space<vmem>> -> memref<128xi32, #tpu.memory_space<vmem>>
        %dma_wait3A_274 = arith.constant 0 : i32
        %dma_wait3A_275 = arith.constant 0 : i32
        %dma_wait3A_276 = tpu.memref_slice %arg11[%dma_wait3A_274, %dma_wait3A_275] : memref<10240x128xf32, #tpu.memory_space<vmem_shared>> -> memref<10240x128xf32, #tpu.memory_space<vmem_shared>>
        tpu.wait_indirect_dma semaphore(%run_scoped3A_264 : memref<!tpu.dma_semaphore, #tpu.memory_space<semaphore_mem>>) src(%arg9 : memref<128x128xf32, #tpu.memory_space<vmem>>) dst(%dma_wait3A_276 : memref<10240x128xf32, #tpu.memory_space<vmem_shared>>)
        tpu.yield
      }) : () -> ()
      %dma_start3A_136 = arith.constant 8 : i32
      %dma_start3A_137 = arith.constant 0 : i32
      %dma_start3A_138 = tpu.memref_slice %arg7[%dma_start3A_136, %dma_start3A_137] : memref<16x128xi32, #tpu.memory_space<vmem>> -> memref<1x128xi32, #tpu.memory_space<vmem>>
      %dma_start3A_139 = tpu.memref_squeeze %dma_start3A_138 : memref<1x128xi32, #tpu.memory_space<vmem>> -> memref<128xi32, #tpu.memory_space<vmem>>
      %dma_start3A_140 = arith.constant 0 : i32
      %dma_start3A_141 = arith.constant 0 : i32
      %dma_start3A_142 = tpu.memref_slice %arg2[%dma_start3A_140, %dma_start3A_141] : memref<10000x128xf32, #tpu.memory_space<hbm>> -> memref<10000x128xf32, #tpu.memory_space<hbm>>
      tpu.enqueue_indirect_dma source(%dma_start3A_142 : memref<10000x128xf32, #tpu.memory_space<hbm>>) target(%arg9 : memref<128x128xf32, #tpu.memory_space<vmem>>) offsets(%dma_start3A_139 : memref<128xi32, #tpu.memory_space<vmem>>) semaphore(%arg12 : memref<!tpu.dma_semaphore, #tpu.memory_space<semaphore_mem>>)
      %dma_wait3A_143 = arith.constant 7 : i32
      %dma_wait3A_144 = arith.constant 0 : i32
      %dma_wait3A_145 = tpu.memref_slice %arg7[%dma_wait3A_143, %dma_wait3A_144] : memref<16x128xi32, #tpu.memory_space<vmem>> -> memref<1x128xi32, #tpu.memory_space<vmem>>
      %dma_wait3A_146 = tpu.memref_squeeze %dma_wait3A_145 : memref<1x128xi32, #tpu.memory_space<vmem>> -> memref<128xi32, #tpu.memory_space<vmem>>
      %dma_wait3A_147 = arith.constant 0 : i32
      %dma_wait3A_148 = arith.constant 0 : i32
      %dma_wait3A_149 = tpu.memref_slice %arg2[%dma_wait3A_147, %dma_wait3A_148] : memref<10000x128xf32, #tpu.memory_space<hbm>> -> memref<10000x128xf32, #tpu.memory_space<hbm>>
      tpu.wait_indirect_dma semaphore(%arg13 : memref<!tpu.dma_semaphore, #tpu.memory_space<semaphore_mem>>) src(%dma_wait3A_149 : memref<10000x128xf32, #tpu.memory_space<hbm>>) dst(%arg10 : memref<128x128xf32, #tpu.memory_space<vmem>>)
      %run_scoped3A_150 = arith.constant 7 : i32
      "tpu.region"() ({
        %run_scoped3A_264 = tpu.sem_alloc : memref<!tpu.dma_semaphore, #tpu.memory_space<semaphore_mem>>
        %dma_start3A_265 = arith.constant 0 : i32
        %dma_start3A_266 = tpu.memref_slice %arg8[%run_scoped3A_150, %dma_start3A_265] : memref<16x128xi32, #tpu.memory_space<vmem>> -> memref<1x128xi32, #tpu.memory_space<vmem>>
        %dma_start3A_267 = tpu.memref_squeeze %dma_start3A_266 : memref<1x128xi32, #tpu.memory_space<vmem>> -> memref<128xi32, #tpu.memory_space<vmem>>
        %dma_start3A_268 = arith.constant 0 : i32
        %dma_start3A_269 = arith.constant 0 : i32
        %dma_start3A_270 = tpu.memref_slice %arg11[%dma_start3A_268, %dma_start3A_269] : memref<10240x128xf32, #tpu.memory_space<vmem_shared>> -> memref<10240x128xf32, #tpu.memory_space<vmem_shared>>
        tpu.enqueue_indirect_dma source(%arg10 : memref<128x128xf32, #tpu.memory_space<vmem>>) target(%dma_start3A_270 : memref<10240x128xf32, #tpu.memory_space<vmem_shared>>) offsets(%dma_start3A_267 : memref<128xi32, #tpu.memory_space<vmem>>) semaphore(%run_scoped3A_264 : memref<!tpu.dma_semaphore, #tpu.memory_space<semaphore_mem>>) {add = true}
        %dma_wait3A_271 = arith.constant 0 : i32
        %dma_wait3A_272 = tpu.memref_slice %arg8[%run_scoped3A_150, %dma_wait3A_271] : memref<16x128xi32, #tpu.memory_space<vmem>> -> memref<1x128xi32, #tpu.memory_space<vmem>>
        %dma_wait3A_273 = tpu.memref_squeeze %dma_wait3A_272 : memref<1x128xi32, #tpu.memory_space<vmem>> -> memref<128xi32, #tpu.memory_space<vmem>>
        %dma_wait3A_274 = arith.constant 0 : i32
        %dma_wait3A_275 = arith.constant 0 : i32
        %dma_wait3A_276 = tpu.memref_slice %arg11[%dma_wait3A_274, %dma_wait3A_275] : memref<10240x128xf32, #tpu.memory_space<vmem_shared>> -> memref<10240x128xf32, #tpu.memory_space<vmem_shared>>
        tpu.wait_indirect_dma semaphore(%run_scoped3A_264 : memref<!tpu.dma_semaphore, #tpu.memory_space<semaphore_mem>>) src(%arg10 : memref<128x128xf32, #tpu.memory_space<vmem>>) dst(%dma_wait3A_276 : memref<10240x128xf32, #tpu.memory_space<vmem_shared>>)
        tpu.yield
      }) : () -> ()
      %dma_start3A_151 = arith.constant 9 : i32
      %dma_start3A_152 = arith.constant 0 : i32
      %dma_start3A_153 = tpu.memref_slice %arg7[%dma_start3A_151, %dma_start3A_152] : memref<16x128xi32, #tpu.memory_space<vmem>> -> memref<1x128xi32, #tpu.memory_space<vmem>>
      %dma_start3A_154 = tpu.memref_squeeze %dma_start3A_153 : memref<1x128xi32, #tpu.memory_space<vmem>> -> memref<128xi32, #tpu.memory_space<vmem>>
      %dma_start3A_155 = arith.constant 0 : i32
      %dma_start3A_156 = arith.constant 0 : i32
      %dma_start3A_157 = tpu.memref_slice %arg2[%dma_start3A_155, %dma_start3A_156] : memref<10000x128xf32, #tpu.memory_space<hbm>> -> memref<10000x128xf32, #tpu.memory_space<hbm>>
      tpu.enqueue_indirect_dma source(%dma_start3A_157 : memref<10000x128xf32, #tpu.memory_space<hbm>>) target(%arg10 : memref<128x128xf32, #tpu.memory_space<vmem>>) offsets(%dma_start3A_154 : memref<128xi32, #tpu.memory_space<vmem>>) semaphore(%arg13 : memref<!tpu.dma_semaphore, #tpu.memory_space<semaphore_mem>>)
      %dma_wait3A_158 = arith.constant 8 : i32
      %dma_wait3A_159 = arith.constant 0 : i32
      %dma_wait3A_160 = tpu.memref_slice %arg7[%dma_wait3A_158, %dma_wait3A_159] : memref<16x128xi32, #tpu.memory_space<vmem>> -> memref<1x128xi32, #tpu.memory_space<vmem>>
      %dma_wait3A_161 = tpu.memref_squeeze %dma_wait3A_160 : memref<1x128xi32, #tpu.memory_space<vmem>> -> memref<128xi32, #tpu.memory_space<vmem>>
      %dma_wait3A_162 = arith.constant 0 : i32
      %dma_wait3A_163 = arith.constant 0 : i32
      %dma_wait3A_164 = tpu.memref_slice %arg2[%dma_wait3A_162, %dma_wait3A_163] : memref<10000x128xf32, #tpu.memory_space<hbm>> -> memref<10000x128xf32, #tpu.memory_space<hbm>>
      tpu.wait_indirect_dma semaphore(%arg12 : memref<!tpu.dma_semaphore, #tpu.memory_space<semaphore_mem>>) src(%dma_wait3A_164 : memref<10000x128xf32, #tpu.memory_space<hbm>>) dst(%arg9 : memref<128x128xf32, #tpu.memory_space<vmem>>)
      %run_scoped3A_165 = arith.constant 8 : i32
      "tpu.region"() ({
        %run_scoped3A_264 = tpu.sem_alloc : memref<!tpu.dma_semaphore, #tpu.memory_space<semaphore_mem>>
        %dma_start3A_265 = arith.constant 0 : i32
        %dma_start3A_266 = tpu.memref_slice %arg8[%run_scoped3A_165, %dma_start3A_265] : memref<16x128xi32, #tpu.memory_space<vmem>> -> memref<1x128xi32, #tpu.memory_space<vmem>>
        %dma_start3A_267 = tpu.memref_squeeze %dma_start3A_266 : memref<1x128xi32, #tpu.memory_space<vmem>> -> memref<128xi32, #tpu.memory_space<vmem>>
        %dma_start3A_268 = arith.constant 0 : i32
        %dma_start3A_269 = arith.constant 0 : i32
        %dma_start3A_270 = tpu.memref_slice %arg11[%dma_start3A_268, %dma_start3A_269] : memref<10240x128xf32, #tpu.memory_space<vmem_shared>> -> memref<10240x128xf32, #tpu.memory_space<vmem_shared>>
        tpu.enqueue_indirect_dma source(%arg9 : memref<128x128xf32, #tpu.memory_space<vmem>>) target(%dma_start3A_270 : memref<10240x128xf32, #tpu.memory_space<vmem_shared>>) offsets(%dma_start3A_267 : memref<128xi32, #tpu.memory_space<vmem>>) semaphore(%run_scoped3A_264 : memref<!tpu.dma_semaphore, #tpu.memory_space<semaphore_mem>>) {add = true}
        %dma_wait3A_271 = arith.constant 0 : i32
        %dma_wait3A_272 = tpu.memref_slice %arg8[%run_scoped3A_165, %dma_wait3A_271] : memref<16x128xi32, #tpu.memory_space<vmem>> -> memref<1x128xi32, #tpu.memory_space<vmem>>
        %dma_wait3A_273 = tpu.memref_squeeze %dma_wait3A_272 : memref<1x128xi32, #tpu.memory_space<vmem>> -> memref<128xi32, #tpu.memory_space<vmem>>
        %dma_wait3A_274 = arith.constant 0 : i32
        %dma_wait3A_275 = arith.constant 0 : i32
        %dma_wait3A_276 = tpu.memref_slice %arg11[%dma_wait3A_274, %dma_wait3A_275] : memref<10240x128xf32, #tpu.memory_space<vmem_shared>> -> memref<10240x128xf32, #tpu.memory_space<vmem_shared>>
        tpu.wait_indirect_dma semaphore(%run_scoped3A_264 : memref<!tpu.dma_semaphore, #tpu.memory_space<semaphore_mem>>) src(%arg9 : memref<128x128xf32, #tpu.memory_space<vmem>>) dst(%dma_wait3A_276 : memref<10240x128xf32, #tpu.memory_space<vmem_shared>>)
        tpu.yield
      }) : () -> ()
      %dma_start3A_166 = arith.constant 10 : i32
      %dma_start3A_167 = arith.constant 0 : i32
      %dma_start3A_168 = tpu.memref_slice %arg7[%dma_start3A_166, %dma_start3A_167] : memref<16x128xi32, #tpu.memory_space<vmem>> -> memref<1x128xi32, #tpu.memory_space<vmem>>
      %dma_start3A_169 = tpu.memref_squeeze %dma_start3A_168 : memref<1x128xi32, #tpu.memory_space<vmem>> -> memref<128xi32, #tpu.memory_space<vmem>>
      %dma_start3A_170 = arith.constant 0 : i32
      %dma_start3A_171 = arith.constant 0 : i32
      %dma_start3A_172 = tpu.memref_slice %arg2[%dma_start3A_170, %dma_start3A_171] : memref<10000x128xf32, #tpu.memory_space<hbm>> -> memref<10000x128xf32, #tpu.memory_space<hbm>>
      tpu.enqueue_indirect_dma source(%dma_start3A_172 : memref<10000x128xf32, #tpu.memory_space<hbm>>) target(%arg9 : memref<128x128xf32, #tpu.memory_space<vmem>>) offsets(%dma_start3A_169 : memref<128xi32, #tpu.memory_space<vmem>>) semaphore(%arg12 : memref<!tpu.dma_semaphore, #tpu.memory_space<semaphore_mem>>)
      %dma_wait3A_173 = arith.constant 9 : i32
      %dma_wait3A_174 = arith.constant 0 : i32
      %dma_wait3A_175 = tpu.memref_slice %arg7[%dma_wait3A_173, %dma_wait3A_174] : memref<16x128xi32, #tpu.memory_space<vmem>> -> memref<1x128xi32, #tpu.memory_space<vmem>>
      %dma_wait3A_176 = tpu.memref_squeeze %dma_wait3A_175 : memref<1x128xi32, #tpu.memory_space<vmem>> -> memref<128xi32, #tpu.memory_space<vmem>>
      %dma_wait3A_177 = arith.constant 0 : i32
      %dma_wait3A_178 = arith.constant 0 : i32
      %dma_wait3A_179 = tpu.memref_slice %arg2[%dma_wait3A_177, %dma_wait3A_178] : memref<10000x128xf32, #tpu.memory_space<hbm>> -> memref<10000x128xf32, #tpu.memory_space<hbm>>
      tpu.wait_indirect_dma semaphore(%arg13 : memref<!tpu.dma_semaphore, #tpu.memory_space<semaphore_mem>>) src(%dma_wait3A_179 : memref<10000x128xf32, #tpu.memory_space<hbm>>) dst(%arg10 : memref<128x128xf32, #tpu.memory_space<vmem>>)
      %run_scoped3A_180 = arith.constant 9 : i32
      "tpu.region"() ({
        %run_scoped3A_264 = tpu.sem_alloc : memref<!tpu.dma_semaphore, #tpu.memory_space<semaphore_mem>>
        %dma_start3A_265 = arith.constant 0 : i32
        %dma_start3A_266 = tpu.memref_slice %arg8[%run_scoped3A_180, %dma_start3A_265] : memref<16x128xi32, #tpu.memory_space<vmem>> -> memref<1x128xi32, #tpu.memory_space<vmem>>
        %dma_start3A_267 = tpu.memref_squeeze %dma_start3A_266 : memref<1x128xi32, #tpu.memory_space<vmem>> -> memref<128xi32, #tpu.memory_space<vmem>>
        %dma_start3A_268 = arith.constant 0 : i32
        %dma_start3A_269 = arith.constant 0 : i32
        %dma_start3A_270 = tpu.memref_slice %arg11[%dma_start3A_268, %dma_start3A_269] : memref<10240x128xf32, #tpu.memory_space<vmem_shared>> -> memref<10240x128xf32, #tpu.memory_space<vmem_shared>>
        tpu.enqueue_indirect_dma source(%arg10 : memref<128x128xf32, #tpu.memory_space<vmem>>) target(%dma_start3A_270 : memref<10240x128xf32, #tpu.memory_space<vmem_shared>>) offsets(%dma_start3A_267 : memref<128xi32, #tpu.memory_space<vmem>>) semaphore(%run_scoped3A_264 : memref<!tpu.dma_semaphore, #tpu.memory_space<semaphore_mem>>) {add = true}
        %dma_wait3A_271 = arith.constant 0 : i32
        %dma_wait3A_272 = tpu.memref_slice %arg8[%run_scoped3A_180, %dma_wait3A_271] : memref<16x128xi32, #tpu.memory_space<vmem>> -> memref<1x128xi32, #tpu.memory_space<vmem>>
        %dma_wait3A_273 = tpu.memref_squeeze %dma_wait3A_272 : memref<1x128xi32, #tpu.memory_space<vmem>> -> memref<128xi32, #tpu.memory_space<vmem>>
        %dma_wait3A_274 = arith.constant 0 : i32
        %dma_wait3A_275 = arith.constant 0 : i32
        %dma_wait3A_276 = tpu.memref_slice %arg11[%dma_wait3A_274, %dma_wait3A_275] : memref<10240x128xf32, #tpu.memory_space<vmem_shared>> -> memref<10240x128xf32, #tpu.memory_space<vmem_shared>>
        tpu.wait_indirect_dma semaphore(%run_scoped3A_264 : memref<!tpu.dma_semaphore, #tpu.memory_space<semaphore_mem>>) src(%arg10 : memref<128x128xf32, #tpu.memory_space<vmem>>) dst(%dma_wait3A_276 : memref<10240x128xf32, #tpu.memory_space<vmem_shared>>)
        tpu.yield
      }) : () -> ()
      %dma_start3A_181 = arith.constant 11 : i32
      %dma_start3A_182 = arith.constant 0 : i32
      %dma_start3A_183 = tpu.memref_slice %arg7[%dma_start3A_181, %dma_start3A_182] : memref<16x128xi32, #tpu.memory_space<vmem>> -> memref<1x128xi32, #tpu.memory_space<vmem>>
      %dma_start3A_184 = tpu.memref_squeeze %dma_start3A_183 : memref<1x128xi32, #tpu.memory_space<vmem>> -> memref<128xi32, #tpu.memory_space<vmem>>
      %dma_start3A_185 = arith.constant 0 : i32
      %dma_start3A_186 = arith.constant 0 : i32
      %dma_start3A_187 = tpu.memref_slice %arg2[%dma_start3A_185, %dma_start3A_186] : memref<10000x128xf32, #tpu.memory_space<hbm>> -> memref<10000x128xf32, #tpu.memory_space<hbm>>
      tpu.enqueue_indirect_dma source(%dma_start3A_187 : memref<10000x128xf32, #tpu.memory_space<hbm>>) target(%arg10 : memref<128x128xf32, #tpu.memory_space<vmem>>) offsets(%dma_start3A_184 : memref<128xi32, #tpu.memory_space<vmem>>) semaphore(%arg13 : memref<!tpu.dma_semaphore, #tpu.memory_space<semaphore_mem>>)
      %dma_wait3A_188 = arith.constant 10 : i32
      %dma_wait3A_189 = arith.constant 0 : i32
      %dma_wait3A_190 = tpu.memref_slice %arg7[%dma_wait3A_188, %dma_wait3A_189] : memref<16x128xi32, #tpu.memory_space<vmem>> -> memref<1x128xi32, #tpu.memory_space<vmem>>
      %dma_wait3A_191 = tpu.memref_squeeze %dma_wait3A_190 : memref<1x128xi32, #tpu.memory_space<vmem>> -> memref<128xi32, #tpu.memory_space<vmem>>
      %dma_wait3A_192 = arith.constant 0 : i32
      %dma_wait3A_193 = arith.constant 0 : i32
      %dma_wait3A_194 = tpu.memref_slice %arg2[%dma_wait3A_192, %dma_wait3A_193] : memref<10000x128xf32, #tpu.memory_space<hbm>> -> memref<10000x128xf32, #tpu.memory_space<hbm>>
      tpu.wait_indirect_dma semaphore(%arg12 : memref<!tpu.dma_semaphore, #tpu.memory_space<semaphore_mem>>) src(%dma_wait3A_194 : memref<10000x128xf32, #tpu.memory_space<hbm>>) dst(%arg9 : memref<128x128xf32, #tpu.memory_space<vmem>>)
      %run_scoped3A_195 = arith.constant 10 : i32
      "tpu.region"() ({
        %run_scoped3A_264 = tpu.sem_alloc : memref<!tpu.dma_semaphore, #tpu.memory_space<semaphore_mem>>
        %dma_start3A_265 = arith.constant 0 : i32
        %dma_start3A_266 = tpu.memref_slice %arg8[%run_scoped3A_195, %dma_start3A_265] : memref<16x128xi32, #tpu.memory_space<vmem>> -> memref<1x128xi32, #tpu.memory_space<vmem>>
        %dma_start3A_267 = tpu.memref_squeeze %dma_start3A_266 : memref<1x128xi32, #tpu.memory_space<vmem>> -> memref<128xi32, #tpu.memory_space<vmem>>
        %dma_start3A_268 = arith.constant 0 : i32
        %dma_start3A_269 = arith.constant 0 : i32
        %dma_start3A_270 = tpu.memref_slice %arg11[%dma_start3A_268, %dma_start3A_269] : memref<10240x128xf32, #tpu.memory_space<vmem_shared>> -> memref<10240x128xf32, #tpu.memory_space<vmem_shared>>
        tpu.enqueue_indirect_dma source(%arg9 : memref<128x128xf32, #tpu.memory_space<vmem>>) target(%dma_start3A_270 : memref<10240x128xf32, #tpu.memory_space<vmem_shared>>) offsets(%dma_start3A_267 : memref<128xi32, #tpu.memory_space<vmem>>) semaphore(%run_scoped3A_264 : memref<!tpu.dma_semaphore, #tpu.memory_space<semaphore_mem>>) {add = true}
        %dma_wait3A_271 = arith.constant 0 : i32
        %dma_wait3A_272 = tpu.memref_slice %arg8[%run_scoped3A_195, %dma_wait3A_271] : memref<16x128xi32, #tpu.memory_space<vmem>> -> memref<1x128xi32, #tpu.memory_space<vmem>>
        %dma_wait3A_273 = tpu.memref_squeeze %dma_wait3A_272 : memref<1x128xi32, #tpu.memory_space<vmem>> -> memref<128xi32, #tpu.memory_space<vmem>>
        %dma_wait3A_274 = arith.constant 0 : i32
        %dma_wait3A_275 = arith.constant 0 : i32
        %dma_wait3A_276 = tpu.memref_slice %arg11[%dma_wait3A_274, %dma_wait3A_275] : memref<10240x128xf32, #tpu.memory_space<vmem_shared>> -> memref<10240x128xf32, #tpu.memory_space<vmem_shared>>
        tpu.wait_indirect_dma semaphore(%run_scoped3A_264 : memref<!tpu.dma_semaphore, #tpu.memory_space<semaphore_mem>>) src(%arg9 : memref<128x128xf32, #tpu.memory_space<vmem>>) dst(%dma_wait3A_276 : memref<10240x128xf32, #tpu.memory_space<vmem_shared>>)
        tpu.yield
      }) : () -> ()
      %dma_start3A_196 = arith.constant 12 : i32
      %dma_start3A_197 = arith.constant 0 : i32
      %dma_start3A_198 = tpu.memref_slice %arg7[%dma_start3A_196, %dma_start3A_197] : memref<16x128xi32, #tpu.memory_space<vmem>> -> memref<1x128xi32, #tpu.memory_space<vmem>>
      %dma_start3A_199 = tpu.memref_squeeze %dma_start3A_198 : memref<1x128xi32, #tpu.memory_space<vmem>> -> memref<128xi32, #tpu.memory_space<vmem>>
      %dma_start3A_200 = arith.constant 0 : i32
      %dma_start3A_201 = arith.constant 0 : i32
      %dma_start3A_202 = tpu.memref_slice %arg2[%dma_start3A_200, %dma_start3A_201] : memref<10000x128xf32, #tpu.memory_space<hbm>> -> memref<10000x128xf32, #tpu.memory_space<hbm>>
      tpu.enqueue_indirect_dma source(%dma_start3A_202 : memref<10000x128xf32, #tpu.memory_space<hbm>>) target(%arg9 : memref<128x128xf32, #tpu.memory_space<vmem>>) offsets(%dma_start3A_199 : memref<128xi32, #tpu.memory_space<vmem>>) semaphore(%arg12 : memref<!tpu.dma_semaphore, #tpu.memory_space<semaphore_mem>>)
      %dma_wait3A_203 = arith.constant 11 : i32
      %dma_wait3A_204 = arith.constant 0 : i32
      %dma_wait3A_205 = tpu.memref_slice %arg7[%dma_wait3A_203, %dma_wait3A_204] : memref<16x128xi32, #tpu.memory_space<vmem>> -> memref<1x128xi32, #tpu.memory_space<vmem>>
      %dma_wait3A_206 = tpu.memref_squeeze %dma_wait3A_205 : memref<1x128xi32, #tpu.memory_space<vmem>> -> memref<128xi32, #tpu.memory_space<vmem>>
      %dma_wait3A_207 = arith.constant 0 : i32
      %dma_wait3A_208 = arith.constant 0 : i32
      %dma_wait3A_209 = tpu.memref_slice %arg2[%dma_wait3A_207, %dma_wait3A_208] : memref<10000x128xf32, #tpu.memory_space<hbm>> -> memref<10000x128xf32, #tpu.memory_space<hbm>>
      tpu.wait_indirect_dma semaphore(%arg13 : memref<!tpu.dma_semaphore, #tpu.memory_space<semaphore_mem>>) src(%dma_wait3A_209 : memref<10000x128xf32, #tpu.memory_space<hbm>>) dst(%arg10 : memref<128x128xf32, #tpu.memory_space<vmem>>)
      %run_scoped3A_210 = arith.constant 11 : i32
      "tpu.region"() ({
        %run_scoped3A_264 = tpu.sem_alloc : memref<!tpu.dma_semaphore, #tpu.memory_space<semaphore_mem>>
        %dma_start3A_265 = arith.constant 0 : i32
        %dma_start3A_266 = tpu.memref_slice %arg8[%run_scoped3A_210, %dma_start3A_265] : memref<16x128xi32, #tpu.memory_space<vmem>> -> memref<1x128xi32, #tpu.memory_space<vmem>>
        %dma_start3A_267 = tpu.memref_squeeze %dma_start3A_266 : memref<1x128xi32, #tpu.memory_space<vmem>> -> memref<128xi32, #tpu.memory_space<vmem>>
        %dma_start3A_268 = arith.constant 0 : i32
        %dma_start3A_269 = arith.constant 0 : i32
        %dma_start3A_270 = tpu.memref_slice %arg11[%dma_start3A_268, %dma_start3A_269] : memref<10240x128xf32, #tpu.memory_space<vmem_shared>> -> memref<10240x128xf32, #tpu.memory_space<vmem_shared>>
        tpu.enqueue_indirect_dma source(%arg10 : memref<128x128xf32, #tpu.memory_space<vmem>>) target(%dma_start3A_270 : memref<10240x128xf32, #tpu.memory_space<vmem_shared>>) offsets(%dma_start3A_267 : memref<128xi32, #tpu.memory_space<vmem>>) semaphore(%run_scoped3A_264 : memref<!tpu.dma_semaphore, #tpu.memory_space<semaphore_mem>>) {add = true}
        %dma_wait3A_271 = arith.constant 0 : i32
        %dma_wait3A_272 = tpu.memref_slice %arg8[%run_scoped3A_210, %dma_wait3A_271] : memref<16x128xi32, #tpu.memory_space<vmem>> -> memref<1x128xi32, #tpu.memory_space<vmem>>
        %dma_wait3A_273 = tpu.memref_squeeze %dma_wait3A_272 : memref<1x128xi32, #tpu.memory_space<vmem>> -> memref<128xi32, #tpu.memory_space<vmem>>
        %dma_wait3A_274 = arith.constant 0 : i32
        %dma_wait3A_275 = arith.constant 0 : i32
        %dma_wait3A_276 = tpu.memref_slice %arg11[%dma_wait3A_274, %dma_wait3A_275] : memref<10240x128xf32, #tpu.memory_space<vmem_shared>> -> memref<10240x128xf32, #tpu.memory_space<vmem_shared>>
        tpu.wait_indirect_dma semaphore(%run_scoped3A_264 : memref<!tpu.dma_semaphore, #tpu.memory_space<semaphore_mem>>) src(%arg10 : memref<128x128xf32, #tpu.memory_space<vmem>>) dst(%dma_wait3A_276 : memref<10240x128xf32, #tpu.memory_space<vmem_shared>>)
        tpu.yield
      }) : () -> ()
      %dma_start3A_211 = arith.constant 13 : i32
      %dma_start3A_212 = arith.constant 0 : i32
      %dma_start3A_213 = tpu.memref_slice %arg7[%dma_start3A_211, %dma_start3A_212] : memref<16x128xi32, #tpu.memory_space<vmem>> -> memref<1x128xi32, #tpu.memory_space<vmem>>
      %dma_start3A_214 = tpu.memref_squeeze %dma_start3A_213 : memref<1x128xi32, #tpu.memory_space<vmem>> -> memref<128xi32, #tpu.memory_space<vmem>>
      %dma_start3A_215 = arith.constant 0 : i32
      %dma_start3A_216 = arith.constant 0 : i32
      %dma_start3A_217 = tpu.memref_slice %arg2[%dma_start3A_215, %dma_start3A_216] : memref<10000x128xf32, #tpu.memory_space<hbm>> -> memref<10000x128xf32, #tpu.memory_space<hbm>>
      tpu.enqueue_indirect_dma source(%dma_start3A_217 : memref<10000x128xf32, #tpu.memory_space<hbm>>) target(%arg10 : memref<128x128xf32, #tpu.memory_space<vmem>>) offsets(%dma_start3A_214 : memref<128xi32, #tpu.memory_space<vmem>>) semaphore(%arg13 : memref<!tpu.dma_semaphore, #tpu.memory_space<semaphore_mem>>)
      %dma_wait3A_218 = arith.constant 12 : i32
      %dma_wait3A_219 = arith.constant 0 : i32
      %dma_wait3A_220 = tpu.memref_slice %arg7[%dma_wait3A_218, %dma_wait3A_219] : memref<16x128xi32, #tpu.memory_space<vmem>> -> memref<1x128xi32, #tpu.memory_space<vmem>>
      %dma_wait3A_221 = tpu.memref_squeeze %dma_wait3A_220 : memref<1x128xi32, #tpu.memory_space<vmem>> -> memref<128xi32, #tpu.memory_space<vmem>>
      %dma_wait3A_222 = arith.constant 0 : i32
      %dma_wait3A_223 = arith.constant 0 : i32
      %dma_wait3A_224 = tpu.memref_slice %arg2[%dma_wait3A_222, %dma_wait3A_223] : memref<10000x128xf32, #tpu.memory_space<hbm>> -> memref<10000x128xf32, #tpu.memory_space<hbm>>
      tpu.wait_indirect_dma semaphore(%arg12 : memref<!tpu.dma_semaphore, #tpu.memory_space<semaphore_mem>>) src(%dma_wait3A_224 : memref<10000x128xf32, #tpu.memory_space<hbm>>) dst(%arg9 : memref<128x128xf32, #tpu.memory_space<vmem>>)
      %run_scoped3A_225 = arith.constant 12 : i32
      "tpu.region"() ({
        %run_scoped3A_264 = tpu.sem_alloc : memref<!tpu.dma_semaphore, #tpu.memory_space<semaphore_mem>>
        %dma_start3A_265 = arith.constant 0 : i32
        %dma_start3A_266 = tpu.memref_slice %arg8[%run_scoped3A_225, %dma_start3A_265] : memref<16x128xi32, #tpu.memory_space<vmem>> -> memref<1x128xi32, #tpu.memory_space<vmem>>
        %dma_start3A_267 = tpu.memref_squeeze %dma_start3A_266 : memref<1x128xi32, #tpu.memory_space<vmem>> -> memref<128xi32, #tpu.memory_space<vmem>>
        %dma_start3A_268 = arith.constant 0 : i32
        %dma_start3A_269 = arith.constant 0 : i32
        %dma_start3A_270 = tpu.memref_slice %arg11[%dma_start3A_268, %dma_start3A_269] : memref<10240x128xf32, #tpu.memory_space<vmem_shared>> -> memref<10240x128xf32, #tpu.memory_space<vmem_shared>>
        tpu.enqueue_indirect_dma source(%arg9 : memref<128x128xf32, #tpu.memory_space<vmem>>) target(%dma_start3A_270 : memref<10240x128xf32, #tpu.memory_space<vmem_shared>>) offsets(%dma_start3A_267 : memref<128xi32, #tpu.memory_space<vmem>>) semaphore(%run_scoped3A_264 : memref<!tpu.dma_semaphore, #tpu.memory_space<semaphore_mem>>) {add = true}
        %dma_wait3A_271 = arith.constant 0 : i32
        %dma_wait3A_272 = tpu.memref_slice %arg8[%run_scoped3A_225, %dma_wait3A_271] : memref<16x128xi32, #tpu.memory_space<vmem>> -> memref<1x128xi32, #tpu.memory_space<vmem>>
        %dma_wait3A_273 = tpu.memref_squeeze %dma_wait3A_272 : memref<1x128xi32, #tpu.memory_space<vmem>> -> memref<128xi32, #tpu.memory_space<vmem>>
        %dma_wait3A_274 = arith.constant 0 : i32
        %dma_wait3A_275 = arith.constant 0 : i32
        %dma_wait3A_276 = tpu.memref_slice %arg11[%dma_wait3A_274, %dma_wait3A_275] : memref<10240x128xf32, #tpu.memory_space<vmem_shared>> -> memref<10240x128xf32, #tpu.memory_space<vmem_shared>>
        tpu.wait_indirect_dma semaphore(%run_scoped3A_264 : memref<!tpu.dma_semaphore, #tpu.memory_space<semaphore_mem>>) src(%arg9 : memref<128x128xf32, #tpu.memory_space<vmem>>) dst(%dma_wait3A_276 : memref<10240x128xf32, #tpu.memory_space<vmem_shared>>)
        tpu.yield
      }) : () -> ()
      %dma_start3A_226 = arith.constant 14 : i32
      %dma_start3A_227 = arith.constant 0 : i32
      %dma_start3A_228 = tpu.memref_slice %arg7[%dma_start3A_226, %dma_start3A_227] : memref<16x128xi32, #tpu.memory_space<vmem>> -> memref<1x128xi32, #tpu.memory_space<vmem>>
      %dma_start3A_229 = tpu.memref_squeeze %dma_start3A_228 : memref<1x128xi32, #tpu.memory_space<vmem>> -> memref<128xi32, #tpu.memory_space<vmem>>
      %dma_start3A_230 = arith.constant 0 : i32
      %dma_start3A_231 = arith.constant 0 : i32
      %dma_start3A_232 = tpu.memref_slice %arg2[%dma_start3A_230, %dma_start3A_231] : memref<10000x128xf32, #tpu.memory_space<hbm>> -> memref<10000x128xf32, #tpu.memory_space<hbm>>
      tpu.enqueue_indirect_dma source(%dma_start3A_232 : memref<10000x128xf32, #tpu.memory_space<hbm>>) target(%arg9 : memref<128x128xf32, #tpu.memory_space<vmem>>) offsets(%dma_start3A_229 : memref<128xi32, #tpu.memory_space<vmem>>) semaphore(%arg12 : memref<!tpu.dma_semaphore, #tpu.memory_space<semaphore_mem>>)
      %dma_wait3A_233 = arith.constant 13 : i32
      %dma_wait3A_234 = arith.constant 0 : i32
      %dma_wait3A_235 = tpu.memref_slice %arg7[%dma_wait3A_233, %dma_wait3A_234] : memref<16x128xi32, #tpu.memory_space<vmem>> -> memref<1x128xi32, #tpu.memory_space<vmem>>
      %dma_wait3A_236 = tpu.memref_squeeze %dma_wait3A_235 : memref<1x128xi32, #tpu.memory_space<vmem>> -> memref<128xi32, #tpu.memory_space<vmem>>
      %dma_wait3A_237 = arith.constant 0 : i32
      %dma_wait3A_238 = arith.constant 0 : i32
      %dma_wait3A_239 = tpu.memref_slice %arg2[%dma_wait3A_237, %dma_wait3A_238] : memref<10000x128xf32, #tpu.memory_space<hbm>> -> memref<10000x128xf32, #tpu.memory_space<hbm>>
      tpu.wait_indirect_dma semaphore(%arg13 : memref<!tpu.dma_semaphore, #tpu.memory_space<semaphore_mem>>) src(%dma_wait3A_239 : memref<10000x128xf32, #tpu.memory_space<hbm>>) dst(%arg10 : memref<128x128xf32, #tpu.memory_space<vmem>>)
      %run_scoped3A_240 = arith.constant 13 : i32
      "tpu.region"() ({
        %run_scoped3A_264 = tpu.sem_alloc : memref<!tpu.dma_semaphore, #tpu.memory_space<semaphore_mem>>
        %dma_start3A_265 = arith.constant 0 : i32
        %dma_start3A_266 = tpu.memref_slice %arg8[%run_scoped3A_240, %dma_start3A_265] : memref<16x128xi32, #tpu.memory_space<vmem>> -> memref<1x128xi32, #tpu.memory_space<vmem>>
        %dma_start3A_267 = tpu.memref_squeeze %dma_start3A_266 : memref<1x128xi32, #tpu.memory_space<vmem>> -> memref<128xi32, #tpu.memory_space<vmem>>
        %dma_start3A_268 = arith.constant 0 : i32
        %dma_start3A_269 = arith.constant 0 : i32
        %dma_start3A_270 = tpu.memref_slice %arg11[%dma_start3A_268, %dma_start3A_269] : memref<10240x128xf32, #tpu.memory_space<vmem_shared>> -> memref<10240x128xf32, #tpu.memory_space<vmem_shared>>
        tpu.enqueue_indirect_dma source(%arg10 : memref<128x128xf32, #tpu.memory_space<vmem>>) target(%dma_start3A_270 : memref<10240x128xf32, #tpu.memory_space<vmem_shared>>) offsets(%dma_start3A_267 : memref<128xi32, #tpu.memory_space<vmem>>) semaphore(%run_scoped3A_264 : memref<!tpu.dma_semaphore, #tpu.memory_space<semaphore_mem>>) {add = true}
        %dma_wait3A_271 = arith.constant 0 : i32
        %dma_wait3A_272 = tpu.memref_slice %arg8[%run_scoped3A_240, %dma_wait3A_271] : memref<16x128xi32, #tpu.memory_space<vmem>> -> memref<1x128xi32, #tpu.memory_space<vmem>>
        %dma_wait3A_273 = tpu.memref_squeeze %dma_wait3A_272 : memref<1x128xi32, #tpu.memory_space<vmem>> -> memref<128xi32, #tpu.memory_space<vmem>>
        %dma_wait3A_274 = arith.constant 0 : i32
        %dma_wait3A_275 = arith.constant 0 : i32
        %dma_wait3A_276 = tpu.memref_slice %arg11[%dma_wait3A_274, %dma_wait3A_275] : memref<10240x128xf32, #tpu.memory_space<vmem_shared>> -> memref<10240x128xf32, #tpu.memory_space<vmem_shared>>
        tpu.wait_indirect_dma semaphore(%run_scoped3A_264 : memref<!tpu.dma_semaphore, #tpu.memory_space<semaphore_mem>>) src(%arg10 : memref<128x128xf32, #tpu.memory_space<vmem>>) dst(%dma_wait3A_276 : memref<10240x128xf32, #tpu.memory_space<vmem_shared>>)
        tpu.yield
      }) : () -> ()
      %dma_start3A_241 = arith.constant 15 : i32
      %dma_start3A_242 = arith.constant 0 : i32
      %dma_start3A_243 = tpu.memref_slice %arg7[%dma_start3A_241, %dma_start3A_242] : memref<16x128xi32, #tpu.memory_space<vmem>> -> memref<1x128xi32, #tpu.memory_space<vmem>>
      %dma_start3A_244 = tpu.memref_squeeze %dma_start3A_243 : memref<1x128xi32, #tpu.memory_space<vmem>> -> memref<128xi32, #tpu.memory_space<vmem>>
      %dma_start3A_245 = arith.constant 0 : i32
      %dma_start3A_246 = arith.constant 0 : i32
      %dma_start3A_247 = tpu.memref_slice %arg2[%dma_start3A_245, %dma_start3A_246] : memref<10000x128xf32, #tpu.memory_space<hbm>> -> memref<10000x128xf32, #tpu.memory_space<hbm>>
      tpu.enqueue_indirect_dma source(%dma_start3A_247 : memref<10000x128xf32, #tpu.memory_space<hbm>>) target(%arg10 : memref<128x128xf32, #tpu.memory_space<vmem>>) offsets(%dma_start3A_244 : memref<128xi32, #tpu.memory_space<vmem>>) semaphore(%arg13 : memref<!tpu.dma_semaphore, #tpu.memory_space<semaphore_mem>>)
      %dma_wait3A_248 = arith.constant 14 : i32
      %dma_wait3A_249 = arith.constant 0 : i32
      %dma_wait3A_250 = tpu.memref_slice %arg7[%dma_wait3A_248, %dma_wait3A_249] : memref<16x128xi32, #tpu.memory_space<vmem>> -> memref<1x128xi32, #tpu.memory_space<vmem>>
      %dma_wait3A_251 = tpu.memref_squeeze %dma_wait3A_250 : memref<1x128xi32, #tpu.memory_space<vmem>> -> memref<128xi32, #tpu.memory_space<vmem>>
      %dma_wait3A_252 = arith.constant 0 : i32
      %dma_wait3A_253 = arith.constant 0 : i32
      %dma_wait3A_254 = tpu.memref_slice %arg2[%dma_wait3A_252, %dma_wait3A_253] : memref<10000x128xf32, #tpu.memory_space<hbm>> -> memref<10000x128xf32, #tpu.memory_space<hbm>>
      tpu.wait_indirect_dma semaphore(%arg12 : memref<!tpu.dma_semaphore, #tpu.memory_space<semaphore_mem>>) src(%dma_wait3A_254 : memref<10000x128xf32, #tpu.memory_space<hbm>>) dst(%arg9 : memref<128x128xf32, #tpu.memory_space<vmem>>)
      %run_scoped3A_255 = arith.constant 14 : i32
      "tpu.region"() ({
        %run_scoped3A_264 = tpu.sem_alloc : memref<!tpu.dma_semaphore, #tpu.memory_space<semaphore_mem>>
        %dma_start3A_265 = arith.constant 0 : i32
        %dma_start3A_266 = tpu.memref_slice %arg8[%run_scoped3A_255, %dma_start3A_265] : memref<16x128xi32, #tpu.memory_space<vmem>> -> memref<1x128xi32, #tpu.memory_space<vmem>>
        %dma_start3A_267 = tpu.memref_squeeze %dma_start3A_266 : memref<1x128xi32, #tpu.memory_space<vmem>> -> memref<128xi32, #tpu.memory_space<vmem>>
        %dma_start3A_268 = arith.constant 0 : i32
        %dma_start3A_269 = arith.constant 0 : i32
        %dma_start3A_270 = tpu.memref_slice %arg11[%dma_start3A_268, %dma_start3A_269] : memref<10240x128xf32, #tpu.memory_space<vmem_shared>> -> memref<10240x128xf32, #tpu.memory_space<vmem_shared>>
        tpu.enqueue_indirect_dma source(%arg9 : memref<128x128xf32, #tpu.memory_space<vmem>>) target(%dma_start3A_270 : memref<10240x128xf32, #tpu.memory_space<vmem_shared>>) offsets(%dma_start3A_267 : memref<128xi32, #tpu.memory_space<vmem>>) semaphore(%run_scoped3A_264 : memref<!tpu.dma_semaphore, #tpu.memory_space<semaphore_mem>>) {add = true}
        %dma_wait3A_271 = arith.constant 0 : i32
        %dma_wait3A_272 = tpu.memref_slice %arg8[%run_scoped3A_255, %dma_wait3A_271] : memref<16x128xi32, #tpu.memory_space<vmem>> -> memref<1x128xi32, #tpu.memory_space<vmem>>
        %dma_wait3A_273 = tpu.memref_squeeze %dma_wait3A_272 : memref<1x128xi32, #tpu.memory_space<vmem>> -> memref<128xi32, #tpu.memory_space<vmem>>
        %dma_wait3A_274 = arith.constant 0 : i32
        %dma_wait3A_275 = arith.constant 0 : i32
        %dma_wait3A_276 = tpu.memref_slice %arg11[%dma_wait3A_274, %dma_wait3A_275] : memref<10240x128xf32, #tpu.memory_space<vmem_shared>> -> memref<10240x128xf32, #tpu.memory_space<vmem_shared>>
        tpu.wait_indirect_dma semaphore(%run_scoped3A_264 : memref<!tpu.dma_semaphore, #tpu.memory_space<semaphore_mem>>) src(%arg9 : memref<128x128xf32, #tpu.memory_space<vmem>>) dst(%dma_wait3A_276 : memref<10240x128xf32, #tpu.memory_space<vmem_shared>>)
        tpu.yield
      }) : () -> ()
      %dma_wait3A_256 = arith.constant 15 : i32
      %dma_wait3A_257 = arith.constant 0 : i32
      %dma_wait3A_258 = tpu.memref_slice %arg7[%dma_wait3A_256, %dma_wait3A_257] : memref<16x128xi32, #tpu.memory_space<vmem>> -> memref<1x128xi32, #tpu.memory_space<vmem>>
      %dma_wait3A_259 = tpu.memref_squeeze %dma_wait3A_258 : memref<1x128xi32, #tpu.memory_space<vmem>> -> memref<128xi32, #tpu.memory_space<vmem>>
      %dma_wait3A_260 = arith.constant 0 : i32
      %dma_wait3A_261 = arith.constant 0 : i32
      %dma_wait3A_262 = tpu.memref_slice %arg2[%dma_wait3A_260, %dma_wait3A_261] : memref<10000x128xf32, #tpu.memory_space<hbm>> -> memref<10000x128xf32, #tpu.memory_space<hbm>>
      tpu.wait_indirect_dma semaphore(%arg13 : memref<!tpu.dma_semaphore, #tpu.memory_space<semaphore_mem>>) src(%dma_wait3A_262 : memref<10000x128xf32, #tpu.memory_space<hbm>>) dst(%arg10 : memref<128x128xf32, #tpu.memory_space<vmem>>)
      %run_scoped3A_263 = arith.constant 15 : i32
      "tpu.region"() ({
        %run_scoped3A_264 = tpu.sem_alloc : memref<!tpu.dma_semaphore, #tpu.memory_space<semaphore_mem>>
        %dma_start3A_265 = arith.constant 0 : i32
        %dma_start3A_266 = tpu.memref_slice %arg8[%run_scoped3A_263, %dma_start3A_265] : memref<16x128xi32, #tpu.memory_space<vmem>> -> memref<1x128xi32, #tpu.memory_space<vmem>>
        %dma_start3A_267 = tpu.memref_squeeze %dma_start3A_266 : memref<1x128xi32, #tpu.memory_space<vmem>> -> memref<128xi32, #tpu.memory_space<vmem>>
        %dma_start3A_268 = arith.constant 0 : i32
        %dma_start3A_269 = arith.constant 0 : i32
        %dma_start3A_270 = tpu.memref_slice %arg11[%dma_start3A_268, %dma_start3A_269] : memref<10240x128xf32, #tpu.memory_space<vmem_shared>> -> memref<10240x128xf32, #tpu.memory_space<vmem_shared>>
        tpu.enqueue_indirect_dma source(%arg10 : memref<128x128xf32, #tpu.memory_space<vmem>>) target(%dma_start3A_270 : memref<10240x128xf32, #tpu.memory_space<vmem_shared>>) offsets(%dma_start3A_267 : memref<128xi32, #tpu.memory_space<vmem>>) semaphore(%run_scoped3A_264 : memref<!tpu.dma_semaphore, #tpu.memory_space<semaphore_mem>>) {add = true}
        %dma_wait3A_271 = arith.constant 0 : i32
        %dma_wait3A_272 = tpu.memref_slice %arg8[%run_scoped3A_263, %dma_wait3A_271] : memref<16x128xi32, #tpu.memory_space<vmem>> -> memref<1x128xi32, #tpu.memory_space<vmem>>
        %dma_wait3A_273 = tpu.memref_squeeze %dma_wait3A_272 : memref<1x128xi32, #tpu.memory_space<vmem>> -> memref<128xi32, #tpu.memory_space<vmem>>
        %dma_wait3A_274 = arith.constant 0 : i32
        %dma_wait3A_275 = arith.constant 0 : i32
        %dma_wait3A_276 = tpu.memref_slice %arg11[%dma_wait3A_274, %dma_wait3A_275] : memref<10240x128xf32, #tpu.memory_space<vmem_shared>> -> memref<10240x128xf32, #tpu.memory_space<vmem_shared>>
        tpu.wait_indirect_dma semaphore(%run_scoped3A_264 : memref<!tpu.dma_semaphore, #tpu.memory_space<semaphore_mem>>) src(%arg10 : memref<128x128xf32, #tpu.memory_space<vmem>>) dst(%dma_wait3A_276 : memref<10240x128xf32, #tpu.memory_space<vmem_shared>>)
        tpu.yield
      }) : () -> ()
    }
    %while3A_17 = arith.constant 1 : i32
    scf.for %while3A_23 = %while3A_15 to %while3A_11 step %while3A_17  : i32 {
      %mul3A_24 = arith.constant 16 : i32
      %mul3A_25 = arith.muli %while3A_23, %mul3A_24 : i32
      %add3A_26 = arith.addi %select_n3A, %mul3A_25 : i32
      "tpu.region"() ({
        %run_scoped3A_264 = tpu.sem_alloc : memref<!tpu.dma_semaphore, #tpu.memory_space<semaphore_mem>>
        %dma_start3A_265 = arith.constant 0 : i32
        %dma_start3A_266 = tpu.memref_slice %arg3[%add3A_26, %dma_start3A_265] : memref<2560x128xi32, #tpu.memory_space<hbm>> -> memref<16x128xi32, #tpu.memory_space<hbm>>
        %dma_start3A_267 = arith.constant 0 : i32
        %dma_start3A_268 = tpu.memref_slice %arg3[%add3A_26, %dma_start3A_267] : memref<2560x128xi32, #tpu.memory_space<hbm>> -> memref<16x128xi32, #tpu.memory_space<hbm>>
        tpu.enqueue_dma source(%dma_start3A_268 : memref<16x128xi32, #tpu.memory_space<hbm>>) target(%arg7 : memref<16x128xi32, #tpu.memory_space<vmem>>) target_semaphore(%run_scoped3A_264 : memref<!tpu.dma_semaphore, #tpu.memory_space<semaphore_mem>>)
        %dma_wait3A_269 = arith.constant 0 : i32
        %dma_wait3A_270 = tpu.memref_slice %arg3[%add3A_26, %dma_wait3A_269] : memref<2560x128xi32, #tpu.memory_space<hbm>> -> memref<16x128xi32, #tpu.memory_space<hbm>>
        %dma_wait3A_271 = arith.constant 0 : i32
        %dma_wait3A_272 = tpu.memref_slice %arg3[%add3A_26, %dma_wait3A_271] : memref<2560x128xi32, #tpu.memory_space<hbm>> -> memref<16x128xi32, #tpu.memory_space<hbm>>
        tpu.wait_dma2 semaphore(%run_scoped3A_264 : memref<!tpu.dma_semaphore, #tpu.memory_space<semaphore_mem>>) src(%dma_wait3A_272 : memref<16x128xi32, #tpu.memory_space<hbm>>) dst(%arg7 : memref<16x128xi32, #tpu.memory_space<vmem>>)
        tpu.yield
      }) : () -> ()
      "tpu.region"() ({
        %run_scoped3A_264 = tpu.sem_alloc : memref<!tpu.dma_semaphore, #tpu.memory_space<semaphore_mem>>
        %dma_start3A_265 = arith.constant 0 : i32
        %dma_start3A_266 = tpu.memref_slice %arg4[%add3A_26, %dma_start3A_265] : memref<2560x128xi32, #tpu.memory_space<hbm>> -> memref<16x128xi32, #tpu.memory_space<hbm>>
        %dma_start3A_267 = arith.constant 0 : i32
        %dma_start3A_268 = tpu.memref_slice %arg4[%add3A_26, %dma_start3A_267] : memref<2560x128xi32, #tpu.memory_space<hbm>> -> memref<16x128xi32, #tpu.memory_space<hbm>>
        tpu.enqueue_dma source(%dma_start3A_268 : memref<16x128xi32, #tpu.memory_space<hbm>>) target(%arg8 : memref<16x128xi32, #tpu.memory_space<vmem>>) target_semaphore(%run_scoped3A_264 : memref<!tpu.dma_semaphore, #tpu.memory_space<semaphore_mem>>)
        %dma_wait3A_269 = arith.constant 0 : i32
        %dma_wait3A_270 = tpu.memref_slice %arg4[%add3A_26, %dma_wait3A_269] : memref<2560x128xi32, #tpu.memory_space<hbm>> -> memref<16x128xi32, #tpu.memory_space<hbm>>
        %dma_wait3A_271 = arith.constant 0 : i32
        %dma_wait3A_272 = tpu.memref_slice %arg4[%add3A_26, %dma_wait3A_271] : memref<2560x128xi32, #tpu.memory_space<hbm>> -> memref<16x128xi32, #tpu.memory_space<hbm>>
        tpu.wait_dma2 semaphore(%run_scoped3A_264 : memref<!tpu.dma_semaphore, #tpu.memory_space<semaphore_mem>>) src(%dma_wait3A_272 : memref<16x128xi32, #tpu.memory_space<hbm>>) dst(%arg8 : memref<16x128xi32, #tpu.memory_space<vmem>>)
        tpu.yield
      }) : () -> ()
      %dma_start3A = arith.constant 0 : i32
      %dma_start3A_27 = arith.constant 0 : i32
      %dma_start3A_28 = tpu.memref_slice %arg7[%dma_start3A, %dma_start3A_27] : memref<16x128xi32, #tpu.memory_space<vmem>> -> memref<1x128xi32, #tpu.memory_space<vmem>>
      %dma_start3A_29 = tpu.memref_squeeze %dma_start3A_28 : memref<1x128xi32, #tpu.memory_space<vmem>> -> memref<128xi32, #tpu.memory_space<vmem>>
      %dma_start3A_30 = arith.constant 0 : i32
      %dma_start3A_31 = arith.constant 0 : i32
      %dma_start3A_32 = tpu.memref_slice %arg2[%dma_start3A_30, %dma_start3A_31] : memref<10000x128xf32, #tpu.memory_space<hbm>> -> memref<10000x128xf32, #tpu.memory_space<hbm>>
      tpu.enqueue_indirect_dma source(%dma_start3A_32 : memref<10000x128xf32, #tpu.memory_space<hbm>>) target(%arg9 : memref<128x128xf32, #tpu.memory_space<vmem>>) offsets(%dma_start3A_29 : memref<128xi32, #tpu.memory_space<vmem>>) semaphore(%arg12 : memref<!tpu.dma_semaphore, #tpu.memory_space<semaphore_mem>>)
      %dma_start3A_33 = arith.constant 1 : i32
      %dma_start3A_34 = arith.constant 0 : i32
      %dma_start3A_35 = tpu.memref_slice %arg7[%dma_start3A_33, %dma_start3A_34] : memref<16x128xi32, #tpu.memory_space<vmem>> -> memref<1x128xi32, #tpu.memory_space<vmem>>
      %dma_start3A_36 = tpu.memref_squeeze %dma_start3A_35 : memref<1x128xi32, #tpu.memory_space<vmem>> -> memref<128xi32, #tpu.memory_space<vmem>>
      %dma_start3A_37 = arith.constant 0 : i32
      %dma_start3A_38 = arith.constant 0 : i32
      %dma_start3A_39 = tpu.memref_slice %arg2[%dma_start3A_37, %dma_start3A_38] : memref<10000x128xf32, #tpu.memory_space<hbm>> -> memref<10000x128xf32, #tpu.memory_space<hbm>>
      tpu.enqueue_indirect_dma source(%dma_start3A_39 : memref<10000x128xf32, #tpu.memory_space<hbm>>) target(%arg10 : memref<128x128xf32, #tpu.memory_space<vmem>>) offsets(%dma_start3A_36 : memref<128xi32, #tpu.memory_space<vmem>>) semaphore(%arg13 : memref<!tpu.dma_semaphore, #tpu.memory_space<semaphore_mem>>)
      %dma_wait3A = arith.constant 0 : i32
      %dma_wait3A_40 = arith.constant 0 : i32
      %dma_wait3A_41 = tpu.memref_slice %arg7[%dma_wait3A, %dma_wait3A_40] : memref<16x128xi32, #tpu.memory_space<vmem>> -> memref<1x128xi32, #tpu.memory_space<vmem>>
      %dma_wait3A_42 = tpu.memref_squeeze %dma_wait3A_41 : memref<1x128xi32, #tpu.memory_space<vmem>> -> memref<128xi32, #tpu.memory_space<vmem>>
      %dma_wait3A_43 = arith.constant 0 : i32
      %dma_wait3A_44 = arith.constant 0 : i32
      %dma_wait3A_45 = tpu.memref_slice %arg2[%dma_wait3A_43, %dma_wait3A_44] : memref<10000x128xf32, #tpu.memory_space<hbm>> -> memref<10000x128xf32, #tpu.memory_space<hbm>>
      tpu.wait_indirect_dma semaphore(%arg12 : memref<!tpu.dma_semaphore, #tpu.memory_space<semaphore_mem>>) src(%dma_wait3A_45 : memref<10000x128xf32, #tpu.memory_space<hbm>>) dst(%arg9 : memref<128x128xf32, #tpu.memory_space<vmem>>)
      %run_scoped3A = arith.constant 0 : i32
      "tpu.region"() ({
        %run_scoped3A_264 = tpu.sem_alloc : memref<!tpu.dma_semaphore, #tpu.memory_space<semaphore_mem>>
        %dma_start3A_265 = arith.constant 0 : i32
        %dma_start3A_266 = tpu.memref_slice %arg8[%run_scoped3A, %dma_start3A_265] : memref<16x128xi32, #tpu.memory_space<vmem>> -> memref<1x128xi32, #tpu.memory_space<vmem>>
        %dma_start3A_267 = tpu.memref_squeeze %dma_start3A_266 : memref<1x128xi32, #tpu.memory_space<vmem>> -> memref<128xi32, #tpu.memory_space<vmem>>
        %dma_start3A_268 = arith.constant 0 : i32
        %dma_start3A_269 = arith.constant 0 : i32
        %dma_start3A_270 = tpu.memref_slice %arg11[%dma_start3A_268, %dma_start3A_269] : memref<10240x128xf32, #tpu.memory_space<vmem_shared>> -> memref<10240x128xf32, #tpu.memory_space<vmem_shared>>
        tpu.enqueue_indirect_dma source(%arg9 : memref<128x128xf32, #tpu.memory_space<vmem>>) target(%dma_start3A_270 : memref<10240x128xf32, #tpu.memory_space<vmem_shared>>) offsets(%dma_start3A_267 : memref<128xi32, #tpu.memory_space<vmem>>) semaphore(%run_scoped3A_264 : memref<!tpu.dma_semaphore, #tpu.memory_space<semaphore_mem>>) {add = true}
        %dma_wait3A_271 = arith.constant 0 : i32
        %dma_wait3A_272 = tpu.memref_slice %arg8[%run_scoped3A, %dma_wait3A_271] : memref<16x128xi32, #tpu.memory_space<vmem>> -> memref<1x128xi32, #tpu.memory_space<vmem>>
        %dma_wait3A_273 = tpu.memref_squeeze %dma_wait3A_272 : memref<1x128xi32, #tpu.memory_space<vmem>> -> memref<128xi32, #tpu.memory_space<vmem>>
        %dma_wait3A_274 = arith.constant 0 : i32
        %dma_wait3A_275 = arith.constant 0 : i32
        %dma_wait3A_276 = tpu.memref_slice %arg11[%dma_wait3A_274, %dma_wait3A_275] : memref<10240x128xf32, #tpu.memory_space<vmem_shared>> -> memref<10240x128xf32, #tpu.memory_space<vmem_shared>>
        tpu.wait_indirect_dma semaphore(%run_scoped3A_264 : memref<!tpu.dma_semaphore, #tpu.memory_space<semaphore_mem>>) src(%arg9 : memref<128x128xf32, #tpu.memory_space<vmem>>) dst(%dma_wait3A_276 : memref<10240x128xf32, #tpu.memory_space<vmem_shared>>)
        tpu.yield
      }) : () -> ()
      %dma_start3A_46 = arith.constant 2 : i32
      %dma_start3A_47 = arith.constant 0 : i32
      %dma_start3A_48 = tpu.memref_slice %arg7[%dma_start3A_46, %dma_start3A_47] : memref<16x128xi32, #tpu.memory_space<vmem>> -> memref<1x128xi32, #tpu.memory_space<vmem>>
      %dma_start3A_49 = tpu.memref_squeeze %dma_start3A_48 : memref<1x128xi32, #tpu.memory_space<vmem>> -> memref<128xi32, #tpu.memory_space<vmem>>
      %dma_start3A_50 = arith.constant 0 : i32
      %dma_start3A_51 = arith.constant 0 : i32
      %dma_start3A_52 = tpu.memref_slice %arg2[%dma_start3A_50, %dma_start3A_51] : memref<10000x128xf32, #tpu.memory_space<hbm>> -> memref<10000x128xf32, #tpu.memory_space<hbm>>
      tpu.enqueue_indirect_dma source(%dma_start3A_52 : memref<10000x128xf32, #tpu.memory_space<hbm>>) target(%arg9 : memref<128x128xf32, #tpu.memory_space<vmem>>) offsets(%dma_start3A_49 : memref<128xi32, #tpu.memory_space<vmem>>) semaphore(%arg12 : memref<!tpu.dma_semaphore, #tpu.memory_space<semaphore_mem>>)
      %dma_wait3A_53 = arith.constant 1 : i32
      %dma_wait3A_54 = arith.constant 0 : i32
      %dma_wait3A_55 = tpu.memref_slice %arg7[%dma_wait3A_53, %dma_wait3A_54] : memref<16x128xi32, #tpu.memory_space<vmem>> -> memref<1x128xi32, #tpu.memory_space<vmem>>
      %dma_wait3A_56 = tpu.memref_squeeze %dma_wait3A_55 : memref<1x128xi32, #tpu.memory_space<vmem>> -> memref<128xi32, #tpu.memory_space<vmem>>
      %dma_wait3A_57 = arith.constant 0 : i32
      %dma_wait3A_58 = arith.constant 0 : i32
      %dma_wait3A_59 = tpu.memref_slice %arg2[%dma_wait3A_57, %dma_wait3A_58] : memref<10000x128xf32, #tpu.memory_space<hbm>> -> memref<10000x128xf32, #tpu.memory_space<hbm>>
      tpu.wait_indirect_dma semaphore(%arg13 : memref<!tpu.dma_semaphore, #tpu.memory_space<semaphore_mem>>) src(%dma_wait3A_59 : memref<10000x128xf32, #tpu.memory_space<hbm>>) dst(%arg10 : memref<128x128xf32, #tpu.memory_space<vmem>>)
      %run_scoped3A_60 = arith.constant 1 : i32
      "tpu.region"() ({
        %run_scoped3A_264 = tpu.sem_alloc : memref<!tpu.dma_semaphore, #tpu.memory_space<semaphore_mem>>
        %dma_start3A_265 = arith.constant 0 : i32
        %dma_start3A_266 = tpu.memref_slice %arg8[%run_scoped3A_60, %dma_start3A_265] : memref<16x128xi32, #tpu.memory_space<vmem>> -> memref<1x128xi32, #tpu.memory_space<vmem>>
        %dma_start3A_267 = tpu.memref_squeeze %dma_start3A_266 : memref<1x128xi32, #tpu.memory_space<vmem>> -> memref<128xi32, #tpu.memory_space<vmem>>
        %dma_start3A_268 = arith.constant 0 : i32
        %dma_start3A_269 = arith.constant 0 : i32
        %dma_start3A_270 = tpu.memref_slice %arg11[%dma_start3A_268, %dma_start3A_269] : memref<10240x128xf32, #tpu.memory_space<vmem_shared>> -> memref<10240x128xf32, #tpu.memory_space<vmem_shared>>
        tpu.enqueue_indirect_dma source(%arg10 : memref<128x128xf32, #tpu.memory_space<vmem>>) target(%dma_start3A_270 : memref<10240x128xf32, #tpu.memory_space<vmem_shared>>) offsets(%dma_start3A_267 : memref<128xi32, #tpu.memory_space<vmem>>) semaphore(%run_scoped3A_264 : memref<!tpu.dma_semaphore, #tpu.memory_space<semaphore_mem>>) {add = true}
        %dma_wait3A_271 = arith.constant 0 : i32
        %dma_wait3A_272 = tpu.memref_slice %arg8[%run_scoped3A_60, %dma_wait3A_271] : memref<16x128xi32, #tpu.memory_space<vmem>> -> memref<1x128xi32, #tpu.memory_space<vmem>>
        %dma_wait3A_273 = tpu.memref_squeeze %dma_wait3A_272 : memref<1x128xi32, #tpu.memory_space<vmem>> -> memref<128xi32, #tpu.memory_space<vmem>>
        %dma_wait3A_274 = arith.constant 0 : i32
        %dma_wait3A_275 = arith.constant 0 : i32
        %dma_wait3A_276 = tpu.memref_slice %arg11[%dma_wait3A_274, %dma_wait3A_275] : memref<10240x128xf32, #tpu.memory_space<vmem_shared>> -> memref<10240x128xf32, #tpu.memory_space<vmem_shared>>
        tpu.wait_indirect_dma semaphore(%run_scoped3A_264 : memref<!tpu.dma_semaphore, #tpu.memory_space<semaphore_mem>>) src(%arg10 : memref<128x128xf32, #tpu.memory_space<vmem>>) dst(%dma_wait3A_276 : memref<10240x128xf32, #tpu.memory_space<vmem_shared>>)
        tpu.yield
      }) : () -> ()
      %dma_start3A_61 = arith.constant 3 : i32
      %dma_start3A_62 = arith.constant 0 : i32
      %dma_start3A_63 = tpu.memref_slice %arg7[%dma_start3A_61, %dma_start3A_62] : memref<16x128xi32, #tpu.memory_space<vmem>> -> memref<1x128xi32, #tpu.memory_space<vmem>>
      %dma_start3A_64 = tpu.memref_squeeze %dma_start3A_63 : memref<1x128xi32, #tpu.memory_space<vmem>> -> memref<128xi32, #tpu.memory_space<vmem>>
      %dma_start3A_65 = arith.constant 0 : i32
      %dma_start3A_66 = arith.constant 0 : i32
      %dma_start3A_67 = tpu.memref_slice %arg2[%dma_start3A_65, %dma_start3A_66] : memref<10000x128xf32, #tpu.memory_space<hbm>> -> memref<10000x128xf32, #tpu.memory_space<hbm>>
      tpu.enqueue_indirect_dma source(%dma_start3A_67 : memref<10000x128xf32, #tpu.memory_space<hbm>>) target(%arg10 : memref<128x128xf32, #tpu.memory_space<vmem>>) offsets(%dma_start3A_64 : memref<128xi32, #tpu.memory_space<vmem>>) semaphore(%arg13 : memref<!tpu.dma_semaphore, #tpu.memory_space<semaphore_mem>>)
      %dma_wait3A_68 = arith.constant 2 : i32
      %dma_wait3A_69 = arith.constant 0 : i32
      %dma_wait3A_70 = tpu.memref_slice %arg7[%dma_wait3A_68, %dma_wait3A_69] : memref<16x128xi32, #tpu.memory_space<vmem>> -> memref<1x128xi32, #tpu.memory_space<vmem>>
      %dma_wait3A_71 = tpu.memref_squeeze %dma_wait3A_70 : memref<1x128xi32, #tpu.memory_space<vmem>> -> memref<128xi32, #tpu.memory_space<vmem>>
      %dma_wait3A_72 = arith.constant 0 : i32
      %dma_wait3A_73 = arith.constant 0 : i32
      %dma_wait3A_74 = tpu.memref_slice %arg2[%dma_wait3A_72, %dma_wait3A_73] : memref<10000x128xf32, #tpu.memory_space<hbm>> -> memref<10000x128xf32, #tpu.memory_space<hbm>>
      tpu.wait_indirect_dma semaphore(%arg12 : memref<!tpu.dma_semaphore, #tpu.memory_space<semaphore_mem>>) src(%dma_wait3A_74 : memref<10000x128xf32, #tpu.memory_space<hbm>>) dst(%arg9 : memref<128x128xf32, #tpu.memory_space<vmem>>)
      %run_scoped3A_75 = arith.constant 2 : i32
      "tpu.region"() ({
        %run_scoped3A_264 = tpu.sem_alloc : memref<!tpu.dma_semaphore, #tpu.memory_space<semaphore_mem>>
        %dma_start3A_265 = arith.constant 0 : i32
        %dma_start3A_266 = tpu.memref_slice %arg8[%run_scoped3A_75, %dma_start3A_265] : memref<16x128xi32, #tpu.memory_space<vmem>> -> memref<1x128xi32, #tpu.memory_space<vmem>>
        %dma_start3A_267 = tpu.memref_squeeze %dma_start3A_266 : memref<1x128xi32, #tpu.memory_space<vmem>> -> memref<128xi32, #tpu.memory_space<vmem>>
        %dma_start3A_268 = arith.constant 0 : i32
        %dma_start3A_269 = arith.constant 0 : i32
        %dma_start3A_270 = tpu.memref_slice %arg11[%dma_start3A_268, %dma_start3A_269] : memref<10240x128xf32, #tpu.memory_space<vmem_shared>> -> memref<10240x128xf32, #tpu.memory_space<vmem_shared>>
        tpu.enqueue_indirect_dma source(%arg9 : memref<128x128xf32, #tpu.memory_space<vmem>>) target(%dma_start3A_270 : memref<10240x128xf32, #tpu.memory_space<vmem_shared>>) offsets(%dma_start3A_267 : memref<128xi32, #tpu.memory_space<vmem>>) semaphore(%run_scoped3A_264 : memref<!tpu.dma_semaphore, #tpu.memory_space<semaphore_mem>>) {add = true}
        %dma_wait3A_271 = arith.constant 0 : i32
        %dma_wait3A_272 = tpu.memref_slice %arg8[%run_scoped3A_75, %dma_wait3A_271] : memref<16x128xi32, #tpu.memory_space<vmem>> -> memref<1x128xi32, #tpu.memory_space<vmem>>
        %dma_wait3A_273 = tpu.memref_squeeze %dma_wait3A_272 : memref<1x128xi32, #tpu.memory_space<vmem>> -> memref<128xi32, #tpu.memory_space<vmem>>
        %dma_wait3A_274 = arith.constant 0 : i32
        %dma_wait3A_275 = arith.constant 0 : i32
        %dma_wait3A_276 = tpu.memref_slice %arg11[%dma_wait3A_274, %dma_wait3A_275] : memref<10240x128xf32, #tpu.memory_space<vmem_shared>> -> memref<10240x128xf32, #tpu.memory_space<vmem_shared>>
        tpu.wait_indirect_dma semaphore(%run_scoped3A_264 : memref<!tpu.dma_semaphore, #tpu.memory_space<semaphore_mem>>) src(%arg9 : memref<128x128xf32, #tpu.memory_space<vmem>>) dst(%dma_wait3A_276 : memref<10240x128xf32, #tpu.memory_space<vmem_shared>>)
        tpu.yield
      }) : () -> ()
      %dma_start3A_76 = arith.constant 4 : i32
      %dma_start3A_77 = arith.constant 0 : i32
      %dma_start3A_78 = tpu.memref_slice %arg7[%dma_start3A_76, %dma_start3A_77] : memref<16x128xi32, #tpu.memory_space<vmem>> -> memref<1x128xi32, #tpu.memory_space<vmem>>
      %dma_start3A_79 = tpu.memref_squeeze %dma_start3A_78 : memref<1x128xi32, #tpu.memory_space<vmem>> -> memref<128xi32, #tpu.memory_space<vmem>>
      %dma_start3A_80 = arith.constant 0 : i32
      %dma_start3A_81 = arith.constant 0 : i32
      %dma_start3A_82 = tpu.memref_slice %arg2[%dma_start3A_80, %dma_start3A_81] : memref<10000x128xf32, #tpu.memory_space<hbm>> -> memref<10000x128xf32, #tpu.memory_space<hbm>>
      tpu.enqueue_indirect_dma source(%dma_start3A_82 : memref<10000x128xf32, #tpu.memory_space<hbm>>) target(%arg9 : memref<128x128xf32, #tpu.memory_space<vmem>>) offsets(%dma_start3A_79 : memref<128xi32, #tpu.memory_space<vmem>>) semaphore(%arg12 : memref<!tpu.dma_semaphore, #tpu.memory_space<semaphore_mem>>)
      %dma_wait3A_83 = arith.constant 3 : i32
      %dma_wait3A_84 = arith.constant 0 : i32
      %dma_wait3A_85 = tpu.memref_slice %arg7[%dma_wait3A_83, %dma_wait3A_84] : memref<16x128xi32, #tpu.memory_space<vmem>> -> memref<1x128xi32, #tpu.memory_space<vmem>>
      %dma_wait3A_86 = tpu.memref_squeeze %dma_wait3A_85 : memref<1x128xi32, #tpu.memory_space<vmem>> -> memref<128xi32, #tpu.memory_space<vmem>>
      %dma_wait3A_87 = arith.constant 0 : i32
      %dma_wait3A_88 = arith.constant 0 : i32
      %dma_wait3A_89 = tpu.memref_slice %arg2[%dma_wait3A_87, %dma_wait3A_88] : memref<10000x128xf32, #tpu.memory_space<hbm>> -> memref<10000x128xf32, #tpu.memory_space<hbm>>
      tpu.wait_indirect_dma semaphore(%arg13 : memref<!tpu.dma_semaphore, #tpu.memory_space<semaphore_mem>>) src(%dma_wait3A_89 : memref<10000x128xf32, #tpu.memory_space<hbm>>) dst(%arg10 : memref<128x128xf32, #tpu.memory_space<vmem>>)
      %run_scoped3A_90 = arith.constant 3 : i32
      "tpu.region"() ({
        %run_scoped3A_264 = tpu.sem_alloc : memref<!tpu.dma_semaphore, #tpu.memory_space<semaphore_mem>>
        %dma_start3A_265 = arith.constant 0 : i32
        %dma_start3A_266 = tpu.memref_slice %arg8[%run_scoped3A_90, %dma_start3A_265] : memref<16x128xi32, #tpu.memory_space<vmem>> -> memref<1x128xi32, #tpu.memory_space<vmem>>
        %dma_start3A_267 = tpu.memref_squeeze %dma_start3A_266 : memref<1x128xi32, #tpu.memory_space<vmem>> -> memref<128xi32, #tpu.memory_space<vmem>>
        %dma_start3A_268 = arith.constant 0 : i32
        %dma_start3A_269 = arith.constant 0 : i32
        %dma_start3A_270 = tpu.memref_slice %arg11[%dma_start3A_268, %dma_start3A_269] : memref<10240x128xf32, #tpu.memory_space<vmem_shared>> -> memref<10240x128xf32, #tpu.memory_space<vmem_shared>>
        tpu.enqueue_indirect_dma source(%arg10 : memref<128x128xf32, #tpu.memory_space<vmem>>) target(%dma_start3A_270 : memref<10240x128xf32, #tpu.memory_space<vmem_shared>>) offsets(%dma_start3A_267 : memref<128xi32, #tpu.memory_space<vmem>>) semaphore(%run_scoped3A_264 : memref<!tpu.dma_semaphore, #tpu.memory_space<semaphore_mem>>) {add = true}
        %dma_wait3A_271 = arith.constant 0 : i32
        %dma_wait3A_272 = tpu.memref_slice %arg8[%run_scoped3A_90, %dma_wait3A_271] : memref<16x128xi32, #tpu.memory_space<vmem>> -> memref<1x128xi32, #tpu.memory_space<vmem>>
        %dma_wait3A_273 = tpu.memref_squeeze %dma_wait3A_272 : memref<1x128xi32, #tpu.memory_space<vmem>> -> memref<128xi32, #tpu.memory_space<vmem>>
        %dma_wait3A_274 = arith.constant 0 : i32
        %dma_wait3A_275 = arith.constant 0 : i32
        %dma_wait3A_276 = tpu.memref_slice %arg11[%dma_wait3A_274, %dma_wait3A_275] : memref<10240x128xf32, #tpu.memory_space<vmem_shared>> -> memref<10240x128xf32, #tpu.memory_space<vmem_shared>>
        tpu.wait_indirect_dma semaphore(%run_scoped3A_264 : memref<!tpu.dma_semaphore, #tpu.memory_space<semaphore_mem>>) src(%arg10 : memref<128x128xf32, #tpu.memory_space<vmem>>) dst(%dma_wait3A_276 : memref<10240x128xf32, #tpu.memory_space<vmem_shared>>)
        tpu.yield
      }) : () -> ()
      %dma_start3A_91 = arith.constant 5 : i32
      %dma_start3A_92 = arith.constant 0 : i32
      %dma_start3A_93 = tpu.memref_slice %arg7[%dma_start3A_91, %dma_start3A_92] : memref<16x128xi32, #tpu.memory_space<vmem>> -> memref<1x128xi32, #tpu.memory_space<vmem>>
      %dma_start3A_94 = tpu.memref_squeeze %dma_start3A_93 : memref<1x128xi32, #tpu.memory_space<vmem>> -> memref<128xi32, #tpu.memory_space<vmem>>
      %dma_start3A_95 = arith.constant 0 : i32
      %dma_start3A_96 = arith.constant 0 : i32
      %dma_start3A_97 = tpu.memref_slice %arg2[%dma_start3A_95, %dma_start3A_96] : memref<10000x128xf32, #tpu.memory_space<hbm>> -> memref<10000x128xf32, #tpu.memory_space<hbm>>
      tpu.enqueue_indirect_dma source(%dma_start3A_97 : memref<10000x128xf32, #tpu.memory_space<hbm>>) target(%arg10 : memref<128x128xf32, #tpu.memory_space<vmem>>) offsets(%dma_start3A_94 : memref<128xi32, #tpu.memory_space<vmem>>) semaphore(%arg13 : memref<!tpu.dma_semaphore, #tpu.memory_space<semaphore_mem>>)
      %dma_wait3A_98 = arith.constant 4 : i32
      %dma_wait3A_99 = arith.constant 0 : i32
      %dma_wait3A_100 = tpu.memref_slice %arg7[%dma_wait3A_98, %dma_wait3A_99] : memref<16x128xi32, #tpu.memory_space<vmem>> -> memref<1x128xi32, #tpu.memory_space<vmem>>
      %dma_wait3A_101 = tpu.memref_squeeze %dma_wait3A_100 : memref<1x128xi32, #tpu.memory_space<vmem>> -> memref<128xi32, #tpu.memory_space<vmem>>
      %dma_wait3A_102 = arith.constant 0 : i32
      %dma_wait3A_103 = arith.constant 0 : i32
      %dma_wait3A_104 = tpu.memref_slice %arg2[%dma_wait3A_102, %dma_wait3A_103] : memref<10000x128xf32, #tpu.memory_space<hbm>> -> memref<10000x128xf32, #tpu.memory_space<hbm>>
      tpu.wait_indirect_dma semaphore(%arg12 : memref<!tpu.dma_semaphore, #tpu.memory_space<semaphore_mem>>) src(%dma_wait3A_104 : memref<10000x128xf32, #tpu.memory_space<hbm>>) dst(%arg9 : memref<128x128xf32, #tpu.memory_space<vmem>>)
      %run_scoped3A_105 = arith.constant 4 : i32
      "tpu.region"() ({
        %run_scoped3A_264 = tpu.sem_alloc : memref<!tpu.dma_semaphore, #tpu.memory_space<semaphore_mem>>
        %dma_start3A_265 = arith.constant 0 : i32
        %dma_start3A_266 = tpu.memref_slice %arg8[%run_scoped3A_105, %dma_start3A_265] : memref<16x128xi32, #tpu.memory_space<vmem>> -> memref<1x128xi32, #tpu.memory_space<vmem>>
        %dma_start3A_267 = tpu.memref_squeeze %dma_start3A_266 : memref<1x128xi32, #tpu.memory_space<vmem>> -> memref<128xi32, #tpu.memory_space<vmem>>
        %dma_start3A_268 = arith.constant 0 : i32
        %dma_start3A_269 = arith.constant 0 : i32
        %dma_start3A_270 = tpu.memref_slice %arg11[%dma_start3A_268, %dma_start3A_269] : memref<10240x128xf32, #tpu.memory_space<vmem_shared>> -> memref<10240x128xf32, #tpu.memory_space<vmem_shared>>
        tpu.enqueue_indirect_dma source(%arg9 : memref<128x128xf32, #tpu.memory_space<vmem>>) target(%dma_start3A_270 : memref<10240x128xf32, #tpu.memory_space<vmem_shared>>) offsets(%dma_start3A_267 : memref<128xi32, #tpu.memory_space<vmem>>) semaphore(%run_scoped3A_264 : memref<!tpu.dma_semaphore, #tpu.memory_space<semaphore_mem>>) {add = true}
        %dma_wait3A_271 = arith.constant 0 : i32
        %dma_wait3A_272 = tpu.memref_slice %arg8[%run_scoped3A_105, %dma_wait3A_271] : memref<16x128xi32, #tpu.memory_space<vmem>> -> memref<1x128xi32, #tpu.memory_space<vmem>>
        %dma_wait3A_273 = tpu.memref_squeeze %dma_wait3A_272 : memref<1x128xi32, #tpu.memory_space<vmem>> -> memref<128xi32, #tpu.memory_space<vmem>>
        %dma_wait3A_274 = arith.constant 0 : i32
        %dma_wait3A_275 = arith.constant 0 : i32
        %dma_wait3A_276 = tpu.memref_slice %arg11[%dma_wait3A_274, %dma_wait3A_275] : memref<10240x128xf32, #tpu.memory_space<vmem_shared>> -> memref<10240x128xf32, #tpu.memory_space<vmem_shared>>
        tpu.wait_indirect_dma semaphore(%run_scoped3A_264 : memref<!tpu.dma_semaphore, #tpu.memory_space<semaphore_mem>>) src(%arg9 : memref<128x128xf32, #tpu.memory_space<vmem>>) dst(%dma_wait3A_276 : memref<10240x128xf32, #tpu.memory_space<vmem_shared>>)
        tpu.yield
      }) : () -> ()
      %dma_start3A_106 = arith.constant 6 : i32
      %dma_start3A_107 = arith.constant 0 : i32
      %dma_start3A_108 = tpu.memref_slice %arg7[%dma_start3A_106, %dma_start3A_107] : memref<16x128xi32, #tpu.memory_space<vmem>> -> memref<1x128xi32, #tpu.memory_space<vmem>>
      %dma_start3A_109 = tpu.memref_squeeze %dma_start3A_108 : memref<1x128xi32, #tpu.memory_space<vmem>> -> memref<128xi32, #tpu.memory_space<vmem>>
      %dma_start3A_110 = arith.constant 0 : i32
      %dma_start3A_111 = arith.constant 0 : i32
      %dma_start3A_112 = tpu.memref_slice %arg2[%dma_start3A_110, %dma_start3A_111] : memref<10000x128xf32, #tpu.memory_space<hbm>> -> memref<10000x128xf32, #tpu.memory_space<hbm>>
      tpu.enqueue_indirect_dma source(%dma_start3A_112 : memref<10000x128xf32, #tpu.memory_space<hbm>>) target(%arg9 : memref<128x128xf32, #tpu.memory_space<vmem>>) offsets(%dma_start3A_109 : memref<128xi32, #tpu.memory_space<vmem>>) semaphore(%arg12 : memref<!tpu.dma_semaphore, #tpu.memory_space<semaphore_mem>>)
      %dma_wait3A_113 = arith.constant 5 : i32
      %dma_wait3A_114 = arith.constant 0 : i32
      %dma_wait3A_115 = tpu.memref_slice %arg7[%dma_wait3A_113, %dma_wait3A_114] : memref<16x128xi32, #tpu.memory_space<vmem>> -> memref<1x128xi32, #tpu.memory_space<vmem>>
      %dma_wait3A_116 = tpu.memref_squeeze %dma_wait3A_115 : memref<1x128xi32, #tpu.memory_space<vmem>> -> memref<128xi32, #tpu.memory_space<vmem>>
      %dma_wait3A_117 = arith.constant 0 : i32
      %dma_wait3A_118 = arith.constant 0 : i32
      %dma_wait3A_119 = tpu.memref_slice %arg2[%dma_wait3A_117, %dma_wait3A_118] : memref<10000x128xf32, #tpu.memory_space<hbm>> -> memref<10000x128xf32, #tpu.memory_space<hbm>>
      tpu.wait_indirect_dma semaphore(%arg13 : memref<!tpu.dma_semaphore, #tpu.memory_space<semaphore_mem>>) src(%dma_wait3A_119 : memref<10000x128xf32, #tpu.memory_space<hbm>>) dst(%arg10 : memref<128x128xf32, #tpu.memory_space<vmem>>)
      %run_scoped3A_120 = arith.constant 5 : i32
      "tpu.region"() ({
        %run_scoped3A_264 = tpu.sem_alloc : memref<!tpu.dma_semaphore, #tpu.memory_space<semaphore_mem>>
        %dma_start3A_265 = arith.constant 0 : i32
        %dma_start3A_266 = tpu.memref_slice %arg8[%run_scoped3A_120, %dma_start3A_265] : memref<16x128xi32, #tpu.memory_space<vmem>> -> memref<1x128xi32, #tpu.memory_space<vmem>>
        %dma_start3A_267 = tpu.memref_squeeze %dma_start3A_266 : memref<1x128xi32, #tpu.memory_space<vmem>> -> memref<128xi32, #tpu.memory_space<vmem>>
        %dma_start3A_268 = arith.constant 0 : i32
        %dma_start3A_269 = arith.constant 0 : i32
        %dma_start3A_270 = tpu.memref_slice %arg11[%dma_start3A_268, %dma_start3A_269] : memref<10240x128xf32, #tpu.memory_space<vmem_shared>> -> memref<10240x128xf32, #tpu.memory_space<vmem_shared>>
        tpu.enqueue_indirect_dma source(%arg10 : memref<128x128xf32, #tpu.memory_space<vmem>>) target(%dma_start3A_270 : memref<10240x128xf32, #tpu.memory_space<vmem_shared>>) offsets(%dma_start3A_267 : memref<128xi32, #tpu.memory_space<vmem>>) semaphore(%run_scoped3A_264 : memref<!tpu.dma_semaphore, #tpu.memory_space<semaphore_mem>>) {add = true}
        %dma_wait3A_271 = arith.constant 0 : i32
        %dma_wait3A_272 = tpu.memref_slice %arg8[%run_scoped3A_120, %dma_wait3A_271] : memref<16x128xi32, #tpu.memory_space<vmem>> -> memref<1x128xi32, #tpu.memory_space<vmem>>
        %dma_wait3A_273 = tpu.memref_squeeze %dma_wait3A_272 : memref<1x128xi32, #tpu.memory_space<vmem>> -> memref<128xi32, #tpu.memory_space<vmem>>
        %dma_wait3A_274 = arith.constant 0 : i32
        %dma_wait3A_275 = arith.constant 0 : i32
        %dma_wait3A_276 = tpu.memref_slice %arg11[%dma_wait3A_274, %dma_wait3A_275] : memref<10240x128xf32, #tpu.memory_space<vmem_shared>> -> memref<10240x128xf32, #tpu.memory_space<vmem_shared>>
        tpu.wait_indirect_dma semaphore(%run_scoped3A_264 : memref<!tpu.dma_semaphore, #tpu.memory_space<semaphore_mem>>) src(%arg10 : memref<128x128xf32, #tpu.memory_space<vmem>>) dst(%dma_wait3A_276 : memref<10240x128xf32, #tpu.memory_space<vmem_shared>>)
        tpu.yield
      }) : () -> ()
      %dma_start3A_121 = arith.constant 7 : i32
      %dma_start3A_122 = arith.constant 0 : i32
      %dma_start3A_123 = tpu.memref_slice %arg7[%dma_start3A_121, %dma_start3A_122] : memref<16x128xi32, #tpu.memory_space<vmem>> -> memref<1x128xi32, #tpu.memory_space<vmem>>
      %dma_start3A_124 = tpu.memref_squeeze %dma_start3A_123 : memref<1x128xi32, #tpu.memory_space<vmem>> -> memref<128xi32, #tpu.memory_space<vmem>>
      %dma_start3A_125 = arith.constant 0 : i32
      %dma_start3A_126 = arith.constant 0 : i32
      %dma_start3A_127 = tpu.memref_slice %arg2[%dma_start3A_125, %dma_start3A_126] : memref<10000x128xf32, #tpu.memory_space<hbm>> -> memref<10000x128xf32, #tpu.memory_space<hbm>>
      tpu.enqueue_indirect_dma source(%dma_start3A_127 : memref<10000x128xf32, #tpu.memory_space<hbm>>) target(%arg10 : memref<128x128xf32, #tpu.memory_space<vmem>>) offsets(%dma_start3A_124 : memref<128xi32, #tpu.memory_space<vmem>>) semaphore(%arg13 : memref<!tpu.dma_semaphore, #tpu.memory_space<semaphore_mem>>)
      %dma_wait3A_128 = arith.constant 6 : i32
      %dma_wait3A_129 = arith.constant 0 : i32
      %dma_wait3A_130 = tpu.memref_slice %arg7[%dma_wait3A_128, %dma_wait3A_129] : memref<16x128xi32, #tpu.memory_space<vmem>> -> memref<1x128xi32, #tpu.memory_space<vmem>>
      %dma_wait3A_131 = tpu.memref_squeeze %dma_wait3A_130 : memref<1x128xi32, #tpu.memory_space<vmem>> -> memref<128xi32, #tpu.memory_space<vmem>>
      %dma_wait3A_132 = arith.constant 0 : i32
      %dma_wait3A_133 = arith.constant 0 : i32
      %dma_wait3A_134 = tpu.memref_slice %arg2[%dma_wait3A_132, %dma_wait3A_133] : memref<10000x128xf32, #tpu.memory_space<hbm>> -> memref<10000x128xf32, #tpu.memory_space<hbm>>
      tpu.wait_indirect_dma semaphore(%arg12 : memref<!tpu.dma_semaphore, #tpu.memory_space<semaphore_mem>>) src(%dma_wait3A_134 : memref<10000x128xf32, #tpu.memory_space<hbm>>) dst(%arg9 : memref<128x128xf32, #tpu.memory_space<vmem>>)
      %run_scoped3A_135 = arith.constant 6 : i32
      "tpu.region"() ({
        %run_scoped3A_264 = tpu.sem_alloc : memref<!tpu.dma_semaphore, #tpu.memory_space<semaphore_mem>>
        %dma_start3A_265 = arith.constant 0 : i32
        %dma_start3A_266 = tpu.memref_slice %arg8[%run_scoped3A_135, %dma_start3A_265] : memref<16x128xi32, #tpu.memory_space<vmem>> -> memref<1x128xi32, #tpu.memory_space<vmem>>
        %dma_start3A_267 = tpu.memref_squeeze %dma_start3A_266 : memref<1x128xi32, #tpu.memory_space<vmem>> -> memref<128xi32, #tpu.memory_space<vmem>>
        %dma_start3A_268 = arith.constant 0 : i32
        %dma_start3A_269 = arith.constant 0 : i32
        %dma_start3A_270 = tpu.memref_slice %arg11[%dma_start3A_268, %dma_start3A_269] : memref<10240x128xf32, #tpu.memory_space<vmem_shared>> -> memref<10240x128xf32, #tpu.memory_space<vmem_shared>>
        tpu.enqueue_indirect_dma source(%arg9 : memref<128x128xf32, #tpu.memory_space<vmem>>) target(%dma_start3A_270 : memref<10240x128xf32, #tpu.memory_space<vmem_shared>>) offsets(%dma_start3A_267 : memref<128xi32, #tpu.memory_space<vmem>>) semaphore(%run_scoped3A_264 : memref<!tpu.dma_semaphore, #tpu.memory_space<semaphore_mem>>) {add = true}
        %dma_wait3A_271 = arith.constant 0 : i32
        %dma_wait3A_272 = tpu.memref_slice %arg8[%run_scoped3A_135, %dma_wait3A_271] : memref<16x128xi32, #tpu.memory_space<vmem>> -> memref<1x128xi32, #tpu.memory_space<vmem>>
        %dma_wait3A_273 = tpu.memref_squeeze %dma_wait3A_272 : memref<1x128xi32, #tpu.memory_space<vmem>> -> memref<128xi32, #tpu.memory_space<vmem>>
        %dma_wait3A_274 = arith.constant 0 : i32
        %dma_wait3A_275 = arith.constant 0 : i32
        %dma_wait3A_276 = tpu.memref_slice %arg11[%dma_wait3A_274, %dma_wait3A_275] : memref<10240x128xf32, #tpu.memory_space<vmem_shared>> -> memref<10240x128xf32, #tpu.memory_space<vmem_shared>>
        tpu.wait_indirect_dma semaphore(%run_scoped3A_264 : memref<!tpu.dma_semaphore, #tpu.memory_space<semaphore_mem>>) src(%arg9 : memref<128x128xf32, #tpu.memory_space<vmem>>) dst(%dma_wait3A_276 : memref<10240x128xf32, #tpu.memory_space<vmem_shared>>)
        tpu.yield
      }) : () -> ()
      %dma_start3A_136 = arith.constant 8 : i32
      %dma_start3A_137 = arith.constant 0 : i32
      %dma_start3A_138 = tpu.memref_slice %arg7[%dma_start3A_136, %dma_start3A_137] : memref<16x128xi32, #tpu.memory_space<vmem>> -> memref<1x128xi32, #tpu.memory_space<vmem>>
      %dma_start3A_139 = tpu.memref_squeeze %dma_start3A_138 : memref<1x128xi32, #tpu.memory_space<vmem>> -> memref<128xi32, #tpu.memory_space<vmem>>
      %dma_start3A_140 = arith.constant 0 : i32
      %dma_start3A_141 = arith.constant 0 : i32
      %dma_start3A_142 = tpu.memref_slice %arg2[%dma_start3A_140, %dma_start3A_141] : memref<10000x128xf32, #tpu.memory_space<hbm>> -> memref<10000x128xf32, #tpu.memory_space<hbm>>
      tpu.enqueue_indirect_dma source(%dma_start3A_142 : memref<10000x128xf32, #tpu.memory_space<hbm>>) target(%arg9 : memref<128x128xf32, #tpu.memory_space<vmem>>) offsets(%dma_start3A_139 : memref<128xi32, #tpu.memory_space<vmem>>) semaphore(%arg12 : memref<!tpu.dma_semaphore, #tpu.memory_space<semaphore_mem>>)
      %dma_wait3A_143 = arith.constant 7 : i32
      %dma_wait3A_144 = arith.constant 0 : i32
      %dma_wait3A_145 = tpu.memref_slice %arg7[%dma_wait3A_143, %dma_wait3A_144] : memref<16x128xi32, #tpu.memory_space<vmem>> -> memref<1x128xi32, #tpu.memory_space<vmem>>
      %dma_wait3A_146 = tpu.memref_squeeze %dma_wait3A_145 : memref<1x128xi32, #tpu.memory_space<vmem>> -> memref<128xi32, #tpu.memory_space<vmem>>
      %dma_wait3A_147 = arith.constant 0 : i32
      %dma_wait3A_148 = arith.constant 0 : i32
      %dma_wait3A_149 = tpu.memref_slice %arg2[%dma_wait3A_147, %dma_wait3A_148] : memref<10000x128xf32, #tpu.memory_space<hbm>> -> memref<10000x128xf32, #tpu.memory_space<hbm>>
      tpu.wait_indirect_dma semaphore(%arg13 : memref<!tpu.dma_semaphore, #tpu.memory_space<semaphore_mem>>) src(%dma_wait3A_149 : memref<10000x128xf32, #tpu.memory_space<hbm>>) dst(%arg10 : memref<128x128xf32, #tpu.memory_space<vmem>>)
      %run_scoped3A_150 = arith.constant 7 : i32
      "tpu.region"() ({
        %run_scoped3A_264 = tpu.sem_alloc : memref<!tpu.dma_semaphore, #tpu.memory_space<semaphore_mem>>
        %dma_start3A_265 = arith.constant 0 : i32
        %dma_start3A_266 = tpu.memref_slice %arg8[%run_scoped3A_150, %dma_start3A_265] : memref<16x128xi32, #tpu.memory_space<vmem>> -> memref<1x128xi32, #tpu.memory_space<vmem>>
        %dma_start3A_267 = tpu.memref_squeeze %dma_start3A_266 : memref<1x128xi32, #tpu.memory_space<vmem>> -> memref<128xi32, #tpu.memory_space<vmem>>
        %dma_start3A_268 = arith.constant 0 : i32
        %dma_start3A_269 = arith.constant 0 : i32
        %dma_start3A_270 = tpu.memref_slice %arg11[%dma_start3A_268, %dma_start3A_269] : memref<10240x128xf32, #tpu.memory_space<vmem_shared>> -> memref<10240x128xf32, #tpu.memory_space<vmem_shared>>
        tpu.enqueue_indirect_dma source(%arg10 : memref<128x128xf32, #tpu.memory_space<vmem>>) target(%dma_start3A_270 : memref<10240x128xf32, #tpu.memory_space<vmem_shared>>) offsets(%dma_start3A_267 : memref<128xi32, #tpu.memory_space<vmem>>) semaphore(%run_scoped3A_264 : memref<!tpu.dma_semaphore, #tpu.memory_space<semaphore_mem>>) {add = true}
        %dma_wait3A_271 = arith.constant 0 : i32
        %dma_wait3A_272 = tpu.memref_slice %arg8[%run_scoped3A_150, %dma_wait3A_271] : memref<16x128xi32, #tpu.memory_space<vmem>> -> memref<1x128xi32, #tpu.memory_space<vmem>>
        %dma_wait3A_273 = tpu.memref_squeeze %dma_wait3A_272 : memref<1x128xi32, #tpu.memory_space<vmem>> -> memref<128xi32, #tpu.memory_space<vmem>>
        %dma_wait3A_274 = arith.constant 0 : i32
        %dma_wait3A_275 = arith.constant 0 : i32
        %dma_wait3A_276 = tpu.memref_slice %arg11[%dma_wait3A_274, %dma_wait3A_275] : memref<10240x128xf32, #tpu.memory_space<vmem_shared>> -> memref<10240x128xf32, #tpu.memory_space<vmem_shared>>
        tpu.wait_indirect_dma semaphore(%run_scoped3A_264 : memref<!tpu.dma_semaphore, #tpu.memory_space<semaphore_mem>>) src(%arg10 : memref<128x128xf32, #tpu.memory_space<vmem>>) dst(%dma_wait3A_276 : memref<10240x128xf32, #tpu.memory_space<vmem_shared>>)
        tpu.yield
      }) : () -> ()
      %dma_start3A_151 = arith.constant 9 : i32
      %dma_start3A_152 = arith.constant 0 : i32
      %dma_start3A_153 = tpu.memref_slice %arg7[%dma_start3A_151, %dma_start3A_152] : memref<16x128xi32, #tpu.memory_space<vmem>> -> memref<1x128xi32, #tpu.memory_space<vmem>>
      %dma_start3A_154 = tpu.memref_squeeze %dma_start3A_153 : memref<1x128xi32, #tpu.memory_space<vmem>> -> memref<128xi32, #tpu.memory_space<vmem>>
      %dma_start3A_155 = arith.constant 0 : i32
      %dma_start3A_156 = arith.constant 0 : i32
      %dma_start3A_157 = tpu.memref_slice %arg2[%dma_start3A_155, %dma_start3A_156] : memref<10000x128xf32, #tpu.memory_space<hbm>> -> memref<10000x128xf32, #tpu.memory_space<hbm>>
      tpu.enqueue_indirect_dma source(%dma_start3A_157 : memref<10000x128xf32, #tpu.memory_space<hbm>>) target(%arg10 : memref<128x128xf32, #tpu.memory_space<vmem>>) offsets(%dma_start3A_154 : memref<128xi32, #tpu.memory_space<vmem>>) semaphore(%arg13 : memref<!tpu.dma_semaphore, #tpu.memory_space<semaphore_mem>>)
      %dma_wait3A_158 = arith.constant 8 : i32
      %dma_wait3A_159 = arith.constant 0 : i32
      %dma_wait3A_160 = tpu.memref_slice %arg7[%dma_wait3A_158, %dma_wait3A_159] : memref<16x128xi32, #tpu.memory_space<vmem>> -> memref<1x128xi32, #tpu.memory_space<vmem>>
      %dma_wait3A_161 = tpu.memref_squeeze %dma_wait3A_160 : memref<1x128xi32, #tpu.memory_space<vmem>> -> memref<128xi32, #tpu.memory_space<vmem>>
      %dma_wait3A_162 = arith.constant 0 : i32
      %dma_wait3A_163 = arith.constant 0 : i32
      %dma_wait3A_164 = tpu.memref_slice %arg2[%dma_wait3A_162, %dma_wait3A_163] : memref<10000x128xf32, #tpu.memory_space<hbm>> -> memref<10000x128xf32, #tpu.memory_space<hbm>>
      tpu.wait_indirect_dma semaphore(%arg12 : memref<!tpu.dma_semaphore, #tpu.memory_space<semaphore_mem>>) src(%dma_wait3A_164 : memref<10000x128xf32, #tpu.memory_space<hbm>>) dst(%arg9 : memref<128x128xf32, #tpu.memory_space<vmem>>)
      %run_scoped3A_165 = arith.constant 8 : i32
      "tpu.region"() ({
        %run_scoped3A_264 = tpu.sem_alloc : memref<!tpu.dma_semaphore, #tpu.memory_space<semaphore_mem>>
        %dma_start3A_265 = arith.constant 0 : i32
        %dma_start3A_266 = tpu.memref_slice %arg8[%run_scoped3A_165, %dma_start3A_265] : memref<16x128xi32, #tpu.memory_space<vmem>> -> memref<1x128xi32, #tpu.memory_space<vmem>>
        %dma_start3A_267 = tpu.memref_squeeze %dma_start3A_266 : memref<1x128xi32, #tpu.memory_space<vmem>> -> memref<128xi32, #tpu.memory_space<vmem>>
        %dma_start3A_268 = arith.constant 0 : i32
        %dma_start3A_269 = arith.constant 0 : i32
        %dma_start3A_270 = tpu.memref_slice %arg11[%dma_start3A_268, %dma_start3A_269] : memref<10240x128xf32, #tpu.memory_space<vmem_shared>> -> memref<10240x128xf32, #tpu.memory_space<vmem_shared>>
        tpu.enqueue_indirect_dma source(%arg9 : memref<128x128xf32, #tpu.memory_space<vmem>>) target(%dma_start3A_270 : memref<10240x128xf32, #tpu.memory_space<vmem_shared>>) offsets(%dma_start3A_267 : memref<128xi32, #tpu.memory_space<vmem>>) semaphore(%run_scoped3A_264 : memref<!tpu.dma_semaphore, #tpu.memory_space<semaphore_mem>>) {add = true}
        %dma_wait3A_271 = arith.constant 0 : i32
        %dma_wait3A_272 = tpu.memref_slice %arg8[%run_scoped3A_165, %dma_wait3A_271] : memref<16x128xi32, #tpu.memory_space<vmem>> -> memref<1x128xi32, #tpu.memory_space<vmem>>
        %dma_wait3A_273 = tpu.memref_squeeze %dma_wait3A_272 : memref<1x128xi32, #tpu.memory_space<vmem>> -> memref<128xi32, #tpu.memory_space<vmem>>
        %dma_wait3A_274 = arith.constant 0 : i32
        %dma_wait3A_275 = arith.constant 0 : i32
        %dma_wait3A_276 = tpu.memref_slice %arg11[%dma_wait3A_274, %dma_wait3A_275] : memref<10240x128xf32, #tpu.memory_space<vmem_shared>> -> memref<10240x128xf32, #tpu.memory_space<vmem_shared>>
        tpu.wait_indirect_dma semaphore(%run_scoped3A_264 : memref<!tpu.dma_semaphore, #tpu.memory_space<semaphore_mem>>) src(%arg9 : memref<128x128xf32, #tpu.memory_space<vmem>>) dst(%dma_wait3A_276 : memref<10240x128xf32, #tpu.memory_space<vmem_shared>>)
        tpu.yield
      }) : () -> ()
      %dma_start3A_166 = arith.constant 10 : i32
      %dma_start3A_167 = arith.constant 0 : i32
      %dma_start3A_168 = tpu.memref_slice %arg7[%dma_start3A_166, %dma_start3A_167] : memref<16x128xi32, #tpu.memory_space<vmem>> -> memref<1x128xi32, #tpu.memory_space<vmem>>
      %dma_start3A_169 = tpu.memref_squeeze %dma_start3A_168 : memref<1x128xi32, #tpu.memory_space<vmem>> -> memref<128xi32, #tpu.memory_space<vmem>>
      %dma_start3A_170 = arith.constant 0 : i32
      %dma_start3A_171 = arith.constant 0 : i32
      %dma_start3A_172 = tpu.memref_slice %arg2[%dma_start3A_170, %dma_start3A_171] : memref<10000x128xf32, #tpu.memory_space<hbm>> -> memref<10000x128xf32, #tpu.memory_space<hbm>>
      tpu.enqueue_indirect_dma source(%dma_start3A_172 : memref<10000x128xf32, #tpu.memory_space<hbm>>) target(%arg9 : memref<128x128xf32, #tpu.memory_space<vmem>>) offsets(%dma_start3A_169 : memref<128xi32, #tpu.memory_space<vmem>>) semaphore(%arg12 : memref<!tpu.dma_semaphore, #tpu.memory_space<semaphore_mem>>)
      %dma_wait3A_173 = arith.constant 9 : i32
      %dma_wait3A_174 = arith.constant 0 : i32
      %dma_wait3A_175 = tpu.memref_slice %arg7[%dma_wait3A_173, %dma_wait3A_174] : memref<16x128xi32, #tpu.memory_space<vmem>> -> memref<1x128xi32, #tpu.memory_space<vmem>>
      %dma_wait3A_176 = tpu.memref_squeeze %dma_wait3A_175 : memref<1x128xi32, #tpu.memory_space<vmem>> -> memref<128xi32, #tpu.memory_space<vmem>>
      %dma_wait3A_177 = arith.constant 0 : i32
      %dma_wait3A_178 = arith.constant 0 : i32
      %dma_wait3A_179 = tpu.memref_slice %arg2[%dma_wait3A_177, %dma_wait3A_178] : memref<10000x128xf32, #tpu.memory_space<hbm>> -> memref<10000x128xf32, #tpu.memory_space<hbm>>
      tpu.wait_indirect_dma semaphore(%arg13 : memref<!tpu.dma_semaphore, #tpu.memory_space<semaphore_mem>>) src(%dma_wait3A_179 : memref<10000x128xf32, #tpu.memory_space<hbm>>) dst(%arg10 : memref<128x128xf32, #tpu.memory_space<vmem>>)
      %run_scoped3A_180 = arith.constant 9 : i32
      "tpu.region"() ({
        %run_scoped3A_264 = tpu.sem_alloc : memref<!tpu.dma_semaphore, #tpu.memory_space<semaphore_mem>>
        %dma_start3A_265 = arith.constant 0 : i32
        %dma_start3A_266 = tpu.memref_slice %arg8[%run_scoped3A_180, %dma_start3A_265] : memref<16x128xi32, #tpu.memory_space<vmem>> -> memref<1x128xi32, #tpu.memory_space<vmem>>
        %dma_start3A_267 = tpu.memref_squeeze %dma_start3A_266 : memref<1x128xi32, #tpu.memory_space<vmem>> -> memref<128xi32, #tpu.memory_space<vmem>>
        %dma_start3A_268 = arith.constant 0 : i32
        %dma_start3A_269 = arith.constant 0 : i32
        %dma_start3A_270 = tpu.memref_slice %arg11[%dma_start3A_268, %dma_start3A_269] : memref<10240x128xf32, #tpu.memory_space<vmem_shared>> -> memref<10240x128xf32, #tpu.memory_space<vmem_shared>>
        tpu.enqueue_indirect_dma source(%arg10 : memref<128x128xf32, #tpu.memory_space<vmem>>) target(%dma_start3A_270 : memref<10240x128xf32, #tpu.memory_space<vmem_shared>>) offsets(%dma_start3A_267 : memref<128xi32, #tpu.memory_space<vmem>>) semaphore(%run_scoped3A_264 : memref<!tpu.dma_semaphore, #tpu.memory_space<semaphore_mem>>) {add = true}
        %dma_wait3A_271 = arith.constant 0 : i32
        %dma_wait3A_272 = tpu.memref_slice %arg8[%run_scoped3A_180, %dma_wait3A_271] : memref<16x128xi32, #tpu.memory_space<vmem>> -> memref<1x128xi32, #tpu.memory_space<vmem>>
        %dma_wait3A_273 = tpu.memref_squeeze %dma_wait3A_272 : memref<1x128xi32, #tpu.memory_space<vmem>> -> memref<128xi32, #tpu.memory_space<vmem>>
        %dma_wait3A_274 = arith.constant 0 : i32
        %dma_wait3A_275 = arith.constant 0 : i32
        %dma_wait3A_276 = tpu.memref_slice %arg11[%dma_wait3A_274, %dma_wait3A_275] : memref<10240x128xf32, #tpu.memory_space<vmem_shared>> -> memref<10240x128xf32, #tpu.memory_space<vmem_shared>>
        tpu.wait_indirect_dma semaphore(%run_scoped3A_264 : memref<!tpu.dma_semaphore, #tpu.memory_space<semaphore_mem>>) src(%arg10 : memref<128x128xf32, #tpu.memory_space<vmem>>) dst(%dma_wait3A_276 : memref<10240x128xf32, #tpu.memory_space<vmem_shared>>)
        tpu.yield
      }) : () -> ()
      %dma_start3A_181 = arith.constant 11 : i32
      %dma_start3A_182 = arith.constant 0 : i32
      %dma_start3A_183 = tpu.memref_slice %arg7[%dma_start3A_181, %dma_start3A_182] : memref<16x128xi32, #tpu.memory_space<vmem>> -> memref<1x128xi32, #tpu.memory_space<vmem>>
      %dma_start3A_184 = tpu.memref_squeeze %dma_start3A_183 : memref<1x128xi32, #tpu.memory_space<vmem>> -> memref<128xi32, #tpu.memory_space<vmem>>
      %dma_start3A_185 = arith.constant 0 : i32
      %dma_start3A_186 = arith.constant 0 : i32
      %dma_start3A_187 = tpu.memref_slice %arg2[%dma_start3A_185, %dma_start3A_186] : memref<10000x128xf32, #tpu.memory_space<hbm>> -> memref<10000x128xf32, #tpu.memory_space<hbm>>
      tpu.enqueue_indirect_dma source(%dma_start3A_187 : memref<10000x128xf32, #tpu.memory_space<hbm>>) target(%arg10 : memref<128x128xf32, #tpu.memory_space<vmem>>) offsets(%dma_start3A_184 : memref<128xi32, #tpu.memory_space<vmem>>) semaphore(%arg13 : memref<!tpu.dma_semaphore, #tpu.memory_space<semaphore_mem>>)
      %dma_wait3A_188 = arith.constant 10 : i32
      %dma_wait3A_189 = arith.constant 0 : i32
      %dma_wait3A_190 = tpu.memref_slice %arg7[%dma_wait3A_188, %dma_wait3A_189] : memref<16x128xi32, #tpu.memory_space<vmem>> -> memref<1x128xi32, #tpu.memory_space<vmem>>
      %dma_wait3A_191 = tpu.memref_squeeze %dma_wait3A_190 : memref<1x128xi32, #tpu.memory_space<vmem>> -> memref<128xi32, #tpu.memory_space<vmem>>
      %dma_wait3A_192 = arith.constant 0 : i32
      %dma_wait3A_193 = arith.constant 0 : i32
      %dma_wait3A_194 = tpu.memref_slice %arg2[%dma_wait3A_192, %dma_wait3A_193] : memref<10000x128xf32, #tpu.memory_space<hbm>> -> memref<10000x128xf32, #tpu.memory_space<hbm>>
      tpu.wait_indirect_dma semaphore(%arg12 : memref<!tpu.dma_semaphore, #tpu.memory_space<semaphore_mem>>) src(%dma_wait3A_194 : memref<10000x128xf32, #tpu.memory_space<hbm>>) dst(%arg9 : memref<128x128xf32, #tpu.memory_space<vmem>>)
      %run_scoped3A_195 = arith.constant 10 : i32
      "tpu.region"() ({
        %run_scoped3A_264 = tpu.sem_alloc : memref<!tpu.dma_semaphore, #tpu.memory_space<semaphore_mem>>
        %dma_start3A_265 = arith.constant 0 : i32
        %dma_start3A_266 = tpu.memref_slice %arg8[%run_scoped3A_195, %dma_start3A_265] : memref<16x128xi32, #tpu.memory_space<vmem>> -> memref<1x128xi32, #tpu.memory_space<vmem>>
        %dma_start3A_267 = tpu.memref_squeeze %dma_start3A_266 : memref<1x128xi32, #tpu.memory_space<vmem>> -> memref<128xi32, #tpu.memory_space<vmem>>
        %dma_start3A_268 = arith.constant 0 : i32
        %dma_start3A_269 = arith.constant 0 : i32
        %dma_start3A_270 = tpu.memref_slice %arg11[%dma_start3A_268, %dma_start3A_269] : memref<10240x128xf32, #tpu.memory_space<vmem_shared>> -> memref<10240x128xf32, #tpu.memory_space<vmem_shared>>
        tpu.enqueue_indirect_dma source(%arg9 : memref<128x128xf32, #tpu.memory_space<vmem>>) target(%dma_start3A_270 : memref<10240x128xf32, #tpu.memory_space<vmem_shared>>) offsets(%dma_start3A_267 : memref<128xi32, #tpu.memory_space<vmem>>) semaphore(%run_scoped3A_264 : memref<!tpu.dma_semaphore, #tpu.memory_space<semaphore_mem>>) {add = true}
        %dma_wait3A_271 = arith.constant 0 : i32
        %dma_wait3A_272 = tpu.memref_slice %arg8[%run_scoped3A_195, %dma_wait3A_271] : memref<16x128xi32, #tpu.memory_space<vmem>> -> memref<1x128xi32, #tpu.memory_space<vmem>>
        %dma_wait3A_273 = tpu.memref_squeeze %dma_wait3A_272 : memref<1x128xi32, #tpu.memory_space<vmem>> -> memref<128xi32, #tpu.memory_space<vmem>>
        %dma_wait3A_274 = arith.constant 0 : i32
        %dma_wait3A_275 = arith.constant 0 : i32
        %dma_wait3A_276 = tpu.memref_slice %arg11[%dma_wait3A_274, %dma_wait3A_275] : memref<10240x128xf32, #tpu.memory_space<vmem_shared>> -> memref<10240x128xf32, #tpu.memory_space<vmem_shared>>
        tpu.wait_indirect_dma semaphore(%run_scoped3A_264 : memref<!tpu.dma_semaphore, #tpu.memory_space<semaphore_mem>>) src(%arg9 : memref<128x128xf32, #tpu.memory_space<vmem>>) dst(%dma_wait3A_276 : memref<10240x128xf32, #tpu.memory_space<vmem_shared>>)
        tpu.yield
      }) : () -> ()
      %dma_start3A_196 = arith.constant 12 : i32
      %dma_start3A_197 = arith.constant 0 : i32
      %dma_start3A_198 = tpu.memref_slice %arg7[%dma_start3A_196, %dma_start3A_197] : memref<16x128xi32, #tpu.memory_space<vmem>> -> memref<1x128xi32, #tpu.memory_space<vmem>>
      %dma_start3A_199 = tpu.memref_squeeze %dma_start3A_198 : memref<1x128xi32, #tpu.memory_space<vmem>> -> memref<128xi32, #tpu.memory_space<vmem>>
      %dma_start3A_200 = arith.constant 0 : i32
      %dma_start3A_201 = arith.constant 0 : i32
      %dma_start3A_202 = tpu.memref_slice %arg2[%dma_start3A_200, %dma_start3A_201] : memref<10000x128xf32, #tpu.memory_space<hbm>> -> memref<10000x128xf32, #tpu.memory_space<hbm>>
      tpu.enqueue_indirect_dma source(%dma_start3A_202 : memref<10000x128xf32, #tpu.memory_space<hbm>>) target(%arg9 : memref<128x128xf32, #tpu.memory_space<vmem>>) offsets(%dma_start3A_199 : memref<128xi32, #tpu.memory_space<vmem>>) semaphore(%arg12 : memref<!tpu.dma_semaphore, #tpu.memory_space<semaphore_mem>>)
      %dma_wait3A_203 = arith.constant 11 : i32
      %dma_wait3A_204 = arith.constant 0 : i32
      %dma_wait3A_205 = tpu.memref_slice %arg7[%dma_wait3A_203, %dma_wait3A_204] : memref<16x128xi32, #tpu.memory_space<vmem>> -> memref<1x128xi32, #tpu.memory_space<vmem>>
      %dma_wait3A_206 = tpu.memref_squeeze %dma_wait3A_205 : memref<1x128xi32, #tpu.memory_space<vmem>> -> memref<128xi32, #tpu.memory_space<vmem>>
      %dma_wait3A_207 = arith.constant 0 : i32
      %dma_wait3A_208 = arith.constant 0 : i32
      %dma_wait3A_209 = tpu.memref_slice %arg2[%dma_wait3A_207, %dma_wait3A_208] : memref<10000x128xf32, #tpu.memory_space<hbm>> -> memref<10000x128xf32, #tpu.memory_space<hbm>>
      tpu.wait_indirect_dma semaphore(%arg13 : memref<!tpu.dma_semaphore, #tpu.memory_space<semaphore_mem>>) src(%dma_wait3A_209 : memref<10000x128xf32, #tpu.memory_space<hbm>>) dst(%arg10 : memref<128x128xf32, #tpu.memory_space<vmem>>)
      %run_scoped3A_210 = arith.constant 11 : i32
      "tpu.region"() ({
        %run_scoped3A_264 = tpu.sem_alloc : memref<!tpu.dma_semaphore, #tpu.memory_space<semaphore_mem>>
        %dma_start3A_265 = arith.constant 0 : i32
        %dma_start3A_266 = tpu.memref_slice %arg8[%run_scoped3A_210, %dma_start3A_265] : memref<16x128xi32, #tpu.memory_space<vmem>> -> memref<1x128xi32, #tpu.memory_space<vmem>>
        %dma_start3A_267 = tpu.memref_squeeze %dma_start3A_266 : memref<1x128xi32, #tpu.memory_space<vmem>> -> memref<128xi32, #tpu.memory_space<vmem>>
        %dma_start3A_268 = arith.constant 0 : i32
        %dma_start3A_269 = arith.constant 0 : i32
        %dma_start3A_270 = tpu.memref_slice %arg11[%dma_start3A_268, %dma_start3A_269] : memref<10240x128xf32, #tpu.memory_space<vmem_shared>> -> memref<10240x128xf32, #tpu.memory_space<vmem_shared>>
        tpu.enqueue_indirect_dma source(%arg10 : memref<128x128xf32, #tpu.memory_space<vmem>>) target(%dma_start3A_270 : memref<10240x128xf32, #tpu.memory_space<vmem_shared>>) offsets(%dma_start3A_267 : memref<128xi32, #tpu.memory_space<vmem>>) semaphore(%run_scoped3A_264 : memref<!tpu.dma_semaphore, #tpu.memory_space<semaphore_mem>>) {add = true}
        %dma_wait3A_271 = arith.constant 0 : i32
        %dma_wait3A_272 = tpu.memref_slice %arg8[%run_scoped3A_210, %dma_wait3A_271] : memref<16x128xi32, #tpu.memory_space<vmem>> -> memref<1x128xi32, #tpu.memory_space<vmem>>
        %dma_wait3A_273 = tpu.memref_squeeze %dma_wait3A_272 : memref<1x128xi32, #tpu.memory_space<vmem>> -> memref<128xi32, #tpu.memory_space<vmem>>
        %dma_wait3A_274 = arith.constant 0 : i32
        %dma_wait3A_275 = arith.constant 0 : i32
        %dma_wait3A_276 = tpu.memref_slice %arg11[%dma_wait3A_274, %dma_wait3A_275] : memref<10240x128xf32, #tpu.memory_space<vmem_shared>> -> memref<10240x128xf32, #tpu.memory_space<vmem_shared>>
        tpu.wait_indirect_dma semaphore(%run_scoped3A_264 : memref<!tpu.dma_semaphore, #tpu.memory_space<semaphore_mem>>) src(%arg10 : memref<128x128xf32, #tpu.memory_space<vmem>>) dst(%dma_wait3A_276 : memref<10240x128xf32, #tpu.memory_space<vmem_shared>>)
        tpu.yield
      }) : () -> ()
      %dma_start3A_211 = arith.constant 13 : i32
      %dma_start3A_212 = arith.constant 0 : i32
      %dma_start3A_213 = tpu.memref_slice %arg7[%dma_start3A_211, %dma_start3A_212] : memref<16x128xi32, #tpu.memory_space<vmem>> -> memref<1x128xi32, #tpu.memory_space<vmem>>
      %dma_start3A_214 = tpu.memref_squeeze %dma_start3A_213 : memref<1x128xi32, #tpu.memory_space<vmem>> -> memref<128xi32, #tpu.memory_space<vmem>>
      %dma_start3A_215 = arith.constant 0 : i32
      %dma_start3A_216 = arith.constant 0 : i32
      %dma_start3A_217 = tpu.memref_slice %arg2[%dma_start3A_215, %dma_start3A_216] : memref<10000x128xf32, #tpu.memory_space<hbm>> -> memref<10000x128xf32, #tpu.memory_space<hbm>>
      tpu.enqueue_indirect_dma source(%dma_start3A_217 : memref<10000x128xf32, #tpu.memory_space<hbm>>) target(%arg10 : memref<128x128xf32, #tpu.memory_space<vmem>>) offsets(%dma_start3A_214 : memref<128xi32, #tpu.memory_space<vmem>>) semaphore(%arg13 : memref<!tpu.dma_semaphore, #tpu.memory_space<semaphore_mem>>)
      %dma_wait3A_218 = arith.constant 12 : i32
      %dma_wait3A_219 = arith.constant 0 : i32
      %dma_wait3A_220 = tpu.memref_slice %arg7[%dma_wait3A_218, %dma_wait3A_219] : memref<16x128xi32, #tpu.memory_space<vmem>> -> memref<1x128xi32, #tpu.memory_space<vmem>>
      %dma_wait3A_221 = tpu.memref_squeeze %dma_wait3A_220 : memref<1x128xi32, #tpu.memory_space<vmem>> -> memref<128xi32, #tpu.memory_space<vmem>>
      %dma_wait3A_222 = arith.constant 0 : i32
      %dma_wait3A_223 = arith.constant 0 : i32
      %dma_wait3A_224 = tpu.memref_slice %arg2[%dma_wait3A_222, %dma_wait3A_223] : memref<10000x128xf32, #tpu.memory_space<hbm>> -> memref<10000x128xf32, #tpu.memory_space<hbm>>
      tpu.wait_indirect_dma semaphore(%arg12 : memref<!tpu.dma_semaphore, #tpu.memory_space<semaphore_mem>>) src(%dma_wait3A_224 : memref<10000x128xf32, #tpu.memory_space<hbm>>) dst(%arg9 : memref<128x128xf32, #tpu.memory_space<vmem>>)
      %run_scoped3A_225 = arith.constant 12 : i32
      "tpu.region"() ({
        %run_scoped3A_264 = tpu.sem_alloc : memref<!tpu.dma_semaphore, #tpu.memory_space<semaphore_mem>>
        %dma_start3A_265 = arith.constant 0 : i32
        %dma_start3A_266 = tpu.memref_slice %arg8[%run_scoped3A_225, %dma_start3A_265] : memref<16x128xi32, #tpu.memory_space<vmem>> -> memref<1x128xi32, #tpu.memory_space<vmem>>
        %dma_start3A_267 = tpu.memref_squeeze %dma_start3A_266 : memref<1x128xi32, #tpu.memory_space<vmem>> -> memref<128xi32, #tpu.memory_space<vmem>>
        %dma_start3A_268 = arith.constant 0 : i32
        %dma_start3A_269 = arith.constant 0 : i32
        %dma_start3A_270 = tpu.memref_slice %arg11[%dma_start3A_268, %dma_start3A_269] : memref<10240x128xf32, #tpu.memory_space<vmem_shared>> -> memref<10240x128xf32, #tpu.memory_space<vmem_shared>>
        tpu.enqueue_indirect_dma source(%arg9 : memref<128x128xf32, #tpu.memory_space<vmem>>) target(%dma_start3A_270 : memref<10240x128xf32, #tpu.memory_space<vmem_shared>>) offsets(%dma_start3A_267 : memref<128xi32, #tpu.memory_space<vmem>>) semaphore(%run_scoped3A_264 : memref<!tpu.dma_semaphore, #tpu.memory_space<semaphore_mem>>) {add = true}
        %dma_wait3A_271 = arith.constant 0 : i32
        %dma_wait3A_272 = tpu.memref_slice %arg8[%run_scoped3A_225, %dma_wait3A_271] : memref<16x128xi32, #tpu.memory_space<vmem>> -> memref<1x128xi32, #tpu.memory_space<vmem>>
        %dma_wait3A_273 = tpu.memref_squeeze %dma_wait3A_272 : memref<1x128xi32, #tpu.memory_space<vmem>> -> memref<128xi32, #tpu.memory_space<vmem>>
        %dma_wait3A_274 = arith.constant 0 : i32
        %dma_wait3A_275 = arith.constant 0 : i32
        %dma_wait3A_276 = tpu.memref_slice %arg11[%dma_wait3A_274, %dma_wait3A_275] : memref<10240x128xf32, #tpu.memory_space<vmem_shared>> -> memref<10240x128xf32, #tpu.memory_space<vmem_shared>>
        tpu.wait_indirect_dma semaphore(%run_scoped3A_264 : memref<!tpu.dma_semaphore, #tpu.memory_space<semaphore_mem>>) src(%arg9 : memref<128x128xf32, #tpu.memory_space<vmem>>) dst(%dma_wait3A_276 : memref<10240x128xf32, #tpu.memory_space<vmem_shared>>)
        tpu.yield
      }) : () -> ()
      %dma_start3A_226 = arith.constant 14 : i32
      %dma_start3A_227 = arith.constant 0 : i32
      %dma_start3A_228 = tpu.memref_slice %arg7[%dma_start3A_226, %dma_start3A_227] : memref<16x128xi32, #tpu.memory_space<vmem>> -> memref<1x128xi32, #tpu.memory_space<vmem>>
      %dma_start3A_229 = tpu.memref_squeeze %dma_start3A_228 : memref<1x128xi32, #tpu.memory_space<vmem>> -> memref<128xi32, #tpu.memory_space<vmem>>
      %dma_start3A_230 = arith.constant 0 : i32
      %dma_start3A_231 = arith.constant 0 : i32
      %dma_start3A_232 = tpu.memref_slice %arg2[%dma_start3A_230, %dma_start3A_231] : memref<10000x128xf32, #tpu.memory_space<hbm>> -> memref<10000x128xf32, #tpu.memory_space<hbm>>
      tpu.enqueue_indirect_dma source(%dma_start3A_232 : memref<10000x128xf32, #tpu.memory_space<hbm>>) target(%arg9 : memref<128x128xf32, #tpu.memory_space<vmem>>) offsets(%dma_start3A_229 : memref<128xi32, #tpu.memory_space<vmem>>) semaphore(%arg12 : memref<!tpu.dma_semaphore, #tpu.memory_space<semaphore_mem>>)
      %dma_wait3A_233 = arith.constant 13 : i32
      %dma_wait3A_234 = arith.constant 0 : i32
      %dma_wait3A_235 = tpu.memref_slice %arg7[%dma_wait3A_233, %dma_wait3A_234] : memref<16x128xi32, #tpu.memory_space<vmem>> -> memref<1x128xi32, #tpu.memory_space<vmem>>
      %dma_wait3A_236 = tpu.memref_squeeze %dma_wait3A_235 : memref<1x128xi32, #tpu.memory_space<vmem>> -> memref<128xi32, #tpu.memory_space<vmem>>
      %dma_wait3A_237 = arith.constant 0 : i32
      %dma_wait3A_238 = arith.constant 0 : i32
      %dma_wait3A_239 = tpu.memref_slice %arg2[%dma_wait3A_237, %dma_wait3A_238] : memref<10000x128xf32, #tpu.memory_space<hbm>> -> memref<10000x128xf32, #tpu.memory_space<hbm>>
      tpu.wait_indirect_dma semaphore(%arg13 : memref<!tpu.dma_semaphore, #tpu.memory_space<semaphore_mem>>) src(%dma_wait3A_239 : memref<10000x128xf32, #tpu.memory_space<hbm>>) dst(%arg10 : memref<128x128xf32, #tpu.memory_space<vmem>>)
      %run_scoped3A_240 = arith.constant 13 : i32
      "tpu.region"() ({
        %run_scoped3A_264 = tpu.sem_alloc : memref<!tpu.dma_semaphore, #tpu.memory_space<semaphore_mem>>
        %dma_start3A_265 = arith.constant 0 : i32
        %dma_start3A_266 = tpu.memref_slice %arg8[%run_scoped3A_240, %dma_start3A_265] : memref<16x128xi32, #tpu.memory_space<vmem>> -> memref<1x128xi32, #tpu.memory_space<vmem>>
        %dma_start3A_267 = tpu.memref_squeeze %dma_start3A_266 : memref<1x128xi32, #tpu.memory_space<vmem>> -> memref<128xi32, #tpu.memory_space<vmem>>
        %dma_start3A_268 = arith.constant 0 : i32
        %dma_start3A_269 = arith.constant 0 : i32
        %dma_start3A_270 = tpu.memref_slice %arg11[%dma_start3A_268, %dma_start3A_269] : memref<10240x128xf32, #tpu.memory_space<vmem_shared>> -> memref<10240x128xf32, #tpu.memory_space<vmem_shared>>
        tpu.enqueue_indirect_dma source(%arg10 : memref<128x128xf32, #tpu.memory_space<vmem>>) target(%dma_start3A_270 : memref<10240x128xf32, #tpu.memory_space<vmem_shared>>) offsets(%dma_start3A_267 : memref<128xi32, #tpu.memory_space<vmem>>) semaphore(%run_scoped3A_264 : memref<!tpu.dma_semaphore, #tpu.memory_space<semaphore_mem>>) {add = true}
        %dma_wait3A_271 = arith.constant 0 : i32
        %dma_wait3A_272 = tpu.memref_slice %arg8[%run_scoped3A_240, %dma_wait3A_271] : memref<16x128xi32, #tpu.memory_space<vmem>> -> memref<1x128xi32, #tpu.memory_space<vmem>>
        %dma_wait3A_273 = tpu.memref_squeeze %dma_wait3A_272 : memref<1x128xi32, #tpu.memory_space<vmem>> -> memref<128xi32, #tpu.memory_space<vmem>>
        %dma_wait3A_274 = arith.constant 0 : i32
        %dma_wait3A_275 = arith.constant 0 : i32
        %dma_wait3A_276 = tpu.memref_slice %arg11[%dma_wait3A_274, %dma_wait3A_275] : memref<10240x128xf32, #tpu.memory_space<vmem_shared>> -> memref<10240x128xf32, #tpu.memory_space<vmem_shared>>
        tpu.wait_indirect_dma semaphore(%run_scoped3A_264 : memref<!tpu.dma_semaphore, #tpu.memory_space<semaphore_mem>>) src(%arg10 : memref<128x128xf32, #tpu.memory_space<vmem>>) dst(%dma_wait3A_276 : memref<10240x128xf32, #tpu.memory_space<vmem_shared>>)
        tpu.yield
      }) : () -> ()
      %dma_start3A_241 = arith.constant 15 : i32
      %dma_start3A_242 = arith.constant 0 : i32
      %dma_start3A_243 = tpu.memref_slice %arg7[%dma_start3A_241, %dma_start3A_242] : memref<16x128xi32, #tpu.memory_space<vmem>> -> memref<1x128xi32, #tpu.memory_space<vmem>>
      %dma_start3A_244 = tpu.memref_squeeze %dma_start3A_243 : memref<1x128xi32, #tpu.memory_space<vmem>> -> memref<128xi32, #tpu.memory_space<vmem>>
      %dma_start3A_245 = arith.constant 0 : i32
      %dma_start3A_246 = arith.constant 0 : i32
      %dma_start3A_247 = tpu.memref_slice %arg2[%dma_start3A_245, %dma_start3A_246] : memref<10000x128xf32, #tpu.memory_space<hbm>> -> memref<10000x128xf32, #tpu.memory_space<hbm>>
      tpu.enqueue_indirect_dma source(%dma_start3A_247 : memref<10000x128xf32, #tpu.memory_space<hbm>>) target(%arg10 : memref<128x128xf32, #tpu.memory_space<vmem>>) offsets(%dma_start3A_244 : memref<128xi32, #tpu.memory_space<vmem>>) semaphore(%arg13 : memref<!tpu.dma_semaphore, #tpu.memory_space<semaphore_mem>>)
      %dma_wait3A_248 = arith.constant 14 : i32
      %dma_wait3A_249 = arith.constant 0 : i32
      %dma_wait3A_250 = tpu.memref_slice %arg7[%dma_wait3A_248, %dma_wait3A_249] : memref<16x128xi32, #tpu.memory_space<vmem>> -> memref<1x128xi32, #tpu.memory_space<vmem>>
      %dma_wait3A_251 = tpu.memref_squeeze %dma_wait3A_250 : memref<1x128xi32, #tpu.memory_space<vmem>> -> memref<128xi32, #tpu.memory_space<vmem>>
      %dma_wait3A_252 = arith.constant 0 : i32
      %dma_wait3A_253 = arith.constant 0 : i32
      %dma_wait3A_254 = tpu.memref_slice %arg2[%dma_wait3A_252, %dma_wait3A_253] : memref<10000x128xf32, #tpu.memory_space<hbm>> -> memref<10000x128xf32, #tpu.memory_space<hbm>>
      tpu.wait_indirect_dma semaphore(%arg12 : memref<!tpu.dma_semaphore, #tpu.memory_space<semaphore_mem>>) src(%dma_wait3A_254 : memref<10000x128xf32, #tpu.memory_space<hbm>>) dst(%arg9 : memref<128x128xf32, #tpu.memory_space<vmem>>)
      %run_scoped3A_255 = arith.constant 14 : i32
      "tpu.region"() ({
        %run_scoped3A_264 = tpu.sem_alloc : memref<!tpu.dma_semaphore, #tpu.memory_space<semaphore_mem>>
        %dma_start3A_265 = arith.constant 0 : i32
        %dma_start3A_266 = tpu.memref_slice %arg8[%run_scoped3A_255, %dma_start3A_265] : memref<16x128xi32, #tpu.memory_space<vmem>> -> memref<1x128xi32, #tpu.memory_space<vmem>>
        %dma_start3A_267 = tpu.memref_squeeze %dma_start3A_266 : memref<1x128xi32, #tpu.memory_space<vmem>> -> memref<128xi32, #tpu.memory_space<vmem>>
        %dma_start3A_268 = arith.constant 0 : i32
        %dma_start3A_269 = arith.constant 0 : i32
        %dma_start3A_270 = tpu.memref_slice %arg11[%dma_start3A_268, %dma_start3A_269] : memref<10240x128xf32, #tpu.memory_space<vmem_shared>> -> memref<10240x128xf32, #tpu.memory_space<vmem_shared>>
        tpu.enqueue_indirect_dma source(%arg9 : memref<128x128xf32, #tpu.memory_space<vmem>>) target(%dma_start3A_270 : memref<10240x128xf32, #tpu.memory_space<vmem_shared>>) offsets(%dma_start3A_267 : memref<128xi32, #tpu.memory_space<vmem>>) semaphore(%run_scoped3A_264 : memref<!tpu.dma_semaphore, #tpu.memory_space<semaphore_mem>>) {add = true}
        %dma_wait3A_271 = arith.constant 0 : i32
        %dma_wait3A_272 = tpu.memref_slice %arg8[%run_scoped3A_255, %dma_wait3A_271] : memref<16x128xi32, #tpu.memory_space<vmem>> -> memref<1x128xi32, #tpu.memory_space<vmem>>
        %dma_wait3A_273 = tpu.memref_squeeze %dma_wait3A_272 : memref<1x128xi32, #tpu.memory_space<vmem>> -> memref<128xi32, #tpu.memory_space<vmem>>
        %dma_wait3A_274 = arith.constant 0 : i32
        %dma_wait3A_275 = arith.constant 0 : i32
        %dma_wait3A_276 = tpu.memref_slice %arg11[%dma_wait3A_274, %dma_wait3A_275] : memref<10240x128xf32, #tpu.memory_space<vmem_shared>> -> memref<10240x128xf32, #tpu.memory_space<vmem_shared>>
        tpu.wait_indirect_dma semaphore(%run_scoped3A_264 : memref<!tpu.dma_semaphore, #tpu.memory_space<semaphore_mem>>) src(%arg9 : memref<128x128xf32, #tpu.memory_space<vmem>>) dst(%dma_wait3A_276 : memref<10240x128xf32, #tpu.memory_space<vmem_shared>>)
        tpu.yield
      }) : () -> ()
      %dma_wait3A_256 = arith.constant 15 : i32
      %dma_wait3A_257 = arith.constant 0 : i32
      %dma_wait3A_258 = tpu.memref_slice %arg7[%dma_wait3A_256, %dma_wait3A_257] : memref<16x128xi32, #tpu.memory_space<vmem>> -> memref<1x128xi32, #tpu.memory_space<vmem>>
      %dma_wait3A_259 = tpu.memref_squeeze %dma_wait3A_258 : memref<1x128xi32, #tpu.memory_space<vmem>> -> memref<128xi32, #tpu.memory_space<vmem>>
      %dma_wait3A_260 = arith.constant 0 : i32
      %dma_wait3A_261 = arith.constant 0 : i32
      %dma_wait3A_262 = tpu.memref_slice %arg2[%dma_wait3A_260, %dma_wait3A_261] : memref<10000x128xf32, #tpu.memory_space<hbm>> -> memref<10000x128xf32, #tpu.memory_space<hbm>>
      tpu.wait_indirect_dma semaphore(%arg13 : memref<!tpu.dma_semaphore, #tpu.memory_space<semaphore_mem>>) src(%dma_wait3A_262 : memref<10000x128xf32, #tpu.memory_space<hbm>>) dst(%arg10 : memref<128x128xf32, #tpu.memory_space<vmem>>)
      %run_scoped3A_263 = arith.constant 15 : i32
      "tpu.region"() ({
        %run_scoped3A_264 = tpu.sem_alloc : memref<!tpu.dma_semaphore, #tpu.memory_space<semaphore_mem>>
        %dma_start3A_265 = arith.constant 0 : i32
        %dma_start3A_266 = tpu.memref_slice %arg8[%run_scoped3A_263, %dma_start3A_265] : memref<16x128xi32, #tpu.memory_space<vmem>> -> memref<1x128xi32, #tpu.memory_space<vmem>>
        %dma_start3A_267 = tpu.memref_squeeze %dma_start3A_266 : memref<1x128xi32, #tpu.memory_space<vmem>> -> memref<128xi32, #tpu.memory_space<vmem>>
        %dma_start3A_268 = arith.constant 0 : i32
        %dma_start3A_269 = arith.constant 0 : i32
        %dma_start3A_270 = tpu.memref_slice %arg11[%dma_start3A_268, %dma_start3A_269] : memref<10240x128xf32, #tpu.memory_space<vmem_shared>> -> memref<10240x128xf32, #tpu.memory_space<vmem_shared>>
        tpu.enqueue_indirect_dma source(%arg10 : memref<128x128xf32, #tpu.memory_space<vmem>>) target(%dma_start3A_270 : memref<10240x128xf32, #tpu.memory_space<vmem_shared>>) offsets(%dma_start3A_267 : memref<128xi32, #tpu.memory_space<vmem>>) semaphore(%run_scoped3A_264 : memref<!tpu.dma_semaphore, #tpu.memory_space<semaphore_mem>>) {add = true}
        %dma_wait3A_271 = arith.constant 0 : i32
        %dma_wait3A_272 = tpu.memref_slice %arg8[%run_scoped3A_263, %dma_wait3A_271] : memref<16x128xi32, #tpu.memory_space<vmem>> -> memref<1x128xi32, #tpu.memory_space<vmem>>
        %dma_wait3A_273 = tpu.memref_squeeze %dma_wait3A_272 : memref<1x128xi32, #tpu.memory_space<vmem>> -> memref<128xi32, #tpu.memory_space<vmem>>
        %dma_wait3A_274 = arith.constant 0 : i32
        %dma_wait3A_275 = arith.constant 0 : i32
        %dma_wait3A_276 = tpu.memref_slice %arg11[%dma_wait3A_274, %dma_wait3A_275] : memref<10240x128xf32, #tpu.memory_space<vmem_shared>> -> memref<10240x128xf32, #tpu.memory_space<vmem_shared>>
        tpu.wait_indirect_dma semaphore(%run_scoped3A_264 : memref<!tpu.dma_semaphore, #tpu.memory_space<semaphore_mem>>) src(%arg10 : memref<128x128xf32, #tpu.memory_space<vmem>>) dst(%dma_wait3A_276 : memref<10240x128xf32, #tpu.memory_space<vmem_shared>>)
        tpu.yield
      }) : () -> ()
    }
    %barrier3A_18 = arith.constant 0 : index
    tpu.barrier barrier_id(%barrier3A_18)
    %mul3A_19 = arith.constant 640 : i32
    %mul3A_20 = arith.muli %arg1, %mul3A_19 : i32
    %mul3A_21 = arith.constant 640 : i32
    %mul3A_22 = arith.muli %arg1, %mul3A_21 : i32
    "tpu.region"() ({
      %run_scoped3A = tpu.sem_alloc : memref<!tpu.dma_semaphore, #tpu.memory_space<semaphore_mem>>
      %dma_start3A = arith.constant 0 : i32
      %dma_start3A_23 = arith.constant 0 : i32
      %dma_start3A_24 = tpu.memref_slice %arg6[%arg0, %dma_start3A, %dma_start3A_23] : memref<2x10240x128xf32, #tpu.memory_space<hbm>> -> memref<1x10240x128xf32, #tpu.memory_space<hbm>>
      %dma_start3A_25 = tpu.memref_squeeze %dma_start3A_24 : memref<1x10240x128xf32, #tpu.memory_space<hbm>> -> memref<10240x128xf32, #tpu.memory_space<hbm>>
      %dma_start3A_26 = arith.constant 0 : i32
      %dma_start3A_27 = tpu.memref_slice %dma_start3A_25[%mul3A_22, %dma_start3A_26] : memref<10240x128xf32, #tpu.memory_space<hbm>> -> memref<640x128xf32, #tpu.memory_space<hbm>>
      %dma_start3A_28 = arith.constant 0 : i32
      %dma_start3A_29 = tpu.memref_slice %arg11[%mul3A_20, %dma_start3A_28] : memref<10240x128xf32, #tpu.memory_space<vmem_shared>> -> memref<640x128xf32, #tpu.memory_space<vmem_shared>>
      tpu.enqueue_dma source(%dma_start3A_29 : memref<640x128xf32, #tpu.memory_space<vmem_shared>>) target(%dma_start3A_27 : memref<640x128xf32, #tpu.memory_space<hbm>>) target_semaphore(%run_scoped3A : memref<!tpu.dma_semaphore, #tpu.memory_space<semaphore_mem>>)
      %dma_wait3A = arith.constant 0 : i32
      %dma_wait3A_30 = arith.constant 0 : i32
      %dma_wait3A_31 = tpu.memref_slice %arg6[%arg0, %dma_wait3A, %dma_wait3A_30] : memref<2x10240x128xf32, #tpu.memory_space<hbm>> -> memref<1x10240x128xf32, #tpu.memory_space<hbm>>
      %dma_wait3A_32 = tpu.memref_squeeze %dma_wait3A_31 : memref<1x10240x128xf32, #tpu.memory_space<hbm>> -> memref<10240x128xf32, #tpu.memory_space<hbm>>
      %dma_wait3A_33 = arith.constant 0 : i32
      %dma_wait3A_34 = tpu.memref_slice %dma_wait3A_32[%mul3A_22, %dma_wait3A_33] : memref<10240x128xf32, #tpu.memory_space<hbm>> -> memref<640x128xf32, #tpu.memory_space<hbm>>
      %dma_wait3A_35 = arith.constant 0 : i32
      %dma_wait3A_36 = tpu.memref_slice %arg11[%mul3A_20, %dma_wait3A_35] : memref<10240x128xf32, #tpu.memory_space<vmem_shared>> -> memref<640x128xf32, #tpu.memory_space<vmem_shared>>
      tpu.wait_dma2 semaphore(%run_scoped3A : memref<!tpu.dma_semaphore, #tpu.memory_space<semaphore_mem>>) src(%dma_wait3A_36 : memref<640x128xf32, #tpu.memory_space<vmem_shared>>) dst(%dma_wait3A_34 : memref<640x128xf32, #tpu.memory_space<hbm>>)
      tpu.yield
    }) : () -> ()
    return
  }
}

module attributes {stable_mosaic.version = 14 : i64} {
  func.func @_matmul_kernel(%arg0: i32, %arg1: memref<1000x128xf32, #tpu.memory_space<vmem>>, %arg2: memref<128x128xf32, #tpu.memory_space<vmem>>, %arg3: memref<1000x128xf32, #tpu.memory_space<vmem>>) attributes {dimension_semantics = [#tpu.dimension_semantics<arbitrary>], iteration_bounds = array<i64: 10>, scalar_prefetch = 0 : i64, scratch_operands = 0 : i64, tpu.core_type = #tpu.core_type<tc>, window_params = [{transform_indices = @transform_0, window_bounds = array<i64: 1000, 128>}, {pipeline_mode = #tpu.pipeline_mode<synchronous>, transform_indices = @transform_1, window_bounds = array<i64: 128, 128>}, {transform_indices = @transform_2, window_bounds = array<i64: 1000, 128>}]} {
    %get3A = arith.constant 0 : index
    %get3A_0 = arith.constant 0 : index
    %get3A_1 = vector.load %arg1[%get3A, %get3A_0] : memref<1000x128xf32, #tpu.memory_space<vmem>>, vector<1000x128xf32>
    %get3A_2 = arith.constant 0 : index
    %get3A_3 = arith.constant 0 : index
    %get3A_4 = vector.load %arg2[%get3A_2, %get3A_3] : memref<128x128xf32, #tpu.memory_space<vmem>>, vector<128x128xf32>
    %dot_general3A = arith.constant dense<0.000000e+00> : vector<1000x128xf32>
    %dot_general3A_5 = tpu.matmul %get3A_1, %get3A_4, %dot_general3A {dimension_numbers = #tpu.dot_dimension_numbers<[1], [0], [0], [1], [0, 0, 1, 1], [], []>, transpose_lhs_hint = false} : vector<1000x128xf32>, vector<128x128xf32>, vector<1000x128xf32> -> vector<1000x128xf32>
    %swap3A = arith.constant 0 : index
    %swap3A_6 = arith.constant 0 : index
    %swap3A_7 = vector.load %arg3[%swap3A, %swap3A_6] : memref<1000x128xf32, #tpu.memory_space<vmem>>, vector<1000x128xf32>
    tpu.vector_store %arg3[%swap3A, %swap3A_6], %dot_general3A_5 {strides = array<i32>} : memref<1000x128xf32, #tpu.memory_space<vmem>>, vector<1000x128xf32>,
    return
  }
  func.func @transform_0(%arg0: i32) -> (i32, i32) {
    %c0_i32 = arith.constant 0 : i32
    %c0_i32_0 = arith.constant 0 : i32
    return %arg0, %c0_i32 : i32, i32
  }
  func.func @transform_1(%arg0: i32) -> (i32, i32) {
    %c0_i32 = arith.constant 0 : i32
    %c0_i32_0 = arith.constant 0 : i32
    %c0_i32_1 = arith.constant 0 : i32
    return %c0_i32, %c0_i32_0 : i32, i32
  }
  func.func @transform_2(%arg0: i32) -> (i32, i32) {
    %c0_i32 = arith.constant 0 : i32
    %c0_i32_0 = arith.constant 0 : i32
    return %arg0, %c0_i32 : i32, i32
  }
}

module attributes {stable_mosaic.version = 14 : i64} {
  func.func @_scale_in_kernel(%arg0: i32, %arg1: memref<1000x128xf32, #tpu.memory_space<vmem>>, %arg2: memref<1x1000x16xf32, #tpu.memory_space<vmem>>, %arg3: memref<1x1000x16xf32, #tpu.memory_space<vmem>>, %arg4: memref<1000x128xf32, #tpu.memory_space<vmem>>) attributes {dimension_semantics = [#tpu.dimension_semantics<arbitrary>], iteration_bounds = array<i64: 10>, scalar_prefetch = 0 : i64, scratch_operands = 0 : i64, tpu.core_type = #tpu.core_type<tc>, window_params = [{transform_indices = @transform_0, window_bounds = array<i64: 1000, 128>}, {transform_indices = @transform_1, window_bounds = array<i64: 1, 1000, 16>}, {transform_indices = @transform_2, window_bounds = array<i64: 1, 1000, 16>}, {transform_indices = @transform_3, window_bounds = array<i64: 1000, 128>}]} {
    %get3A = arith.constant 0 : index
    %get3A_0 = arith.constant 0 : index
    %get3A_1 = vector.load %arg1[%get3A, %get3A_0] : memref<1000x128xf32, #tpu.memory_space<vmem>>, vector<1000x128xf32>
    %get3A_2 = arith.constant 0 : index
    %get3A_3 = arith.constant 0 : index
    %get3A_4 = arith.constant 0 : index
    %get3A_5 = vector.load %arg2[%get3A_2, %get3A_3, %get3A_4] : memref<1x1000x16xf32, #tpu.memory_space<vmem>>, vector<1x1000x1xf32>
    %get3A_6 = vector.shape_cast %get3A_5 : vector<1x1000x1xf32> to vector<1000x1xf32>
    %get3A_7 = arith.constant 0 : index
    %get3A_8 = arith.constant 0 : index
    %get3A_9 = arith.constant 0 : index
    %get3A_10 = vector.load %arg3[%get3A_7, %get3A_8, %get3A_9] : memref<1x1000x16xf32, #tpu.memory_space<vmem>>, vector<1x1000x1xf32>
    %get3A_11 = vector.shape_cast %get3A_10 : vector<1x1000x1xf32> to vector<1000x1xf32>
    %add3A = arith.addf %get3A_6, %get3A_11 : vector<1000x1xf32>
    %add3A_12 = arith.constant 1.000000e+00 : f32
    %add3A_13 = vector.broadcast %add3A_12 : f32 to vector<1000x1xf32>
    %add3A_14 = arith.addf %add3A, %add3A_13 : vector<1000x1xf32>
    %rsqrt3A = math.rsqrt %add3A_14 : vector<1000x1xf32>
    %mul3A = vector.broadcast %rsqrt3A : vector<1000x1xf32> to vector<1000x128xf32>
    %mul3A_15 = arith.mulf %get3A_1, %mul3A : vector<1000x128xf32>
    %swap3A = arith.constant 0 : index
    %swap3A_16 = arith.constant 0 : index
    %swap3A_17 = vector.load %arg4[%swap3A, %swap3A_16] : memref<1000x128xf32, #tpu.memory_space<vmem>>, vector<1000x128xf32>
    tpu.vector_store %arg4[%swap3A, %swap3A_16], %mul3A_15 {strides = array<i32>} : memref<1000x128xf32, #tpu.memory_space<vmem>>, vector<1000x128xf32>,
    return
  }
  func.func @transform_0(%arg0: i32) -> (i32, i32) {
    %c0_i32 = arith.constant 0 : i32
    %c0_i32_0 = arith.constant 0 : i32
    return %arg0, %c0_i32 : i32, i32
  }
  func.func @transform_1(%arg0: i32) -> (i32, i32, i32) {
    %c0_i32 = arith.constant 0 : i32
    %c0_i32_0 = arith.constant 0 : i32
    %c0_i32_1 = arith.constant 0 : i32
    return %c0_i32, %arg0, %c0_i32_0 : i32, i32, i32
  }
  func.func @transform_2(%arg0: i32) -> (i32, i32, i32) {
    %c1_i32 = arith.constant 1 : i32
    %c0_i32 = arith.constant 0 : i32
    %c0_i32_0 = arith.constant 0 : i32
    return %c1_i32, %arg0, %c0_i32 : i32, i32, i32
  }
  func.func @transform_3(%arg0: i32) -> (i32, i32) {
    %c0_i32 = arith.constant 0 : i32
    %c0_i32_0 = arith.constant 0 : i32
    return %arg0, %c0_i32 : i32, i32
  }
}

module attributes {stable_mosaic.version = 14 : i64} {
  func.func @_mid_kernel(%arg0: i32, %arg1: memref<1x1000x128xf32, #tpu.memory_space<vmem>>, %arg2: memref<1x1000x128xf32, #tpu.memory_space<vmem>>, %arg3: memref<1000x128xf32, #tpu.memory_space<vmem>>, %arg4: memref<1x128xf32, #tpu.memory_space<vmem>>, %arg5: memref<128x64xf32, #tpu.memory_space<vmem>>, %arg6: memref<1x1000x16xf32, #tpu.memory_space<vmem>>, %arg7: memref<1x1000x16xf32, #tpu.memory_space<vmem>>, %arg8: memref<1000x64xf32, #tpu.memory_space<vmem>>) attributes {dimension_semantics = [#tpu.dimension_semantics<arbitrary>], iteration_bounds = array<i64: 10>, scalar_prefetch = 0 : i64, scratch_operands = 0 : i64, tpu.core_type = #tpu.core_type<tc>, window_params = [{transform_indices = @transform_0, window_bounds = array<i64: 1, 1000, 128>}, {transform_indices = @transform_1, window_bounds = array<i64: 1, 1000, 128>}, {transform_indices = @transform_2, window_bounds = array<i64: 1000, 128>}, {pipeline_mode = #tpu.pipeline_mode<synchronous>, transform_indices = @transform_3, window_bounds = array<i64: 1, 128>}, {pipeline_mode = #tpu.pipeline_mode<synchronous>, transform_indices = @transform_4, window_bounds = array<i64: 128, 64>}, {transform_indices = @transform_5, window_bounds = array<i64: 1, 1000, 16>}, {transform_indices = @transform_6, window_bounds = array<i64: 1, 1000, 16>}, {transform_indices = @transform_7, window_bounds = array<i64: 1000, 64>}]} {
    %get3A = arith.constant 0 : index
    %get3A_0 = arith.constant 0 : index
    %get3A_1 = arith.constant 0 : index
    %get3A_2 = vector.load %arg6[%get3A, %get3A_0, %get3A_1] : memref<1x1000x16xf32, #tpu.memory_space<vmem>>, vector<1x1000x1xf32>
    %get3A_3 = vector.shape_cast %get3A_2 : vector<1x1000x1xf32> to vector<1000x1xf32>
    %get3A_4 = arith.constant 0 : index
    %get3A_5 = arith.constant 0 : index
    %get3A_6 = arith.constant 0 : index
    %get3A_7 = vector.load %arg7[%get3A_4, %get3A_5, %get3A_6] : memref<1x1000x16xf32, #tpu.memory_space<vmem>>, vector<1x1000x1xf32>
    %get3A_8 = vector.shape_cast %get3A_7 : vector<1x1000x1xf32> to vector<1000x1xf32>
    %add3A = arith.addf %get3A_3, %get3A_8 : vector<1000x1xf32>
    %add3A_9 = arith.constant 1.000000e+00 : f32
    %add3A_10 = vector.broadcast %add3A_9 : f32 to vector<1000x1xf32>
    %add3A_11 = arith.addf %add3A, %add3A_10 : vector<1000x1xf32>
    %rsqrt3A = math.rsqrt %add3A_11 : vector<1000x1xf32>
    %get3A_12 = arith.constant 0 : index
    %get3A_13 = arith.constant 0 : index
    %get3A_14 = arith.constant 0 : index
    %get3A_15 = vector.load %arg1[%get3A_12, %get3A_13, %get3A_14] : memref<1x1000x128xf32, #tpu.memory_space<vmem>>, vector<1x1000x128xf32>
    %get3A_16 = vector.shape_cast %get3A_15 : vector<1x1000x128xf32> to vector<1000x128xf32>
    %get3A_17 = arith.constant 0 : index
    %get3A_18 = arith.constant 0 : index
    %get3A_19 = arith.constant 0 : index
    %get3A_20 = vector.load %arg2[%get3A_17, %get3A_18, %get3A_19] : memref<1x1000x128xf32, #tpu.memory_space<vmem>>, vector<1x1000x128xf32>
    %get3A_21 = vector.shape_cast %get3A_20 : vector<1x1000x128xf32> to vector<1000x128xf32>
    %add3A_22 = arith.addf %get3A_16, %get3A_21 : vector<1000x128xf32>
    %get3A_23 = arith.constant 0 : index
    %get3A_24 = arith.constant 0 : index
    %get3A_25 = vector.load %arg3[%get3A_23, %get3A_24] : memref<1000x128xf32, #tpu.memory_space<vmem>>, vector<1000x128xf32>
    %add3A_26 = arith.addf %add3A_22, %get3A_25 : vector<1000x128xf32>
    %mul3A = vector.broadcast %rsqrt3A : vector<1000x1xf32> to vector<1000x128xf32>
    %mul3A_27 = arith.mulf %mul3A, %add3A_26 : vector<1000x128xf32>
    %get3A_28 = arith.constant 0 : index
    %get3A_29 = arith.constant 0 : index
    %get3A_30 = vector.load %arg4[%get3A_28, %get3A_29] : memref<1x128xf32, #tpu.memory_space<vmem>>, vector<1x128xf32>
    %add3A_31 = vector.broadcast %get3A_30 : vector<1x128xf32> to vector<1000x128xf32>
    %add3A_32 = arith.addf %mul3A_27, %add3A_31 : vector<1000x128xf32>
    %max3A = arith.constant 0.000000e+00 : f32
    %max3A_33 = vector.broadcast %max3A : f32 to vector<1000x128xf32>
    %max3A_34 = arith.maximumf %add3A_32, %max3A_33 : vector<1000x128xf32>
    %get3A_35 = arith.constant 0 : index
    %get3A_36 = arith.constant 0 : index
    %get3A_37 = vector.load %arg5[%get3A_35, %get3A_36] : memref<128x64xf32, #tpu.memory_space<vmem>>, vector<128x64xf32>
    %dot_general3A = arith.constant dense<0.000000e+00> : vector<1000x64xf32>
    %dot_general3A_38 = tpu.matmul %max3A_34, %get3A_37, %dot_general3A {dimension_numbers = #tpu.dot_dimension_numbers<[1], [0], [0], [1], [0, 0, 1, 1], [], []>, transpose_lhs_hint = false} : vector<1000x128xf32>, vector<128x64xf32>, vector<1000x64xf32> -> vector<1000x64xf32>
    %mul3A_39 = vector.broadcast %rsqrt3A : vector<1000x1xf32> to vector<1000x64xf32>
    %mul3A_40 = arith.mulf %dot_general3A_38, %mul3A_39 : vector<1000x64xf32>
    %swap3A = arith.constant 0 : index
    %swap3A_41 = arith.constant 0 : index
    %swap3A_42 = vector.load %arg8[%swap3A, %swap3A_41] : memref<1000x64xf32, #tpu.memory_space<vmem>>, vector<1000x64xf32>
    tpu.vector_store %arg8[%swap3A, %swap3A_41], %mul3A_40 {strides = array<i32>} : memref<1000x64xf32, #tpu.memory_space<vmem>>, vector<1000x64xf32>,
    return
  }
  func.func @transform_0(%arg0: i32) -> (i32, i32, i32) {
    %c0_i32 = arith.constant 0 : i32
    %c0_i32_0 = arith.constant 0 : i32
    %c0_i32_1 = arith.constant 0 : i32
    return %c0_i32, %arg0, %c0_i32_0 : i32, i32, i32
  }
  func.func @transform_1(%arg0: i32) -> (i32, i32, i32) {
    %c1_i32 = arith.constant 1 : i32
    %c0_i32 = arith.constant 0 : i32
    %c0_i32_0 = arith.constant 0 : i32
    return %c1_i32, %arg0, %c0_i32 : i32, i32, i32
  }
  func.func @transform_2(%arg0: i32) -> (i32, i32) {
    %c0_i32 = arith.constant 0 : i32
    %c0_i32_0 = arith.constant 0 : i32
    return %arg0, %c0_i32 : i32, i32
  }
  func.func @transform_3(%arg0: i32) -> (i32, i32) {
    %c0_i32 = arith.constant 0 : i32
    %c0_i32_0 = arith.constant 0 : i32
    %c0_i32_1 = arith.constant 0 : i32
    return %c0_i32, %c0_i32_0 : i32, i32
  }
  func.func @transform_4(%arg0: i32) -> (i32, i32) {
    %c0_i32 = arith.constant 0 : i32
    %c0_i32_0 = arith.constant 0 : i32
    %c0_i32_1 = arith.constant 0 : i32
    return %c0_i32, %c0_i32_0 : i32, i32
  }
  func.func @transform_5(%arg0: i32) -> (i32, i32, i32) {
    %c0_i32 = arith.constant 0 : i32
    %c0_i32_0 = arith.constant 0 : i32
    %c0_i32_1 = arith.constant 0 : i32
    return %c0_i32, %arg0, %c0_i32_0 : i32, i32, i32
  }
  func.func @transform_6(%arg0: i32) -> (i32, i32, i32) {
    %c1_i32 = arith.constant 1 : i32
    %c0_i32 = arith.constant 0 : i32
    %c0_i32_0 = arith.constant 0 : i32
    return %c1_i32, %arg0, %c0_i32 : i32, i32, i32
  }
  func.func @transform_7(%arg0: i32) -> (i32, i32) {
    %c0_i32 = arith.constant 0 : i32
    %c0_i32_0 = arith.constant 0 : i32
    return %arg0, %c0_i32 : i32, i32
  }
}

module attributes {stable_mosaic.version = 14 : i64} {
  func.func @_final_kernel(%arg0: i32, %arg1: memref<1x1000x64xf32, #tpu.memory_space<vmem>>, %arg2: memref<1x1000x64xf32, #tpu.memory_space<vmem>>, %arg3: memref<1000x64xf32, #tpu.memory_space<vmem>>, %arg4: memref<1x64xf32, #tpu.memory_space<vmem>>, %arg5: memref<1x1000x16xf32, #tpu.memory_space<vmem>>, %arg6: memref<1x1000x16xf32, #tpu.memory_space<vmem>>, %arg7: memref<1000x32xf32, #tpu.memory_space<vmem>>, %arg8: memref<1000x32xf32, #tpu.memory_space<vmem>>) attributes {dimension_semantics = [#tpu.dimension_semantics<arbitrary>], iteration_bounds = array<i64: 10>, scalar_prefetch = 0 : i64, scratch_operands = 0 : i64, tpu.core_type = #tpu.core_type<tc>, window_params = [{transform_indices = @transform_0, window_bounds = array<i64: 1, 1000, 64>}, {transform_indices = @transform_1, window_bounds = array<i64: 1, 1000, 64>}, {transform_indices = @transform_2, window_bounds = array<i64: 1000, 64>}, {pipeline_mode = #tpu.pipeline_mode<synchronous>, transform_indices = @transform_3, window_bounds = array<i64: 1, 64>}, {transform_indices = @transform_4, window_bounds = array<i64: 1, 1000, 16>}, {transform_indices = @transform_5, window_bounds = array<i64: 1, 1000, 16>}, {transform_indices = @transform_6, window_bounds = array<i64: 1000, 32>}, {transform_indices = @transform_7, window_bounds = array<i64: 1000, 32>}]} {
    %get3A = arith.constant 0 : index
    %get3A_0 = arith.constant 0 : index
    %get3A_1 = arith.constant 0 : index
    %get3A_2 = vector.load %arg5[%get3A, %get3A_0, %get3A_1] : memref<1x1000x16xf32, #tpu.memory_space<vmem>>, vector<1x1000x1xf32>
    %get3A_3 = vector.shape_cast %get3A_2 : vector<1x1000x1xf32> to vector<1000x1xf32>
    %get3A_4 = arith.constant 0 : index
    %get3A_5 = arith.constant 0 : index
    %get3A_6 = arith.constant 0 : index
    %get3A_7 = vector.load %arg6[%get3A_4, %get3A_5, %get3A_6] : memref<1x1000x16xf32, #tpu.memory_space<vmem>>, vector<1x1000x1xf32>
    %get3A_8 = vector.shape_cast %get3A_7 : vector<1x1000x1xf32> to vector<1000x1xf32>
    %add3A = arith.addf %get3A_3, %get3A_8 : vector<1000x1xf32>
    %add3A_9 = arith.constant 1.000000e+00 : f32
    %add3A_10 = vector.broadcast %add3A_9 : f32 to vector<1000x1xf32>
    %add3A_11 = arith.addf %add3A, %add3A_10 : vector<1000x1xf32>
    %rsqrt3A = math.rsqrt %add3A_11 : vector<1000x1xf32>
    %get3A_12 = arith.constant 0 : index
    %get3A_13 = arith.constant 0 : index
    %get3A_14 = arith.constant 0 : index
    %get3A_15 = vector.load %arg1[%get3A_12, %get3A_13, %get3A_14] : memref<1x1000x64xf32, #tpu.memory_space<vmem>>, vector<1x1000x64xf32>
    %get3A_16 = vector.shape_cast %get3A_15 : vector<1x1000x64xf32> to vector<1000x64xf32>
    %get3A_17 = arith.constant 0 : index
    %get3A_18 = arith.constant 0 : index
    %get3A_19 = arith.constant 0 : index
    %get3A_20 = vector.load %arg2[%get3A_17, %get3A_18, %get3A_19] : memref<1x1000x64xf32, #tpu.memory_space<vmem>>, vector<1x1000x64xf32>
    %get3A_21 = vector.shape_cast %get3A_20 : vector<1x1000x64xf32> to vector<1000x64xf32>
    %add3A_22 = arith.addf %get3A_16, %get3A_21 : vector<1000x64xf32>
    %get3A_23 = arith.constant 0 : index
    %get3A_24 = arith.constant 0 : index
    %get3A_25 = vector.load %arg3[%get3A_23, %get3A_24] : memref<1000x64xf32, #tpu.memory_space<vmem>>, vector<1000x64xf32>
    %add3A_26 = arith.addf %add3A_22, %get3A_25 : vector<1000x64xf32>
    %mul3A = vector.broadcast %rsqrt3A : vector<1000x1xf32> to vector<1000x64xf32>
    %mul3A_27 = arith.mulf %mul3A, %add3A_26 : vector<1000x64xf32>
    %get3A_28 = arith.constant 0 : index
    %get3A_29 = arith.constant 0 : index
    %get3A_30 = vector.load %arg4[%get3A_28, %get3A_29] : memref<1x64xf32, #tpu.memory_space<vmem>>, vector<1x64xf32>
    %add3A_31 = vector.broadcast %get3A_30 : vector<1x64xf32> to vector<1000x64xf32>
    %add3A_32 = arith.addf %mul3A_27, %add3A_31 : vector<1000x64xf32>
    %slice3A = vector.extract_strided_slice %add3A_32 {offsets = [0, 0], sizes = [1000, 32], strides = [1, 1]} : vector<1000x64xf32> to vector<1000x32xf32>
    %swap3A = arith.constant 0 : index
    %swap3A_33 = arith.constant 0 : index
    %swap3A_34 = vector.load %arg7[%swap3A, %swap3A_33] : memref<1000x32xf32, #tpu.memory_space<vmem>>, vector<1000x32xf32>
    tpu.vector_store %arg7[%swap3A, %swap3A_33], %slice3A {strides = array<i32>} : memref<1000x32xf32, #tpu.memory_space<vmem>>, vector<1000x32xf32>,
    %slice3A_35 = vector.extract_strided_slice %add3A_32 {offsets = [0, 32], sizes = [1000, 32], strides = [1, 1]} : vector<1000x64xf32> to vector<1000x32xf32>
    %swap3A_36 = arith.constant 0 : index
    %swap3A_37 = arith.constant 0 : index
    %swap3A_38 = vector.load %arg8[%swap3A_36, %swap3A_37] : memref<1000x32xf32, #tpu.memory_space<vmem>>, vector<1000x32xf32>
    tpu.vector_store %arg8[%swap3A_36, %swap3A_37], %slice3A_35 {strides = array<i32>} : memref<1000x32xf32, #tpu.memory_space<vmem>>, vector<1000x32xf32>,
    return
  }
  func.func @transform_0(%arg0: i32) -> (i32, i32, i32) {
    %c0_i32 = arith.constant 0 : i32
    %c0_i32_0 = arith.constant 0 : i32
    %c0_i32_1 = arith.constant 0 : i32
    return %c0_i32, %arg0, %c0_i32_0 : i32, i32, i32
  }
  func.func @transform_1(%arg0: i32) -> (i32, i32, i32) {
    %c1_i32 = arith.constant 1 : i32
    %c0_i32 = arith.constant 0 : i32
    %c0_i32_0 = arith.constant 0 : i32
    return %c1_i32, %arg0, %c0_i32 : i32, i32, i32
  }
  func.func @transform_2(%arg0: i32) -> (i32, i32) {
    %c0_i32 = arith.constant 0 : i32
    %c0_i32_0 = arith.constant 0 : i32
    return %arg0, %c0_i32 : i32, i32
  }
  func.func @transform_3(%arg0: i32) -> (i32, i32) {
    %c0_i32 = arith.constant 0 : i32
    %c0_i32_0 = arith.constant 0 : i32
    %c0_i32_1 = arith.constant 0 : i32
    return %c0_i32, %c0_i32_0 : i32, i32
  }
  func.func @transform_4(%arg0: i32) -> (i32, i32, i32) {
    %c0_i32 = arith.constant 0 : i32
    %c0_i32_0 = arith.constant 0 : i32
    %c0_i32_1 = arith.constant 0 : i32
    return %c0_i32, %arg0, %c0_i32_0 : i32, i32, i32
  }
  func.func @transform_5(%arg0: i32) -> (i32, i32, i32) {
    %c1_i32 = arith.constant 1 : i32
    %c0_i32 = arith.constant 0 : i32
    %c0_i32_0 = arith.constant 0 : i32
    return %c1_i32, %arg0, %c0_i32 : i32, i32, i32
  }
  func.func @transform_6(%arg0: i32) -> (i32, i32) {
    %c0_i32 = arith.constant 0 : i32
    %c0_i32_0 = arith.constant 0 : i32
    return %arg0, %c0_i32 : i32, i32
  }
  func.func @transform_7(%arg0: i32) -> (i32, i32) {
    %c0_i32 = arith.constant 0 : i32
    %c0_i32_0 = arith.constant 0 : i32
    return %arg0, %c0_i32 : i32, i32
  }
}

</mosaic_0001>

<sc_bundles>
// kernel: kernel.12.cloned.1.call-start
scs
__scs_entry_jumppad:
0x0: {  	(pc) =	sbr.rel $0x88, $3  }
0x1: {  	(tag) =	ssettag $0x0;
	lr =	simm.s32 $0x1  }
0x2: {  	[smem:$0x3F99] =	sst lr;
	_ =	strace $0xD0000000  }
0x3: {  	_ = 	snop  }
0x4: {  	_ = 	snop  }
0x5: {  	_ = 	snop  }
0x6: {  	_ = 	snop  }
0x7: {  	_ = 	snop  }
__scs_overlays_trampoline_lowered:
0x8: {  	[smem:$0x3FA8] =	sst s0  }
0x9: {  	[smem:$0x3FA9] =	sst s1  }
0xa: {  	[smem:$0x3FAA] =	sst s2  }
0xb: {  	[smem:$0x3FAB] =	sst s3  }
0xc: {  	[smem:$0x3FAC] =	sst s4  }
0xd: {  	[smem:$0x3FAD] =	sst s5  }
0xe: {  	[smem:$0x3FAE] =	sst s6  }
0xf: {  	[smem:$0x3FAF] =	sst s7  }
0x10: {  	[smem:$0x3FB0] =	sst s8  }
0x11: {  	[smem:$0x3FB1] =	sst s9;
	s0 =	simm.s32 @!p0 $0x0  }
0x12: {  	s1 =	sld [smem:$0x3F97];
	s0 =	simm.s32 @p0 $0x1  }
0x13: {  	[smem:$0x3FB2] =	sst s0;
	s0 =	simm.s32 @!p1 $0x0  }
0x14: {  	s2 =	sld [smem:$0x3F96];
	s0 =	simm.s32 @p1 $0x1  }
0x15: {  	[smem:$0x3FB3] =	sst s0;
	s0 =	simm.s32 @!p2 $0x0  }
0x16: {  	s3 =	sld [smem:$0x3FDB];
	s0 =	simm.s32 @p2 $0x1  }
0x17: {  	s4 =	simm.s32 $0x1BF5;
	[smem:$0x3FB5] =	sst s0  }
0x18: {  	s0 =	sld [smem:$0x3F98];
	_ =	swait.ge [sflag:s4], $0x0  }
0x19: {  	s7 =	sld [smem:$0x3F99]  }
0x1a: {  	s8 =	sadd.s32 $0xFFFFE003, lr  }
0x1b: {  	s9 =	sadd.s32 $0xFFFFFEF7, lr;
	s5 =	simm.s32 $0xFFFFFFFF;
	p2 =	slt.u32 s8, $0xFFFFF086  }
0x1c: {  	p1 =	slt.u32 s9, $0xF7A;
	s5 =	simm.s32 @!p2 $0x0  }
0x1d: {  	s5 =	simm.s32 @p1 $0x1;
	p0 =	seq.s32 s7, s2  }
0x1e: {  	s7 =	smul.u32 @!p0 $0xF7A, s2;
	p2 =	seq.s32 @!p0 s5, $0x0  }
0x1f: {  	s9 =	smul.u32 $0xF7A, s1;
	s8 =	simm.s32 @!p0 $0x1BF5;
	p2 =	por !p2, p0  }
0x20: {  	[sflag:s8] =	ssyncset.s32 @!p0 $0xFFFFF086;
	s6 =	sadd.s32 @!p0 s3, s7;
	s7 =	simm.s32 @!p0 $0x108  }
0x21: {  	s3 =	sadd.s32 s3, s9;
	s6 =	sadd.s32 @!p0 $0x88, s6;
	s7 =	simm.s32 @p2 $0x1082  }
0x22: {  	[simem:s7], [sflag:s8] =	dma.local @!p0 [hbm:s6], $0xF7A  }
0x23: {  	s9 =	sor.u32 $0xD0000000, s2;
	s6 =	simm.s32 $0x108;
	_ =	swait.ge @!p0 [sflag:s8], $0x0  }
0x24: {  	s3 =	sadd.s32 $0x88, s3;
	s6 =	simm.s32 @!p1 $0x1082;
	[sflag:s4] =	ssyncset.s32 $0xFFFFF086  }
0x25: {  	[simem:s6], [sflag:s4] =	dma.local [hbm:s3], $0xF7A  }
0x26: {  	[smem:$0x3F99] =	sst s1;
	(tag) =	ssettag s2;
	_ =	strace s9  }
0x27: {  	s1 =	sld [smem:$0x3FA9]  }
0x28: {  	s2 =	sld [smem:$0x3FAA]  }
0x29: {  	s4 =	sld [smem:$0x3FAC]  }
0x2a: {  	p0 =	seq.s32 s5, $0x0;
	s5 =	sld [smem:$0x3FAD]  }
0x2b: {  	s6 =	sld [smem:$0x3FAE]  }
0x2c: {  	s7 =	sld [smem:$0x3FAF]  }
0x2d: {  	s3 =	simm.s32 $0x108;
	s8 =	sld [smem:$0x3FB0]  }
0x2e: {  	s3 =	simm.s32 @!p0 $0x1082;
	s9 =	sld [smem:$0x3FB1]  }
0x2f: {  	lr =	sadd.s32 s0, s3;
	s0 =	sld [smem:$0x3FA8]  }
0x30: {  	s3 =	sld [smem:$0x3FAB]  }
0x31: {  	[smem:$0x3FB4] =	sst s10  }
0x32: {  	s10 =	sld [smem:$0x3FB2];
	_ =	sdelay $0x3  }
0x33: {  	p0 =	seq.s32 s10, $0x1;
	s10 =	sld [smem:$0x3FB4];
	_ =	sdelay $0x3  }
0x34: {  	[smem:$0x3FB4] =	sst s10  }
0x35: {  	s10 =	sld [smem:$0x3FB3];
	_ =	sdelay $0x3  }
0x36: {  	p1 =	seq.s32 s10, $0x1;
	s10 =	sld [smem:$0x3FB4];
	_ =	sdelay $0x3  }
0x37: {  	[smem:$0x3FB4] =	sst s10  }
0x38: {  	s10 =	sld [smem:$0x3FB5]  }
0x39: {  	_ = 	snop;
	(pc) =	sbr.ind lr, $3  }
0x3a: {  	_ = 	snop  }
0x3b: {  	_ = 	snop  }
0x3c: {  	p2 =	seq.s32 s10, $0x1;
	s10 =	sld [smem:$0x3FB4]  }
0x3d: {  	_ =	shalt  }
0x3e: {  	_ =	shalt  }
0x3f: {  	_ =	shalt  }
0x40: {  	_ =	shalt  }
0x41: {  	_ =	shalt  }
0x42: {  	_ =	shalt  }
0x43: {  	_ =	shalt  }
0x44: {  	_ =	shalt  }
0x45: {  	_ =	shalt  }
0x46: {  	_ =	shalt  }
0x47: {  	_ =	shalt  }
0x48: {  	_ =	shalt  }
0x49: {  	_ =	shalt  }
0x4a: {  	_ =	shalt  }
0x4b: {  	_ =	shalt  }
0x4c: {  	_ =	shalt  }
0x4d: {  	_ =	shalt  }
0x4e: {  	_ =	shalt  }
0x4f: {  	_ =	shalt  }
0x50: {  	_ =	shalt  }
0x51: {  	_ =	shalt  }
0x52: {  	_ =	shalt  }
0x53: {  	_ =	shalt  }
0x54: {  	_ =	shalt  }
0x55: {  	_ =	shalt  }
0x56: {  	_ =	shalt  }
0x57: {  	_ =	shalt  }
0x58: {  	_ =	shalt  }
0x59: {  	_ =	shalt  }
0x5a: {  	_ =	shalt  }
0x5b: {  	_ =	shalt  }
0x5c: {  	_ =	shalt  }
0x5d: {  	_ =	shalt  }
0x5e: {  	_ =	shalt  }
0x5f: {  	_ =	shalt  }
0x60: {  	_ =	shalt  }
0x61: {  	_ =	shalt  }
0x62: {  	_ =	shalt  }
0x63: {  	_ =	shalt  }
0x64: {  	_ =	shalt  }
0x65: {  	_ =	shalt  }
0x66: {  	_ =	shalt  }
0x67: {  	_ =	shalt  }
0x68: {  	_ =	shalt  }
0x69: {  	_ =	shalt  }
0x6a: {  	_ =	shalt  }
0x6b: {  	_ =	shalt  }
0x6c: {  	_ =	shalt  }
0x6d: {  	_ =	shalt  }
0x6e: {  	_ =	shalt  }
0x6f: {  	_ =	shalt  }
0x70: {  	_ =	shalt  }
0x71: {  	_ =	shalt  }
0x72: {  	_ =	shalt  }
0x73: {  	_ =	shalt  }
0x74: {  	_ =	shalt  }
0x75: {  	_ =	shalt  }
0x76: {  	_ =	shalt  }
0x77: {  	_ =	shalt  }
0x78: {  	_ =	shalt  }
0x79: {  	_ =	shalt  }
0x7a: {  	_ =	shalt  }
0x7b: {  	_ =	shalt  }
0x7c: {  	_ =	shalt  }
0x7d: {  	_ =	shalt  }
0x7e: {  	_ =	shalt  }
0x7f: {  	_ =	shalt  }
0x80: {  	_ =	shalt  }
0x81: {  	_ =	shalt  }
0x82: {  	_ =	shalt  }
0x83: {  	_ =	shalt  }
0x84: {  	_ =	shalt  }
0x85: {  	_ =	shalt  }
0x86: {  	_ =	shalt  }
0x87: {  	_ =	shalt  }
.Lfunc_end0:
.L_simem_size_0:
called_computation.1_lowered:
.L_overlay_start_0:
0x88: {  	s2 =	sld [smem:$0x3FD9]  }
0x89: {  	s3 =	sld [smem:$0x3FFE];
	_ =	sdelay $0x1  }
0x8a: {  	s1 =	srdreg.scid  }
0x8b: {  	s0 =	sand.u32 $0x1, s1  }
0x8c: {  	s14 =	sshll.u32 s0, $0xA;
	s2 =	sadd.s32 s3, s2  }
0x8d: {  	s2 =	sadd.s32 s2, s14  }
0x8e: {  	[smem:$0x3FC0] =	sst s2  }
0x8f: {  	_ = 	snop  }
0x90: {  	s2 =	sld [smem:$0x3FD0];
	_ =	sdelay $0x2  }
0x91: {  	s15 =	simm.s32 $0xA;
	s4 =	simm.s32 $0x10  }
0x92: {  	[smem:s4], [sflag:s15] =	dma.local [hbm:s2], $0x1  }
0x93: {  	_ =	swait.eq [sflag:s15], $0x1  }
0x94: {  	[sflag:s15] =	ssyncset.done $0x0  }
0x95: {  	[sflag:s15] =	ssyncadd.s32 $0xFFFFFFFF  }
0x96: {  	s16 =	sld [smem:$0x11];
	(tm) =	ssettm $0x1  }
0x97: {  	s17 =	sld [smem:$0x3FFB];
	_ =	sdelay $0x3  }
0x98: {  	_ =	strace s17  }
0x99: {  	s3 =	sld [smem:$0x3FFC];
	_ =	sdelay $0x3  }
0x9a: {  	_ =	strace s3  }
0x9b: {  	s3 =	sld [smem:$0x3FFD];
	_ =	sdelay $0x3  }
0x9c: {  	_ =	strace s3  }
0x9d: {  	_ =	strace $0x8FFFFFFF  }
0x9e: {  	s18 =	sld [smem:$0x3FDB];
	_ =	sdelay $0x1  }
0x9f: {  	s19 =	simm.s32 $_scs_section_size  }
0xa0: {  	s5 =	simm.s32 $_size__tile_overlayer_lowered;
	s6 =	simm.s32 $_tile_overlayer_lowered  }
0xa1: {  	s22 =	simm.s32 $0x1BFF;
	s21 =	sshll.u32 s6, $0x1;
	s3 =	sadd.s32 s19, s18  }
0xa2: {  	s7 =	simm.s32 $0x0;
	s20 =	sshll.u32 s5, $0x1;
	s5 =	sadd.s32 s21, s3  }
0xa3: {  	[timem:s7], [sflag:s22] =	dma.local [hbm:s5], s20  }
0xa4: {  	_ =	swait.ge [sflag:s22], s20  }
0xa5: {  	s4 =	ssub.s32 $0x0, s20;
	[sflag:s22] =	ssyncset.done $0x0  }
0xa6: {  	[sflag:s22] =	ssyncadd.s32 s4;
	_ =	sdelay $0x1  }
0xa7: {  	s23 =	simm.s32 $0x1B8B  }
0xa8: {  	_ =	swait.ge [sflag:s23], $0x1  }
0xa9: {  	[sflag:s23] =	ssyncset.done $0x0  }
0xaa: {  	s25 =	simm.s32 $0x1B8E;
	s24 =	sld [smem:$0x3FFE];
	[sflag:s23] =	ssyncadd.s32 $0xFFFFFFFF  }
0xab: {  	s26 =	simm.s32 $execute0_lowered;
	[smem:$0x3FD2] =	sst s25  }
0xac: {  	s5 =	sshll.u32 s26, $0x1;
	_ =	strace $0x80000049;
	[dreg:$0x1] =	wrdreg $0xFFFFFFFF  }
0xad: {  	s28 =	simm.s32 $_size_execute0_lowered;
	s3 =	sadd.s32 s3, s5;
	[dreg:$0x0] =	wrdreg $0x0  }
0xae: {  	s5 =	sshll.u32 s28, $0x1;
	[dreg:$0x2] =	wrdreg s3  }
0xaf: {  	[dreg:$0x3] =	wrdreg s5  }
0xb0: {  	[dreg:$0x4] =	wrdreg $0xC0  }
0xb1: {  	_ =	task [dreg:s7], $0x5FFFF  }
0xb2: {  	[dreg:$0x1] =	wrdreg $0xFFFFFFFF  }
0xb3: {  	[dreg:$0x0] =	wrdreg $0x60  }
0xb4: {  	[dreg:$0x2] =	wrdreg s24  }
0xb5: {  	[dreg:$0x3] =	wrdreg s16  }
0xb6: {  	[dreg:$0x4] =	wrdreg $0x90000  }
0xb7: {  	[dreg:$0x5] =	wrdreg $0x9  }
0xb8: {  	_ =	task.clear_ibuf [dreg:s7], $0x6FFFF;
	_ =	strace $0x90000049  }
0xb9: {  	s29 =	simm.s32 $0x9;
	_ =	strace $0x8000004B  }
0xba: {  	_ =	swait.ge [sflag:s29], $0x1  }
0xbb: {  	[sflag:s29] =	ssyncadd.s32 $0xFFFFFFFF  }
0xbc: {  	_ =	strace $0x9000004B  }
0xbd: {  	_ =	sfence  }
0xbe: {  	s30 =	sld [smem:$0x0];
	_ =	sdelay $0x2  }
0xbf: {  	s31 =	sshll.u32 s1, $0xD;
	s1 =	sshrl.u32 s1, $0x2  }
0xc0: {  	s3 =	sand.u32 $0x4000, s31;
	s1 =	sadd.s32 s1, s30  }
0xc1: {  	s0 =	sor.u32 s3, s0;
	s1 =	sshll.u32 s1, $0x11  }
0xc2: {  	s0 =	sor.u32 s1, s0  }
0xc3: {  	s0 =	sadd.s32 $0x8F2B, s0  }
0xc4: {  	[sflag:s0] =	ssyncadd.remote.s32 $0x1  }
0xc5: {  	_ =	sfence.sel $0xFFFF  }
0xc6: {  	[dreg:$0x0] =	wrdreg $0xFFFFFFFF;
	(pc) =	sbr.abs _section_cstart, $3  }
0xc7: {  	[dreg:$0x1] =	wrdreg $0xFFFFFFFF  }
0xc8: {  	_ =	task.clear_ibuf [dreg:s7], $0x2FFFF;
	_ =	strace $0x9FFFFFFF  }
0xc9: {  	(tm) =	ssettm $0x7FFFFFFF  }
tec
execute0_lowered:
.L_overlay_start_1:
0x0: {  	(tag) =	ssettag $0x1  }
0x1: {  	s0 =	rddreg [dreg:$0x0]  }
0x2: {  	s3 =	rddreg [dreg:$0x2];
	s4 =	simm.s32 $0x0  }
0x3: {  	s1 =	srdreg.scid;
	s9 =	stileid.u32;
	s11 =	simm.s32 $0x3  }
0x4: {  	s12 =	simm.s32 $0x800;
	s13 =	simm.s32 $0x80;
	s14 =	simm.s32 $0x1000  }
0x5: {  	s15 =	simm.s32 $0x5000;
	s16 =	simm.s32 $0x1;
	s18 =	simm.s32 $0x2  }
0x6: {  	s20 =	simm.s32 $0x400;
	s21 =	simm.s32 $0xB80;
	s22 =	simm.s32 $0x480  }
0x7: {  	s23 =	simm.s32 $0xC00;
	s31 =	simm.s32 $0x580;
	s10 =	simm.s32 $0xF00  }
0x8: {  	s17 =	simm.s32 $0xF80;
	s1 =	sand.u32 $0x1, s1;
	s2 =	smul.u32 $0x90, s9  }
0x9: {  	s5 =	sshll.u32 s9, $0x4;
	[smem:$0x7FF] =	sst s4;
	s8 =	smul.u32 $0x14000, s9  }
0xa: {  	s9 =	sshll.u32 s9, $0x6;
	p0 =	seq.s32 s1, $0x0;
	s6 =	sor.u32 $0x900, s5  }
0xb: {  	_ =	strace $0x8000004A;
	s5 =	sadd.s32 $0x70800, s0;
	s24 =	smul.u32 $0x28000, s1  }
0xc: {  	s7 =	ssub.s32 $0x2, s1;
	s29 =	sor.u32 $0x1C03, s9;
	s9 =	simm.s32 $0x700  }
0xd: {  	s6 =	smov.u32 @p0 s2;
	s25 =	sshrl.u32 s7, $0x1;
	s26 =	sadd.s32 s8, s3  }
0xe: {  	s8 =	sshrl.u32 s8, $0x3;
	p0 =	sne.s32 s1, $0x0;
	[dreg:$0x4] =	wrdreg s29  }
0xf: {  	s1 =	simm.s32 $0xD80;
	s2 =	sshll.u32 s6, $0x4;
	s6 =	ssub.s32 s7, s25  }
0x10: {  	s30 =	sshrl.u32 s26, $0x3;
	s25 =	simm.s32 $0x500;
	s26 =	simm.s32 $0xC80  }
0x11: {  	s7 =	simm.s32 $0x680;
	s2 =	sadd.s32 s2, s0;
	s0 =	sadd.s32 s24, s0  }
0x12: {  	s6 =	smax.u32 s6, $0x1;
	[dreg:$0x8] =	wrdreg s30;
	s24 =	simm.s32 $0xE80  }
0x13: {  	s0 =	sadd.s32 $0x97A00, s0;
	[dreg:$0x5] =	wrdreg s6;
	s28 =	sadd.s32 $0x2800, s2  }
0x14: {  	s2 =	sadd.s32 $0x16800, s2;
	s6 =	simm.s32 $0x780;
	[dreg:$0x6] =	wrdreg s28  }
0x15: {  	[dreg:$0x7] =	wrdreg s2;
	s0 =	sadd.s32 s8, s0;
	s2 =	simm.s32 $0x600  }
0x16: {  	s8 =	simm.s32 $0xE00;
	[dreg:$0x9] =	wrdreg s0;
	s0 =	simm.s32 $0x0  }
.LBB2_1:
0x17: {  	[dreg:$0xa] =	wrdreg s0  }
0x18: {  	s28 =	rddreg [dreg:$0x1]  }
0x19: {  	[spmem:s30], [sflag:s29] =	dma.local [hbm:s28], $0x2800  }
0x1a: {  	_ =	swait.ge [sflag:s11], $0x2800  }
0x1b: {  	[sflag:s11] =	ssyncset.done $0x0  }
0x1c: {  	[sflag:s11] =	ssyncadd.s32 $0xFFFFD800  }
0x1d: {  	[bflag:$0x0] =	sbarrier.arrive $0xFFFF  }
0x1e: {  	s28 =	rddreg [dreg:$0x7]  }
0x1f: {  	s0 =	simm.s32 $0xD00;
	s30 =	simm.s32 $0x0;
	s29 =	rddreg [dreg:$0x6]  }
.LBB2_2:
0x20: {  	[tilespmem:s4], [sflag:$0x3] =	stream.linear.gather [hbm4b:s28+s4], $0x800, $0x38;
	[tilespmem:$0x1D000] =	vst v63  }
0x21: {  	_ =	swait.ge [sflag:s11], $0x800  }
0x22: {  	[sflag:s11] =	ssyncset.done $0x0  }
0x23: {  	[sflag:s11] =	ssyncadd.s32 $0xFFFFF800  }
0x24: {  	[tilespmem:s12], [sflag:$0x3] =	stream.linear.gather [hbm4b:s29+s4], $0x800, $0x38;
	[tilespmem:$0x1D000] =	vst v63  }
0x25: {  	_ =	swait.ge [sflag:s11], $0x800  }
0x26: {  	[sflag:s11] =	ssyncset.done $0x0  }
0x27: {  	[sflag:s11] =	ssyncadd.s32 $0xFFFFF800  }
0x28: {  	[tilespmem:s14], [sflag:$0x1] =	stream.indirect.gather [hbm4b:s5+s13], $0x80, s4, s13, $0xb8;
	[tilespmem:$0x1D000] =	vst v63  }
0x29: {  	_ = 	snop  }
0x2a: {  	[tilespmem:s15], [sflag:$0x2] =	stream.indirect.gather [hbm4b:s5+s13], $0x80, s13, s13, $0xb8;
	[tilespmem:$0x1D000] =	vst v63  }
0x2b: {  	_ =	swait.ge [sflag:s16], $0x4000  }
0x2c: {  	[sflag:s16] =	ssyncset.done $0x0  }
0x2d: {  	[sflag:s16] =	ssyncadd.s32 $0xFFFFC000  }
0x2e: {  	[spmem:s3] =	stream.indirect.scatter.add.f32 [tilespmem:s14], [sflag:$0x3], $0x80, s12, s13, $0xb8;
	[tilespmem:$0x1D000] =	vst v63  }
0x2f: {  	_ =	swait.ge [sflag:s11], $0x4000  }
0x30: {  	[sflag:s11] =	ssyncset.done $0x0  }
0x31: {  	s19 =	simm.s32 $0x100;
	[sflag:s11] =	ssyncadd.s32 $0xFFFFC000  }
0x32: {  	[tilespmem:s14], [sflag:$0x1] =	stream.indirect.gather [hbm4b:s5+s13], $0x80, s19, s13, $0xb8;
	[tilespmem:$0x1D000] =	vst v63  }
0x33: {  	_ =	swait.ge [sflag:s18], $0x4000  }
0x34: {  	[sflag:s18] =	ssyncset.done $0x0  }
0x35: {  	s19 =	simm.s32 $0x880;
	[sflag:s18] =	ssyncadd.s32 $0xFFFFC000  }
0x36: {  	[spmem:s3] =	stream.indirect.scatter.add.f32 [tilespmem:s15], [sflag:$0x3], $0x80, s19, s13, $0xb8;
	[tilespmem:$0x1D000] =	vst v63  }
0x37: {  	_ =	swait.ge [sflag:s11], $0x4000  }
0x38: {  	[sflag:s11] =	ssyncset.done $0x0  }
0x39: {  	s19 =	simm.s32 $0x180;
	[sflag:s11] =	ssyncadd.s32 $0xFFFFC000  }
0x3a: {  	[tilespmem:s15], [sflag:$0x2] =	stream.indirect.gather [hbm4b:s5+s13], $0x80, s19, s13, $0xb8;
	[tilespmem:$0x1D000] =	vst v63  }
0x3b: {  	_ =	swait.ge [sflag:s16], $0x4000  }
0x3c: {  	[sflag:s16] =	ssyncset.done $0x0  }
0x3d: {  	s19 =	simm.s32 $0x900;
	[sflag:s16] =	ssyncadd.s32 $0xFFFFC000  }
0x3e: {  	[spmem:s3] =	stream.indirect.scatter.add.f32 [tilespmem:s14], [sflag:$0x3], $0x80, s19, s13, $0xb8;
	[tilespmem:$0x1D000] =	vst v63  }
0x3f: {  	_ =	swait.ge [sflag:s11], $0x4000  }
0x40: {  	[sflag:s11] =	ssyncset.done $0x0  }
0x41: {  	s19 =	simm.s32 $0x200;
	[sflag:s11] =	ssyncadd.s32 $0xFFFFC000  }
0x42: {  	[tilespmem:s14], [sflag:$0x1] =	stream.indirect.gather [hbm4b:s5+s13], $0x80, s19, s13, $0xb8;
	[tilespmem:$0x1D000] =	vst v63  }
0x43: {  	_ =	swait.ge [sflag:s18], $0x4000  }
0x44: {  	[sflag:s18] =	ssyncset.done $0x0  }
0x45: {  	s19 =	simm.s32 $0x980;
	[sflag:s18] =	ssyncadd.s32 $0xFFFFC000  }
0x46: {  	[spmem:s3] =	stream.indirect.scatter.add.f32 [tilespmem:s15], [sflag:$0x3], $0x80, s19, s13, $0xb8;
	[tilespmem:$0x1D000] =	vst v63  }
0x47: {  	_ =	swait.ge [sflag:s11], $0x4000  }
0x48: {  	[sflag:s11] =	ssyncset.done $0x0  }
0x49: {  	s19 =	simm.s32 $0x280;
	[sflag:s11] =	ssyncadd.s32 $0xFFFFC000  }
0x4a: {  	[tilespmem:s15], [sflag:$0x2] =	stream.indirect.gather [hbm4b:s5+s13], $0x80, s19, s13, $0xb8;
	[tilespmem:$0x1D000] =	vst v63  }
0x4b: {  	_ =	swait.ge [sflag:s16], $0x4000  }
0x4c: {  	[sflag:s16] =	ssyncset.done $0x0  }
0x4d: {  	s19 =	simm.s32 $0xA00;
	[sflag:s16] =	ssyncadd.s32 $0xFFFFC000  }
0x4e: {  	[spmem:s3] =	stream.indirect.scatter.add.f32 [tilespmem:s14], [sflag:$0x3], $0x80, s19, s13, $0xb8;
	[tilespmem:$0x1D000] =	vst v63  }
0x4f: {  	_ =	swait.ge [sflag:s11], $0x4000  }
0x50: {  	[sflag:s11] =	ssyncset.done $0x0  }
0x51: {  	s19 =	simm.s32 $0x300;
	[sflag:s11] =	ssyncadd.s32 $0xFFFFC000  }
0x52: {  	[tilespmem:s14], [sflag:$0x1] =	stream.indirect.gather [hbm4b:s5+s13], $0x80, s19, s13, $0xb8;
	[tilespmem:$0x1D000] =	vst v63  }
0x53: {  	_ =	swait.ge [sflag:s18], $0x4000  }
0x54: {  	[sflag:s18] =	ssyncset.done $0x0  }
0x55: {  	s19 =	simm.s32 $0xA80;
	[sflag:s18] =	ssyncadd.s32 $0xFFFFC000  }
0x56: {  	[spmem:s3] =	stream.indirect.scatter.add.f32 [tilespmem:s15], [sflag:$0x3], $0x80, s19, s13, $0xb8;
	[tilespmem:$0x1D000] =	vst v63  }
0x57: {  	_ =	swait.ge [sflag:s11], $0x4000  }
0x58: {  	[sflag:s11] =	ssyncset.done $0x0  }
0x59: {  	s19 =	simm.s32 $0x380;
	[sflag:s11] =	ssyncadd.s32 $0xFFFFC000  }
0x5a: {  	[tilespmem:s15], [sflag:$0x2] =	stream.indirect.gather [hbm4b:s5+s13], $0x80, s19, s13, $0xb8;
	[tilespmem:$0x1D000] =	vst v63  }
0x5b: {  	_ =	swait.ge [sflag:s16], $0x4000  }
0x5c: {  	[sflag:s16] =	ssyncset.done $0x0  }
0x5d: {  	s19 =	simm.s32 $0xB00;
	[sflag:s16] =	ssyncadd.s32 $0xFFFFC000  }
0x5e: {  	[spmem:s3] =	stream.indirect.scatter.add.f32 [tilespmem:s14], [sflag:$0x3], $0x80, s19, s13, $0xb8;
	[tilespmem:$0x1D000] =	vst v63  }
0x5f: {  	_ =	swait.ge [sflag:s11], $0x4000  }
0x60: {  	[sflag:s11] =	ssyncset.done $0x0  }
0x61: {  	[sflag:s11] =	ssyncadd.s32 $0xFFFFC000  }
0x62: {  	[tilespmem:s14], [sflag:$0x1] =	stream.indirect.gather [hbm4b:s5+s13], $0x80, s20, s13, $0xb8;
	[tilespmem:$0x1D000] =	vst v63  }
0x63: {  	_ =	swait.ge [sflag:s18], $0x4000  }
0x64: {  	[sflag:s18] =	ssyncset.done $0x0  }
0x65: {  	[sflag:s18] =	ssyncadd.s32 $0xFFFFC000  }
0x66: {  	[spmem:s3] =	stream.indirect.scatter.add.f32 [tilespmem:s15], [sflag:$0x3], $0x80, s21, s13, $0xb8;
	[tilespmem:$0x1D000] =	vst v63  }
0x67: {  	_ =	swait.ge [sflag:s11], $0x4000  }
0x68: {  	[sflag:s11] =	ssyncset.done $0x0  }
0x69: {  	[sflag:s11] =	ssyncadd.s32 $0xFFFFC000  }
0x6a: {  	[tilespmem:s15], [sflag:$0x2] =	stream.indirect.gather [hbm4b:s5+s13], $0x80, s22, s13, $0xb8;
	[tilespmem:$0x1D000] =	vst v63  }
0x6b: {  	_ =	swait.ge [sflag:s16], $0x4000  }
0x6c: {  	[sflag:s16] =	ssyncset.done $0x0  }
0x6d: {  	[sflag:s16] =	ssyncadd.s32 $0xFFFFC000  }
0x6e: {  	[spmem:s3] =	stream.indirect.scatter.add.f32 [tilespmem:s14], [sflag:$0x3], $0x80, s23, s13, $0xb8;
	[tilespmem:$0x1D000] =	vst v63  }
0x6f: {  	_ =	swait.ge [sflag:s11], $0x4000  }
0x70: {  	[sflag:s11] =	ssyncset.done $0x0  }
0x71: {  	[sflag:s11] =	ssyncadd.s32 $0xFFFFC000  }
0x72: {  	[tilespmem:s14], [sflag:$0x1] =	stream.indirect.gather [hbm4b:s5+s13], $0x80, s25, s13, $0xb8;
	[tilespmem:$0x1D000] =	vst v63  }
0x73: {  	_ =	swait.ge [sflag:s18], $0x4000  }
0x74: {  	[sflag:s18] =	ssyncset.done $0x0  }
0x75: {  	[sflag:s18] =	ssyncadd.s32 $0xFFFFC000  }
0x76: {  	[spmem:s3] =	stream.indirect.scatter.add.f32 [tilespmem:s15], [sflag:$0x3], $0x80, s26, s13, $0xb8;
	[tilespmem:$0x1D000] =	vst v63  }
0x77: {  	_ =	swait.ge [sflag:s11], $0x4000  }
0x78: {  	[sflag:s11] =	ssyncset.done $0x0  }
0x79: {  	[sflag:s11] =	ssyncadd.s32 $0xFFFFC000  }
0x7a: {  	[tilespmem:s15], [sflag:$0x2] =	stream.indirect.gather [hbm4b:s5+s13], $0x80, s31, s13, $0xb8;
	[tilespmem:$0x1D000] =	vst v63  }
0x7b: {  	_ =	swait.ge [sflag:s16], $0x4000  }
0x7c: {  	[sflag:s16] =	ssyncset.done $0x0  }
0x7d: {  	[sflag:s16] =	ssyncadd.s32 $0xFFFFC000  }
0x7e: {  	[spmem:s3] =	stream.indirect.scatter.add.f32 [tilespmem:s14], [sflag:$0x3], $0x80, s0, s13, $0xb8;
	[tilespmem:$0x1D000] =	vst v63  }
0x7f: {  	_ =	swait.ge [sflag:s11], $0x4000  }
0x80: {  	[sflag:s11] =	ssyncset.done $0x0  }
0x81: {  	[sflag:s11] =	ssyncadd.s32 $0xFFFFC000  }
0x82: {  	[tilespmem:s14], [sflag:$0x1] =	stream.indirect.gather [hbm4b:s5+s13], $0x80, s2, s13, $0xb8;
	[tilespmem:$0x1D000] =	vst v63  }
0x83: {  	_ =	swait.ge [sflag:s18], $0x4000  }
0x84: {  	[sflag:s18] =	ssyncset.done $0x0  }
0x85: {  	[sflag:s18] =	ssyncadd.s32 $0xFFFFC000  }
0x86: {  	[spmem:s3] =	stream.indirect.scatter.add.f32 [tilespmem:s15], [sflag:$0x3], $0x80, s1, s13, $0xb8;
	[tilespmem:$0x1D000] =	vst v63  }
0x87: {  	_ =	swait.ge [sflag:s11], $0x4000  }
0x88: {  	[sflag:s11] =	ssyncset.done $0x0  }
0x89: {  	[sflag:s11] =	ssyncadd.s32 $0xFFFFC000  }
0x8a: {  	[tilespmem:s15], [sflag:$0x2] =	stream.indirect.gather [hbm4b:s5+s13], $0x80, s7, s13, $0xb8;
	[tilespmem:$0x1D000] =	vst v63  }
0x8b: {  	_ =	swait.ge [sflag:s16], $0x4000  }
0x8c: {  	[sflag:s16] =	ssyncset.done $0x0  }
0x8d: {  	[sflag:s16] =	ssyncadd.s32 $0xFFFFC000  }
0x8e: {  	[spmem:s3] =	stream.indirect.scatter.add.f32 [tilespmem:s14], [sflag:$0x3], $0x80, s8, s13, $0xb8;
	[tilespmem:$0x1D000] =	vst v63  }
0x8f: {  	_ =	swait.ge [sflag:s11], $0x4000  }
0x90: {  	[sflag:s11] =	ssyncset.done $0x0  }
0x91: {  	[sflag:s11] =	ssyncadd.s32 $0xFFFFC000  }
0x92: {  	[tilespmem:s14], [sflag:$0x1] =	stream.indirect.gather [hbm4b:s5+s13], $0x80, s9, s13, $0xb8;
	[tilespmem:$0x1D000] =	vst v63  }
0x93: {  	_ =	swait.ge [sflag:s18], $0x4000  }
0x94: {  	[sflag:s18] =	ssyncset.done $0x0  }
0x95: {  	[sflag:s18] =	ssyncadd.s32 $0xFFFFC000  }
0x96: {  	[spmem:s3] =	stream.indirect.scatter.add.f32 [tilespmem:s15], [sflag:$0x3], $0x80, s24, s13, $0xb8;
	[tilespmem:$0x1D000] =	vst v63  }
0x97: {  	_ =	swait.ge [sflag:s11], $0x4000  }
0x98: {  	[sflag:s11] =	ssyncset.done $0x0  }
0x99: {  	[sflag:s11] =	ssyncadd.s32 $0xFFFFC000  }
0x9a: {  	[tilespmem:s15], [sflag:$0x2] =	stream.indirect.gather [hbm4b:s5+s13], $0x80, s6, s13, $0xb8;
	[tilespmem:$0x1D000] =	vst v63  }
0x9b: {  	_ =	swait.ge [sflag:s16], $0x4000  }
0x9c: {  	[sflag:s16] =	ssyncset.done $0x0  }
0x9d: {  	[sflag:s16] =	ssyncadd.s32 $0xFFFFC000  }
0x9e: {  	[spmem:s3] =	stream.indirect.scatter.add.f32 [tilespmem:s14], [sflag:$0x3], $0x80, s10, s13, $0xb8;
	[tilespmem:$0x1D000] =	vst v63  }
0x9f: {  	_ =	swait.ge [sflag:s11], $0x4000  }
0xa0: {  	[sflag:s11] =	ssyncset.done $0x0  }
0xa1: {  	[sflag:s11] =	ssyncadd.s32 $0xFFFFC000  }
0xa2: {  	p1 =	slt.u32 @!p0 s30, $0x8;
	_ =	swait.ge [sflag:s18], $0x4000  }
0xa3: {  	p1 =	por p0, !p1;
	[sflag:s18] =	ssyncset.done $0x0  }
.Ltmp0:
0xa4: {  	[sflag:s18] =	ssyncadd.s32 $0xFFFFC000;
	(pc) =	sbr.rel @!p1 .LBB2_2-.Ltmp0, $4  }
0xa5: {  	[spmem:s3] =	stream.indirect.scatter.add.f32 [tilespmem:s15], [sflag:$0x3], $0x80, s17, s13, $0xb8;
	[tilespmem:$0x1D000] =	vst v63  }
0xa6: {  	_ =	swait.ge [sflag:s11], $0x4000  }
0xa7: {  	s30 =	sadd.s32 $0x1, s30;
	[sflag:s11] =	ssyncset.done $0x0  }
0xa8: {  	s28 =	sadd.s32 $0x100, s28;
	s29 =	sadd.s32 $0x100, s29;
	[sflag:s11] =	ssyncadd.s32 $0xFFFFC000  }
0xa9: {  	[bflag:$0x0] =	sbarrier.arrive $0xFFFF  }
0xaa: {  	s29 =	rddreg [dreg:$0x4]  }
0xab: {  	s30 =	rddreg [dreg:$0x8]  }
0xac: {  	s0 =	rddreg [dreg:$0x9]  }
0xad: {  	[hbm:s0], [sflag:s29] =	dma.local [spmem:s30], $0x2800  }
0xae: {  	_ =	swait.ge [sflag:s11], $0x2800  }
0xaf: {  	s28 =	rddreg [dreg:$0xa]  }
0xb0: {  	s0 =	sadd.s32 $0x1, s28;
	s28 =	rddreg [dreg:$0x5]  }
0xb1: {  	p1 =	sne.s32 s0, s28  }
.Ltmp1:
0xb2: {  	_ = 	snop;
	(pc) =	sbr.rel @p1 .LBB2_1-.Ltmp1, $3  }
0xb3: {  	_ =	sdelay $0x1  }
0xb4: {  	[sflag:s11] =	ssyncset.done $0x0  }
0xb5: {  	[sflag:s11] =	ssyncadd.s32 $0xFFFFD800  }
0xb6: {  	_ =	sfence.sel $0x180000  }
0xb7: {  	[bflag:$0x0] =	sbarrier.arrive $0xFFFF  }
0xb8: {  	_ =	strace $0x9000004A  }
0xb9: {  	s0 =	stileid.u32;
	[bflag:$0x2] =	sbarrier.arrive $0xFFFF  }
0xba: {  	p0 =	sne.s32 s0, $0x0;
	s0 =	rddreg [dreg:$0x3]  }
0xbb: {  	s0 =	sadd.s32 @!p0 $0x100000, s0  }
0xbc: {  	[sflag:s0] =	ssyncadd.tile.s32 @!p0 $0x1;
	_ =	shalt  }
.Lfunc_end2:
_tile_overlayer_lowered:
.L_overlay_start_2:
0xbd: {  	(tag) =	ssettag $0x2  }
0xbe: {  	s0 =	rddreg [dreg:$0x0];
	s2 =	stileid.u32  }
0xbf: {  	s1 =	rddreg [dreg:$0x1];
	p0 =	sne.s32 s2, $0x0  }
0xc0: {  	s3 =	rddreg [dreg:$0x2];
	[bflag:$0x3] =	sbarrier.arrive $0xFFFF;
	s2 =	simm.s32 @!p0 $0x1C03  }
0xc1: {  	[timem:s3], [sflag:s2] =	dma.local @!p0 [hbm:s0], s1  }
0xc2: {  	s0 =	simm.s32 @!p0 $0x3  }
0xc3: {  	_ =	swait.ge @!p0 [sflag:s0], s1  }
0xc4: {  	s1 =	ssub.s32 @!p0 $0x0, s1;
	[sflag:s0] =	ssyncset.done @!p0 $0x0  }
0xc5: {  	[sflag:s0] =	ssyncadd.s32 @!p0 s1  }
0xc6: {  	[bflag:$0x3] =	sbarrier.arrive $0xFFFF  }
0xc7: {  	_ =	shalt  }

// kernel: kernel.15.cloned.1.call-start
scs
__scs_entry_jumppad:
0x0: {  	(pc) =	sbr.rel $0x88, $3  }
0x1: {  	(tag) =	ssettag $0x0;
	lr =	simm.s32 $0x1  }
0x2: {  	[smem:$0x3F99] =	sst lr;
	_ =	strace $0xD0000000  }
0x3: {  	_ = 	snop  }
0x4: {  	_ = 	snop  }
0x5: {  	_ = 	snop  }
0x6: {  	_ = 	snop  }
0x7: {  	_ = 	snop  }
__scs_overlays_trampoline_lowered:
0x8: {  	[smem:$0x3FA8] =	sst s0  }
0x9: {  	[smem:$0x3FA9] =	sst s1  }
0xa: {  	[smem:$0x3FAA] =	sst s2  }
0xb: {  	[smem:$0x3FAB] =	sst s3  }
0xc: {  	[smem:$0x3FAC] =	sst s4  }
0xd: {  	[smem:$0x3FAD] =	sst s5  }
0xe: {  	[smem:$0x3FAE] =	sst s6  }
0xf: {  	[smem:$0x3FAF] =	sst s7  }
0x10: {  	[smem:$0x3FB0] =	sst s8  }
0x11: {  	[smem:$0x3FB1] =	sst s9;
	s0 =	simm.s32 @!p0 $0x0  }
0x12: {  	s1 =	sld [smem:$0x3F97];
	s0 =	simm.s32 @p0 $0x1  }
0x13: {  	[smem:$0x3FB2] =	sst s0;
	s0 =	simm.s32 @!p1 $0x0  }
0x14: {  	s2 =	sld [smem:$0x3F96];
	s0 =	simm.s32 @p1 $0x1  }
0x15: {  	[smem:$0x3FB3] =	sst s0;
	s0 =	simm.s32 @!p2 $0x0  }
0x16: {  	s3 =	sld [smem:$0x3FDB];
	s0 =	simm.s32 @p2 $0x1  }
0x17: {  	s4 =	simm.s32 $0x1BF5;
	[smem:$0x3FB5] =	sst s0  }
0x18: {  	s0 =	sld [smem:$0x3F98];
	_ =	swait.ge [sflag:s4], $0x0  }
0x19: {  	s7 =	sld [smem:$0x3F99]  }
0x1a: {  	s8 =	sadd.s32 $0xFFFFE003, lr  }
0x1b: {  	s9 =	sadd.s32 $0xFFFFFEF7, lr;
	s5 =	simm.s32 $0xFFFFFFFF;
	p2 =	slt.u32 s8, $0xFFFFF086  }
0x1c: {  	p1 =	slt.u32 s9, $0xF7A;
	s5 =	simm.s32 @!p2 $0x0  }
0x1d: {  	s5 =	simm.s32 @p1 $0x1;
	p0 =	seq.s32 s7, s2  }
0x1e: {  	s7 =	smul.u32 @!p0 $0xF7A, s2;
	p2 =	seq.s32 @!p0 s5, $0x0  }
0x1f: {  	s9 =	smul.u32 $0xF7A, s1;
	s8 =	simm.s32 @!p0 $0x1BF5;
	p2 =	por !p2, p0  }
0x20: {  	[sflag:s8] =	ssyncset.s32 @!p0 $0xFFFFF086;
	s6 =	sadd.s32 @!p0 s3, s7;
	s7 =	simm.s32 @!p0 $0x108  }
0x21: {  	s3 =	sadd.s32 s3, s9;
	s6 =	sadd.s32 @!p0 $0x88, s6;
	s7 =	simm.s32 @p2 $0x1082  }
0x22: {  	[simem:s7], [sflag:s8] =	dma.local @!p0 [hbm:s6], $0xF7A  }
0x23: {  	s9 =	sor.u32 $0xD0000000, s2;
	s6 =	simm.s32 $0x108;
	_ =	swait.ge @!p0 [sflag:s8], $0x0  }
0x24: {  	s3 =	sadd.s32 $0x88, s3;
	s6 =	simm.s32 @!p1 $0x1082;
	[sflag:s4] =	ssyncset.s32 $0xFFFFF086  }
0x25: {  	[simem:s6], [sflag:s4] =	dma.local [hbm:s3], $0xF7A  }
0x26: {  	[smem:$0x3F99] =	sst s1;
	(tag) =	ssettag s2;
	_ =	strace s9  }
0x27: {  	s1 =	sld [smem:$0x3FA9]  }
0x28: {  	s2 =	sld [smem:$0x3FAA]  }
0x29: {  	s4 =	sld [smem:$0x3FAC]  }
0x2a: {  	p0 =	seq.s32 s5, $0x0;
	s5 =	sld [smem:$0x3FAD]  }
0x2b: {  	s6 =	sld [smem:$0x3FAE]  }
0x2c: {  	s7 =	sld [smem:$0x3FAF]  }
0x2d: {  	s3 =	simm.s32 $0x108;
	s8 =	sld [smem:$0x3FB0]  }
0x2e: {  	s3 =	simm.s32 @!p0 $0x1082;
	s9 =	sld [smem:$0x3FB1]  }
0x2f: {  	lr =	sadd.s32 s0, s3;
	s0 =	sld [smem:$0x3FA8]  }
0x30: {  	s3 =	sld [smem:$0x3FAB]  }
0x31: {  	[smem:$0x3FB4] =	sst s10  }
0x32: {  	s10 =	sld [smem:$0x3FB2];
	_ =	sdelay $0x3  }
0x33: {  	p0 =	seq.s32 s10, $0x1;
	s10 =	sld [smem:$0x3FB4];
	_ =	sdelay $0x3  }
0x34: {  	[smem:$0x3FB4] =	sst s10  }
0x35: {  	s10 =	sld [smem:$0x3FB3];
	_ =	sdelay $0x3  }
0x36: {  	p1 =	seq.s32 s10, $0x1;
	s10 =	sld [smem:$0x3FB4];
	_ =	sdelay $0x3  }
0x37: {  	[smem:$0x3FB4] =	sst s10  }
0x38: {  	s10 =	sld [smem:$0x3FB5]  }
0x39: {  	_ = 	snop;
	(pc) =	sbr.ind lr, $3  }
0x3a: {  	_ = 	snop  }
0x3b: {  	_ = 	snop  }
0x3c: {  	p2 =	seq.s32 s10, $0x1;
	s10 =	sld [smem:$0x3FB4]  }
0x3d: {  	_ =	shalt  }
0x3e: {  	_ =	shalt  }
0x3f: {  	_ =	shalt  }
0x40: {  	_ =	shalt  }
0x41: {  	_ =	shalt  }
0x42: {  	_ =	shalt  }
0x43: {  	_ =	shalt  }
0x44: {  	_ =	shalt  }
0x45: {  	_ =	shalt  }
0x46: {  	_ =	shalt  }
0x47: {  	_ =	shalt  }
0x48: {  	_ =	shalt  }
0x49: {  	_ =	shalt  }
0x4a: {  	_ =	shalt  }
0x4b: {  	_ =	shalt  }
0x4c: {  	_ =	shalt  }
0x4d: {  	_ =	shalt  }
0x4e: {  	_ =	shalt  }
0x4f: {  	_ =	shalt  }
0x50: {  	_ =	shalt  }
0x51: {  	_ =	shalt  }
0x52: {  	_ =	shalt  }
0x53: {  	_ =	shalt  }
0x54: {  	_ =	shalt  }
0x55: {  	_ =	shalt  }
0x56: {  	_ =	shalt  }
0x57: {  	_ =	shalt  }
0x58: {  	_ =	shalt  }
0x59: {  	_ =	shalt  }
0x5a: {  	_ =	shalt  }
0x5b: {  	_ =	shalt  }
0x5c: {  	_ =	shalt  }
0x5d: {  	_ =	shalt  }
0x5e: {  	_ =	shalt  }
0x5f: {  	_ =	shalt  }
0x60: {  	_ =	shalt  }
0x61: {  	_ =	shalt  }
0x62: {  	_ =	shalt  }
0x63: {  	_ =	shalt  }
0x64: {  	_ =	shalt  }
0x65: {  	_ =	shalt  }
0x66: {  	_ =	shalt  }
0x67: {  	_ =	shalt  }
0x68: {  	_ =	shalt  }
0x69: {  	_ =	shalt  }
0x6a: {  	_ =	shalt  }
0x6b: {  	_ =	shalt  }
0x6c: {  	_ =	shalt  }
0x6d: {  	_ =	shalt  }
0x6e: {  	_ =	shalt  }
0x6f: {  	_ =	shalt  }
0x70: {  	_ =	shalt  }
0x71: {  	_ =	shalt  }
0x72: {  	_ =	shalt  }
0x73: {  	_ =	shalt  }
0x74: {  	_ =	shalt  }
0x75: {  	_ =	shalt  }
0x76: {  	_ =	shalt  }
0x77: {  	_ =	shalt  }
0x78: {  	_ =	shalt  }
0x79: {  	_ =	shalt  }
0x7a: {  	_ =	shalt  }
0x7b: {  	_ =	shalt  }
0x7c: {  	_ =	shalt  }
0x7d: {  	_ =	shalt  }
0x7e: {  	_ =	shalt  }
0x7f: {  	_ =	shalt  }
0x80: {  	_ =	shalt  }
0x81: {  	_ =	shalt  }
0x82: {  	_ =	shalt  }
0x83: {  	_ =	shalt  }
0x84: {  	_ =	shalt  }
0x85: {  	_ =	shalt  }
0x86: {  	_ =	shalt  }
0x87: {  	_ =	shalt  }
.Lfunc_end0:
.L_simem_size_0:
called_computation.2_lowered:
.L_overlay_start_0:
0x88: {  	s2 =	sld [smem:$0x3FD9]  }
0x89: {  	s3 =	sld [smem:$0x3FFE];
	_ =	sdelay $0x1  }
0x8a: {  	s1 =	srdreg.scid  }
0x8b: {  	s0 =	sand.u32 $0x1, s1  }
0x8c: {  	s14 =	sshll.u32 s0, $0xA;
	s2 =	sadd.s32 s3, s2  }
0x8d: {  	s2 =	sadd.s32 s2, s14  }
0x8e: {  	[smem:$0x3FC0] =	sst s2  }
0x8f: {  	_ = 	snop  }
0x90: {  	s2 =	sld [smem:$0x3FD0];
	_ =	sdelay $0x2  }
0x91: {  	s15 =	simm.s32 $0xA;
	s4 =	simm.s32 $0x10  }
0x92: {  	[smem:s4], [sflag:s15] =	dma.local [hbm:s2], $0x1  }
0x93: {  	_ =	swait.eq [sflag:s15], $0x1  }
0x94: {  	[sflag:s15] =	ssyncset.done $0x0  }
0x95: {  	[sflag:s15] =	ssyncadd.s32 $0xFFFFFFFF  }
0x96: {  	s16 =	sld [smem:$0x11];
	(tm) =	ssettm $0x1  }
0x97: {  	s17 =	sld [smem:$0x3FFB];
	_ =	sdelay $0x3  }
0x98: {  	_ =	strace s17  }
0x99: {  	s3 =	sld [smem:$0x3FFC];
	_ =	sdelay $0x3  }
0x9a: {  	_ =	strace s3  }
0x9b: {  	s3 =	sld [smem:$0x3FFD];
	_ =	sdelay $0x3  }
0x9c: {  	_ =	strace s3  }
0x9d: {  	_ =	strace $0x8FFFFFFF  }
0x9e: {  	s18 =	sld [smem:$0x3FDB];
	_ =	sdelay $0x1  }
0x9f: {  	s19 =	simm.s32 $_scs_section_size  }
0xa0: {  	s5 =	simm.s32 $_size__tile_overlayer_lowered;
	s6 =	simm.s32 $_tile_overlayer_lowered  }
0xa1: {  	s22 =	simm.s32 $0x1BFF;
	s21 =	sshll.u32 s6, $0x1;
	s3 =	sadd.s32 s19, s18  }
0xa2: {  	s7 =	simm.s32 $0x0;
	s20 =	sshll.u32 s5, $0x1;
	s5 =	sadd.s32 s21, s3  }
0xa3: {  	[timem:s7], [sflag:s22] =	dma.local [hbm:s5], s20  }
0xa4: {  	_ =	swait.ge [sflag:s22], s20  }
0xa5: {  	s4 =	ssub.s32 $0x0, s20;
	[sflag:s22] =	ssyncset.done $0x0  }
0xa6: {  	[sflag:s22] =	ssyncadd.s32 s4;
	_ =	sdelay $0x1  }
0xa7: {  	s23 =	simm.s32 $0x1B8B  }
0xa8: {  	_ =	swait.ge [sflag:s23], $0x1  }
0xa9: {  	[sflag:s23] =	ssyncset.done $0x0  }
0xaa: {  	s25 =	simm.s32 $0x1B8E;
	s24 =	sld [smem:$0x3FFE];
	[sflag:s23] =	ssyncadd.s32 $0xFFFFFFFF  }
0xab: {  	s26 =	simm.s32 $execute0_lowered;
	[smem:$0x3FD2] =	sst s25  }
0xac: {  	s5 =	sshll.u32 s26, $0x1;
	_ =	strace $0x8000004C;
	[dreg:$0x1] =	wrdreg $0xFFFFFFFF  }
0xad: {  	s28 =	simm.s32 $_size_execute0_lowered;
	s3 =	sadd.s32 s3, s5;
	[dreg:$0x0] =	wrdreg $0x0  }
0xae: {  	s5 =	sshll.u32 s28, $0x1;
	[dreg:$0x2] =	wrdreg s3  }
0xaf: {  	[dreg:$0x3] =	wrdreg s5  }
0xb0: {  	[dreg:$0x4] =	wrdreg $0xC0  }
0xb1: {  	_ =	task [dreg:s7], $0x5FFFF  }
0xb2: {  	[dreg:$0x1] =	wrdreg $0xFFFFFFFF  }
0xb3: {  	[dreg:$0x0] =	wrdreg $0x60  }
0xb4: {  	[dreg:$0x2] =	wrdreg s24  }
0xb5: {  	[dreg:$0x3] =	wrdreg s16  }
0xb6: {  	[dreg:$0x4] =	wrdreg $0x50000  }
0xb7: {  	[dreg:$0x5] =	wrdreg $0x9  }
0xb8: {  	_ =	task.clear_ibuf [dreg:s7], $0x6FFFF;
	_ =	strace $0x9000004C  }
0xb9: {  	s29 =	simm.s32 $0x9;
	_ =	strace $0x8000004E  }
0xba: {  	_ =	swait.ge [sflag:s29], $0x1  }
0xbb: {  	[sflag:s29] =	ssyncadd.s32 $0xFFFFFFFF  }
0xbc: {  	_ =	strace $0x9000004E  }
0xbd: {  	_ =	sfence  }
0xbe: {  	s30 =	sld [smem:$0x0];
	_ =	sdelay $0x2  }
0xbf: {  	s31 =	sshll.u32 s1, $0xD;
	s1 =	sshrl.u32 s1, $0x2  }
0xc0: {  	s3 =	sand.u32 $0x4000, s31;
	s1 =	sadd.s32 s1, s30  }
0xc1: {  	s0 =	sor.u32 s3, s0;
	s1 =	sshll.u32 s1, $0x11  }
0xc2: {  	s0 =	sor.u32 s1, s0  }
0xc3: {  	s0 =	sadd.s32 $0x8F2B, s0  }
0xc4: {  	[sflag:s0] =	ssyncadd.remote.s32 $0x1  }
0xc5: {  	_ =	sfence.sel $0xFFFF  }
0xc6: {  	[dreg:$0x0] =	wrdreg $0xFFFFFFFF;
	(pc) =	sbr.abs _section_cstart, $3  }
0xc7: {  	[dreg:$0x1] =	wrdreg $0xFFFFFFFF  }
0xc8: {  	_ =	task.clear_ibuf [dreg:s7], $0x2FFFF;
	_ =	strace $0x9FFFFFFF  }
0xc9: {  	(tm) =	ssettm $0x7FFFFFFF  }
tec
execute0_lowered:
.L_overlay_start_1:
0x0: {  	(tag) =	ssettag $0x1  }
0x1: {  	s0 =	rddreg [dreg:$0x0]  }
0x2: {  	s3 =	rddreg [dreg:$0x2];
	s4 =	simm.s32 $0x0  }
0x3: {  	s1 =	srdreg.scid;
	s9 =	stileid.u32;
	s11 =	simm.s32 $0x3  }
0x4: {  	s12 =	simm.s32 $0x800;
	s13 =	simm.s32 $0x80;
	s14 =	simm.s32 $0x1000  }
0x5: {  	s15 =	simm.s32 $0x3000;
	s16 =	simm.s32 $0x1;
	s18 =	simm.s32 $0x2  }
0x6: {  	s20 =	simm.s32 $0x400;
	s21 =	simm.s32 $0xB80;
	s22 =	simm.s32 $0x480  }
0x7: {  	s23 =	simm.s32 $0xC00;
	s31 =	simm.s32 $0x580;
	s10 =	simm.s32 $0xF00  }
0x8: {  	s17 =	simm.s32 $0xF80;
	s1 =	sand.u32 $0x1, s1;
	s2 =	smul.u32 $0x90, s9  }
0x9: {  	s5 =	sshll.u32 s9, $0x4;
	[smem:$0x7FF] =	sst s4;
	s8 =	smul.u32 $0xA000, s9  }
0xa: {  	s9 =	sshll.u32 s9, $0x6;
	p0 =	seq.s32 s1, $0x0;
	s6 =	sor.u32 $0x900, s5  }
0xb: {  	_ =	strace $0x8000004D;
	s5 =	sadd.s32 $0x70800, s0;
	s24 =	smul.u32 $0x14000, s1  }
0xc: {  	s7 =	ssub.s32 $0x2, s1;
	s29 =	sor.u32 $0x1C03, s9;
	s9 =	simm.s32 $0x700  }
0xd: {  	s6 =	smov.u32 @p0 s2;
	s25 =	sshrl.u32 s7, $0x1;
	s26 =	sadd.s32 s8, s3  }
0xe: {  	s8 =	sshrl.u32 s8, $0x3;
	p0 =	sne.s32 s1, $0x0;
	[dreg:$0x4] =	wrdreg s29  }
0xf: {  	s1 =	simm.s32 $0xD80;
	s2 =	sshll.u32 s6, $0x4;
	s6 =	ssub.s32 s7, s25  }
0x10: {  	s30 =	sshrl.u32 s26, $0x3;
	s25 =	simm.s32 $0x500;
	s26 =	simm.s32 $0xC80  }
0x11: {  	s7 =	simm.s32 $0x680;
	s2 =	sadd.s32 s2, s0;
	s0 =	sadd.s32 s24, s0  }
0x12: {  	s6 =	smax.u32 s6, $0x1;
	[dreg:$0x8] =	wrdreg s30;
	s24 =	simm.s32 $0xE80  }
0x13: {  	s0 =	sadd.s32 $0x84200, s0;
	[dreg:$0x5] =	wrdreg s6;
	s28 =	sadd.s32 $0x2800, s2  }
0x14: {  	s2 =	sadd.s32 $0x16800, s2;
	s6 =	simm.s32 $0x780;
	[dreg:$0x6] =	wrdreg s28  }
0x15: {  	[dreg:$0x7] =	wrdreg s2;
	s0 =	sadd.s32 s8, s0;
	s2 =	simm.s32 $0x600  }
0x16: {  	s8 =	simm.s32 $0xE00;
	[dreg:$0x9] =	wrdreg s0;
	s0 =	simm.s32 $0x0  }
.LBB2_1:
0x17: {  	[dreg:$0xa] =	wrdreg s0  }
0x18: {  	s28 =	rddreg [dreg:$0x1]  }
0x19: {  	[spmem:s30], [sflag:s29] =	dma.local [hbm:s28], $0x1400  }
0x1a: {  	_ =	swait.ge [sflag:s11], $0x1400  }
0x1b: {  	[sflag:s11] =	ssyncset.done $0x0  }
0x1c: {  	[sflag:s11] =	ssyncadd.s32 $0xFFFFEC00  }
0x1d: {  	[bflag:$0x0] =	sbarrier.arrive $0xFFFF  }
0x1e: {  	s28 =	rddreg [dreg:$0x7]  }
0x1f: {  	s0 =	simm.s32 $0xD00;
	s30 =	simm.s32 $0x0;
	s29 =	rddreg [dreg:$0x6]  }
.LBB2_2:
0x20: {  	[tilespmem:s4], [sflag:$0x3] =	stream.linear.gather [hbm4b:s28+s4], $0x800, $0x38;
	[tilespmem:$0xF000] =	vst v63  }
0x21: {  	_ =	swait.ge [sflag:s11], $0x800  }
0x22: {  	[sflag:s11] =	ssyncset.done $0x0  }
0x23: {  	[sflag:s11] =	ssyncadd.s32 $0xFFFFF800  }
0x24: {  	[tilespmem:s12], [sflag:$0x3] =	stream.linear.gather [hbm4b:s29+s4], $0x800, $0x38;
	[tilespmem:$0xF000] =	vst v63  }
0x25: {  	_ =	swait.ge [sflag:s11], $0x800  }
0x26: {  	[sflag:s11] =	ssyncset.done $0x0  }
0x27: {  	[sflag:s11] =	ssyncadd.s32 $0xFFFFF800  }
0x28: {  	[tilespmem:s14], [sflag:$0x1] =	stream.indirect.gather [hbm4b:s5+s13], $0x40, s4, s13, $0xb8;
	[tilespmem:$0xF000] =	vst v63  }
0x29: {  	_ = 	snop  }
0x2a: {  	[tilespmem:s15], [sflag:$0x2] =	stream.indirect.gather [hbm4b:s5+s13], $0x40, s13, s13, $0xb8;
	[tilespmem:$0xF000] =	vst v63  }
0x2b: {  	_ =	swait.ge [sflag:s16], $0x2000  }
0x2c: {  	[sflag:s16] =	ssyncset.done $0x0  }
0x2d: {  	[sflag:s16] =	ssyncadd.s32 $0xFFFFE000  }
0x2e: {  	[spmem:s3] =	stream.indirect.scatter.add.f32 [tilespmem:s14], [sflag:$0x3], $0x40, s12, s13, $0xb8;
	[tilespmem:$0xF000] =	vst v63  }
0x2f: {  	_ =	swait.ge [sflag:s11], $0x2000  }
0x30: {  	[sflag:s11] =	ssyncset.done $0x0  }
0x31: {  	s19 =	simm.s32 $0x100;
	[sflag:s11] =	ssyncadd.s32 $0xFFFFE000  }
0x32: {  	[tilespmem:s14], [sflag:$0x1] =	stream.indirect.gather [hbm4b:s5+s13], $0x40, s19, s13, $0xb8;
	[tilespmem:$0xF000] =	vst v63  }
0x33: {  	_ =	swait.ge [sflag:s18], $0x2000  }
0x34: {  	[sflag:s18] =	ssyncset.done $0x0  }
0x35: {  	s19 =	simm.s32 $0x880;
	[sflag:s18] =	ssyncadd.s32 $0xFFFFE000  }
0x36: {  	[spmem:s3] =	stream.indirect.scatter.add.f32 [tilespmem:s15], [sflag:$0x3], $0x40, s19, s13, $0xb8;
	[tilespmem:$0xF000] =	vst v63  }
0x37: {  	_ =	swait.ge [sflag:s11], $0x2000  }
0x38: {  	[sflag:s11] =	ssyncset.done $0x0  }
0x39: {  	s19 =	simm.s32 $0x180;
	[sflag:s11] =	ssyncadd.s32 $0xFFFFE000  }
0x3a: {  	[tilespmem:s15], [sflag:$0x2] =	stream.indirect.gather [hbm4b:s5+s13], $0x40, s19, s13, $0xb8;
	[tilespmem:$0xF000] =	vst v63  }
0x3b: {  	_ =	swait.ge [sflag:s16], $0x2000  }
0x3c: {  	[sflag:s16] =	ssyncset.done $0x0  }
0x3d: {  	s19 =	simm.s32 $0x900;
	[sflag:s16] =	ssyncadd.s32 $0xFFFFE000  }
0x3e: {  	[spmem:s3] =	stream.indirect.scatter.add.f32 [tilespmem:s14], [sflag:$0x3], $0x40, s19, s13, $0xb8;
	[tilespmem:$0xF000] =	vst v63  }
0x3f: {  	_ =	swait.ge [sflag:s11], $0x2000  }
0x40: {  	[sflag:s11] =	ssyncset.done $0x0  }
0x41: {  	s19 =	simm.s32 $0x200;
	[sflag:s11] =	ssyncadd.s32 $0xFFFFE000  }
0x42: {  	[tilespmem:s14], [sflag:$0x1] =	stream.indirect.gather [hbm4b:s5+s13], $0x40, s19, s13, $0xb8;
	[tilespmem:$0xF000] =	vst v63  }
0x43: {  	_ =	swait.ge [sflag:s18], $0x2000  }
0x44: {  	[sflag:s18] =	ssyncset.done $0x0  }
0x45: {  	s19 =	simm.s32 $0x980;
	[sflag:s18] =	ssyncadd.s32 $0xFFFFE000  }
0x46: {  	[spmem:s3] =	stream.indirect.scatter.add.f32 [tilespmem:s15], [sflag:$0x3], $0x40, s19, s13, $0xb8;
	[tilespmem:$0xF000] =	vst v63  }
0x47: {  	_ =	swait.ge [sflag:s11], $0x2000  }
0x48: {  	[sflag:s11] =	ssyncset.done $0x0  }
0x49: {  	s19 =	simm.s32 $0x280;
	[sflag:s11] =	ssyncadd.s32 $0xFFFFE000  }
0x4a: {  	[tilespmem:s15], [sflag:$0x2] =	stream.indirect.gather [hbm4b:s5+s13], $0x40, s19, s13, $0xb8;
	[tilespmem:$0xF000] =	vst v63  }
0x4b: {  	_ =	swait.ge [sflag:s16], $0x2000  }
0x4c: {  	[sflag:s16] =	ssyncset.done $0x0  }
0x4d: {  	s19 =	simm.s32 $0xA00;
	[sflag:s16] =	ssyncadd.s32 $0xFFFFE000  }
0x4e: {  	[spmem:s3] =	stream.indirect.scatter.add.f32 [tilespmem:s14], [sflag:$0x3], $0x40, s19, s13, $0xb8;
	[tilespmem:$0xF000] =	vst v63  }
0x4f: {  	_ =	swait.ge [sflag:s11], $0x2000  }
0x50: {  	[sflag:s11] =	ssyncset.done $0x0  }
0x51: {  	s19 =	simm.s32 $0x300;
	[sflag:s11] =	ssyncadd.s32 $0xFFFFE000  }
0x52: {  	[tilespmem:s14], [sflag:$0x1] =	stream.indirect.gather [hbm4b:s5+s13], $0x40, s19, s13, $0xb8;
	[tilespmem:$0xF000] =	vst v63  }
0x53: {  	_ =	swait.ge [sflag:s18], $0x2000  }
0x54: {  	[sflag:s18] =	ssyncset.done $0x0  }
0x55: {  	s19 =	simm.s32 $0xA80;
	[sflag:s18] =	ssyncadd.s32 $0xFFFFE000  }
0x56: {  	[spmem:s3] =	stream.indirect.scatter.add.f32 [tilespmem:s15], [sflag:$0x3], $0x40, s19, s13, $0xb8;
	[tilespmem:$0xF000] =	vst v63  }
0x57: {  	_ =	swait.ge [sflag:s11], $0x2000  }
0x58: {  	[sflag:s11] =	ssyncset.done $0x0  }
0x59: {  	s19 =	simm.s32 $0x380;
	[sflag:s11] =	ssyncadd.s32 $0xFFFFE000  }
0x5a: {  	[tilespmem:s15], [sflag:$0x2] =	stream.indirect.gather [hbm4b:s5+s13], $0x40, s19, s13, $0xb8;
	[tilespmem:$0xF000] =	vst v63  }
0x5b: {  	_ =	swait.ge [sflag:s16], $0x2000  }
0x5c: {  	[sflag:s16] =	ssyncset.done $0x0  }
0x5d: {  	s19 =	simm.s32 $0xB00;
	[sflag:s16] =	ssyncadd.s32 $0xFFFFE000  }
0x5e: {  	[spmem:s3] =	stream.indirect.scatter.add.f32 [tilespmem:s14], [sflag:$0x3], $0x40, s19, s13, $0xb8;
	[tilespmem:$0xF000] =	vst v63  }
0x5f: {  	_ =	swait.ge [sflag:s11], $0x2000  }
0x60: {  	[sflag:s11] =	ssyncset.done $0x0  }
0x61: {  	[sflag:s11] =	ssyncadd.s32 $0xFFFFE000  }
0x62: {  	[tilespmem:s14], [sflag:$0x1] =	stream.indirect.gather [hbm4b:s5+s13], $0x40, s20, s13, $0xb8;
	[tilespmem:$0xF000] =	vst v63  }
0x63: {  	_ =	swait.ge [sflag:s18], $0x2000  }
0x64: {  	[sflag:s18] =	ssyncset.done $0x0  }
0x65: {  	[sflag:s18] =	ssyncadd.s32 $0xFFFFE000  }
0x66: {  	[spmem:s3] =	stream.indirect.scatter.add.f32 [tilespmem:s15], [sflag:$0x3], $0x40, s21, s13, $0xb8;
	[tilespmem:$0xF000] =	vst v63  }
0x67: {  	_ =	swait.ge [sflag:s11], $0x2000  }
0x68: {  	[sflag:s11] =	ssyncset.done $0x0  }
0x69: {  	[sflag:s11] =	ssyncadd.s32 $0xFFFFE000  }
0x6a: {  	[tilespmem:s15], [sflag:$0x2] =	stream.indirect.gather [hbm4b:s5+s13], $0x40, s22, s13, $0xb8;
	[tilespmem:$0xF000] =	vst v63  }
0x6b: {  	_ =	swait.ge [sflag:s16], $0x2000  }
0x6c: {  	[sflag:s16] =	ssyncset.done $0x0  }
0x6d: {  	[sflag:s16] =	ssyncadd.s32 $0xFFFFE000  }
0x6e: {  	[spmem:s3] =	stream.indirect.scatter.add.f32 [tilespmem:s14], [sflag:$0x3], $0x40, s23, s13, $0xb8;
	[tilespmem:$0xF000] =	vst v63  }
0x6f: {  	_ =	swait.ge [sflag:s11], $0x2000  }
0x70: {  	[sflag:s11] =	ssyncset.done $0x0  }
0x71: {  	[sflag:s11] =	ssyncadd.s32 $0xFFFFE000  }
0x72: {  	[tilespmem:s14], [sflag:$0x1] =	stream.indirect.gather [hbm4b:s5+s13], $0x40, s25, s13, $0xb8;
	[tilespmem:$0xF000] =	vst v63  }
0x73: {  	_ =	swait.ge [sflag:s18], $0x2000  }
0x74: {  	[sflag:s18] =	ssyncset.done $0x0  }
0x75: {  	[sflag:s18] =	ssyncadd.s32 $0xFFFFE000  }
0x76: {  	[spmem:s3] =	stream.indirect.scatter.add.f32 [tilespmem:s15], [sflag:$0x3], $0x40, s26, s13, $0xb8;
	[tilespmem:$0xF000] =	vst v63  }
0x77: {  	_ =	swait.ge [sflag:s11], $0x2000  }
0x78: {  	[sflag:s11] =	ssyncset.done $0x0  }
0x79: {  	[sflag:s11] =	ssyncadd.s32 $0xFFFFE000  }
0x7a: {  	[tilespmem:s15], [sflag:$0x2] =	stream.indirect.gather [hbm4b:s5+s13], $0x40, s31, s13, $0xb8;
	[tilespmem:$0xF000] =	vst v63  }
0x7b: {  	_ =	swait.ge [sflag:s16], $0x2000  }
0x7c: {  	[sflag:s16] =	ssyncset.done $0x0  }
0x7d: {  	[sflag:s16] =	ssyncadd.s32 $0xFFFFE000  }
0x7e: {  	[spmem:s3] =	stream.indirect.scatter.add.f32 [tilespmem:s14], [sflag:$0x3], $0x40, s0, s13, $0xb8;
	[tilespmem:$0xF000] =	vst v63  }
0x7f: {  	_ =	swait.ge [sflag:s11], $0x2000  }
0x80: {  	[sflag:s11] =	ssyncset.done $0x0  }
0x81: {  	[sflag:s11] =	ssyncadd.s32 $0xFFFFE000  }
0x82: {  	[tilespmem:s14], [sflag:$0x1] =	stream.indirect.gather [hbm4b:s5+s13], $0x40, s2, s13, $0xb8;
	[tilespmem:$0xF000] =	vst v63  }
0x83: {  	_ =	swait.ge [sflag:s18], $0x2000  }
0x84: {  	[sflag:s18] =	ssyncset.done $0x0  }
0x85: {  	[sflag:s18] =	ssyncadd.s32 $0xFFFFE000  }
0x86: {  	[spmem:s3] =	stream.indirect.scatter.add.f32 [tilespmem:s15], [sflag:$0x3], $0x40, s1, s13, $0xb8;
	[tilespmem:$0xF000] =	vst v63  }
0x87: {  	_ =	swait.ge [sflag:s11], $0x2000  }
0x88: {  	[sflag:s11] =	ssyncset.done $0x0  }
0x89: {  	[sflag:s11] =	ssyncadd.s32 $0xFFFFE000  }
0x8a: {  	[tilespmem:s15], [sflag:$0x2] =	stream.indirect.gather [hbm4b:s5+s13], $0x40, s7, s13, $0xb8;
	[tilespmem:$0xF000] =	vst v63  }
0x8b: {  	_ =	swait.ge [sflag:s16], $0x2000  }
0x8c: {  	[sflag:s16] =	ssyncset.done $0x0  }
0x8d: {  	[sflag:s16] =	ssyncadd.s32 $0xFFFFE000  }
0x8e: {  	[spmem:s3] =	stream.indirect.scatter.add.f32 [tilespmem:s14], [sflag:$0x3], $0x40, s8, s13, $0xb8;
	[tilespmem:$0xF000] =	vst v63  }
0x8f: {  	_ =	swait.ge [sflag:s11], $0x2000  }
0x90: {  	[sflag:s11] =	ssyncset.done $0x0  }
0x91: {  	[sflag:s11] =	ssyncadd.s32 $0xFFFFE000  }
0x92: {  	[tilespmem:s14], [sflag:$0x1] =	stream.indirect.gather [hbm4b:s5+s13], $0x40, s9, s13, $0xb8;
	[tilespmem:$0xF000] =	vst v63  }
0x93: {  	_ =	swait.ge [sflag:s18], $0x2000  }
0x94: {  	[sflag:s18] =	ssyncset.done $0x0  }
0x95: {  	[sflag:s18] =	ssyncadd.s32 $0xFFFFE000  }
0x96: {  	[spmem:s3] =	stream.indirect.scatter.add.f32 [tilespmem:s15], [sflag:$0x3], $0x40, s24, s13, $0xb8;
	[tilespmem:$0xF000] =	vst v63  }
0x97: {  	_ =	swait.ge [sflag:s11], $0x2000  }
0x98: {  	[sflag:s11] =	ssyncset.done $0x0  }
0x99: {  	[sflag:s11] =	ssyncadd.s32 $0xFFFFE000  }
0x9a: {  	[tilespmem:s15], [sflag:$0x2] =	stream.indirect.gather [hbm4b:s5+s13], $0x40, s6, s13, $0xb8;
	[tilespmem:$0xF000] =	vst v63  }
0x9b: {  	_ =	swait.ge [sflag:s16], $0x2000  }
0x9c: {  	[sflag:s16] =	ssyncset.done $0x0  }
0x9d: {  	[sflag:s16] =	ssyncadd.s32 $0xFFFFE000  }
0x9e: {  	[spmem:s3] =	stream.indirect.scatter.add.f32 [tilespmem:s14], [sflag:$0x3], $0x40, s10, s13, $0xb8;
	[tilespmem:$0xF000] =	vst v63  }
0x9f: {  	_ =	swait.ge [sflag:s11], $0x2000  }
0xa0: {  	[sflag:s11] =	ssyncset.done $0x0  }
0xa1: {  	[sflag:s11] =	ssyncadd.s32 $0xFFFFE000  }
0xa2: {  	p1 =	slt.u32 @!p0 s30, $0x8;
	_ =	swait.ge [sflag:s18], $0x2000  }
0xa3: {  	p1 =	por p0, !p1;
	[sflag:s18] =	ssyncset.done $0x0  }
.Ltmp0:
0xa4: {  	[sflag:s18] =	ssyncadd.s32 $0xFFFFE000;
	(pc) =	sbr.rel @!p1 .LBB2_2-.Ltmp0, $4  }
0xa5: {  	[spmem:s3] =	stream.indirect.scatter.add.f32 [tilespmem:s15], [sflag:$0x3], $0x40, s17, s13, $0xb8;
	[tilespmem:$0xF000] =	vst v63  }
0xa6: {  	_ =	swait.ge [sflag:s11], $0x2000  }
0xa7: {  	s30 =	sadd.s32 $0x1, s30;
	[sflag:s11] =	ssyncset.done $0x0  }
0xa8: {  	s28 =	sadd.s32 $0x100, s28;
	s29 =	sadd.s32 $0x100, s29;
	[sflag:s11] =	ssyncadd.s32 $0xFFFFE000  }
0xa9: {  	[bflag:$0x0] =	sbarrier.arrive $0xFFFF  }
0xaa: {  	s29 =	rddreg [dreg:$0x4]  }
0xab: {  	s30 =	rddreg [dreg:$0x8]  }
0xac: {  	s0 =	rddreg [dreg:$0x9]  }
0xad: {  	[hbm:s0], [sflag:s29] =	dma.local [spmem:s30], $0x1400  }
0xae: {  	_ =	swait.ge [sflag:s11], $0x1400  }
0xaf: {  	s28 =	rddreg [dreg:$0xa]  }
0xb0: {  	s0 =	sadd.s32 $0x1, s28;
	s28 =	rddreg [dreg:$0x5]  }
0xb1: {  	p1 =	sne.s32 s0, s28  }
.Ltmp1:
0xb2: {  	_ = 	snop;
	(pc) =	sbr.rel @p1 .LBB2_1-.Ltmp1, $3  }
0xb3: {  	_ =	sdelay $0x1  }
0xb4: {  	[sflag:s11] =	ssyncset.done $0x0  }
0xb5: {  	[sflag:s11] =	ssyncadd.s32 $0xFFFFEC00  }
0xb6: {  	_ =	sfence.sel $0x180000  }
0xb7: {  	[bflag:$0x0] =	sbarrier.arrive $0xFFFF  }
0xb8: {  	_ =	strace $0x9000004D  }
0xb9: {  	s0 =	stileid.u32;
	[bflag:$0x2] =	sbarrier.arrive $0xFFFF  }
0xba: {  	p0 =	sne.s32 s0, $0x0;
	s0 =	rddreg [dreg:$0x3]  }
0xbb: {  	s0 =	sadd.s32 @!p0 $0x100000, s0  }
0xbc: {  	[sflag:s0] =	ssyncadd.tile.s32 @!p0 $0x1;
	_ =	shalt  }
.Lfunc_end2:
_tile_overlayer_lowered:
.L_overlay_start_2:
0xbd: {  	(tag) =	ssettag $0x2  }
0xbe: {  	s0 =	rddreg [dreg:$0x0];
	s2 =	stileid.u32  }
0xbf: {  	s1 =	rddreg [dreg:$0x1];
	p0 =	sne.s32 s2, $0x0  }
0xc0: {  	s3 =	rddreg [dreg:$0x2];
	[bflag:$0x3] =	sbarrier.arrive $0xFFFF;
	s2 =	simm.s32 @!p0 $0x1C03  }
0xc1: {  	[timem:s3], [sflag:s2] =	dma.local @!p0 [hbm:s0], s1  }
0xc2: {  	s0 =	simm.s32 @!p0 $0x3  }
0xc3: {  	_ =	swait.ge @!p0 [sflag:s0], s1  }
0xc4: {  	s1 =	ssub.s32 @!p0 $0x0, s1;
	[sflag:s0] =	ssyncset.done @!p0 $0x0  }
0xc5: {  	[sflag:s0] =	ssyncadd.s32 @!p0 s1  }
0xc6: {  	[bflag:$0x3] =	sbarrier.arrive $0xFFFF  }
0xc7: {  	_ =	shalt  }

// kernel: kernel.9.cloned.1.call-start
scs
__scs_entry_jumppad:
0x0: {  	(pc) =	sbr.rel $0x88, $3  }
0x1: {  	(tag) =	ssettag $0x0;
	lr =	simm.s32 $0x1  }
0x2: {  	[smem:$0x3F99] =	sst lr;
	_ =	strace $0xD0000000  }
0x3: {  	_ = 	snop  }
0x4: {  	_ = 	snop  }
0x5: {  	_ = 	snop  }
0x6: {  	_ = 	snop  }
0x7: {  	_ = 	snop  }
__scs_overlays_trampoline_lowered:
0x8: {  	[smem:$0x3FA8] =	sst s0  }
0x9: {  	[smem:$0x3FA9] =	sst s1  }
0xa: {  	[smem:$0x3FAA] =	sst s2  }
0xb: {  	[smem:$0x3FAB] =	sst s3  }
0xc: {  	[smem:$0x3FAC] =	sst s4  }
0xd: {  	[smem:$0x3FAD] =	sst s5  }
0xe: {  	[smem:$0x3FAE] =	sst s6  }
0xf: {  	[smem:$0x3FAF] =	sst s7  }
0x10: {  	[smem:$0x3FB0] =	sst s8  }
0x11: {  	[smem:$0x3FB1] =	sst s9;
	s0 =	simm.s32 @!p0 $0x0  }
0x12: {  	s1 =	sld [smem:$0x3F97];
	s0 =	simm.s32 @p0 $0x1  }
0x13: {  	[smem:$0x3FB2] =	sst s0;
	s0 =	simm.s32 @!p1 $0x0  }
0x14: {  	s2 =	sld [smem:$0x3F96];
	s0 =	simm.s32 @p1 $0x1  }
0x15: {  	[smem:$0x3FB3] =	sst s0;
	s0 =	simm.s32 @!p2 $0x0  }
0x16: {  	s3 =	sld [smem:$0x3FDB];
	s0 =	simm.s32 @p2 $0x1  }
0x17: {  	s4 =	simm.s32 $0x1BF5;
	[smem:$0x3FB5] =	sst s0  }
0x18: {  	s0 =	sld [smem:$0x3F98];
	_ =	swait.ge [sflag:s4], $0x0  }
0x19: {  	s7 =	sld [smem:$0x3F99]  }
0x1a: {  	s8 =	sadd.s32 $0xFFFFE003, lr  }
0x1b: {  	s9 =	sadd.s32 $0xFFFFFEF7, lr;
	s5 =	simm.s32 $0xFFFFFFFF;
	p2 =	slt.u32 s8, $0xFFFFF086  }
0x1c: {  	p1 =	slt.u32 s9, $0xF7A;
	s5 =	simm.s32 @!p2 $0x0  }
0x1d: {  	s5 =	simm.s32 @p1 $0x1;
	p0 =	seq.s32 s7, s2  }
0x1e: {  	s7 =	smul.u32 @!p0 $0xF7A, s2;
	p2 =	seq.s32 @!p0 s5, $0x0  }
0x1f: {  	s9 =	smul.u32 $0xF7A, s1;
	s8 =	simm.s32 @!p0 $0x1BF5;
	p2 =	por !p2, p0  }
0x20: {  	[sflag:s8] =	ssyncset.s32 @!p0 $0xFFFFF086;
	s6 =	sadd.s32 @!p0 s3, s7;
	s7 =	simm.s32 @!p0 $0x108  }
0x21: {  	s3 =	sadd.s32 s3, s9;
	s6 =	sadd.s32 @!p0 $0x88, s6;
	s7 =	simm.s32 @p2 $0x1082  }
0x22: {  	[simem:s7], [sflag:s8] =	dma.local @!p0 [hbm:s6], $0xF7A  }
0x23: {  	s9 =	sor.u32 $0xD0000000, s2;
	s6 =	simm.s32 $0x108;
	_ =	swait.ge @!p0 [sflag:s8], $0x0  }
0x24: {  	s3 =	sadd.s32 $0x88, s3;
	s6 =	simm.s32 @!p1 $0x1082;
	[sflag:s4] =	ssyncset.s32 $0xFFFFF086  }
0x25: {  	[simem:s6], [sflag:s4] =	dma.local [hbm:s3], $0xF7A  }
0x26: {  	[smem:$0x3F99] =	sst s1;
	(tag) =	ssettag s2;
	_ =	strace s9  }
0x27: {  	s1 =	sld [smem:$0x3FA9]  }
0x28: {  	s2 =	sld [smem:$0x3FAA]  }
0x29: {  	s4 =	sld [smem:$0x3FAC]  }
0x2a: {  	p0 =	seq.s32 s5, $0x0;
	s5 =	sld [smem:$0x3FAD]  }
0x2b: {  	s6 =	sld [smem:$0x3FAE]  }
0x2c: {  	s7 =	sld [smem:$0x3FAF]  }
0x2d: {  	s3 =	simm.s32 $0x108;
	s8 =	sld [smem:$0x3FB0]  }
0x2e: {  	s3 =	simm.s32 @!p0 $0x1082;
	s9 =	sld [smem:$0x3FB1]  }
0x2f: {  	lr =	sadd.s32 s0, s3;
	s0 =	sld [smem:$0x3FA8]  }
0x30: {  	s3 =	sld [smem:$0x3FAB]  }
0x31: {  	[smem:$0x3FB4] =	sst s10  }
0x32: {  	s10 =	sld [smem:$0x3FB2];
	_ =	sdelay $0x3  }
0x33: {  	p0 =	seq.s32 s10, $0x1;
	s10 =	sld [smem:$0x3FB4];
	_ =	sdelay $0x3  }
0x34: {  	[smem:$0x3FB4] =	sst s10  }
0x35: {  	s10 =	sld [smem:$0x3FB3];
	_ =	sdelay $0x3  }
0x36: {  	p1 =	seq.s32 s10, $0x1;
	s10 =	sld [smem:$0x3FB4];
	_ =	sdelay $0x3  }
0x37: {  	[smem:$0x3FB4] =	sst s10  }
0x38: {  	s10 =	sld [smem:$0x3FB5]  }
0x39: {  	_ = 	snop;
	(pc) =	sbr.ind lr, $3  }
0x3a: {  	_ = 	snop  }
0x3b: {  	_ = 	snop  }
0x3c: {  	p2 =	seq.s32 s10, $0x1;
	s10 =	sld [smem:$0x3FB4]  }
0x3d: {  	_ =	shalt  }
0x3e: {  	_ =	shalt  }
0x3f: {  	_ =	shalt  }
0x40: {  	_ =	shalt  }
0x41: {  	_ =	shalt  }
0x42: {  	_ =	shalt  }
0x43: {  	_ =	shalt  }
0x44: {  	_ =	shalt  }
0x45: {  	_ =	shalt  }
0x46: {  	_ =	shalt  }
0x47: {  	_ =	shalt  }
0x48: {  	_ =	shalt  }
0x49: {  	_ =	shalt  }
0x4a: {  	_ =	shalt  }
0x4b: {  	_ =	shalt  }
0x4c: {  	_ =	shalt  }
0x4d: {  	_ =	shalt  }
0x4e: {  	_ =	shalt  }
0x4f: {  	_ =	shalt  }
0x50: {  	_ =	shalt  }
0x51: {  	_ =	shalt  }
0x52: {  	_ =	shalt  }
0x53: {  	_ =	shalt  }
0x54: {  	_ =	shalt  }
0x55: {  	_ =	shalt  }
0x56: {  	_ =	shalt  }
0x57: {  	_ =	shalt  }
0x58: {  	_ =	shalt  }
0x59: {  	_ =	shalt  }
0x5a: {  	_ =	shalt  }
0x5b: {  	_ =	shalt  }
0x5c: {  	_ =	shalt  }
0x5d: {  	_ =	shalt  }
0x5e: {  	_ =	shalt  }
0x5f: {  	_ =	shalt  }
0x60: {  	_ =	shalt  }
0x61: {  	_ =	shalt  }
0x62: {  	_ =	shalt  }
0x63: {  	_ =	shalt  }
0x64: {  	_ =	shalt  }
0x65: {  	_ =	shalt  }
0x66: {  	_ =	shalt  }
0x67: {  	_ =	shalt  }
0x68: {  	_ =	shalt  }
0x69: {  	_ =	shalt  }
0x6a: {  	_ =	shalt  }
0x6b: {  	_ =	shalt  }
0x6c: {  	_ =	shalt  }
0x6d: {  	_ =	shalt  }
0x6e: {  	_ =	shalt  }
0x6f: {  	_ =	shalt  }
0x70: {  	_ =	shalt  }
0x71: {  	_ =	shalt  }
0x72: {  	_ =	shalt  }
0x73: {  	_ =	shalt  }
0x74: {  	_ =	shalt  }
0x75: {  	_ =	shalt  }
0x76: {  	_ =	shalt  }
0x77: {  	_ =	shalt  }
0x78: {  	_ =	shalt  }
0x79: {  	_ =	shalt  }
0x7a: {  	_ =	shalt  }
0x7b: {  	_ =	shalt  }
0x7c: {  	_ =	shalt  }
0x7d: {  	_ =	shalt  }
0x7e: {  	_ =	shalt  }
0x7f: {  	_ =	shalt  }
0x80: {  	_ =	shalt  }
0x81: {  	_ =	shalt  }
0x82: {  	_ =	shalt  }
0x83: {  	_ =	shalt  }
0x84: {  	_ =	shalt  }
0x85: {  	_ =	shalt  }
0x86: {  	_ =	shalt  }
0x87: {  	_ =	shalt  }
.Lfunc_end0:
.L_simem_size_0:
called_computation_lowered:
.L_overlay_start_0:
0x88: {  	s2 =	sld [smem:$0x3FD9]  }
0x89: {  	s3 =	sld [smem:$0x3FFE];
	_ =	sdelay $0x1  }
0x8a: {  	s1 =	srdreg.scid  }
0x8b: {  	s0 =	sand.u32 $0x1, s1  }
0x8c: {  	s14 =	sshll.u32 s0, $0xA;
	s2 =	sadd.s32 s3, s2  }
0x8d: {  	s2 =	sadd.s32 s2, s14  }
0x8e: {  	[smem:$0x3FC0] =	sst s2  }
0x8f: {  	_ = 	snop  }
0x90: {  	s2 =	sld [smem:$0x3FD0];
	_ =	sdelay $0x2  }
0x91: {  	s15 =	simm.s32 $0xA;
	s4 =	simm.s32 $0x10  }
0x92: {  	[smem:s4], [sflag:s15] =	dma.local [hbm:s2], $0x1  }
0x93: {  	_ =	swait.eq [sflag:s15], $0x1  }
0x94: {  	[sflag:s15] =	ssyncset.done $0x0  }
0x95: {  	s16 =	sld [smem:$0x10];
	[sflag:s15] =	ssyncadd.s32 $0xFFFFFFFF  }
0x96: {  	s17 =	sld [smem:$0x11];
	(tm) =	ssettm $0x1  }
0x97: {  	s18 =	sld [smem:$0x3FFB];
	_ =	sdelay $0x3  }
0x98: {  	_ =	strace s18  }
0x99: {  	s4 =	sld [smem:$0x3FFC];
	_ =	sdelay $0x3  }
0x9a: {  	_ =	strace s4  }
0x9b: {  	s4 =	sld [smem:$0x3FFD];
	_ =	sdelay $0x3  }
0x9c: {  	_ =	strace s4  }
0x9d: {  	_ =	strace $0x8FFFFFFF  }
0x9e: {  	s19 =	sld [smem:$0x3FDB];
	_ =	sdelay $0x1  }
0x9f: {  	s5 =	simm.s32 $_scs_section_size  }
0xa0: {  	s6 =	simm.s32 $_size__tile_overlayer_lowered;
	s7 =	simm.s32 $_tile_overlayer_lowered  }
0xa1: {  	s22 =	simm.s32 $0x1BFF;
	s21 =	sshll.u32 s7, $0x1;
	s4 =	sadd.s32 s5, s19  }
0xa2: {  	s8 =	simm.s32 $0x0;
	s20 =	sshll.u32 s6, $0x1;
	s6 =	sadd.s32 s21, s4  }
0xa3: {  	[timem:s8], [sflag:s22] =	dma.local [hbm:s6], s20  }
0xa4: {  	_ =	swait.ge [sflag:s22], s20  }
0xa5: {  	s5 =	ssub.s32 $0x0, s20;
	[sflag:s22] =	ssyncset.done $0x0  }
0xa6: {  	[sflag:s22] =	ssyncadd.s32 s5;
	_ =	sdelay $0x1  }
0xa7: {  	s23 =	simm.s32 $0x1B8B  }
0xa8: {  	_ =	swait.ge [sflag:s23], $0x1  }
0xa9: {  	[sflag:s23] =	ssyncset.done $0x0  }
0xaa: {  	s25 =	simm.s32 $0x1B8E;
	s24 =	sld [smem:$0x3FFE];
	[sflag:s23] =	ssyncadd.s32 $0xFFFFFFFF  }
0xab: {  	s26 =	simm.s32 $execute0_lowered;
	[smem:$0x3FD2] =	sst s25  }
0xac: {  	s6 =	sshll.u32 s26, $0x1;
	_ =	strace $0x80000046;
	[dreg:$0x1] =	wrdreg $0xFFFFFFFF  }
0xad: {  	s28 =	simm.s32 $_size_execute0_lowered;
	s4 =	sadd.s32 s4, s6;
	[dreg:$0x0] =	wrdreg $0x0  }
0xae: {  	s6 =	sshll.u32 s28, $0x1;
	[dreg:$0x2] =	wrdreg s4  }
0xaf: {  	[dreg:$0x3] =	wrdreg s6  }
0xb0: {  	[dreg:$0x4] =	wrdreg $0xC0  }
0xb1: {  	_ =	task [dreg:s8], $0x5FFFF  }
0xb2: {  	[dreg:$0x1] =	wrdreg $0xFFFFFFFF  }
0xb3: {  	[dreg:$0x0] =	wrdreg $0x60  }
0xb4: {  	[dreg:$0x2] =	wrdreg s24  }
0xb5: {  	[dreg:$0x3] =	wrdreg s16  }
0xb6: {  	[dreg:$0x4] =	wrdreg s17  }
0xb7: {  	[dreg:$0x5] =	wrdreg $0x30000  }
0xb8: {  	[dreg:$0x6] =	wrdreg $0x9  }
0xb9: {  	_ =	task.clear_ibuf [dreg:s8], $0x7FFFF;
	_ =	strace $0x90000046  }
0xba: {  	s29 =	simm.s32 $0x9;
	_ =	strace $0x80000048  }
0xbb: {  	_ =	swait.ge [sflag:s29], $0x1  }
0xbc: {  	[sflag:s29] =	ssyncadd.s32 $0xFFFFFFFF  }
0xbd: {  	_ =	strace $0x90000048  }
0xbe: {  	_ =	sfence  }
0xbf: {  	s30 =	sld [smem:$0x0];
	_ =	sdelay $0x2  }
0xc0: {  	s31 =	sshll.u32 s1, $0xD;
	s1 =	sshrl.u32 s1, $0x2  }
0xc1: {  	s3 =	sand.u32 $0x4000, s31;
	s1 =	sadd.s32 s1, s30  }
0xc2: {  	s0 =	sor.u32 s3, s0;
	s1 =	sshll.u32 s1, $0x11  }
0xc3: {  	s0 =	sor.u32 s1, s0  }
0xc4: {  	s0 =	sadd.s32 $0x8F2B, s0  }
0xc5: {  	[sflag:s0] =	ssyncadd.remote.s32 $0x1  }
0xc6: {  	_ =	sfence.sel $0xFFFF  }
0xc7: {  	[dreg:$0x0] =	wrdreg $0xFFFFFFFF;
	(pc) =	sbr.abs _section_cstart, $3  }
0xc8: {  	[dreg:$0x1] =	wrdreg $0xFFFFFFFF  }
0xc9: {  	_ =	task.clear_ibuf [dreg:s8], $0x2FFFF;
	_ =	strace $0x9FFFFFFF  }
0xca: {  	(tm) =	ssettm $0x7FFFFFFF  }
0xcb: {  	_ =	shalt  }
tec
execute0_lowered:
.L_overlay_start_1:
0x0: {  	(tag) =	ssettag $0x1  }
0x1: {  	s6 =	rddreg [dreg:$0x0]  }
0x2: {  	s0 =	rddreg [dreg:$0x1]  }
0x3: {  	s3 =	rddreg [dreg:$0x2]  }
0x4: {  	s1 =	srdreg.scid;
	s4 =	rddreg [dreg:$0x3]  }
0x5: {  	s5 =	simm.s32 $0x0;
	s7 =	sand.u32 $0x1, s1;
	s1 =	rddreg [dreg:$0x4]  }
0x6: {  	s2 =	stileid.u32;
	[smem:$0x7FF] =	sst s5  }
0x7: {  	s11 =	smul.u32 $0x2800, s2;
	s31 =	sshll.u32 s2, $0x6;
	s8 =	sshll.u32 s7, $0x4  }
0x8: {  	_ =	strace $0x80000047;
	s9 =	smul.u32 $0x5000, s7;
	s7 =	ssub.s32 $0x2, s7  }
0x9: {  	s8 =	sor.u32 s2, s8;
	s10 =	sshrl.u32 s7, $0x1;
	s12 =	sadd.s32 s11, s4  }
0xa: {  	s14 =	sshrl.u32 s11, $0x3;
	s8 =	smul.u32 $0x500, s8;
	s9 =	sadd.s32 s9, s6  }
0xb: {  	s11 =	simm.s32 $0x2800;
	s10 =	ssub.s32 s7, s10;
	s13 =	sadd.s32 $0xC800, s9  }
0xc: {  	s9 =	sshrl.u32 s12, $0x3;
	s12 =	simm.s32 $0x80;
	s8 =	sadd.s32 s8, s6  }
0xd: {  	s6 =	sor.u32 $0x1C01, s31;
	s13 =	sadd.s32 s14, s13;
	s14 =	simm.s32 $0x0  }
0xe: {  	s7 =	sadd.s32 $0x2800, s8;
	s8 =	smax.u32 s10, $0x1;
	s10 =	simm.s32 $0x1  }
.LBB2_1:
0xf: {  	[spmem:s9], [sflag:s6] =	dma.local [hbm:s3], $0x500  }
0x10: {  	_ =	swait.ge [sflag:s10], $0x500  }
0x11: {  	[sflag:s10] =	ssyncset.done $0x0  }
0x12: {  	[sflag:s10] =	ssyncadd.s32 $0xFFFFFB00  }
0x13: {  	[tilespmem:s5], [sflag:$0x1] =	stream.linear.gather [hbm4b:s7+s5], $0x2800, $0x38;
	[tilespmem:$0x5800] =	vst v63  }
0x14: {  	_ =	swait.ge [sflag:s10], $0x2800  }
0x15: {  	[sflag:s10] =	ssyncset.done $0x0  }
0x16: {  	[sflag:s10] =	ssyncadd.s32 $0xFFFFD800  }
0x17: {  	[tilespmem:s11], [sflag:$0x1] =	stream.linear.gather [hbm4b:s0+s5], $0x800, $0x38;
	[tilespmem:$0x5800] =	vst v63  }
0x18: {  	_ =	swait.ge [sflag:s10], $0x800  }
0x19: {  	[sflag:s10] =	ssyncset.done $0x0  }
0x1a: {  	[sflag:s10] =	ssyncadd.s32 $0xFFFFF800  }
0x1b: {  	s15 =	simm.s32 $0x0;
	[bflag:$0x0] =	sbarrier.arrive $0xFFFF  }
0x1c: {  	[spmem:s4] =	stream.indirect.scatter.add.f32 [tilespmem:s11], [sflag:$0x1], $0x10, s15, s12, $0xb8;
	[tilespmem:$0x5800] =	vst v63  }
0x1d: {  	_ =	swait.ge [sflag:s10], $0x800  }
0x1e: {  	s15 =	simm.s32 $0x200;
	[sflag:s10] =	ssyncset.done $0x0  }
.LBB2_2:
0x1f: {  	s16 =	sshra.s32 s15, $0x2;
	[sflag:s10] =	ssyncadd.s32 $0xFFFFF800;
	p0 =	sne.s32 s15, $0x9E00  }
0x20: {  	[spmem:s4] =	stream.indirect.scatter.add.f32 [tilespmem:s11], [sflag:$0x1], $0x10, s16, s12, $0xb8;
	[tilespmem:$0x5800] =	vst v63  }
.Ltmp0:
0x21: {  	_ = 	snop;
	(pc) =	sbr.rel @p0 .LBB2_2-.Ltmp0, $4  }
0x22: {  	_ = 	snop  }
0x23: {  	s15 =	sadd.s32 $0x200, s15  }
0x24: {  	_ =	swait.ge [sflag:s10], $0x800  }
0x25: {  	[sflag:s10] =	ssyncset.done $0x0  }
0x26: {  	s14 =	sadd.s32 $0x1, s14  }
0x27: {  	[sflag:s10] =	ssyncadd.s32 $0xFFFFF800;
	p0 =	sne.s32 s14, s8  }
.Ltmp1:
0x28: {  	[bflag:$0x0] =	sbarrier.arrive $0xFFFF;
	(pc) =	sbr.rel @p0 .LBB2_1-.Ltmp1, $4  }
0x29: {  	[hbm:s13], [sflag:s6] =	dma.local [spmem:s9], $0x500  }
0x2a: {  	_ =	swait.ge [sflag:s10], $0x500  }
0x2b: {  	[sflag:s10] =	ssyncset.done $0x0  }
0x2c: {  	[sflag:s10] =	ssyncadd.s32 $0xFFFFFB00  }
0x2d: {  	_ =	sfence.sel $0x180000  }
0x2e: {  	[bflag:$0x0] =	sbarrier.arrive $0xFFFF  }
0x2f: {  	p0 =	sne.s32 s2, $0x0;
	_ =	strace $0x90000047  }
0x30: {  	s0 =	sadd.s32 @!p0 $0x100000, s1;
	[bflag:$0x2] =	sbarrier.arrive $0xFFFF  }
0x31: {  	[sflag:s0] =	ssyncadd.tile.s32 @!p0 $0x1;
	_ =	shalt  }
.Lfunc_end2:
_tile_overlayer_lowered:
.L_overlay_start_2:
0x32: {  	(tag) =	ssettag $0x2  }
0x33: {  	s0 =	rddreg [dreg:$0x0];
	s2 =	stileid.u32  }
0x34: {  	s1 =	rddreg [dreg:$0x1];
	p0 =	sne.s32 s2, $0x0  }
0x35: {  	s3 =	rddreg [dreg:$0x2];
	[bflag:$0x3] =	sbarrier.arrive $0xFFFF;
	s2 =	simm.s32 @!p0 $0x1C01  }
0x36: {  	[timem:s3], [sflag:s2] =	dma.local @!p0 [hbm:s0], s1  }
0x37: {  	s0 =	simm.s32 @!p0 $0x1  }
0x38: {  	_ =	swait.ge @!p0 [sflag:s0], s1  }
0x39: {  	s1 =	ssub.s32 @!p0 $0x0, s1;
	[sflag:s0] =	ssyncset.done @!p0 $0x0  }
0x3a: {  	[sflag:s0] =	ssyncadd.s32 @!p0 s1  }
0x3b: {  	[bflag:$0x3] =	sbarrier.arrive $0xFFFF  }
0x3c: {  	_ =	shalt  }

</sc_bundles>
